<compile_context>
chip_gen: v7x
topology: tpu7x:2x2x1
jax: 0.10.2.dev20260603
libtpu: 0.0.44.dev20260713+nightly
codegen_flags: <defaults>
</compile_context>

<pallas_src>
import functools

import jax
import jax.numpy as jnp
from jax import lax
from jax.experimental import pallas as pl
from jax.experimental.pallas import tpu as pltpu
from jax.experimental.pallas import tpu_sc as plsc

N = 10000
E = 320000
D = 128
NGRAPH = 64
NCLS = 10

_NCORE = 2
_NSUB = 16
_NW = _NCORE * _NSUB
_K = 128
_G = 8
_CH = _G * (-(-E // (_NW * _K * _G)))
_EPAD = _NW * _K * _CH
_NA = 10240
_RT = _NA // _NSUB


def _segsum_body(u_hbm, src_hbm, dst_hbm, out_hbm,
                 srcv, dstv, rows, sem0, sem1, sem2, sem3, acc):
  cid = lax.axis_index("c")
  sid = lax.axis_index("s")

  z16 = jnp.zeros((16,), jnp.float32)

  def zero_row(r, carry):
    for c8 in range(D // 16):
      rows[0, r, pl.ds(c8 * 16, 16)] = z16
    return carry

  lax.fori_loop(0, _K, zero_row, 0)

  zh = [pltpu.async_copy(rows.at[0], acc.at[pl.ds(sid * _RT + t * _K, _K)],
                         sem0) for t in range(_RT // _K)]
  for h in zh:
    h.wait()

  plsc.subcore_barrier()

  def group(g, carry):
    pltpu.sync_copy(src_hbm.at[cid, sid, pl.ds(g * _G, _G)], srcv)
    pltpu.sync_copy(dst_hbm.at[cid, sid, pl.ds(g * _G, _G)], dstv)
    gsems = (sem0, sem1)
    ssems = (sem2, sem3)
    gh = [None] * _G
    sh = [None] * _G
    gh[0] = pltpu.async_copy(u_hbm.at[srcv.at[0]], rows.at[0], sem0)
    for k in range(_G):
      if k >= 1:
        sh[k - 1].wait()
      if k + 1 < _G:
        gh[k + 1] = pltpu.async_copy(u_hbm.at[srcv.at[k + 1]],
                                     rows.at[(k + 1) % 2], gsems[(k + 1) % 2])
      gh[k].wait()
      sh[k] = pltpu.async_copy(rows.at[k % 2], acc.at[dstv.at[k]],
                               ssems[k % 2], add=True)
    sh[_G - 1].wait()
    return carry

  lax.fori_loop(0, _CH // _G, group, 0)

  plsc.subcore_barrier()

  pltpu.sync_copy(acc.at[pl.ds(sid * _RT, _RT)],
                  out_hbm.at[cid, pl.ds(sid * _RT, _RT)])


@functools.cache
def _get_segsum():
  return pl.kernel(
    _segsum_body,
    out_type=[jax.ShapeDtypeStruct((_NCORE, _NA, D), jnp.float32)],
    scratch_types=[
        pltpu.VMEM((_G, _K), jnp.int32),
        pltpu.VMEM((_G, _K), jnp.int32),
        pltpu.VMEM((2, _K, D), jnp.float32),
        pltpu.SemaphoreType.DMA,
        pltpu.SemaphoreType.DMA,
        pltpu.SemaphoreType.DMA,
        pltpu.SemaphoreType.DMA,
        pltpu.VMEM_SHARED((_NA, D), jnp.float32),
    ],
    mesh=plsc.VectorSubcoreMesh(core_axis_name="c", subcore_axis_name="s", num_cores=_NCORE, num_subcores=_NSUB),
)


def _deg_body(dst_hbm, deg_hbm, dstv, onesv, sem, dacc):
  cid = lax.axis_index("c")
  sid = lax.axis_index("s")

  z16 = jnp.zeros((16,), jnp.float32)
  o16 = jnp.ones((16,), jnp.float32)

  def zero_row(r, carry):
    for c8 in range(D // 16):
      onesv[r, pl.ds(c8 * 16, 16)] = z16
    return carry

  lax.fori_loop(0, _K, zero_row, 0)
  zh = [pltpu.async_copy(onesv, dacc.at[pl.ds(sid * _RT + t * _K, _K)],
                         sem) for t in range(_RT // _K)]
  for h in zh:
    h.wait()

  def ones_row(r, carry):
    for c8 in range(D // 16):
      onesv[r, pl.ds(c8 * 16, 16)] = o16
    return carry

  lax.fori_loop(0, _K, ones_row, 0)
  pltpu.sync_copy(dst_hbm.at[cid, sid], dstv)

  plsc.subcore_barrier()

  def batch16(b, carry):
    hs = [pltpu.async_copy(onesv, dacc.at[dstv.at[b * 16 + k]], sem, add=True)
          for k in range(16)]
    for h in hs:
      h.wait()
    return carry

  lax.fori_loop(0, _CH // 16, batch16, 0)

  plsc.subcore_barrier()

  pltpu.sync_copy(dacc.at[pl.ds(sid * _RT, _RT)],
                  deg_hbm.at[cid, pl.ds(sid * _RT, _RT)])


@functools.cache
def _get_deg():
  return pl.kernel(
    _deg_body,
    out_type=[jax.ShapeDtypeStruct((_NCORE, _NA, D), jnp.float32)],
    scratch_types=[
        pltpu.VMEM((_CH, _K), jnp.int32),
        pltpu.VMEM((_K, D), jnp.float32),
        pltpu.SemaphoreType.DMA,
        pltpu.VMEM_SHARED((_NA, D), jnp.float32),
    ],
    mesh=plsc.VectorSubcoreMesh(core_axis_name="c", subcore_axis_name="s", num_cores=_NCORE, num_subcores=_NSUB),
)


_BLK = 5000
_NBLK = N // _BLK


def _tc1_body(p, d, x, wl, bl, wr, h_out, dinv_out):
  s = p[0] + p[1]
  deg = d[0] + d[1]
  dinv = 1.0 / jnp.maximum(deg, 1.0)
  acc = jnp.dot(s * dinv, wl[...], preferred_element_type=jnp.float32)
  acc = acc + bl[...] + jnp.dot(x[...], wr[...],
                                preferred_element_type=jnp.float32)
  h_out[...] = jnp.maximum(acc, 0.0)
  dinv_out[...] = dinv


_tc1 = pl.pallas_call(
    _tc1_body,
    grid=(_NBLK,),
    in_specs=[
        pl.BlockSpec((_NCORE, _BLK, D), lambda i: (0, i, 0)),
        pl.BlockSpec((_NCORE, _BLK, 1), lambda i: (0, i, 0)),
        pl.BlockSpec((_BLK, D), lambda i: (i, 0)),
        pl.BlockSpec((D, D), lambda i: (0, 0)),
        pl.BlockSpec((1, D), lambda i: (0, 0)),
        pl.BlockSpec((D, D), lambda i: (0, 0)),
    ],
    out_specs=[
        pl.BlockSpec((_BLK, D), lambda i: (i, 0)),
        pl.BlockSpec((_BLK, 1), lambda i: (i, 0)),
    ],
    out_shape=[
        jax.ShapeDtypeStruct((N, D), jnp.float32),
        jax.ShapeDtypeStruct((N, 1), jnp.float32),
    ],
)


def _tc_mid_body(p, dinv, h, wl, bl, wr, h_out):
  s = p[0] + p[1]
  acc = jnp.dot(s * dinv[...], wl[...], preferred_element_type=jnp.float32)
  acc = acc + bl[...] + jnp.dot(h[...], wr[...],
                                preferred_element_type=jnp.float32)
  h_out[...] = jnp.maximum(acc, 0.0)


_tc_mid = pl.pallas_call(
    _tc_mid_body,
    grid=(_NBLK,),
    in_specs=[
        pl.BlockSpec((_NCORE, _BLK, D), lambda i: (0, i, 0)),
        pl.BlockSpec((_BLK, 1), lambda i: (i, 0)),
        pl.BlockSpec((_BLK, D), lambda i: (i, 0)),
        pl.BlockSpec((D, D), lambda i: (0, 0)),
        pl.BlockSpec((1, D), lambda i: (0, 0)),
        pl.BlockSpec((D, D), lambda i: (0, 0)),
    ],
    out_specs=pl.BlockSpec((_BLK, D), lambda i: (i, 0)),
    out_shape=jax.ShapeDtypeStruct((N, D), jnp.float32),
)


def _tc_final_body(p, dinv, h, wl, bl, wr, bf, wlin, blin, out,
                   pooled_acc, cnt_acc):
  i = pl.program_id(0)

  @pl.when(i == 0)
  def _():
    pooled_acc[...] = jnp.zeros_like(pooled_acc)
    cnt_acc[...] = jnp.zeros_like(cnt_acc)

  s = p[0] + p[1]
  h3 = jnp.dot(s * dinv[...], wl[...], preferred_element_type=jnp.float32)
  h3 = h3 + bl[...] + jnp.dot(h[...], wr[...],
                              preferred_element_type=jnp.float32)
  gids = lax.broadcasted_iota(jnp.int32, (_BLK, NGRAPH), 1)
  oh = (bf[...] == gids).astype(jnp.float32)
  dn = (((0,), (0,)), ((), ()))
  pooled_acc[...] += lax.dot_general(oh, h3, dn,
                                     preferred_element_type=jnp.float32)
  cnt_acc[...] += lax.dot_general(oh, jnp.ones((_BLK, 1), jnp.float32), dn,
                                  preferred_element_type=jnp.float32)

  @pl.when(i == _NBLK - 1)
  def _():
    pooled = pooled_acc[...] / jnp.maximum(cnt_acc[...], 1.0)
    out[...] = jnp.dot(pooled, wlin[...],
                       preferred_element_type=jnp.float32) + blin[...]


_tc_final = pl.pallas_call(
    _tc_final_body,
    grid=(_NBLK,),
    in_specs=[
        pl.BlockSpec((_NCORE, _BLK, D), lambda i: (0, i, 0)),
        pl.BlockSpec((_BLK, 1), lambda i: (i, 0)),
        pl.BlockSpec((_BLK, D), lambda i: (i, 0)),
        pl.BlockSpec((D, D), lambda i: (0, 0)),
        pl.BlockSpec((1, D), lambda i: (0, 0)),
        pl.BlockSpec((D, D), lambda i: (0, 0)),
        pl.BlockSpec((_BLK, 1), lambda i: (i, 0)),
        pl.BlockSpec((D, NCLS), lambda i: (0, 0)),
        pl.BlockSpec((1, NCLS), lambda i: (0, 0)),
    ],
    out_specs=pl.BlockSpec((NGRAPH, NCLS), lambda i: (0, 0)),
    out_shape=jax.ShapeDtypeStruct((NGRAPH, NCLS), jnp.float32),
    scratch_shapes=[
        pltpu.VMEM((NGRAPH, D), jnp.float32),
        pltpu.VMEM((NGRAPH, 1), jnp.float32),
    ],
)


def kernel(x, edge_index, batch, Wl1, bl1, Wr1, Wl2, bl2, Wr2,
           Wl3, bl3, Wr3, Wlin, blin):
  src = edge_index[0]
  dst = edge_index[1]
  pad = _EPAD - E
  fill = jnp.arange(pad, dtype=jnp.int32)
  srcp = jnp.concatenate([src, fill % N]).reshape(_NCORE, _NSUB, _CH, _K)
  dstp = jnp.concatenate([dst, N + fill % (_NA - N)]).reshape(
      _NCORE, _NSUB, _CH, _K)

  p1, = _get_segsum()(x, srcp, dstp)
  dcnt, = _get_deg()(dstp)
  dcnt = dcnt[:, :, 0:1]
  h1, dinv = _tc1(p1, dcnt, x, Wl1, bl1.reshape(1, D), Wr1)
  p2, = _get_segsum()(h1, srcp, dstp)
  h2 = _tc_mid(p2, dinv, h1, Wl2, bl2.reshape(1, D), Wr2)
  p3, = _get_segsum()(h2, srcp, dstp)
  out = _tc_final(p3, dinv, h2, Wl3, bl3.reshape(1, D), Wr3,
                  batch.reshape(N, 1),
                  Wlin, blin.reshape(1, NCLS))
  return out

# --- scband reference (transcript-rebuilt; emitter-appended) ---
"""Pipeline reference for scband-graph-sage-70317204570424 (READ-ONLY COPY).

The authoritative reference and input builder live on the scoring server;
editing this copy changes nothing except your own understanding.
"""

import jax, jax.numpy as jnp
import numpy as np

N = 10000
E = 320000
DF = 128
DH = 128
NC = 10
NG = 64


def setup_inputs(seed: int = 0) -> dict:
    key = jax.random.key(seed)
    ks = jax.random.split(key, 16)
    x = jax.random.normal(ks[0], (N, DF), dtype=jnp.float32)
    edge_index = jax.random.randint(ks[1], (2, E), 0, N, dtype=jnp.int32)
    batch = jnp.sort(jax.random.randint(ks[2], (N,), 0, NG, dtype=jnp.int32))
    def lin(k, fin, fout):
        return jax.random.normal(k, (fin, fout), dtype=jnp.float32) * (1.0 / np.sqrt(fin))
    return {
        'x': x,
        'edge_index': edge_index,
        'batch': batch,
        'Wl1': lin(ks[3], DF, DH), 'bl1': jnp.zeros((DH,), jnp.float32), 'Wr1': lin(ks[4], DF, DH),
        'Wl2': lin(ks[5], DH, DH), 'bl2': jnp.zeros((DH,), jnp.float32), 'Wr2': lin(ks[6], DH, DH),
        'Wl3': lin(ks[7], DH, DH), 'bl3': jnp.zeros((DH,), jnp.float32), 'Wr3': lin(ks[8], DH, DH),
        'Wlin': lin(ks[9], DH, NC), 'blin': jnp.zeros((NC,), jnp.float32),
    }


def _sage_conv(x, src, dst, Wl, bl, Wr):
    # PyG SAGEConv with mean aggregation: out = W_l @ mean_j(x_j) + b_l + W_r @ x_i
    msg = jnp.take(x, src, axis=0)
    agg = jax.ops.segment_sum(msg, dst, num_segments=N)
    deg = jax.ops.segment_sum(jnp.ones((src.shape[0],), jnp.float32), dst, num_segments=N)
    agg = agg / jnp.clip(deg, 1.0)[:, None]
    return agg @ Wl + bl + x @ Wr


def reference(x, edge_index, batch, Wl1, bl1, Wr1, Wl2, bl2, Wr2, Wl3, bl3, Wr3, Wlin, blin):
    src = edge_index[0]
    dst = edge_index[1]
    h = _sage_conv(x, src, dst, Wl1, bl1, Wr1)
    h = jax.nn.relu(h)
    h = _sage_conv(h, src, dst, Wl2, bl2, Wr2)
    h = jax.nn.relu(h)
    h = _sage_conv(h, src, dst, Wl3, bl3, Wr3)
    # global_mean_pool over batch ids
    pooled = jax.ops.segment_sum(h, batch, num_segments=NG)
    cnt = jax.ops.segment_sum(jnp.ones((N,), jnp.float32), batch, num_segments=NG)
    pooled = pooled / jnp.clip(cnt, 1.0)[:, None]
    # dropout is identity in eval mode
    out = pooled @ Wlin + blin
    return out

if __name__ == "__main__":
    import jax
    _d = setup_inputs()
    print(jax.jit(kernel)(*tuple(_d.values())))

</pallas_src>

<mosaic_0001>
#map = affine_map<(d0, d1) -> (0, 0, 0, 0)>
#map1 = affine_map<(d0, d1) -> (0, 0, 0)>
module attributes {stable_mosaic.version = 14 : i64} {
  func.func @_deg_body(%arg0: i32, %arg1: i32, %arg2: memref<2x16x80x128xi32, #tpu.memory_space<hbm>>, %arg3: memref<2x10240x128xf32, #tpu.memory_space<hbm>>, %arg4: memref<80x128xi32, #tpu.memory_space<vmem>>, %arg5: memref<128x128xf32, #tpu.memory_space<vmem>>, %arg6: memref<!tpu.dma_semaphore, #tpu.memory_space<semaphore_mem>>, %arg7: memref<10240x128xf32, #tpu.memory_space<vmem_shared>>) attributes {dimension_semantics = [#tpu.dimension_semantics<core_parallel>, #tpu.dimension_semantics<subcore_parallel>], iteration_bounds = array<i64: 2, 16>, scalar_prefetch = 0 : i64, scratch_operands = 4 : i64, tpu.core_type = #tpu.core_type<sc_vector_subcore>, window_params = [{transform_indices = #map}, {transform_indices = #map1}]} {
    %broadcast_in_dim3A = arith.constant 0.000000e+00 : f32
    %broadcast_in_dim3A_0 = vector.broadcast %broadcast_in_dim3A : f32 to vector<16xf32>
    %broadcast_in_dim3A_1 = arith.constant 1.000000e+00 : f32
    %broadcast_in_dim3A_2 = vector.broadcast %broadcast_in_dim3A_1 : f32 to vector<16xf32>
    %scan3A = arith.constant 0 : i32
    %scan3A_3 = arith.constant 0 : i32
    %scan3A_4 = arith.constant 128 : i32
    %scan3A_5 = arith.addi %scan3A_3, %scan3A_4 : i32
    %scan3A_6 = arith.constant 1 : i32
    scf.for %scan3A_81 = %scan3A_3 to %scan3A_5 step %scan3A_6  : i32 {
      %swap3A = arith.index_cast %scan3A_81 : i32 to index
      %swap3A_82 = arith.constant 0 : index
      %swap3A_83 = tpu.vector_load %arg5[%swap3A, %swap3A_82] {strides = array<i32>} : memref<128x128xf32, #tpu.memory_space<vmem>>, vector<1x16xf32>,
      %swap3A_84 = vector.shape_cast %swap3A_83 : vector<1x16xf32> to vector<16xf32>
      %swap3A_85 = vector.shape_cast %broadcast_in_dim3A_0 : vector<16xf32> to vector<1x16xf32>
      tpu.vector_store %arg5[%swap3A, %swap3A_82], %swap3A_85 {strides = array<i32>} : memref<128x128xf32, #tpu.memory_space<vmem>>, vector<1x16xf32>,
      %swap3A_86 = arith.index_cast %scan3A_81 : i32 to index
      %swap3A_87 = arith.constant 16 : index
      %swap3A_88 = tpu.vector_load %arg5[%swap3A_86, %swap3A_87] {strides = array<i32>} : memref<128x128xf32, #tpu.memory_space<vmem>>, vector<1x16xf32>,
      %swap3A_89 = vector.shape_cast %swap3A_88 : vector<1x16xf32> to vector<16xf32>
      %swap3A_90 = vector.shape_cast %broadcast_in_dim3A_0 : vector<16xf32> to vector<1x16xf32>
      tpu.vector_store %arg5[%swap3A_86, %swap3A_87], %swap3A_90 {strides = array<i32>} : memref<128x128xf32, #tpu.memory_space<vmem>>, vector<1x16xf32>,
      %swap3A_91 = arith.index_cast %scan3A_81 : i32 to index
      %swap3A_92 = arith.constant 32 : index
      %swap3A_93 = tpu.vector_load %arg5[%swap3A_91, %swap3A_92] {strides = array<i32>} : memref<128x128xf32, #tpu.memory_space<vmem>>, vector<1x16xf32>,
      %swap3A_94 = vector.shape_cast %swap3A_93 : vector<1x16xf32> to vector<16xf32>
      %swap3A_95 = vector.shape_cast %broadcast_in_dim3A_0 : vector<16xf32> to vector<1x16xf32>
      tpu.vector_store %arg5[%swap3A_91, %swap3A_92], %swap3A_95 {strides = array<i32>} : memref<128x128xf32, #tpu.memory_space<vmem>>, vector<1x16xf32>,
      %swap3A_96 = arith.index_cast %scan3A_81 : i32 to index
      %swap3A_97 = arith.constant 48 : index
      %swap3A_98 = tpu.vector_load %arg5[%swap3A_96, %swap3A_97] {strides = array<i32>} : memref<128x128xf32, #tpu.memory_space<vmem>>, vector<1x16xf32>,
      %swap3A_99 = vector.shape_cast %swap3A_98 : vector<1x16xf32> to vector<16xf32>
      %swap3A_100 = vector.shape_cast %broadcast_in_dim3A_0 : vector<16xf32> to vector<1x16xf32>
      tpu.vector_store %arg5[%swap3A_96, %swap3A_97], %swap3A_100 {strides = array<i32>} : memref<128x128xf32, #tpu.memory_space<vmem>>, vector<1x16xf32>,
      %swap3A_101 = arith.index_cast %scan3A_81 : i32 to index
      %swap3A_102 = arith.constant 64 : index
      %swap3A_103 = tpu.vector_load %arg5[%swap3A_101, %swap3A_102] {strides = array<i32>} : memref<128x128xf32, #tpu.memory_space<vmem>>, vector<1x16xf32>,
      %swap3A_104 = vector.shape_cast %swap3A_103 : vector<1x16xf32> to vector<16xf32>
      %swap3A_105 = vector.shape_cast %broadcast_in_dim3A_0 : vector<16xf32> to vector<1x16xf32>
      tpu.vector_store %arg5[%swap3A_101, %swap3A_102], %swap3A_105 {strides = array<i32>} : memref<128x128xf32, #tpu.memory_space<vmem>>, vector<1x16xf32>,
      %swap3A_106 = arith.index_cast %scan3A_81 : i32 to index
      %swap3A_107 = arith.constant 80 : index
      %swap3A_108 = tpu.vector_load %arg5[%swap3A_106, %swap3A_107] {strides = array<i32>} : memref<128x128xf32, #tpu.memory_space<vmem>>, vector<1x16xf32>,
      %swap3A_109 = vector.shape_cast %swap3A_108 : vector<1x16xf32> to vector<16xf32>
      %swap3A_110 = vector.shape_cast %broadcast_in_dim3A_0 : vector<16xf32> to vector<1x16xf32>
      tpu.vector_store %arg5[%swap3A_106, %swap3A_107], %swap3A_110 {strides = array<i32>} : memref<128x128xf32, #tpu.memory_space<vmem>>, vector<1x16xf32>,
      %swap3A_111 = arith.index_cast %scan3A_81 : i32 to index
      %swap3A_112 = arith.constant 96 : index
      %swap3A_113 = tpu.vector_load %arg5[%swap3A_111, %swap3A_112] {strides = array<i32>} : memref<128x128xf32, #tpu.memory_space<vmem>>, vector<1x16xf32>,
      %swap3A_114 = vector.shape_cast %swap3A_113 : vector<1x16xf32> to vector<16xf32>
      %swap3A_115 = vector.shape_cast %broadcast_in_dim3A_0 : vector<16xf32> to vector<1x16xf32>
      tpu.vector_store %arg5[%swap3A_111, %swap3A_112], %swap3A_115 {strides = array<i32>} : memref<128x128xf32, #tpu.memory_space<vmem>>, vector<1x16xf32>,
      %swap3A_116 = arith.index_cast %scan3A_81 : i32 to index
      %swap3A_117 = arith.constant 112 : index
      %swap3A_118 = tpu.vector_load %arg5[%swap3A_116, %swap3A_117] {strides = array<i32>} : memref<128x128xf32, #tpu.memory_space<vmem>>, vector<1x16xf32>,
      %swap3A_119 = vector.shape_cast %swap3A_118 : vector<1x16xf32> to vector<16xf32>
      %swap3A_120 = vector.shape_cast %broadcast_in_dim3A_0 : vector<16xf32> to vector<1x16xf32>
      tpu.vector_store %arg5[%swap3A_116, %swap3A_117], %swap3A_120 {strides = array<i32>} : memref<128x128xf32, #tpu.memory_space<vmem>>, vector<1x16xf32>,
    }
    %scan3A_7 = arith.constant 128 : i32
    %mul3A = arith.constant 640 : i32
    %mul3A_8 = arith.muli %arg1, %mul3A : i32
    %add3A = arith.constant 0 : i32
    %add3A_9 = arith.addi %mul3A_8, %add3A : i32
    %dma_start3A = arith.constant 0 : i32
    %dma_start3A_10 = tpu.memref_slice %arg7[%add3A_9, %dma_start3A] : memref<10240x128xf32, #tpu.memory_space<vmem_shared>> -> memref<128x128xf32, #tpu.memory_space<vmem_shared>>
    %dma_start3A_11 = arith.constant 0 : i32
    %dma_start3A_12 = tpu.memref_slice %arg7[%add3A_9, %dma_start3A_11] : memref<10240x128xf32, #tpu.memory_space<vmem_shared>> -> memref<128x128xf32, #tpu.memory_space<vmem_shared>>
    tpu.enqueue_dma source(%arg5 : memref<128x128xf32, #tpu.memory_space<vmem>>) target(%dma_start3A_12 : memref<128x128xf32, #tpu.memory_space<vmem_shared>>) target_semaphore(%arg6 : memref<!tpu.dma_semaphore, #tpu.memory_space<semaphore_mem>>)
    %mul3A_13 = arith.constant 640 : i32
    %mul3A_14 = arith.muli %arg1, %mul3A_13 : i32
    %add3A_15 = arith.constant 128 : i32
    %add3A_16 = arith.addi %mul3A_14, %add3A_15 : i32
    %dma_start3A_17 = arith.constant 0 : i32
    %dma_start3A_18 = tpu.memref_slice %arg7[%add3A_16, %dma_start3A_17] : memref<10240x128xf32, #tpu.memory_space<vmem_shared>> -> memref<128x128xf32, #tpu.memory_space<vmem_shared>>
    %dma_start3A_19 = arith.constant 0 : i32
    %dma_start3A_20 = tpu.memref_slice %arg7[%add3A_16, %dma_start3A_19] : memref<10240x128xf32, #tpu.memory_space<vmem_shared>> -> memref<128x128xf32, #tpu.memory_space<vmem_shared>>
    tpu.enqueue_dma source(%arg5 : memref<128x128xf32, #tpu.memory_space<vmem>>) target(%dma_start3A_20 : memref<128x128xf32, #tpu.memory_space<vmem_shared>>) target_semaphore(%arg6 : memref<!tpu.dma_semaphore, #tpu.memory_space<semaphore_mem>>)
    %mul3A_21 = arith.constant 640 : i32
    %mul3A_22 = arith.muli %arg1, %mul3A_21 : i32
    %add3A_23 = arith.constant 256 : i32
    %add3A_24 = arith.addi %mul3A_22, %add3A_23 : i32
    %dma_start3A_25 = arith.constant 0 : i32
    %dma_start3A_26 = tpu.memref_slice %arg7[%add3A_24, %dma_start3A_25] : memref<10240x128xf32, #tpu.memory_space<vmem_shared>> -> memref<128x128xf32, #tpu.memory_space<vmem_shared>>
    %dma_start3A_27 = arith.constant 0 : i32
    %dma_start3A_28 = tpu.memref_slice %arg7[%add3A_24, %dma_start3A_27] : memref<10240x128xf32, #tpu.memory_space<vmem_shared>> -> memref<128x128xf32, #tpu.memory_space<vmem_shared>>
    tpu.enqueue_dma source(%arg5 : memref<128x128xf32, #tpu.memory_space<vmem>>) target(%dma_start3A_28 : memref<128x128xf32, #tpu.memory_space<vmem_shared>>) target_semaphore(%arg6 : memref<!tpu.dma_semaphore, #tpu.memory_space<semaphore_mem>>)
    %mul3A_29 = arith.constant 640 : i32
    %mul3A_30 = arith.muli %arg1, %mul3A_29 : i32
    %add3A_31 = arith.constant 384 : i32
    %add3A_32 = arith.addi %mul3A_30, %add3A_31 : i32
    %dma_start3A_33 = arith.constant 0 : i32
    %dma_start3A_34 = tpu.memref_slice %arg7[%add3A_32, %dma_start3A_33] : memref<10240x128xf32, #tpu.memory_space<vmem_shared>> -> memref<128x128xf32, #tpu.memory_space<vmem_shared>>
    %dma_start3A_35 = arith.constant 0 : i32
    %dma_start3A_36 = tpu.memref_slice %arg7[%add3A_32, %dma_start3A_35] : memref<10240x128xf32, #tpu.memory_space<vmem_shared>> -> memref<128x128xf32, #tpu.memory_space<vmem_shared>>
    tpu.enqueue_dma source(%arg5 : memref<128x128xf32, #tpu.memory_space<vmem>>) target(%dma_start3A_36 : memref<128x128xf32, #tpu.memory_space<vmem_shared>>) target_semaphore(%arg6 : memref<!tpu.dma_semaphore, #tpu.memory_space<semaphore_mem>>)
    %mul3A_37 = arith.constant 640 : i32
    %mul3A_38 = arith.muli %arg1, %mul3A_37 : i32
    %add3A_39 = arith.constant 512 : i32
    %add3A_40 = arith.addi %mul3A_38, %add3A_39 : i32
    %dma_start3A_41 = arith.constant 0 : i32
    %dma_start3A_42 = tpu.memref_slice %arg7[%add3A_40, %dma_start3A_41] : memref<10240x128xf32, #tpu.memory_space<vmem_shared>> -> memref<128x128xf32, #tpu.memory_space<vmem_shared>>
    %dma_start3A_43 = arith.constant 0 : i32
    %dma_start3A_44 = tpu.memref_slice %arg7[%add3A_40, %dma_start3A_43] : memref<10240x128xf32, #tpu.memory_space<vmem_shared>> -> memref<128x128xf32, #tpu.memory_space<vmem_shared>>
    tpu.enqueue_dma source(%arg5 : memref<128x128xf32, #tpu.memory_space<vmem>>) target(%dma_start3A_44 : memref<128x128xf32, #tpu.memory_space<vmem_shared>>) target_semaphore(%arg6 : memref<!tpu.dma_semaphore, #tpu.memory_space<semaphore_mem>>)
    %dma_wait3A = arith.constant 0 : i32
    %dma_wait3A_45 = tpu.memref_slice %arg7[%add3A_9, %dma_wait3A] : memref<10240x128xf32, #tpu.memory_space<vmem_shared>> -> memref<128x128xf32, #tpu.memory_space<vmem_shared>>
    %dma_wait3A_46 = arith.constant 0 : i32
    %dma_wait3A_47 = tpu.memref_slice %arg7[%add3A_9, %dma_wait3A_46] : memref<10240x128xf32, #tpu.memory_space<vmem_shared>> -> memref<128x128xf32, #tpu.memory_space<vmem_shared>>
    tpu.wait_dma2 semaphore(%arg6 : memref<!tpu.dma_semaphore, #tpu.memory_space<semaphore_mem>>) src(%arg5 : memref<128x128xf32, #tpu.memory_space<vmem>>) dst(%dma_wait3A_47 : memref<128x128xf32, #tpu.memory_space<vmem_shared>>)
    %dma_wait3A_48 = arith.constant 0 : i32
    %dma_wait3A_49 = tpu.memref_slice %arg7[%add3A_16, %dma_wait3A_48] : memref<10240x128xf32, #tpu.memory_space<vmem_shared>> -> memref<128x128xf32, #tpu.memory_space<vmem_shared>>
    %dma_wait3A_50 = arith.constant 0 : i32
    %dma_wait3A_51 = tpu.memref_slice %arg7[%add3A_16, %dma_wait3A_50] : memref<10240x128xf32, #tpu.memory_space<vmem_shared>> -> memref<128x128xf32, #tpu.memory_space<vmem_shared>>
    tpu.wait_dma2 semaphore(%arg6 : memref<!tpu.dma_semaphore, #tpu.memory_space<semaphore_mem>>) src(%arg5 : memref<128x128xf32, #tpu.memory_space<vmem>>) dst(%dma_wait3A_51 : memref<128x128xf32, #tpu.memory_space<vmem_shared>>)
    %dma_wait3A_52 = arith.constant 0 : i32
    %dma_wait3A_53 = tpu.memref_slice %arg7[%add3A_24, %dma_wait3A_52] : memref<10240x128xf32, #tpu.memory_space<vmem_shared>> -> memref<128x128xf32, #tpu.memory_space<vmem_shared>>
    %dma_wait3A_54 = arith.constant 0 : i32
    %dma_wait3A_55 = tpu.memref_slice %arg7[%add3A_24, %dma_wait3A_54] : memref<10240x128xf32, #tpu.memory_space<vmem_shared>> -> memref<128x128xf32, #tpu.memory_space<vmem_shared>>
    tpu.wait_dma2 semaphore(%arg6 : memref<!tpu.dma_semaphore, #tpu.memory_space<semaphore_mem>>) src(%arg5 : memref<128x128xf32, #tpu.memory_space<vmem>>) dst(%dma_wait3A_55 : memref<128x128xf32, #tpu.memory_space<vmem_shared>>)
    %dma_wait3A_56 = arith.constant 0 : i32
    %dma_wait3A_57 = tpu.memref_slice %arg7[%add3A_32, %dma_wait3A_56] : memref<10240x128xf32, #tpu.memory_space<vmem_shared>> -> memref<128x128xf32, #tpu.memory_space<vmem_shared>>
    %dma_wait3A_58 = arith.constant 0 : i32
    %dma_wait3A_59 = tpu.memref_slice %arg7[%add3A_32, %dma_wait3A_58] : memref<10240x128xf32, #tpu.memory_space<vmem_shared>> -> memref<128x128xf32, #tpu.memory_space<vmem_shared>>
    tpu.wait_dma2 semaphore(%arg6 : memref<!tpu.dma_semaphore, #tpu.memory_space<semaphore_mem>>) src(%arg5 : memref<128x128xf32, #tpu.memory_space<vmem>>) dst(%dma_wait3A_59 : memref<128x128xf32, #tpu.memory_space<vmem_shared>>)
    %dma_wait3A_60 = arith.constant 0 : i32
    %dma_wait3A_61 = tpu.memref_slice %arg7[%add3A_40, %dma_wait3A_60] : memref<10240x128xf32, #tpu.memory_space<vmem_shared>> -> memref<128x128xf32, #tpu.memory_space<vmem_shared>>
    %dma_wait3A_62 = arith.constant 0 : i32
    %dma_wait3A_63 = tpu.memref_slice %arg7[%add3A_40, %dma_wait3A_62] : memref<10240x128xf32, #tpu.memory_space<vmem_shared>> -> memref<128x128xf32, #tpu.memory_space<vmem_shared>>
    tpu.wait_dma2 semaphore(%arg6 : memref<!tpu.dma_semaphore, #tpu.memory_space<semaphore_mem>>) src(%arg5 : memref<128x128xf32, #tpu.memory_space<vmem>>) dst(%dma_wait3A_63 : memref<128x128xf32, #tpu.memory_space<vmem_shared>>)
    %scan3A_64 = arith.constant 0 : i32
    %scan3A_65 = arith.constant 0 : i32
    %scan3A_66 = arith.constant 128 : i32
    %scan3A_67 = arith.addi %scan3A_65, %scan3A_66 : i32
    %scan3A_68 = arith.constant 1 : i32
    scf.for %scan3A_81 = %scan3A_65 to %scan3A_67 step %scan3A_68  : i32 {
      %swap3A = arith.index_cast %scan3A_81 : i32 to index
      %swap3A_82 = arith.constant 0 : index
      %swap3A_83 = tpu.vector_load %arg5[%swap3A, %swap3A_82] {strides = array<i32>} : memref<128x128xf32, #tpu.memory_space<vmem>>, vector<1x16xf32>,
      %swap3A_84 = vector.shape_cast %swap3A_83 : vector<1x16xf32> to vector<16xf32>
      %swap3A_85 = vector.shape_cast %broadcast_in_dim3A_2 : vector<16xf32> to vector<1x16xf32>
      tpu.vector_store %arg5[%swap3A, %swap3A_82], %swap3A_85 {strides = array<i32>} : memref<128x128xf32, #tpu.memory_space<vmem>>, vector<1x16xf32>,
      %swap3A_86 = arith.index_cast %scan3A_81 : i32 to index
      %swap3A_87 = arith.constant 16 : index
      %swap3A_88 = tpu.vector_load %arg5[%swap3A_86, %swap3A_87] {strides = array<i32>} : memref<128x128xf32, #tpu.memory_space<vmem>>, vector<1x16xf32>,
      %swap3A_89 = vector.shape_cast %swap3A_88 : vector<1x16xf32> to vector<16xf32>
      %swap3A_90 = vector.shape_cast %broadcast_in_dim3A_2 : vector<16xf32> to vector<1x16xf32>
      tpu.vector_store %arg5[%swap3A_86, %swap3A_87], %swap3A_90 {strides = array<i32>} : memref<128x128xf32, #tpu.memory_space<vmem>>, vector<1x16xf32>,
      %swap3A_91 = arith.index_cast %scan3A_81 : i32 to index
      %swap3A_92 = arith.constant 32 : index
      %swap3A_93 = tpu.vector_load %arg5[%swap3A_91, %swap3A_92] {strides = array<i32>} : memref<128x128xf32, #tpu.memory_space<vmem>>, vector<1x16xf32>,
      %swap3A_94 = vector.shape_cast %swap3A_93 : vector<1x16xf32> to vector<16xf32>
      %swap3A_95 = vector.shape_cast %broadcast_in_dim3A_2 : vector<16xf32> to vector<1x16xf32>
      tpu.vector_store %arg5[%swap3A_91, %swap3A_92], %swap3A_95 {strides = array<i32>} : memref<128x128xf32, #tpu.memory_space<vmem>>, vector<1x16xf32>,
      %swap3A_96 = arith.index_cast %scan3A_81 : i32 to index
      %swap3A_97 = arith.constant 48 : index
      %swap3A_98 = tpu.vector_load %arg5[%swap3A_96, %swap3A_97] {strides = array<i32>} : memref<128x128xf32, #tpu.memory_space<vmem>>, vector<1x16xf32>,
      %swap3A_99 = vector.shape_cast %swap3A_98 : vector<1x16xf32> to vector<16xf32>
      %swap3A_100 = vector.shape_cast %broadcast_in_dim3A_2 : vector<16xf32> to vector<1x16xf32>
      tpu.vector_store %arg5[%swap3A_96, %swap3A_97], %swap3A_100 {strides = array<i32>} : memref<128x128xf32, #tpu.memory_space<vmem>>, vector<1x16xf32>,
      %swap3A_101 = arith.index_cast %scan3A_81 : i32 to index
      %swap3A_102 = arith.constant 64 : index
      %swap3A_103 = tpu.vector_load %arg5[%swap3A_101, %swap3A_102] {strides = array<i32>} : memref<128x128xf32, #tpu.memory_space<vmem>>, vector<1x16xf32>,
      %swap3A_104 = vector.shape_cast %swap3A_103 : vector<1x16xf32> to vector<16xf32>
      %swap3A_105 = vector.shape_cast %broadcast_in_dim3A_2 : vector<16xf32> to vector<1x16xf32>
      tpu.vector_store %arg5[%swap3A_101, %swap3A_102], %swap3A_105 {strides = array<i32>} : memref<128x128xf32, #tpu.memory_space<vmem>>, vector<1x16xf32>,
      %swap3A_106 = arith.index_cast %scan3A_81 : i32 to index
      %swap3A_107 = arith.constant 80 : index
      %swap3A_108 = tpu.vector_load %arg5[%swap3A_106, %swap3A_107] {strides = array<i32>} : memref<128x128xf32, #tpu.memory_space<vmem>>, vector<1x16xf32>,
      %swap3A_109 = vector.shape_cast %swap3A_108 : vector<1x16xf32> to vector<16xf32>
      %swap3A_110 = vector.shape_cast %broadcast_in_dim3A_2 : vector<16xf32> to vector<1x16xf32>
      tpu.vector_store %arg5[%swap3A_106, %swap3A_107], %swap3A_110 {strides = array<i32>} : memref<128x128xf32, #tpu.memory_space<vmem>>, vector<1x16xf32>,
      %swap3A_111 = arith.index_cast %scan3A_81 : i32 to index
      %swap3A_112 = arith.constant 96 : index
      %swap3A_113 = tpu.vector_load %arg5[%swap3A_111, %swap3A_112] {strides = array<i32>} : memref<128x128xf32, #tpu.memory_space<vmem>>, vector<1x16xf32>,
      %swap3A_114 = vector.shape_cast %swap3A_113 : vector<1x16xf32> to vector<16xf32>
      %swap3A_115 = vector.shape_cast %broadcast_in_dim3A_2 : vector<16xf32> to vector<1x16xf32>
      tpu.vector_store %arg5[%swap3A_111, %swap3A_112], %swap3A_115 {strides = array<i32>} : memref<128x128xf32, #tpu.memory_space<vmem>>, vector<1x16xf32>,
      %swap3A_116 = arith.index_cast %scan3A_81 : i32 to index
      %swap3A_117 = arith.constant 112 : index
      %swap3A_118 = tpu.vector_load %arg5[%swap3A_116, %swap3A_117] {strides = array<i32>} : memref<128x128xf32, #tpu.memory_space<vmem>>, vector<1x16xf32>,
      %swap3A_119 = vector.shape_cast %swap3A_118 : vector<1x16xf32> to vector<16xf32>
      %swap3A_120 = vector.shape_cast %broadcast_in_dim3A_2 : vector<16xf32> to vector<1x16xf32>
      tpu.vector_store %arg5[%swap3A_116, %swap3A_117], %swap3A_120 {strides = array<i32>} : memref<128x128xf32, #tpu.memory_space<vmem>>, vector<1x16xf32>,
    }
    %scan3A_69 = arith.constant 128 : i32
    "tpu.region"() ({
      %run_scoped3A = tpu.sem_alloc : memref<!tpu.dma_semaphore, #tpu.memory_space<semaphore_mem>>
      %dma_start3A_81 = arith.constant 0 : i32
      %dma_start3A_82 = arith.constant 0 : i32
      %dma_start3A_83 = tpu.memref_slice %arg2[%arg0, %arg1, %dma_start3A_81, %dma_start3A_82] : memref<2x16x80x128xi32, #tpu.memory_space<hbm>> -> memref<1x1x80x128xi32, #tpu.memory_space<hbm>>
      %dma_start3A_84 = tpu.memref_squeeze %dma_start3A_83 : memref<1x1x80x128xi32, #tpu.memory_space<hbm>> -> memref<80x128xi32, #tpu.memory_space<hbm>>
      %dma_start3A_85 = arith.constant 0 : i32
      %dma_start3A_86 = arith.constant 0 : i32
      %dma_start3A_87 = tpu.memref_slice %arg2[%arg0, %arg1, %dma_start3A_85, %dma_start3A_86] : memref<2x16x80x128xi32, #tpu.memory_space<hbm>> -> memref<1x1x80x128xi32, #tpu.memory_space<hbm>>
      %dma_start3A_88 = tpu.memref_squeeze %dma_start3A_87 : memref<1x1x80x128xi32, #tpu.memory_space<hbm>> -> memref<80x128xi32, #tpu.memory_space<hbm>>
      tpu.enqueue_dma source(%dma_start3A_88 : memref<80x128xi32, #tpu.memory_space<hbm>>) target(%arg4 : memref<80x128xi32, #tpu.memory_space<vmem>>) target_semaphore(%run_scoped3A : memref<!tpu.dma_semaphore, #tpu.memory_space<semaphore_mem>>)
      %dma_wait3A_89 = arith.constant 0 : i32
      %dma_wait3A_90 = arith.constant 0 : i32
      %dma_wait3A_91 = tpu.memref_slice %arg2[%arg0, %arg1, %dma_wait3A_89, %dma_wait3A_90] : memref<2x16x80x128xi32, #tpu.memory_space<hbm>> -> memref<1x1x80x128xi32, #tpu.memory_space<hbm>>
      %dma_wait3A_92 = tpu.memref_squeeze %dma_wait3A_91 : memref<1x1x80x128xi32, #tpu.memory_space<hbm>> -> memref<80x128xi32, #tpu.memory_space<hbm>>
      %dma_wait3A_93 = arith.constant 0 : i32
      %dma_wait3A_94 = arith.constant 0 : i32
      %dma_wait3A_95 = tpu.memref_slice %arg2[%arg0, %arg1, %dma_wait3A_93, %dma_wait3A_94] : memref<2x16x80x128xi32, #tpu.memory_space<hbm>> -> memref<1x1x80x128xi32, #tpu.memory_space<hbm>>
      %dma_wait3A_96 = tpu.memref_squeeze %dma_wait3A_95 : memref<1x1x80x128xi32, #tpu.memory_space<hbm>> -> memref<80x128xi32, #tpu.memory_space<hbm>>
      tpu.wait_dma2 semaphore(%run_scoped3A : memref<!tpu.dma_semaphore, #tpu.memory_space<semaphore_mem>>) src(%dma_wait3A_96 : memref<80x128xi32, #tpu.memory_space<hbm>>) dst(%arg4 : memref<80x128xi32, #tpu.memory_space<vmem>>)
      tpu.yield
    }) : () -> ()
    %barrier3A = arith.constant 0 : index
    tpu.barrier barrier_id(%barrier3A)
    %scan3A_70 = arith.constant 0 : i32
    %scan3A_71 = arith.constant 0 : i32
    %scan3A_72 = arith.constant 5 : i32
    %scan3A_73 = arith.addi %scan3A_71, %scan3A_72 : i32
    %scan3A_74 = arith.constant 1 : i32
    scf.for %scan3A_81 = %scan3A_71 to %scan3A_73 step %scan3A_74  : i32 {
      %mul3A_82 = arith.constant 16 : i32
      %mul3A_83 = arith.muli %scan3A_81, %mul3A_82 : i32
      %add3A_84 = arith.constant 0 : i32
      %add3A_85 = arith.addi %mul3A_83, %add3A_84 : i32
      %dma_start3A_86 = arith.constant 0 : i32
      %dma_start3A_87 = tpu.memref_slice %arg4[%add3A_85, %dma_start3A_86] : memref<80x128xi32, #tpu.memory_space<vmem>> -> memref<1x128xi32, #tpu.memory_space<vmem>>
      %dma_start3A_88 = tpu.memref_squeeze %dma_start3A_87 : memref<1x128xi32, #tpu.memory_space<vmem>> -> memref<128xi32, #tpu.memory_space<vmem>>
      %dma_start3A_89 = arith.constant 0 : i32
      %dma_start3A_90 = arith.constant 0 : i32
      %dma_start3A_91 = tpu.memref_slice %arg7[%dma_start3A_89, %dma_start3A_90] : memref<10240x128xf32, #tpu.memory_space<vmem_shared>> -> memref<10240x128xf32, #tpu.memory_space<vmem_shared>>
      tpu.enqueue_indirect_dma source(%arg5 : memref<128x128xf32, #tpu.memory_space<vmem>>) target(%dma_start3A_91 : memref<10240x128xf32, #tpu.memory_space<vmem_shared>>) offsets(%dma_start3A_88 : memref<128xi32, #tpu.memory_space<vmem>>) semaphore(%arg6 : memref<!tpu.dma_semaphore, #tpu.memory_space<semaphore_mem>>) {add = true}
      %mul3A_92 = arith.constant 16 : i32
      %mul3A_93 = arith.muli %scan3A_81, %mul3A_92 : i32
      %add3A_94 = arith.constant 1 : i32
      %add3A_95 = arith.addi %mul3A_93, %add3A_94 : i32
      %dma_start3A_96 = arith.constant 0 : i32
      %dma_start3A_97 = tpu.memref_slice %arg4[%add3A_95, %dma_start3A_96] : memref<80x128xi32, #tpu.memory_space<vmem>> -> memref<1x128xi32, #tpu.memory_space<vmem>>
      %dma_start3A_98 = tpu.memref_squeeze %dma_start3A_97 : memref<1x128xi32, #tpu.memory_space<vmem>> -> memref<128xi32, #tpu.memory_space<vmem>>
      %dma_start3A_99 = arith.constant 0 : i32
      %dma_start3A_100 = arith.constant 0 : i32
      %dma_start3A_101 = tpu.memref_slice %arg7[%dma_start3A_99, %dma_start3A_100] : memref<10240x128xf32, #tpu.memory_space<vmem_shared>> -> memref<10240x128xf32, #tpu.memory_space<vmem_shared>>
      tpu.enqueue_indirect_dma source(%arg5 : memref<128x128xf32, #tpu.memory_space<vmem>>) target(%dma_start3A_101 : memref<10240x128xf32, #tpu.memory_space<vmem_shared>>) offsets(%dma_start3A_98 : memref<128xi32, #tpu.memory_space<vmem>>) semaphore(%arg6 : memref<!tpu.dma_semaphore, #tpu.memory_space<semaphore_mem>>) {add = true}
      %mul3A_102 = arith.constant 16 : i32
      %mul3A_103 = arith.muli %scan3A_81, %mul3A_102 : i32
      %add3A_104 = arith.constant 2 : i32
      %add3A_105 = arith.addi %mul3A_103, %add3A_104 : i32
      %dma_start3A_106 = arith.constant 0 : i32
      %dma_start3A_107 = tpu.memref_slice %arg4[%add3A_105, %dma_start3A_106] : memref<80x128xi32, #tpu.memory_space<vmem>> -> memref<1x128xi32, #tpu.memory_space<vmem>>
      %dma_start3A_108 = tpu.memref_squeeze %dma_start3A_107 : memref<1x128xi32, #tpu.memory_space<vmem>> -> memref<128xi32, #tpu.memory_space<vmem>>
      %dma_start3A_109 = arith.constant 0 : i32
      %dma_start3A_110 = arith.constant 0 : i32
      %dma_start3A_111 = tpu.memref_slice %arg7[%dma_start3A_109, %dma_start3A_110] : memref<10240x128xf32, #tpu.memory_space<vmem_shared>> -> memref<10240x128xf32, #tpu.memory_space<vmem_shared>>
      tpu.enqueue_indirect_dma source(%arg5 : memref<128x128xf32, #tpu.memory_space<vmem>>) target(%dma_start3A_111 : memref<10240x128xf32, #tpu.memory_space<vmem_shared>>) offsets(%dma_start3A_108 : memref<128xi32, #tpu.memory_space<vmem>>) semaphore(%arg6 : memref<!tpu.dma_semaphore, #tpu.memory_space<semaphore_mem>>) {add = true}
      %mul3A_112 = arith.constant 16 : i32
      %mul3A_113 = arith.muli %scan3A_81, %mul3A_112 : i32
      %add3A_114 = arith.constant 3 : i32
      %add3A_115 = arith.addi %mul3A_113, %add3A_114 : i32
      %dma_start3A_116 = arith.constant 0 : i32
      %dma_start3A_117 = tpu.memref_slice %arg4[%add3A_115, %dma_start3A_116] : memref<80x128xi32, #tpu.memory_space<vmem>> -> memref<1x128xi32, #tpu.memory_space<vmem>>
      %dma_start3A_118 = tpu.memref_squeeze %dma_start3A_117 : memref<1x128xi32, #tpu.memory_space<vmem>> -> memref<128xi32, #tpu.memory_space<vmem>>
      %dma_start3A_119 = arith.constant 0 : i32
      %dma_start3A_120 = arith.constant 0 : i32
      %dma_start3A_121 = tpu.memref_slice %arg7[%dma_start3A_119, %dma_start3A_120] : memref<10240x128xf32, #tpu.memory_space<vmem_shared>> -> memref<10240x128xf32, #tpu.memory_space<vmem_shared>>
      tpu.enqueue_indirect_dma source(%arg5 : memref<128x128xf32, #tpu.memory_space<vmem>>) target(%dma_start3A_121 : memref<10240x128xf32, #tpu.memory_space<vmem_shared>>) offsets(%dma_start3A_118 : memref<128xi32, #tpu.memory_space<vmem>>) semaphore(%arg6 : memref<!tpu.dma_semaphore, #tpu.memory_space<semaphore_mem>>) {add = true}
      %mul3A_122 = arith.constant 16 : i32
      %mul3A_123 = arith.muli %scan3A_81, %mul3A_122 : i32
      %add3A_124 = arith.constant 4 : i32
      %add3A_125 = arith.addi %mul3A_123, %add3A_124 : i32
      %dma_start3A_126 = arith.constant 0 : i32
      %dma_start3A_127 = tpu.memref_slice %arg4[%add3A_125, %dma_start3A_126] : memref<80x128xi32, #tpu.memory_space<vmem>> -> memref<1x128xi32, #tpu.memory_space<vmem>>
      %dma_start3A_128 = tpu.memref_squeeze %dma_start3A_127 : memref<1x128xi32, #tpu.memory_space<vmem>> -> memref<128xi32, #tpu.memory_space<vmem>>
      %dma_start3A_129 = arith.constant 0 : i32
      %dma_start3A_130 = arith.constant 0 : i32
      %dma_start3A_131 = tpu.memref_slice %arg7[%dma_start3A_129, %dma_start3A_130] : memref<10240x128xf32, #tpu.memory_space<vmem_shared>> -> memref<10240x128xf32, #tpu.memory_space<vmem_shared>>
      tpu.enqueue_indirect_dma source(%arg5 : memref<128x128xf32, #tpu.memory_space<vmem>>) target(%dma_start3A_131 : memref<10240x128xf32, #tpu.memory_space<vmem_shared>>) offsets(%dma_start3A_128 : memref<128xi32, #tpu.memory_space<vmem>>) semaphore(%arg6 : memref<!tpu.dma_semaphore, #tpu.memory_space<semaphore_mem>>) {add = true}
      %mul3A_132 = arith.constant 16 : i32
      %mul3A_133 = arith.muli %scan3A_81, %mul3A_132 : i32
      %add3A_134 = arith.constant 5 : i32
      %add3A_135 = arith.addi %mul3A_133, %add3A_134 : i32
      %dma_start3A_136 = arith.constant 0 : i32
      %dma_start3A_137 = tpu.memref_slice %arg4[%add3A_135, %dma_start3A_136] : memref<80x128xi32, #tpu.memory_space<vmem>> -> memref<1x128xi32, #tpu.memory_space<vmem>>
      %dma_start3A_138 = tpu.memref_squeeze %dma_start3A_137 : memref<1x128xi32, #tpu.memory_space<vmem>> -> memref<128xi32, #tpu.memory_space<vmem>>
      %dma_start3A_139 = arith.constant 0 : i32
      %dma_start3A_140 = arith.constant 0 : i32
      %dma_start3A_141 = tpu.memref_slice %arg7[%dma_start3A_139, %dma_start3A_140] : memref<10240x128xf32, #tpu.memory_space<vmem_shared>> -> memref<10240x128xf32, #tpu.memory_space<vmem_shared>>
      tpu.enqueue_indirect_dma source(%arg5 : memref<128x128xf32, #tpu.memory_space<vmem>>) target(%dma_start3A_141 : memref<10240x128xf32, #tpu.memory_space<vmem_shared>>) offsets(%dma_start3A_138 : memref<128xi32, #tpu.memory_space<vmem>>) semaphore(%arg6 : memref<!tpu.dma_semaphore, #tpu.memory_space<semaphore_mem>>) {add = true}
      %mul3A_142 = arith.constant 16 : i32
      %mul3A_143 = arith.muli %scan3A_81, %mul3A_142 : i32
      %add3A_144 = arith.constant 6 : i32
      %add3A_145 = arith.addi %mul3A_143, %add3A_144 : i32
      %dma_start3A_146 = arith.constant 0 : i32
      %dma_start3A_147 = tpu.memref_slice %arg4[%add3A_145, %dma_start3A_146] : memref<80x128xi32, #tpu.memory_space<vmem>> -> memref<1x128xi32, #tpu.memory_space<vmem>>
      %dma_start3A_148 = tpu.memref_squeeze %dma_start3A_147 : memref<1x128xi32, #tpu.memory_space<vmem>> -> memref<128xi32, #tpu.memory_space<vmem>>
      %dma_start3A_149 = arith.constant 0 : i32
      %dma_start3A_150 = arith.constant 0 : i32
      %dma_start3A_151 = tpu.memref_slice %arg7[%dma_start3A_149, %dma_start3A_150] : memref<10240x128xf32, #tpu.memory_space<vmem_shared>> -> memref<10240x128xf32, #tpu.memory_space<vmem_shared>>
      tpu.enqueue_indirect_dma source(%arg5 : memref<128x128xf32, #tpu.memory_space<vmem>>) target(%dma_start3A_151 : memref<10240x128xf32, #tpu.memory_space<vmem_shared>>) offsets(%dma_start3A_148 : memref<128xi32, #tpu.memory_space<vmem>>) semaphore(%arg6 : memref<!tpu.dma_semaphore, #tpu.memory_space<semaphore_mem>>) {add = true}
      %mul3A_152 = arith.constant 16 : i32
      %mul3A_153 = arith.muli %scan3A_81, %mul3A_152 : i32
      %add3A_154 = arith.constant 7 : i32
      %add3A_155 = arith.addi %mul3A_153, %add3A_154 : i32
      %dma_start3A_156 = arith.constant 0 : i32
      %dma_start3A_157 = tpu.memref_slice %arg4[%add3A_155, %dma_start3A_156] : memref<80x128xi32, #tpu.memory_space<vmem>> -> memref<1x128xi32, #tpu.memory_space<vmem>>
      %dma_start3A_158 = tpu.memref_squeeze %dma_start3A_157 : memref<1x128xi32, #tpu.memory_space<vmem>> -> memref<128xi32, #tpu.memory_space<vmem>>
      %dma_start3A_159 = arith.constant 0 : i32
      %dma_start3A_160 = arith.constant 0 : i32
      %dma_start3A_161 = tpu.memref_slice %arg7[%dma_start3A_159, %dma_start3A_160] : memref<10240x128xf32, #tpu.memory_space<vmem_shared>> -> memref<10240x128xf32, #tpu.memory_space<vmem_shared>>
      tpu.enqueue_indirect_dma source(%arg5 : memref<128x128xf32, #tpu.memory_space<vmem>>) target(%dma_start3A_161 : memref<10240x128xf32, #tpu.memory_space<vmem_shared>>) offsets(%dma_start3A_158 : memref<128xi32, #tpu.memory_space<vmem>>) semaphore(%arg6 : memref<!tpu.dma_semaphore, #tpu.memory_space<semaphore_mem>>) {add = true}
      %mul3A_162 = arith.constant 16 : i32
      %mul3A_163 = arith.muli %scan3A_81, %mul3A_162 : i32
      %add3A_164 = arith.constant 8 : i32
      %add3A_165 = arith.addi %mul3A_163, %add3A_164 : i32
      %dma_start3A_166 = arith.constant 0 : i32
      %dma_start3A_167 = tpu.memref_slice %arg4[%add3A_165, %dma_start3A_166] : memref<80x128xi32, #tpu.memory_space<vmem>> -> memref<1x128xi32, #tpu.memory_space<vmem>>
      %dma_start3A_168 = tpu.memref_squeeze %dma_start3A_167 : memref<1x128xi32, #tpu.memory_space<vmem>> -> memref<128xi32, #tpu.memory_space<vmem>>
      %dma_start3A_169 = arith.constant 0 : i32
      %dma_start3A_170 = arith.constant 0 : i32
      %dma_start3A_171 = tpu.memref_slice %arg7[%dma_start3A_169, %dma_start3A_170] : memref<10240x128xf32, #tpu.memory_space<vmem_shared>> -> memref<10240x128xf32, #tpu.memory_space<vmem_shared>>
      tpu.enqueue_indirect_dma source(%arg5 : memref<128x128xf32, #tpu.memory_space<vmem>>) target(%dma_start3A_171 : memref<10240x128xf32, #tpu.memory_space<vmem_shared>>) offsets(%dma_start3A_168 : memref<128xi32, #tpu.memory_space<vmem>>) semaphore(%arg6 : memref<!tpu.dma_semaphore, #tpu.memory_space<semaphore_mem>>) {add = true}
      %mul3A_172 = arith.constant 16 : i32
      %mul3A_173 = arith.muli %scan3A_81, %mul3A_172 : i32
      %add3A_174 = arith.constant 9 : i32
      %add3A_175 = arith.addi %mul3A_173, %add3A_174 : i32
      %dma_start3A_176 = arith.constant 0 : i32
      %dma_start3A_177 = tpu.memref_slice %arg4[%add3A_175, %dma_start3A_176] : memref<80x128xi32, #tpu.memory_space<vmem>> -> memref<1x128xi32, #tpu.memory_space<vmem>>
      %dma_start3A_178 = tpu.memref_squeeze %dma_start3A_177 : memref<1x128xi32, #tpu.memory_space<vmem>> -> memref<128xi32, #tpu.memory_space<vmem>>
      %dma_start3A_179 = arith.constant 0 : i32
      %dma_start3A_180 = arith.constant 0 : i32
      %dma_start3A_181 = tpu.memref_slice %arg7[%dma_start3A_179, %dma_start3A_180] : memref<10240x128xf32, #tpu.memory_space<vmem_shared>> -> memref<10240x128xf32, #tpu.memory_space<vmem_shared>>
      tpu.enqueue_indirect_dma source(%arg5 : memref<128x128xf32, #tpu.memory_space<vmem>>) target(%dma_start3A_181 : memref<10240x128xf32, #tpu.memory_space<vmem_shared>>) offsets(%dma_start3A_178 : memref<128xi32, #tpu.memory_space<vmem>>) semaphore(%arg6 : memref<!tpu.dma_semaphore, #tpu.memory_space<semaphore_mem>>) {add = true}
      %mul3A_182 = arith.constant 16 : i32
      %mul3A_183 = arith.muli %scan3A_81, %mul3A_182 : i32
      %add3A_184 = arith.constant 10 : i32
      %add3A_185 = arith.addi %mul3A_183, %add3A_184 : i32
      %dma_start3A_186 = arith.constant 0 : i32
      %dma_start3A_187 = tpu.memref_slice %arg4[%add3A_185, %dma_start3A_186] : memref<80x128xi32, #tpu.memory_space<vmem>> -> memref<1x128xi32, #tpu.memory_space<vmem>>
      %dma_start3A_188 = tpu.memref_squeeze %dma_start3A_187 : memref<1x128xi32, #tpu.memory_space<vmem>> -> memref<128xi32, #tpu.memory_space<vmem>>
      %dma_start3A_189 = arith.constant 0 : i32
      %dma_start3A_190 = arith.constant 0 : i32
      %dma_start3A_191 = tpu.memref_slice %arg7[%dma_start3A_189, %dma_start3A_190] : memref<10240x128xf32, #tpu.memory_space<vmem_shared>> -> memref<10240x128xf32, #tpu.memory_space<vmem_shared>>
      tpu.enqueue_indirect_dma source(%arg5 : memref<128x128xf32, #tpu.memory_space<vmem>>) target(%dma_start3A_191 : memref<10240x128xf32, #tpu.memory_space<vmem_shared>>) offsets(%dma_start3A_188 : memref<128xi32, #tpu.memory_space<vmem>>) semaphore(%arg6 : memref<!tpu.dma_semaphore, #tpu.memory_space<semaphore_mem>>) {add = true}
      %mul3A_192 = arith.constant 16 : i32
      %mul3A_193 = arith.muli %scan3A_81, %mul3A_192 : i32
      %add3A_194 = arith.constant 11 : i32
      %add3A_195 = arith.addi %mul3A_193, %add3A_194 : i32
      %dma_start3A_196 = arith.constant 0 : i32
      %dma_start3A_197 = tpu.memref_slice %arg4[%add3A_195, %dma_start3A_196] : memref<80x128xi32, #tpu.memory_space<vmem>> -> memref<1x128xi32, #tpu.memory_space<vmem>>
      %dma_start3A_198 = tpu.memref_squeeze %dma_start3A_197 : memref<1x128xi32, #tpu.memory_space<vmem>> -> memref<128xi32, #tpu.memory_space<vmem>>
      %dma_start3A_199 = arith.constant 0 : i32
      %dma_start3A_200 = arith.constant 0 : i32
      %dma_start3A_201 = tpu.memref_slice %arg7[%dma_start3A_199, %dma_start3A_200] : memref<10240x128xf32, #tpu.memory_space<vmem_shared>> -> memref<10240x128xf32, #tpu.memory_space<vmem_shared>>
      tpu.enqueue_indirect_dma source(%arg5 : memref<128x128xf32, #tpu.memory_space<vmem>>) target(%dma_start3A_201 : memref<10240x128xf32, #tpu.memory_space<vmem_shared>>) offsets(%dma_start3A_198 : memref<128xi32, #tpu.memory_space<vmem>>) semaphore(%arg6 : memref<!tpu.dma_semaphore, #tpu.memory_space<semaphore_mem>>) {add = true}
      %mul3A_202 = arith.constant 16 : i32
      %mul3A_203 = arith.muli %scan3A_81, %mul3A_202 : i32
      %add3A_204 = arith.constant 12 : i32
      %add3A_205 = arith.addi %mul3A_203, %add3A_204 : i32
      %dma_start3A_206 = arith.constant 0 : i32
      %dma_start3A_207 = tpu.memref_slice %arg4[%add3A_205, %dma_start3A_206] : memref<80x128xi32, #tpu.memory_space<vmem>> -> memref<1x128xi32, #tpu.memory_space<vmem>>
      %dma_start3A_208 = tpu.memref_squeeze %dma_start3A_207 : memref<1x128xi32, #tpu.memory_space<vmem>> -> memref<128xi32, #tpu.memory_space<vmem>>
      %dma_start3A_209 = arith.constant 0 : i32
      %dma_start3A_210 = arith.constant 0 : i32
      %dma_start3A_211 = tpu.memref_slice %arg7[%dma_start3A_209, %dma_start3A_210] : memref<10240x128xf32, #tpu.memory_space<vmem_shared>> -> memref<10240x128xf32, #tpu.memory_space<vmem_shared>>
      tpu.enqueue_indirect_dma source(%arg5 : memref<128x128xf32, #tpu.memory_space<vmem>>) target(%dma_start3A_211 : memref<10240x128xf32, #tpu.memory_space<vmem_shared>>) offsets(%dma_start3A_208 : memref<128xi32, #tpu.memory_space<vmem>>) semaphore(%arg6 : memref<!tpu.dma_semaphore, #tpu.memory_space<semaphore_mem>>) {add = true}
      %mul3A_212 = arith.constant 16 : i32
      %mul3A_213 = arith.muli %scan3A_81, %mul3A_212 : i32
      %add3A_214 = arith.constant 13 : i32
      %add3A_215 = arith.addi %mul3A_213, %add3A_214 : i32
      %dma_start3A_216 = arith.constant 0 : i32
      %dma_start3A_217 = tpu.memref_slice %arg4[%add3A_215, %dma_start3A_216] : memref<80x128xi32, #tpu.memory_space<vmem>> -> memref<1x128xi32, #tpu.memory_space<vmem>>
      %dma_start3A_218 = tpu.memref_squeeze %dma_start3A_217 : memref<1x128xi32, #tpu.memory_space<vmem>> -> memref<128xi32, #tpu.memory_space<vmem>>
      %dma_start3A_219 = arith.constant 0 : i32
      %dma_start3A_220 = arith.constant 0 : i32
      %dma_start3A_221 = tpu.memref_slice %arg7[%dma_start3A_219, %dma_start3A_220] : memref<10240x128xf32, #tpu.memory_space<vmem_shared>> -> memref<10240x128xf32, #tpu.memory_space<vmem_shared>>
      tpu.enqueue_indirect_dma source(%arg5 : memref<128x128xf32, #tpu.memory_space<vmem>>) target(%dma_start3A_221 : memref<10240x128xf32, #tpu.memory_space<vmem_shared>>) offsets(%dma_start3A_218 : memref<128xi32, #tpu.memory_space<vmem>>) semaphore(%arg6 : memref<!tpu.dma_semaphore, #tpu.memory_space<semaphore_mem>>) {add = true}
      %mul3A_222 = arith.constant 16 : i32
      %mul3A_223 = arith.muli %scan3A_81, %mul3A_222 : i32
      %add3A_224 = arith.constant 14 : i32
      %add3A_225 = arith.addi %mul3A_223, %add3A_224 : i32
      %dma_start3A_226 = arith.constant 0 : i32
      %dma_start3A_227 = tpu.memref_slice %arg4[%add3A_225, %dma_start3A_226] : memref<80x128xi32, #tpu.memory_space<vmem>> -> memref<1x128xi32, #tpu.memory_space<vmem>>
      %dma_start3A_228 = tpu.memref_squeeze %dma_start3A_227 : memref<1x128xi32, #tpu.memory_space<vmem>> -> memref<128xi32, #tpu.memory_space<vmem>>
      %dma_start3A_229 = arith.constant 0 : i32
      %dma_start3A_230 = arith.constant 0 : i32
      %dma_start3A_231 = tpu.memref_slice %arg7[%dma_start3A_229, %dma_start3A_230] : memref<10240x128xf32, #tpu.memory_space<vmem_shared>> -> memref<10240x128xf32, #tpu.memory_space<vmem_shared>>
      tpu.enqueue_indirect_dma source(%arg5 : memref<128x128xf32, #tpu.memory_space<vmem>>) target(%dma_start3A_231 : memref<10240x128xf32, #tpu.memory_space<vmem_shared>>) offsets(%dma_start3A_228 : memref<128xi32, #tpu.memory_space<vmem>>) semaphore(%arg6 : memref<!tpu.dma_semaphore, #tpu.memory_space<semaphore_mem>>) {add = true}
      %mul3A_232 = arith.constant 16 : i32
      %mul3A_233 = arith.muli %scan3A_81, %mul3A_232 : i32
      %add3A_234 = arith.constant 15 : i32
      %add3A_235 = arith.addi %mul3A_233, %add3A_234 : i32
      %dma_start3A_236 = arith.constant 0 : i32
      %dma_start3A_237 = tpu.memref_slice %arg4[%add3A_235, %dma_start3A_236] : memref<80x128xi32, #tpu.memory_space<vmem>> -> memref<1x128xi32, #tpu.memory_space<vmem>>
      %dma_start3A_238 = tpu.memref_squeeze %dma_start3A_237 : memref<1x128xi32, #tpu.memory_space<vmem>> -> memref<128xi32, #tpu.memory_space<vmem>>
      %dma_start3A_239 = arith.constant 0 : i32
      %dma_start3A_240 = arith.constant 0 : i32
      %dma_start3A_241 = tpu.memref_slice %arg7[%dma_start3A_239, %dma_start3A_240] : memref<10240x128xf32, #tpu.memory_space<vmem_shared>> -> memref<10240x128xf32, #tpu.memory_space<vmem_shared>>
      tpu.enqueue_indirect_dma source(%arg5 : memref<128x128xf32, #tpu.memory_space<vmem>>) target(%dma_start3A_241 : memref<10240x128xf32, #tpu.memory_space<vmem_shared>>) offsets(%dma_start3A_238 : memref<128xi32, #tpu.memory_space<vmem>>) semaphore(%arg6 : memref<!tpu.dma_semaphore, #tpu.memory_space<semaphore_mem>>) {add = true}
      %dma_wait3A_242 = arith.constant 0 : i32
      %dma_wait3A_243 = tpu.memref_slice %arg4[%add3A_85, %dma_wait3A_242] : memref<80x128xi32, #tpu.memory_space<vmem>> -> memref<1x128xi32, #tpu.memory_space<vmem>>
      %dma_wait3A_244 = tpu.memref_squeeze %dma_wait3A_243 : memref<1x128xi32, #tpu.memory_space<vmem>> -> memref<128xi32, #tpu.memory_space<vmem>>
      %dma_wait3A_245 = arith.constant 0 : i32
      %dma_wait3A_246 = arith.constant 0 : i32
      %dma_wait3A_247 = tpu.memref_slice %arg7[%dma_wait3A_245, %dma_wait3A_246] : memref<10240x128xf32, #tpu.memory_space<vmem_shared>> -> memref<10240x128xf32, #tpu.memory_space<vmem_shared>>
      tpu.wait_indirect_dma semaphore(%arg6 : memref<!tpu.dma_semaphore, #tpu.memory_space<semaphore_mem>>) src(%arg5 : memref<128x128xf32, #tpu.memory_space<vmem>>) dst(%dma_wait3A_247 : memref<10240x128xf32, #tpu.memory_space<vmem_shared>>)
      %dma_wait3A_248 = arith.constant 0 : i32
      %dma_wait3A_249 = tpu.memref_slice %arg4[%add3A_95, %dma_wait3A_248] : memref<80x128xi32, #tpu.memory_space<vmem>> -> memref<1x128xi32, #tpu.memory_space<vmem>>
      %dma_wait3A_250 = tpu.memref_squeeze %dma_wait3A_249 : memref<1x128xi32, #tpu.memory_space<vmem>> -> memref<128xi32, #tpu.memory_space<vmem>>
      %dma_wait3A_251 = arith.constant 0 : i32
      %dma_wait3A_252 = arith.constant 0 : i32
      %dma_wait3A_253 = tpu.memref_slice %arg7[%dma_wait3A_251, %dma_wait3A_252] : memref<10240x128xf32, #tpu.memory_space<vmem_shared>> -> memref<10240x128xf32, #tpu.memory_space<vmem_shared>>
      tpu.wait_indirect_dma semaphore(%arg6 : memref<!tpu.dma_semaphore, #tpu.memory_space<semaphore_mem>>) src(%arg5 : memref<128x128xf32, #tpu.memory_space<vmem>>) dst(%dma_wait3A_253 : memref<10240x128xf32, #tpu.memory_space<vmem_shared>>)
      %dma_wait3A_254 = arith.constant 0 : i32
      %dma_wait3A_255 = tpu.memref_slice %arg4[%add3A_105, %dma_wait3A_254] : memref<80x128xi32, #tpu.memory_space<vmem>> -> memref<1x128xi32, #tpu.memory_space<vmem>>
      %dma_wait3A_256 = tpu.memref_squeeze %dma_wait3A_255 : memref<1x128xi32, #tpu.memory_space<vmem>> -> memref<128xi32, #tpu.memory_space<vmem>>
      %dma_wait3A_257 = arith.constant 0 : i32
      %dma_wait3A_258 = arith.constant 0 : i32
      %dma_wait3A_259 = tpu.memref_slice %arg7[%dma_wait3A_257, %dma_wait3A_258] : memref<10240x128xf32, #tpu.memory_space<vmem_shared>> -> memref<10240x128xf32, #tpu.memory_space<vmem_shared>>
      tpu.wait_indirect_dma semaphore(%arg6 : memref<!tpu.dma_semaphore, #tpu.memory_space<semaphore_mem>>) src(%arg5 : memref<128x128xf32, #tpu.memory_space<vmem>>) dst(%dma_wait3A_259 : memref<10240x128xf32, #tpu.memory_space<vmem_shared>>)
      %dma_wait3A_260 = arith.constant 0 : i32
      %dma_wait3A_261 = tpu.memref_slice %arg4[%add3A_115, %dma_wait3A_260] : memref<80x128xi32, #tpu.memory_space<vmem>> -> memref<1x128xi32, #tpu.memory_space<vmem>>
      %dma_wait3A_262 = tpu.memref_squeeze %dma_wait3A_261 : memref<1x128xi32, #tpu.memory_space<vmem>> -> memref<128xi32, #tpu.memory_space<vmem>>
      %dma_wait3A_263 = arith.constant 0 : i32
      %dma_wait3A_264 = arith.constant 0 : i32
      %dma_wait3A_265 = tpu.memref_slice %arg7[%dma_wait3A_263, %dma_wait3A_264] : memref<10240x128xf32, #tpu.memory_space<vmem_shared>> -> memref<10240x128xf32, #tpu.memory_space<vmem_shared>>
      tpu.wait_indirect_dma semaphore(%arg6 : memref<!tpu.dma_semaphore, #tpu.memory_space<semaphore_mem>>) src(%arg5 : memref<128x128xf32, #tpu.memory_space<vmem>>) dst(%dma_wait3A_265 : memref<10240x128xf32, #tpu.memory_space<vmem_shared>>)
      %dma_wait3A_266 = arith.constant 0 : i32
      %dma_wait3A_267 = tpu.memref_slice %arg4[%add3A_125, %dma_wait3A_266] : memref<80x128xi32, #tpu.memory_space<vmem>> -> memref<1x128xi32, #tpu.memory_space<vmem>>
      %dma_wait3A_268 = tpu.memref_squeeze %dma_wait3A_267 : memref<1x128xi32, #tpu.memory_space<vmem>> -> memref<128xi32, #tpu.memory_space<vmem>>
      %dma_wait3A_269 = arith.constant 0 : i32
      %dma_wait3A_270 = arith.constant 0 : i32
      %dma_wait3A_271 = tpu.memref_slice %arg7[%dma_wait3A_269, %dma_wait3A_270] : memref<10240x128xf32, #tpu.memory_space<vmem_shared>> -> memref<10240x128xf32, #tpu.memory_space<vmem_shared>>
      tpu.wait_indirect_dma semaphore(%arg6 : memref<!tpu.dma_semaphore, #tpu.memory_space<semaphore_mem>>) src(%arg5 : memref<128x128xf32, #tpu.memory_space<vmem>>) dst(%dma_wait3A_271 : memref<10240x128xf32, #tpu.memory_space<vmem_shared>>)
      %dma_wait3A_272 = arith.constant 0 : i32
      %dma_wait3A_273 = tpu.memref_slice %arg4[%add3A_135, %dma_wait3A_272] : memref<80x128xi32, #tpu.memory_space<vmem>> -> memref<1x128xi32, #tpu.memory_space<vmem>>
      %dma_wait3A_274 = tpu.memref_squeeze %dma_wait3A_273 : memref<1x128xi32, #tpu.memory_space<vmem>> -> memref<128xi32, #tpu.memory_space<vmem>>
      %dma_wait3A_275 = arith.constant 0 : i32
      %dma_wait3A_276 = arith.constant 0 : i32
      %dma_wait3A_277 = tpu.memref_slice %arg7[%dma_wait3A_275, %dma_wait3A_276] : memref<10240x128xf32, #tpu.memory_space<vmem_shared>> -> memref<10240x128xf32, #tpu.memory_space<vmem_shared>>
      tpu.wait_indirect_dma semaphore(%arg6 : memref<!tpu.dma_semaphore, #tpu.memory_space<semaphore_mem>>) src(%arg5 : memref<128x128xf32, #tpu.memory_space<vmem>>) dst(%dma_wait3A_277 : memref<10240x128xf32, #tpu.memory_space<vmem_shared>>)
      %dma_wait3A_278 = arith.constant 0 : i32
      %dma_wait3A_279 = tpu.memref_slice %arg4[%add3A_145, %dma_wait3A_278] : memref<80x128xi32, #tpu.memory_space<vmem>> -> memref<1x128xi32, #tpu.memory_space<vmem>>
      %dma_wait3A_280 = tpu.memref_squeeze %dma_wait3A_279 : memref<1x128xi32, #tpu.memory_space<vmem>> -> memref<128xi32, #tpu.memory_space<vmem>>
      %dma_wait3A_281 = arith.constant 0 : i32
      %dma_wait3A_282 = arith.constant 0 : i32
      %dma_wait3A_283 = tpu.memref_slice %arg7[%dma_wait3A_281, %dma_wait3A_282] : memref<10240x128xf32, #tpu.memory_space<vmem_shared>> -> memref<10240x128xf32, #tpu.memory_space<vmem_shared>>
      tpu.wait_indirect_dma semaphore(%arg6 : memref<!tpu.dma_semaphore, #tpu.memory_space<semaphore_mem>>) src(%arg5 : memref<128x128xf32, #tpu.memory_space<vmem>>) dst(%dma_wait3A_283 : memref<10240x128xf32, #tpu.memory_space<vmem_shared>>)
      %dma_wait3A_284 = arith.constant 0 : i32
      %dma_wait3A_285 = tpu.memref_slice %arg4[%add3A_155, %dma_wait3A_284] : memref<80x128xi32, #tpu.memory_space<vmem>> -> memref<1x128xi32, #tpu.memory_space<vmem>>
      %dma_wait3A_286 = tpu.memref_squeeze %dma_wait3A_285 : memref<1x128xi32, #tpu.memory_space<vmem>> -> memref<128xi32, #tpu.memory_space<vmem>>
      %dma_wait3A_287 = arith.constant 0 : i32
      %dma_wait3A_288 = arith.constant 0 : i32
      %dma_wait3A_289 = tpu.memref_slice %arg7[%dma_wait3A_287, %dma_wait3A_288] : memref<10240x128xf32, #tpu.memory_space<vmem_shared>> -> memref<10240x128xf32, #tpu.memory_space<vmem_shared>>
      tpu.wait_indirect_dma semaphore(%arg6 : memref<!tpu.dma_semaphore, #tpu.memory_space<semaphore_mem>>) src(%arg5 : memref<128x128xf32, #tpu.memory_space<vmem>>) dst(%dma_wait3A_289 : memref<10240x128xf32, #tpu.memory_space<vmem_shared>>)
      %dma_wait3A_290 = arith.constant 0 : i32
      %dma_wait3A_291 = tpu.memref_slice %arg4[%add3A_165, %dma_wait3A_290] : memref<80x128xi32, #tpu.memory_space<vmem>> -> memref<1x128xi32, #tpu.memory_space<vmem>>
      %dma_wait3A_292 = tpu.memref_squeeze %dma_wait3A_291 : memref<1x128xi32, #tpu.memory_space<vmem>> -> memref<128xi32, #tpu.memory_space<vmem>>
      %dma_wait3A_293 = arith.constant 0 : i32
      %dma_wait3A_294 = arith.constant 0 : i32
      %dma_wait3A_295 = tpu.memref_slice %arg7[%dma_wait3A_293, %dma_wait3A_294] : memref<10240x128xf32, #tpu.memory_space<vmem_shared>> -> memref<10240x128xf32, #tpu.memory_space<vmem_shared>>
      tpu.wait_indirect_dma semaphore(%arg6 : memref<!tpu.dma_semaphore, #tpu.memory_space<semaphore_mem>>) src(%arg5 : memref<128x128xf32, #tpu.memory_space<vmem>>) dst(%dma_wait3A_295 : memref<10240x128xf32, #tpu.memory_space<vmem_shared>>)
      %dma_wait3A_296 = arith.constant 0 : i32
      %dma_wait3A_297 = tpu.memref_slice %arg4[%add3A_175, %dma_wait3A_296] : memref<80x128xi32, #tpu.memory_space<vmem>> -> memref<1x128xi32, #tpu.memory_space<vmem>>
      %dma_wait3A_298 = tpu.memref_squeeze %dma_wait3A_297 : memref<1x128xi32, #tpu.memory_space<vmem>> -> memref<128xi32, #tpu.memory_space<vmem>>
      %dma_wait3A_299 = arith.constant 0 : i32
      %dma_wait3A_300 = arith.constant 0 : i32
      %dma_wait3A_301 = tpu.memref_slice %arg7[%dma_wait3A_299, %dma_wait3A_300] : memref<10240x128xf32, #tpu.memory_space<vmem_shared>> -> memref<10240x128xf32, #tpu.memory_space<vmem_shared>>
      tpu.wait_indirect_dma semaphore(%arg6 : memref<!tpu.dma_semaphore, #tpu.memory_space<semaphore_mem>>) src(%arg5 : memref<128x128xf32, #tpu.memory_space<vmem>>) dst(%dma_wait3A_301 : memref<10240x128xf32, #tpu.memory_space<vmem_shared>>)
      %dma_wait3A_302 = arith.constant 0 : i32
      %dma_wait3A_303 = tpu.memref_slice %arg4[%add3A_185, %dma_wait3A_302] : memref<80x128xi32, #tpu.memory_space<vmem>> -> memref<1x128xi32, #tpu.memory_space<vmem>>
      %dma_wait3A_304 = tpu.memref_squeeze %dma_wait3A_303 : memref<1x128xi32, #tpu.memory_space<vmem>> -> memref<128xi32, #tpu.memory_space<vmem>>
      %dma_wait3A_305 = arith.constant 0 : i32
      %dma_wait3A_306 = arith.constant 0 : i32
      %dma_wait3A_307 = tpu.memref_slice %arg7[%dma_wait3A_305, %dma_wait3A_306] : memref<10240x128xf32, #tpu.memory_space<vmem_shared>> -> memref<10240x128xf32, #tpu.memory_space<vmem_shared>>
      tpu.wait_indirect_dma semaphore(%arg6 : memref<!tpu.dma_semaphore, #tpu.memory_space<semaphore_mem>>) src(%arg5 : memref<128x128xf32, #tpu.memory_space<vmem>>) dst(%dma_wait3A_307 : memref<10240x128xf32, #tpu.memory_space<vmem_shared>>)
      %dma_wait3A_308 = arith.constant 0 : i32
      %dma_wait3A_309 = tpu.memref_slice %arg4[%add3A_195, %dma_wait3A_308] : memref<80x128xi32, #tpu.memory_space<vmem>> -> memref<1x128xi32, #tpu.memory_space<vmem>>
      %dma_wait3A_310 = tpu.memref_squeeze %dma_wait3A_309 : memref<1x128xi32, #tpu.memory_space<vmem>> -> memref<128xi32, #tpu.memory_space<vmem>>
      %dma_wait3A_311 = arith.constant 0 : i32
      %dma_wait3A_312 = arith.constant 0 : i32
      %dma_wait3A_313 = tpu.memref_slice %arg7[%dma_wait3A_311, %dma_wait3A_312] : memref<10240x128xf32, #tpu.memory_space<vmem_shared>> -> memref<10240x128xf32, #tpu.memory_space<vmem_shared>>
      tpu.wait_indirect_dma semaphore(%arg6 : memref<!tpu.dma_semaphore, #tpu.memory_space<semaphore_mem>>) src(%arg5 : memref<128x128xf32, #tpu.memory_space<vmem>>) dst(%dma_wait3A_313 : memref<10240x128xf32, #tpu.memory_space<vmem_shared>>)
      %dma_wait3A_314 = arith.constant 0 : i32
      %dma_wait3A_315 = tpu.memref_slice %arg4[%add3A_205, %dma_wait3A_314] : memref<80x128xi32, #tpu.memory_space<vmem>> -> memref<1x128xi32, #tpu.memory_space<vmem>>
      %dma_wait3A_316 = tpu.memref_squeeze %dma_wait3A_315 : memref<1x128xi32, #tpu.memory_space<vmem>> -> memref<128xi32, #tpu.memory_space<vmem>>
      %dma_wait3A_317 = arith.constant 0 : i32
      %dma_wait3A_318 = arith.constant 0 : i32
      %dma_wait3A_319 = tpu.memref_slice %arg7[%dma_wait3A_317, %dma_wait3A_318] : memref<10240x128xf32, #tpu.memory_space<vmem_shared>> -> memref<10240x128xf32, #tpu.memory_space<vmem_shared>>
      tpu.wait_indirect_dma semaphore(%arg6 : memref<!tpu.dma_semaphore, #tpu.memory_space<semaphore_mem>>) src(%arg5 : memref<128x128xf32, #tpu.memory_space<vmem>>) dst(%dma_wait3A_319 : memref<10240x128xf32, #tpu.memory_space<vmem_shared>>)
      %dma_wait3A_320 = arith.constant 0 : i32
      %dma_wait3A_321 = tpu.memref_slice %arg4[%add3A_215, %dma_wait3A_320] : memref<80x128xi32, #tpu.memory_space<vmem>> -> memref<1x128xi32, #tpu.memory_space<vmem>>
      %dma_wait3A_322 = tpu.memref_squeeze %dma_wait3A_321 : memref<1x128xi32, #tpu.memory_space<vmem>> -> memref<128xi32, #tpu.memory_space<vmem>>
      %dma_wait3A_323 = arith.constant 0 : i32
      %dma_wait3A_324 = arith.constant 0 : i32
      %dma_wait3A_325 = tpu.memref_slice %arg7[%dma_wait3A_323, %dma_wait3A_324] : memref<10240x128xf32, #tpu.memory_space<vmem_shared>> -> memref<10240x128xf32, #tpu.memory_space<vmem_shared>>
      tpu.wait_indirect_dma semaphore(%arg6 : memref<!tpu.dma_semaphore, #tpu.memory_space<semaphore_mem>>) src(%arg5 : memref<128x128xf32, #tpu.memory_space<vmem>>) dst(%dma_wait3A_325 : memref<10240x128xf32, #tpu.memory_space<vmem_shared>>)
      %dma_wait3A_326 = arith.constant 0 : i32
      %dma_wait3A_327 = tpu.memref_slice %arg4[%add3A_225, %dma_wait3A_326] : memref<80x128xi32, #tpu.memory_space<vmem>> -> memref<1x128xi32, #tpu.memory_space<vmem>>
      %dma_wait3A_328 = tpu.memref_squeeze %dma_wait3A_327 : memref<1x128xi32, #tpu.memory_space<vmem>> -> memref<128xi32, #tpu.memory_space<vmem>>
      %dma_wait3A_329 = arith.constant 0 : i32
      %dma_wait3A_330 = arith.constant 0 : i32
      %dma_wait3A_331 = tpu.memref_slice %arg7[%dma_wait3A_329, %dma_wait3A_330] : memref<10240x128xf32, #tpu.memory_space<vmem_shared>> -> memref<10240x128xf32, #tpu.memory_space<vmem_shared>>
      tpu.wait_indirect_dma semaphore(%arg6 : memref<!tpu.dma_semaphore, #tpu.memory_space<semaphore_mem>>) src(%arg5 : memref<128x128xf32, #tpu.memory_space<vmem>>) dst(%dma_wait3A_331 : memref<10240x128xf32, #tpu.memory_space<vmem_shared>>)
      %dma_wait3A_332 = arith.constant 0 : i32
      %dma_wait3A_333 = tpu.memref_slice %arg4[%add3A_235, %dma_wait3A_332] : memref<80x128xi32, #tpu.memory_space<vmem>> -> memref<1x128xi32, #tpu.memory_space<vmem>>
      %dma_wait3A_334 = tpu.memref_squeeze %dma_wait3A_333 : memref<1x128xi32, #tpu.memory_space<vmem>> -> memref<128xi32, #tpu.memory_space<vmem>>
      %dma_wait3A_335 = arith.constant 0 : i32
      %dma_wait3A_336 = arith.constant 0 : i32
      %dma_wait3A_337 = tpu.memref_slice %arg7[%dma_wait3A_335, %dma_wait3A_336] : memref<10240x128xf32, #tpu.memory_space<vmem_shared>> -> memref<10240x128xf32, #tpu.memory_space<vmem_shared>>
      tpu.wait_indirect_dma semaphore(%arg6 : memref<!tpu.dma_semaphore, #tpu.memory_space<semaphore_mem>>) src(%arg5 : memref<128x128xf32, #tpu.memory_space<vmem>>) dst(%dma_wait3A_337 : memref<10240x128xf32, #tpu.memory_space<vmem_shared>>)
    }
    %scan3A_75 = arith.constant 5 : i32
    %barrier3A_76 = arith.constant 0 : index
    tpu.barrier barrier_id(%barrier3A_76)
    %mul3A_77 = arith.constant 640 : i32
    %mul3A_78 = arith.muli %arg1, %mul3A_77 : i32
    %mul3A_79 = arith.constant 640 : i32
    %mul3A_80 = arith.muli %arg1, %mul3A_79 : i32
    "tpu.region"() ({
      %run_scoped3A = tpu.sem_alloc : memref<!tpu.dma_semaphore, #tpu.memory_space<semaphore_mem>>
      %dma_start3A_81 = arith.constant 0 : i32
      %dma_start3A_82 = tpu.memref_slice %arg3[%arg0, %mul3A_80, %dma_start3A_81] : memref<2x10240x128xf32, #tpu.memory_space<hbm>> -> memref<1x640x128xf32, #tpu.memory_space<hbm>>
      %dma_start3A_83 = tpu.memref_squeeze %dma_start3A_82 : memref<1x640x128xf32, #tpu.memory_space<hbm>> -> memref<640x128xf32, #tpu.memory_space<hbm>>
      %dma_start3A_84 = arith.constant 0 : i32
      %dma_start3A_85 = tpu.memref_slice %arg7[%mul3A_78, %dma_start3A_84] : memref<10240x128xf32, #tpu.memory_space<vmem_shared>> -> memref<640x128xf32, #tpu.memory_space<vmem_shared>>
      tpu.enqueue_dma source(%dma_start3A_85 : memref<640x128xf32, #tpu.memory_space<vmem_shared>>) target(%dma_start3A_83 : memref<640x128xf32, #tpu.memory_space<hbm>>) target_semaphore(%run_scoped3A : memref<!tpu.dma_semaphore, #tpu.memory_space<semaphore_mem>>)
      %dma_wait3A_86 = arith.constant 0 : i32
      %dma_wait3A_87 = tpu.memref_slice %arg3[%arg0, %mul3A_80, %dma_wait3A_86] : memref<2x10240x128xf32, #tpu.memory_space<hbm>> -> memref<1x640x128xf32, #tpu.memory_space<hbm>>
      %dma_wait3A_88 = tpu.memref_squeeze %dma_wait3A_87 : memref<1x640x128xf32, #tpu.memory_space<hbm>> -> memref<640x128xf32, #tpu.memory_space<hbm>>
      %dma_wait3A_89 = arith.constant 0 : i32
      %dma_wait3A_90 = tpu.memref_slice %arg7[%mul3A_78, %dma_wait3A_89] : memref<10240x128xf32, #tpu.memory_space<vmem_shared>> -> memref<640x128xf32, #tpu.memory_space<vmem_shared>>
      tpu.wait_dma2 semaphore(%run_scoped3A : memref<!tpu.dma_semaphore, #tpu.memory_space<semaphore_mem>>) src(%dma_wait3A_90 : memref<640x128xf32, #tpu.memory_space<vmem_shared>>) dst(%dma_wait3A_88 : memref<640x128xf32, #tpu.memory_space<hbm>>)
      tpu.yield
    }) : () -> ()
    return
  }
}

#map = affine_map<(d0, d1) -> (0, 0)>
#map1 = affine_map<(d0, d1) -> (0, 0, 0, 0)>
#map2 = affine_map<(d0, d1) -> (0, 0, 0)>
module attributes {stable_mosaic.version = 14 : i64} {
  func.func @_segsum_body(%arg0: i32, %arg1: i32, %arg2: memref<10000x128xf32, #tpu.memory_space<hbm>>, %arg3: memref<2x16x80x128xi32, #tpu.memory_space<hbm>>, %arg4: memref<2x16x80x128xi32, #tpu.memory_space<hbm>>, %arg5: memref<2x10240x128xf32, #tpu.memory_space<hbm>>, %arg6: memref<8x128xi32, #tpu.memory_space<vmem>>, %arg7: memref<8x128xi32, #tpu.memory_space<vmem>>, %arg8: memref<2x128x128xf32, #tpu.memory_space<vmem>>, %arg9: memref<!tpu.dma_semaphore, #tpu.memory_space<semaphore_mem>>, %arg10: memref<!tpu.dma_semaphore, #tpu.memory_space<semaphore_mem>>, %arg11: memref<!tpu.dma_semaphore, #tpu.memory_space<semaphore_mem>>, %arg12: memref<!tpu.dma_semaphore, #tpu.memory_space<semaphore_mem>>, %arg13: memref<10240x128xf32, #tpu.memory_space<vmem_shared>>) attributes {dimension_semantics = [#tpu.dimension_semantics<core_parallel>, #tpu.dimension_semantics<subcore_parallel>], iteration_bounds = array<i64: 2, 16>, scalar_prefetch = 0 : i64, scratch_operands = 8 : i64, tpu.core_type = #tpu.core_type<sc_vector_subcore>, window_params = [{transform_indices = #map}, {transform_indices = #map1}, {transform_indices = #map1}, {transform_indices = #map2}]} {
    %broadcast_in_dim3A = arith.constant 0.000000e+00 : f32
    %broadcast_in_dim3A_0 = vector.broadcast %broadcast_in_dim3A : f32 to vector<16xf32>
    %scan3A = arith.constant 0 : i32
    %scan3A_1 = arith.constant 0 : i32
    %scan3A_2 = arith.constant 128 : i32
    %scan3A_3 = arith.addi %scan3A_1, %scan3A_2 : i32
    %scan3A_4 = arith.constant 1 : i32
    scf.for %scan3A_163 = %scan3A_1 to %scan3A_3 step %scan3A_4  : i32 {
      %swap3A = arith.constant 0 : i32
      %swap3A_164 = arith.index_cast %swap3A : i32 to index
      %swap3A_165 = arith.index_cast %scan3A_163 : i32 to index
      %swap3A_166 = arith.constant 0 : index
      %swap3A_167 = tpu.vector_load %arg8[%swap3A_164, %swap3A_165, %swap3A_166] {strides = array<i32>} : memref<2x128x128xf32, #tpu.memory_space<vmem>>, vector<1x1x16xf32>,
      %swap3A_168 = vector.shape_cast %swap3A_167 : vector<1x1x16xf32> to vector<16xf32>
      %swap3A_169 = vector.shape_cast %broadcast_in_dim3A_0 : vector<16xf32> to vector<1x1x16xf32>
      tpu.vector_store %arg8[%swap3A_164, %swap3A_165, %swap3A_166], %swap3A_169 {strides = array<i32>} : memref<2x128x128xf32, #tpu.memory_space<vmem>>, vector<1x1x16xf32>,
      %swap3A_170 = arith.constant 0 : i32
      %swap3A_171 = arith.index_cast %swap3A_170 : i32 to index
      %swap3A_172 = arith.index_cast %scan3A_163 : i32 to index
      %swap3A_173 = arith.constant 16 : index
      %swap3A_174 = tpu.vector_load %arg8[%swap3A_171, %swap3A_172, %swap3A_173] {strides = array<i32>} : memref<2x128x128xf32, #tpu.memory_space<vmem>>, vector<1x1x16xf32>,
      %swap3A_175 = vector.shape_cast %swap3A_174 : vector<1x1x16xf32> to vector<16xf32>
      %swap3A_176 = vector.shape_cast %broadcast_in_dim3A_0 : vector<16xf32> to vector<1x1x16xf32>
      tpu.vector_store %arg8[%swap3A_171, %swap3A_172, %swap3A_173], %swap3A_176 {strides = array<i32>} : memref<2x128x128xf32, #tpu.memory_space<vmem>>, vector<1x1x16xf32>,
      %swap3A_177 = arith.constant 0 : i32
      %swap3A_178 = arith.index_cast %swap3A_177 : i32 to index
      %swap3A_179 = arith.index_cast %scan3A_163 : i32 to index
      %swap3A_180 = arith.constant 32 : index
      %swap3A_181 = tpu.vector_load %arg8[%swap3A_178, %swap3A_179, %swap3A_180] {strides = array<i32>} : memref<2x128x128xf32, #tpu.memory_space<vmem>>, vector<1x1x16xf32>,
      %swap3A_182 = vector.shape_cast %swap3A_181 : vector<1x1x16xf32> to vector<16xf32>
      %swap3A_183 = vector.shape_cast %broadcast_in_dim3A_0 : vector<16xf32> to vector<1x1x16xf32>
      tpu.vector_store %arg8[%swap3A_178, %swap3A_179, %swap3A_180], %swap3A_183 {strides = array<i32>} : memref<2x128x128xf32, #tpu.memory_space<vmem>>, vector<1x1x16xf32>,
      %swap3A_184 = arith.constant 0 : i32
      %swap3A_185 = arith.index_cast %swap3A_184 : i32 to index
      %swap3A_186 = arith.index_cast %scan3A_163 : i32 to index
      %swap3A_187 = arith.constant 48 : index
      %swap3A_188 = tpu.vector_load %arg8[%swap3A_185, %swap3A_186, %swap3A_187] {strides = array<i32>} : memref<2x128x128xf32, #tpu.memory_space<vmem>>, vector<1x1x16xf32>,
      %swap3A_189 = vector.shape_cast %swap3A_188 : vector<1x1x16xf32> to vector<16xf32>
      %swap3A_190 = vector.shape_cast %broadcast_in_dim3A_0 : vector<16xf32> to vector<1x1x16xf32>
      tpu.vector_store %arg8[%swap3A_185, %swap3A_186, %swap3A_187], %swap3A_190 {strides = array<i32>} : memref<2x128x128xf32, #tpu.memory_space<vmem>>, vector<1x1x16xf32>,
      %swap3A_191 = arith.constant 0 : i32
      %swap3A_192 = arith.index_cast %swap3A_191 : i32 to index
      %swap3A_193 = arith.index_cast %scan3A_163 : i32 to index
      %swap3A_194 = arith.constant 64 : index
      %swap3A_195 = tpu.vector_load %arg8[%swap3A_192, %swap3A_193, %swap3A_194] {strides = array<i32>} : memref<2x128x128xf32, #tpu.memory_space<vmem>>, vector<1x1x16xf32>,
      %swap3A_196 = vector.shape_cast %swap3A_195 : vector<1x1x16xf32> to vector<16xf32>
      %swap3A_197 = vector.shape_cast %broadcast_in_dim3A_0 : vector<16xf32> to vector<1x1x16xf32>
      tpu.vector_store %arg8[%swap3A_192, %swap3A_193, %swap3A_194], %swap3A_197 {strides = array<i32>} : memref<2x128x128xf32, #tpu.memory_space<vmem>>, vector<1x1x16xf32>,
      %swap3A_198 = arith.constant 0 : i32
      %swap3A_199 = arith.index_cast %swap3A_198 : i32 to index
      %swap3A_200 = arith.index_cast %scan3A_163 : i32 to index
      %swap3A_201 = arith.constant 80 : index
      %swap3A_202 = tpu.vector_load %arg8[%swap3A_199, %swap3A_200, %swap3A_201] {strides = array<i32>} : memref<2x128x128xf32, #tpu.memory_space<vmem>>, vector<1x1x16xf32>,
      %swap3A_203 = vector.shape_cast %swap3A_202 : vector<1x1x16xf32> to vector<16xf32>
      %swap3A_204 = vector.shape_cast %broadcast_in_dim3A_0 : vector<16xf32> to vector<1x1x16xf32>
      tpu.vector_store %arg8[%swap3A_199, %swap3A_200, %swap3A_201], %swap3A_204 {strides = array<i32>} : memref<2x128x128xf32, #tpu.memory_space<vmem>>, vector<1x1x16xf32>,
      %swap3A_205 = arith.constant 0 : i32
      %swap3A_206 = arith.index_cast %swap3A_205 : i32 to index
      %swap3A_207 = arith.index_cast %scan3A_163 : i32 to index
      %swap3A_208 = arith.constant 96 : index
      %swap3A_209 = tpu.vector_load %arg8[%swap3A_206, %swap3A_207, %swap3A_208] {strides = array<i32>} : memref<2x128x128xf32, #tpu.memory_space<vmem>>, vector<1x1x16xf32>,
      %swap3A_210 = vector.shape_cast %swap3A_209 : vector<1x1x16xf32> to vector<16xf32>
      %swap3A_211 = vector.shape_cast %broadcast_in_dim3A_0 : vector<16xf32> to vector<1x1x16xf32>
      tpu.vector_store %arg8[%swap3A_206, %swap3A_207, %swap3A_208], %swap3A_211 {strides = array<i32>} : memref<2x128x128xf32, #tpu.memory_space<vmem>>, vector<1x1x16xf32>,
      %swap3A_212 = arith.constant 0 : i32
      %swap3A_213 = arith.index_cast %swap3A_212 : i32 to index
      %swap3A_214 = arith.index_cast %scan3A_163 : i32 to index
      %swap3A_215 = arith.constant 112 : index
      %swap3A_216 = tpu.vector_load %arg8[%swap3A_213, %swap3A_214, %swap3A_215] {strides = array<i32>} : memref<2x128x128xf32, #tpu.memory_space<vmem>>, vector<1x1x16xf32>,
      %swap3A_217 = vector.shape_cast %swap3A_216 : vector<1x1x16xf32> to vector<16xf32>
      %swap3A_218 = vector.shape_cast %broadcast_in_dim3A_0 : vector<16xf32> to vector<1x1x16xf32>
      tpu.vector_store %arg8[%swap3A_213, %swap3A_214, %swap3A_215], %swap3A_218 {strides = array<i32>} : memref<2x128x128xf32, #tpu.memory_space<vmem>>, vector<1x1x16xf32>,
    }
    %scan3A_5 = arith.constant 128 : i32
    %mul3A = arith.constant 640 : i32
    %mul3A_6 = arith.muli %arg1, %mul3A : i32
    %add3A = arith.constant 0 : i32
    %add3A_7 = arith.addi %mul3A_6, %add3A : i32
    %dma_start3A = arith.constant 0 : i32
    %dma_start3A_8 = arith.constant 0 : i32
    %dma_start3A_9 = arith.constant 0 : i32
    %dma_start3A_10 = tpu.memref_slice %arg8[%dma_start3A, %dma_start3A_8, %dma_start3A_9] : memref<2x128x128xf32, #tpu.memory_space<vmem>> -> memref<1x128x128xf32, #tpu.memory_space<vmem>>
    %dma_start3A_11 = tpu.memref_squeeze %dma_start3A_10 : memref<1x128x128xf32, #tpu.memory_space<vmem>> -> memref<128x128xf32, #tpu.memory_space<vmem>>
    %dma_start3A_12 = arith.constant 0 : i32
    %dma_start3A_13 = tpu.memref_slice %arg13[%add3A_7, %dma_start3A_12] : memref<10240x128xf32, #tpu.memory_space<vmem_shared>> -> memref<128x128xf32, #tpu.memory_space<vmem_shared>>
    %dma_start3A_14 = arith.constant 0 : i32
    %dma_start3A_15 = tpu.memref_slice %arg13[%add3A_7, %dma_start3A_14] : memref<10240x128xf32, #tpu.memory_space<vmem_shared>> -> memref<128x128xf32, #tpu.memory_space<vmem_shared>>
    %dma_start3A_16 = arith.constant 0 : i32
    %dma_start3A_17 = arith.constant 0 : i32
    %dma_start3A_18 = tpu.memref_slice %arg8[%dma_start3A, %dma_start3A_16, %dma_start3A_17] : memref<2x128x128xf32, #tpu.memory_space<vmem>> -> memref<1x128x128xf32, #tpu.memory_space<vmem>>
    %dma_start3A_19 = tpu.memref_squeeze %dma_start3A_18 : memref<1x128x128xf32, #tpu.memory_space<vmem>> -> memref<128x128xf32, #tpu.memory_space<vmem>>
    tpu.enqueue_dma source(%dma_start3A_19 : memref<128x128xf32, #tpu.memory_space<vmem>>) target(%dma_start3A_15 : memref<128x128xf32, #tpu.memory_space<vmem_shared>>) target_semaphore(%arg9 : memref<!tpu.dma_semaphore, #tpu.memory_space<semaphore_mem>>)
    %mul3A_20 = arith.constant 640 : i32
    %mul3A_21 = arith.muli %arg1, %mul3A_20 : i32
    %add3A_22 = arith.constant 128 : i32
    %add3A_23 = arith.addi %mul3A_21, %add3A_22 : i32
    %dma_start3A_24 = arith.constant 0 : i32
    %dma_start3A_25 = arith.constant 0 : i32
    %dma_start3A_26 = arith.constant 0 : i32
    %dma_start3A_27 = tpu.memref_slice %arg8[%dma_start3A_24, %dma_start3A_25, %dma_start3A_26] : memref<2x128x128xf32, #tpu.memory_space<vmem>> -> memref<1x128x128xf32, #tpu.memory_space<vmem>>
    %dma_start3A_28 = tpu.memref_squeeze %dma_start3A_27 : memref<1x128x128xf32, #tpu.memory_space<vmem>> -> memref<128x128xf32, #tpu.memory_space<vmem>>
    %dma_start3A_29 = arith.constant 0 : i32
    %dma_start3A_30 = tpu.memref_slice %arg13[%add3A_23, %dma_start3A_29] : memref<10240x128xf32, #tpu.memory_space<vmem_shared>> -> memref<128x128xf32, #tpu.memory_space<vmem_shared>>
    %dma_start3A_31 = arith.constant 0 : i32
    %dma_start3A_32 = tpu.memref_slice %arg13[%add3A_23, %dma_start3A_31] : memref<10240x128xf32, #tpu.memory_space<vmem_shared>> -> memref<128x128xf32, #tpu.memory_space<vmem_shared>>
    %dma_start3A_33 = arith.constant 0 : i32
    %dma_start3A_34 = arith.constant 0 : i32
    %dma_start3A_35 = tpu.memref_slice %arg8[%dma_start3A_24, %dma_start3A_33, %dma_start3A_34] : memref<2x128x128xf32, #tpu.memory_space<vmem>> -> memref<1x128x128xf32, #tpu.memory_space<vmem>>
    %dma_start3A_36 = tpu.memref_squeeze %dma_start3A_35 : memref<1x128x128xf32, #tpu.memory_space<vmem>> -> memref<128x128xf32, #tpu.memory_space<vmem>>
    tpu.enqueue_dma source(%dma_start3A_36 : memref<128x128xf32, #tpu.memory_space<vmem>>) target(%dma_start3A_32 : memref<128x128xf32, #tpu.memory_space<vmem_shared>>) target_semaphore(%arg9 : memref<!tpu.dma_semaphore, #tpu.memory_space<semaphore_mem>>)
    %mul3A_37 = arith.constant 640 : i32
    %mul3A_38 = arith.muli %arg1, %mul3A_37 : i32
    %add3A_39 = arith.constant 256 : i32
    %add3A_40 = arith.addi %mul3A_38, %add3A_39 : i32
    %dma_start3A_41 = arith.constant 0 : i32
    %dma_start3A_42 = arith.constant 0 : i32
    %dma_start3A_43 = arith.constant 0 : i32
    %dma_start3A_44 = tpu.memref_slice %arg8[%dma_start3A_41, %dma_start3A_42, %dma_start3A_43] : memref<2x128x128xf32, #tpu.memory_space<vmem>> -> memref<1x128x128xf32, #tpu.memory_space<vmem>>
    %dma_start3A_45 = tpu.memref_squeeze %dma_start3A_44 : memref<1x128x128xf32, #tpu.memory_space<vmem>> -> memref<128x128xf32, #tpu.memory_space<vmem>>
    %dma_start3A_46 = arith.constant 0 : i32
    %dma_start3A_47 = tpu.memref_slice %arg13[%add3A_40, %dma_start3A_46] : memref<10240x128xf32, #tpu.memory_space<vmem_shared>> -> memref<128x128xf32, #tpu.memory_space<vmem_shared>>
    %dma_start3A_48 = arith.constant 0 : i32
    %dma_start3A_49 = tpu.memref_slice %arg13[%add3A_40, %dma_start3A_48] : memref<10240x128xf32, #tpu.memory_space<vmem_shared>> -> memref<128x128xf32, #tpu.memory_space<vmem_shared>>
    %dma_start3A_50 = arith.constant 0 : i32
    %dma_start3A_51 = arith.constant 0 : i32
    %dma_start3A_52 = tpu.memref_slice %arg8[%dma_start3A_41, %dma_start3A_50, %dma_start3A_51] : memref<2x128x128xf32, #tpu.memory_space<vmem>> -> memref<1x128x128xf32, #tpu.memory_space<vmem>>
    %dma_start3A_53 = tpu.memref_squeeze %dma_start3A_52 : memref<1x128x128xf32, #tpu.memory_space<vmem>> -> memref<128x128xf32, #tpu.memory_space<vmem>>
    tpu.enqueue_dma source(%dma_start3A_53 : memref<128x128xf32, #tpu.memory_space<vmem>>) target(%dma_start3A_49 : memref<128x128xf32, #tpu.memory_space<vmem_shared>>) target_semaphore(%arg9 : memref<!tpu.dma_semaphore, #tpu.memory_space<semaphore_mem>>)
    %mul3A_54 = arith.constant 640 : i32
    %mul3A_55 = arith.muli %arg1, %mul3A_54 : i32
    %add3A_56 = arith.constant 384 : i32
    %add3A_57 = arith.addi %mul3A_55, %add3A_56 : i32
    %dma_start3A_58 = arith.constant 0 : i32
    %dma_start3A_59 = arith.constant 0 : i32
    %dma_start3A_60 = arith.constant 0 : i32
    %dma_start3A_61 = tpu.memref_slice %arg8[%dma_start3A_58, %dma_start3A_59, %dma_start3A_60] : memref<2x128x128xf32, #tpu.memory_space<vmem>> -> memref<1x128x128xf32, #tpu.memory_space<vmem>>
    %dma_start3A_62 = tpu.memref_squeeze %dma_start3A_61 : memref<1x128x128xf32, #tpu.memory_space<vmem>> -> memref<128x128xf32, #tpu.memory_space<vmem>>
    %dma_start3A_63 = arith.constant 0 : i32
    %dma_start3A_64 = tpu.memref_slice %arg13[%add3A_57, %dma_start3A_63] : memref<10240x128xf32, #tpu.memory_space<vmem_shared>> -> memref<128x128xf32, #tpu.memory_space<vmem_shared>>
    %dma_start3A_65 = arith.constant 0 : i32
    %dma_start3A_66 = tpu.memref_slice %arg13[%add3A_57, %dma_start3A_65] : memref<10240x128xf32, #tpu.memory_space<vmem_shared>> -> memref<128x128xf32, #tpu.memory_space<vmem_shared>>
    %dma_start3A_67 = arith.constant 0 : i32
    %dma_start3A_68 = arith.constant 0 : i32
    %dma_start3A_69 = tpu.memref_slice %arg8[%dma_start3A_58, %dma_start3A_67, %dma_start3A_68] : memref<2x128x128xf32, #tpu.memory_space<vmem>> -> memref<1x128x128xf32, #tpu.memory_space<vmem>>
    %dma_start3A_70 = tpu.memref_squeeze %dma_start3A_69 : memref<1x128x128xf32, #tpu.memory_space<vmem>> -> memref<128x128xf32, #tpu.memory_space<vmem>>
    tpu.enqueue_dma source(%dma_start3A_70 : memref<128x128xf32, #tpu.memory_space<vmem>>) target(%dma_start3A_66 : memref<128x128xf32, #tpu.memory_space<vmem_shared>>) target_semaphore(%arg9 : memref<!tpu.dma_semaphore, #tpu.memory_space<semaphore_mem>>)
    %mul3A_71 = arith.constant 640 : i32
    %mul3A_72 = arith.muli %arg1, %mul3A_71 : i32
    %add3A_73 = arith.constant 512 : i32
    %add3A_74 = arith.addi %mul3A_72, %add3A_73 : i32
    %dma_start3A_75 = arith.constant 0 : i32
    %dma_start3A_76 = arith.constant 0 : i32
    %dma_start3A_77 = arith.constant 0 : i32
    %dma_start3A_78 = tpu.memref_slice %arg8[%dma_start3A_75, %dma_start3A_76, %dma_start3A_77] : memref<2x128x128xf32, #tpu.memory_space<vmem>> -> memref<1x128x128xf32, #tpu.memory_space<vmem>>
    %dma_start3A_79 = tpu.memref_squeeze %dma_start3A_78 : memref<1x128x128xf32, #tpu.memory_space<vmem>> -> memref<128x128xf32, #tpu.memory_space<vmem>>
    %dma_start3A_80 = arith.constant 0 : i32
    %dma_start3A_81 = tpu.memref_slice %arg13[%add3A_74, %dma_start3A_80] : memref<10240x128xf32, #tpu.memory_space<vmem_shared>> -> memref<128x128xf32, #tpu.memory_space<vmem_shared>>
    %dma_start3A_82 = arith.constant 0 : i32
    %dma_start3A_83 = tpu.memref_slice %arg13[%add3A_74, %dma_start3A_82] : memref<10240x128xf32, #tpu.memory_space<vmem_shared>> -> memref<128x128xf32, #tpu.memory_space<vmem_shared>>
    %dma_start3A_84 = arith.constant 0 : i32
    %dma_start3A_85 = arith.constant 0 : i32
    %dma_start3A_86 = tpu.memref_slice %arg8[%dma_start3A_75, %dma_start3A_84, %dma_start3A_85] : memref<2x128x128xf32, #tpu.memory_space<vmem>> -> memref<1x128x128xf32, #tpu.memory_space<vmem>>
    %dma_start3A_87 = tpu.memref_squeeze %dma_start3A_86 : memref<1x128x128xf32, #tpu.memory_space<vmem>> -> memref<128x128xf32, #tpu.memory_space<vmem>>
    tpu.enqueue_dma source(%dma_start3A_87 : memref<128x128xf32, #tpu.memory_space<vmem>>) target(%dma_start3A_83 : memref<128x128xf32, #tpu.memory_space<vmem_shared>>) target_semaphore(%arg9 : memref<!tpu.dma_semaphore, #tpu.memory_space<semaphore_mem>>)
    %dma_wait3A = arith.constant 0 : i32
    %dma_wait3A_88 = arith.constant 0 : i32
    %dma_wait3A_89 = arith.constant 0 : i32
    %dma_wait3A_90 = tpu.memref_slice %arg8[%dma_wait3A, %dma_wait3A_88, %dma_wait3A_89] : memref<2x128x128xf32, #tpu.memory_space<vmem>> -> memref<1x128x128xf32, #tpu.memory_space<vmem>>
    %dma_wait3A_91 = tpu.memref_squeeze %dma_wait3A_90 : memref<1x128x128xf32, #tpu.memory_space<vmem>> -> memref<128x128xf32, #tpu.memory_space<vmem>>
    %dma_wait3A_92 = arith.constant 0 : i32
    %dma_wait3A_93 = tpu.memref_slice %arg13[%add3A_7, %dma_wait3A_92] : memref<10240x128xf32, #tpu.memory_space<vmem_shared>> -> memref<128x128xf32, #tpu.memory_space<vmem_shared>>
    %dma_wait3A_94 = arith.constant 0 : i32
    %dma_wait3A_95 = tpu.memref_slice %arg13[%add3A_7, %dma_wait3A_94] : memref<10240x128xf32, #tpu.memory_space<vmem_shared>> -> memref<128x128xf32, #tpu.memory_space<vmem_shared>>
    %dma_wait3A_96 = arith.constant 0 : i32
    %dma_wait3A_97 = arith.constant 0 : i32
    %dma_wait3A_98 = tpu.memref_slice %arg8[%dma_wait3A, %dma_wait3A_96, %dma_wait3A_97] : memref<2x128x128xf32, #tpu.memory_space<vmem>> -> memref<1x128x128xf32, #tpu.memory_space<vmem>>
    %dma_wait3A_99 = tpu.memref_squeeze %dma_wait3A_98 : memref<1x128x128xf32, #tpu.memory_space<vmem>> -> memref<128x128xf32, #tpu.memory_space<vmem>>
    tpu.wait_dma2 semaphore(%arg9 : memref<!tpu.dma_semaphore, #tpu.memory_space<semaphore_mem>>) src(%dma_wait3A_99 : memref<128x128xf32, #tpu.memory_space<vmem>>) dst(%dma_wait3A_95 : memref<128x128xf32, #tpu.memory_space<vmem_shared>>)
    %dma_wait3A_100 = arith.constant 0 : i32
    %dma_wait3A_101 = arith.constant 0 : i32
    %dma_wait3A_102 = arith.constant 0 : i32
    %dma_wait3A_103 = tpu.memref_slice %arg8[%dma_wait3A_100, %dma_wait3A_101, %dma_wait3A_102] : memref<2x128x128xf32, #tpu.memory_space<vmem>> -> memref<1x128x128xf32, #tpu.memory_space<vmem>>
    %dma_wait3A_104 = tpu.memref_squeeze %dma_wait3A_103 : memref<1x128x128xf32, #tpu.memory_space<vmem>> -> memref<128x128xf32, #tpu.memory_space<vmem>>
    %dma_wait3A_105 = arith.constant 0 : i32
    %dma_wait3A_106 = tpu.memref_slice %arg13[%add3A_23, %dma_wait3A_105] : memref<10240x128xf32, #tpu.memory_space<vmem_shared>> -> memref<128x128xf32, #tpu.memory_space<vmem_shared>>
    %dma_wait3A_107 = arith.constant 0 : i32
    %dma_wait3A_108 = tpu.memref_slice %arg13[%add3A_23, %dma_wait3A_107] : memref<10240x128xf32, #tpu.memory_space<vmem_shared>> -> memref<128x128xf32, #tpu.memory_space<vmem_shared>>
    %dma_wait3A_109 = arith.constant 0 : i32
    %dma_wait3A_110 = arith.constant 0 : i32
    %dma_wait3A_111 = tpu.memref_slice %arg8[%dma_wait3A_100, %dma_wait3A_109, %dma_wait3A_110] : memref<2x128x128xf32, #tpu.memory_space<vmem>> -> memref<1x128x128xf32, #tpu.memory_space<vmem>>
    %dma_wait3A_112 = tpu.memref_squeeze %dma_wait3A_111 : memref<1x128x128xf32, #tpu.memory_space<vmem>> -> memref<128x128xf32, #tpu.memory_space<vmem>>
    tpu.wait_dma2 semaphore(%arg9 : memref<!tpu.dma_semaphore, #tpu.memory_space<semaphore_mem>>) src(%dma_wait3A_112 : memref<128x128xf32, #tpu.memory_space<vmem>>) dst(%dma_wait3A_108 : memref<128x128xf32, #tpu.memory_space<vmem_shared>>)
    %dma_wait3A_113 = arith.constant 0 : i32
    %dma_wait3A_114 = arith.constant 0 : i32
    %dma_wait3A_115 = arith.constant 0 : i32
    %dma_wait3A_116 = tpu.memref_slice %arg8[%dma_wait3A_113, %dma_wait3A_114, %dma_wait3A_115] : memref<2x128x128xf32, #tpu.memory_space<vmem>> -> memref<1x128x128xf32, #tpu.memory_space<vmem>>
    %dma_wait3A_117 = tpu.memref_squeeze %dma_wait3A_116 : memref<1x128x128xf32, #tpu.memory_space<vmem>> -> memref<128x128xf32, #tpu.memory_space<vmem>>
    %dma_wait3A_118 = arith.constant 0 : i32
    %dma_wait3A_119 = tpu.memref_slice %arg13[%add3A_40, %dma_wait3A_118] : memref<10240x128xf32, #tpu.memory_space<vmem_shared>> -> memref<128x128xf32, #tpu.memory_space<vmem_shared>>
    %dma_wait3A_120 = arith.constant 0 : i32
    %dma_wait3A_121 = tpu.memref_slice %arg13[%add3A_40, %dma_wait3A_120] : memref<10240x128xf32, #tpu.memory_space<vmem_shared>> -> memref<128x128xf32, #tpu.memory_space<vmem_shared>>
    %dma_wait3A_122 = arith.constant 0 : i32
    %dma_wait3A_123 = arith.constant 0 : i32
    %dma_wait3A_124 = tpu.memref_slice %arg8[%dma_wait3A_113, %dma_wait3A_122, %dma_wait3A_123] : memref<2x128x128xf32, #tpu.memory_space<vmem>> -> memref<1x128x128xf32, #tpu.memory_space<vmem>>
    %dma_wait3A_125 = tpu.memref_squeeze %dma_wait3A_124 : memref<1x128x128xf32, #tpu.memory_space<vmem>> -> memref<128x128xf32, #tpu.memory_space<vmem>>
    tpu.wait_dma2 semaphore(%arg9 : memref<!tpu.dma_semaphore, #tpu.memory_space<semaphore_mem>>) src(%dma_wait3A_125 : memref<128x128xf32, #tpu.memory_space<vmem>>) dst(%dma_wait3A_121 : memref<128x128xf32, #tpu.memory_space<vmem_shared>>)
    %dma_wait3A_126 = arith.constant 0 : i32
    %dma_wait3A_127 = arith.constant 0 : i32
    %dma_wait3A_128 = arith.constant 0 : i32
    %dma_wait3A_129 = tpu.memref_slice %arg8[%dma_wait3A_126, %dma_wait3A_127, %dma_wait3A_128] : memref<2x128x128xf32, #tpu.memory_space<vmem>> -> memref<1x128x128xf32, #tpu.memory_space<vmem>>
    %dma_wait3A_130 = tpu.memref_squeeze %dma_wait3A_129 : memref<1x128x128xf32, #tpu.memory_space<vmem>> -> memref<128x128xf32, #tpu.memory_space<vmem>>
    %dma_wait3A_131 = arith.constant 0 : i32
    %dma_wait3A_132 = tpu.memref_slice %arg13[%add3A_57, %dma_wait3A_131] : memref<10240x128xf32, #tpu.memory_space<vmem_shared>> -> memref<128x128xf32, #tpu.memory_space<vmem_shared>>
    %dma_wait3A_133 = arith.constant 0 : i32
    %dma_wait3A_134 = tpu.memref_slice %arg13[%add3A_57, %dma_wait3A_133] : memref<10240x128xf32, #tpu.memory_space<vmem_shared>> -> memref<128x128xf32, #tpu.memory_space<vmem_shared>>
    %dma_wait3A_135 = arith.constant 0 : i32
    %dma_wait3A_136 = arith.constant 0 : i32
    %dma_wait3A_137 = tpu.memref_slice %arg8[%dma_wait3A_126, %dma_wait3A_135, %dma_wait3A_136] : memref<2x128x128xf32, #tpu.memory_space<vmem>> -> memref<1x128x128xf32, #tpu.memory_space<vmem>>
    %dma_wait3A_138 = tpu.memref_squeeze %dma_wait3A_137 : memref<1x128x128xf32, #tpu.memory_space<vmem>> -> memref<128x128xf32, #tpu.memory_space<vmem>>
    tpu.wait_dma2 semaphore(%arg9 : memref<!tpu.dma_semaphore, #tpu.memory_space<semaphore_mem>>) src(%dma_wait3A_138 : memref<128x128xf32, #tpu.memory_space<vmem>>) dst(%dma_wait3A_134 : memref<128x128xf32, #tpu.memory_space<vmem_shared>>)
    %dma_wait3A_139 = arith.constant 0 : i32
    %dma_wait3A_140 = arith.constant 0 : i32
    %dma_wait3A_141 = arith.constant 0 : i32
    %dma_wait3A_142 = tpu.memref_slice %arg8[%dma_wait3A_139, %dma_wait3A_140, %dma_wait3A_141] : memref<2x128x128xf32, #tpu.memory_space<vmem>> -> memref<1x128x128xf32, #tpu.memory_space<vmem>>
    %dma_wait3A_143 = tpu.memref_squeeze %dma_wait3A_142 : memref<1x128x128xf32, #tpu.memory_space<vmem>> -> memref<128x128xf32, #tpu.memory_space<vmem>>
    %dma_wait3A_144 = arith.constant 0 : i32
    %dma_wait3A_145 = tpu.memref_slice %arg13[%add3A_74, %dma_wait3A_144] : memref<10240x128xf32, #tpu.memory_space<vmem_shared>> -> memref<128x128xf32, #tpu.memory_space<vmem_shared>>
    %dma_wait3A_146 = arith.constant 0 : i32
    %dma_wait3A_147 = tpu.memref_slice %arg13[%add3A_74, %dma_wait3A_146] : memref<10240x128xf32, #tpu.memory_space<vmem_shared>> -> memref<128x128xf32, #tpu.memory_space<vmem_shared>>
    %dma_wait3A_148 = arith.constant 0 : i32
    %dma_wait3A_149 = arith.constant 0 : i32
    %dma_wait3A_150 = tpu.memref_slice %arg8[%dma_wait3A_139, %dma_wait3A_148, %dma_wait3A_149] : memref<2x128x128xf32, #tpu.memory_space<vmem>> -> memref<1x128x128xf32, #tpu.memory_space<vmem>>
    %dma_wait3A_151 = tpu.memref_squeeze %dma_wait3A_150 : memref<1x128x128xf32, #tpu.memory_space<vmem>> -> memref<128x128xf32, #tpu.memory_space<vmem>>
    tpu.wait_dma2 semaphore(%arg9 : memref<!tpu.dma_semaphore, #tpu.memory_space<semaphore_mem>>) src(%dma_wait3A_151 : memref<128x128xf32, #tpu.memory_space<vmem>>) dst(%dma_wait3A_147 : memref<128x128xf32, #tpu.memory_space<vmem_shared>>)
    %barrier3A = arith.constant 0 : index
    tpu.barrier barrier_id(%barrier3A)
    %scan3A_152 = arith.constant 0 : i32
    %scan3A_153 = arith.constant 0 : i32
    %scan3A_154 = arith.constant 10 : i32
    %scan3A_155 = arith.addi %scan3A_153, %scan3A_154 : i32
    %scan3A_156 = arith.constant 1 : i32
    scf.for %scan3A_163 = %scan3A_153 to %scan3A_155 step %scan3A_156  : i32 {
      %mul3A_164 = arith.constant 8 : i32
      %mul3A_165 = arith.muli %scan3A_163, %mul3A_164 : i32
      "tpu.region"() ({
        %run_scoped3A = tpu.sem_alloc : memref<!tpu.dma_semaphore, #tpu.memory_space<semaphore_mem>>
        %dma_start3A_552 = arith.constant 0 : i32
        %dma_start3A_553 = tpu.memref_slice %arg3[%arg0, %arg1, %mul3A_165, %dma_start3A_552] : memref<2x16x80x128xi32, #tpu.memory_space<hbm>> -> memref<1x1x8x128xi32, #tpu.memory_space<hbm>>
        %dma_start3A_554 = tpu.memref_squeeze %dma_start3A_553 : memref<1x1x8x128xi32, #tpu.memory_space<hbm>> -> memref<8x128xi32, #tpu.memory_space<hbm>>
        %dma_start3A_555 = arith.constant 0 : i32
        %dma_start3A_556 = tpu.memref_slice %arg3[%arg0, %arg1, %mul3A_165, %dma_start3A_555] : memref<2x16x80x128xi32, #tpu.memory_space<hbm>> -> memref<1x1x8x128xi32, #tpu.memory_space<hbm>>
        %dma_start3A_557 = tpu.memref_squeeze %dma_start3A_556 : memref<1x1x8x128xi32, #tpu.memory_space<hbm>> -> memref<8x128xi32, #tpu.memory_space<hbm>>
        tpu.enqueue_dma source(%dma_start3A_557 : memref<8x128xi32, #tpu.memory_space<hbm>>) target(%arg6 : memref<8x128xi32, #tpu.memory_space<vmem>>) target_semaphore(%run_scoped3A : memref<!tpu.dma_semaphore, #tpu.memory_space<semaphore_mem>>)
        %dma_wait3A_558 = arith.constant 0 : i32
        %dma_wait3A_559 = tpu.memref_slice %arg3[%arg0, %arg1, %mul3A_165, %dma_wait3A_558] : memref<2x16x80x128xi32, #tpu.memory_space<hbm>> -> memref<1x1x8x128xi32, #tpu.memory_space<hbm>>
        %dma_wait3A_560 = tpu.memref_squeeze %dma_wait3A_559 : memref<1x1x8x128xi32, #tpu.memory_space<hbm>> -> memref<8x128xi32, #tpu.memory_space<hbm>>
        %dma_wait3A_561 = arith.constant 0 : i32
        %dma_wait3A_562 = tpu.memref_slice %arg3[%arg0, %arg1, %mul3A_165, %dma_wait3A_561] : memref<2x16x80x128xi32, #tpu.memory_space<hbm>> -> memref<1x1x8x128xi32, #tpu.memory_space<hbm>>
        %dma_wait3A_563 = tpu.memref_squeeze %dma_wait3A_562 : memref<1x1x8x128xi32, #tpu.memory_space<hbm>> -> memref<8x128xi32, #tpu.memory_space<hbm>>
        tpu.wait_dma2 semaphore(%run_scoped3A : memref<!tpu.dma_semaphore, #tpu.memory_space<semaphore_mem>>) src(%dma_wait3A_563 : memref<8x128xi32, #tpu.memory_space<hbm>>) dst(%arg6 : memref<8x128xi32, #tpu.memory_space<vmem>>)
        tpu.yield
      }) : () -> ()
      %mul3A_166 = arith.constant 8 : i32
      %mul3A_167 = arith.muli %scan3A_163, %mul3A_166 : i32
      "tpu.region"() ({
        %run_scoped3A = tpu.sem_alloc : memref<!tpu.dma_semaphore, #tpu.memory_space<semaphore_mem>>
        %dma_start3A_552 = arith.constant 0 : i32
        %dma_start3A_553 = tpu.memref_slice %arg4[%arg0, %arg1, %mul3A_167, %dma_start3A_552] : memref<2x16x80x128xi32, #tpu.memory_space<hbm>> -> memref<1x1x8x128xi32, #tpu.memory_space<hbm>>
        %dma_start3A_554 = tpu.memref_squeeze %dma_start3A_553 : memref<1x1x8x128xi32, #tpu.memory_space<hbm>> -> memref<8x128xi32, #tpu.memory_space<hbm>>
        %dma_start3A_555 = arith.constant 0 : i32
        %dma_start3A_556 = tpu.memref_slice %arg4[%arg0, %arg1, %mul3A_167, %dma_start3A_555] : memref<2x16x80x128xi32, #tpu.memory_space<hbm>> -> memref<1x1x8x128xi32, #tpu.memory_space<hbm>>
        %dma_start3A_557 = tpu.memref_squeeze %dma_start3A_556 : memref<1x1x8x128xi32, #tpu.memory_space<hbm>> -> memref<8x128xi32, #tpu.memory_space<hbm>>
        tpu.enqueue_dma source(%dma_start3A_557 : memref<8x128xi32, #tpu.memory_space<hbm>>) target(%arg7 : memref<8x128xi32, #tpu.memory_space<vmem>>) target_semaphore(%run_scoped3A : memref<!tpu.dma_semaphore, #tpu.memory_space<semaphore_mem>>)
        %dma_wait3A_558 = arith.constant 0 : i32
        %dma_wait3A_559 = tpu.memref_slice %arg4[%arg0, %arg1, %mul3A_167, %dma_wait3A_558] : memref<2x16x80x128xi32, #tpu.memory_space<hbm>> -> memref<1x1x8x128xi32, #tpu.memory_space<hbm>>
        %dma_wait3A_560 = tpu.memref_squeeze %dma_wait3A_559 : memref<1x1x8x128xi32, #tpu.memory_space<hbm>> -> memref<8x128xi32, #tpu.memory_space<hbm>>
        %dma_wait3A_561 = arith.constant 0 : i32
        %dma_wait3A_562 = tpu.memref_slice %arg4[%arg0, %arg1, %mul3A_167, %dma_wait3A_561] : memref<2x16x80x128xi32, #tpu.memory_space<hbm>> -> memref<1x1x8x128xi32, #tpu.memory_space<hbm>>
        %dma_wait3A_563 = tpu.memref_squeeze %dma_wait3A_562 : memref<1x1x8x128xi32, #tpu.memory_space<hbm>> -> memref<8x128xi32, #tpu.memory_space<hbm>>
        tpu.wait_dma2 semaphore(%run_scoped3A : memref<!tpu.dma_semaphore, #tpu.memory_space<semaphore_mem>>) src(%dma_wait3A_563 : memref<8x128xi32, #tpu.memory_space<hbm>>) dst(%arg7 : memref<8x128xi32, #tpu.memory_space<vmem>>)
        tpu.yield
      }) : () -> ()
      %dma_start3A_168 = arith.constant 0 : i32
      %dma_start3A_169 = arith.constant 0 : i32
      %dma_start3A_170 = arith.constant 0 : i32
      %dma_start3A_171 = arith.constant 0 : i32
      %dma_start3A_172 = tpu.memref_slice %arg8[%dma_start3A_169, %dma_start3A_170, %dma_start3A_171] : memref<2x128x128xf32, #tpu.memory_space<vmem>> -> memref<1x128x128xf32, #tpu.memory_space<vmem>>
      %dma_start3A_173 = tpu.memref_squeeze %dma_start3A_172 : memref<1x128x128xf32, #tpu.memory_space<vmem>> -> memref<128x128xf32, #tpu.memory_space<vmem>>
      %dma_start3A_174 = arith.constant 0 : i32
      %dma_start3A_175 = tpu.memref_slice %arg6[%dma_start3A_168, %dma_start3A_174] : memref<8x128xi32, #tpu.memory_space<vmem>> -> memref<1x128xi32, #tpu.memory_space<vmem>>
      %dma_start3A_176 = tpu.memref_squeeze %dma_start3A_175 : memref<1x128xi32, #tpu.memory_space<vmem>> -> memref<128xi32, #tpu.memory_space<vmem>>
      %dma_start3A_177 = arith.constant 0 : i32
      %dma_start3A_178 = arith.constant 0 : i32
      %dma_start3A_179 = tpu.memref_slice %arg2[%dma_start3A_177, %dma_start3A_178] : memref<10000x128xf32, #tpu.memory_space<hbm>> -> memref<10000x128xf32, #tpu.memory_space<hbm>>
      tpu.enqueue_indirect_dma source(%dma_start3A_179 : memref<10000x128xf32, #tpu.memory_space<hbm>>) target(%dma_start3A_173 : memref<128x128xf32, #tpu.memory_space<vmem>>) offsets(%dma_start3A_176 : memref<128xi32, #tpu.memory_space<vmem>>) semaphore(%arg9 : memref<!tpu.dma_semaphore, #tpu.memory_space<semaphore_mem>>)
      %dma_start3A_180 = arith.constant 1 : i32
      %dma_start3A_181 = arith.constant 1 : i32
      %dma_start3A_182 = arith.constant 0 : i32
      %dma_start3A_183 = arith.constant 0 : i32
      %dma_start3A_184 = tpu.memref_slice %arg8[%dma_start3A_181, %dma_start3A_182, %dma_start3A_183] : memref<2x128x128xf32, #tpu.memory_space<vmem>> -> memref<1x128x128xf32, #tpu.memory_space<vmem>>
      %dma_start3A_185 = tpu.memref_squeeze %dma_start3A_184 : memref<1x128x128xf32, #tpu.memory_space<vmem>> -> memref<128x128xf32, #tpu.memory_space<vmem>>
      %dma_start3A_186 = arith.constant 0 : i32
      %dma_start3A_187 = tpu.memref_slice %arg6[%dma_start3A_180, %dma_start3A_186] : memref<8x128xi32, #tpu.memory_space<vmem>> -> memref<1x128xi32, #tpu.memory_space<vmem>>
      %dma_start3A_188 = tpu.memref_squeeze %dma_start3A_187 : memref<1x128xi32, #tpu.memory_space<vmem>> -> memref<128xi32, #tpu.memory_space<vmem>>
      %dma_start3A_189 = arith.constant 0 : i32
      %dma_start3A_190 = arith.constant 0 : i32
      %dma_start3A_191 = tpu.memref_slice %arg2[%dma_start3A_189, %dma_start3A_190] : memref<10000x128xf32, #tpu.memory_space<hbm>> -> memref<10000x128xf32, #tpu.memory_space<hbm>>
      tpu.enqueue_indirect_dma source(%dma_start3A_191 : memref<10000x128xf32, #tpu.memory_space<hbm>>) target(%dma_start3A_185 : memref<128x128xf32, #tpu.memory_space<vmem>>) offsets(%dma_start3A_188 : memref<128xi32, #tpu.memory_space<vmem>>) semaphore(%arg10 : memref<!tpu.dma_semaphore, #tpu.memory_space<semaphore_mem>>)
      %dma_wait3A_192 = arith.constant 0 : i32
      %dma_wait3A_193 = arith.constant 0 : i32
      %dma_wait3A_194 = arith.constant 0 : i32
      %dma_wait3A_195 = arith.constant 0 : i32
      %dma_wait3A_196 = tpu.memref_slice %arg8[%dma_wait3A_193, %dma_wait3A_194, %dma_wait3A_195] : memref<2x128x128xf32, #tpu.memory_space<vmem>> -> memref<1x128x128xf32, #tpu.memory_space<vmem>>
      %dma_wait3A_197 = tpu.memref_squeeze %dma_wait3A_196 : memref<1x128x128xf32, #tpu.memory_space<vmem>> -> memref<128x128xf32, #tpu.memory_space<vmem>>
      %dma_wait3A_198 = arith.constant 0 : i32
      %dma_wait3A_199 = tpu.memref_slice %arg6[%dma_wait3A_192, %dma_wait3A_198] : memref<8x128xi32, #tpu.memory_space<vmem>> -> memref<1x128xi32, #tpu.memory_space<vmem>>
      %dma_wait3A_200 = tpu.memref_squeeze %dma_wait3A_199 : memref<1x128xi32, #tpu.memory_space<vmem>> -> memref<128xi32, #tpu.memory_space<vmem>>
      %dma_wait3A_201 = arith.constant 0 : i32
      %dma_wait3A_202 = arith.constant 0 : i32
      %dma_wait3A_203 = tpu.memref_slice %arg2[%dma_wait3A_201, %dma_wait3A_202] : memref<10000x128xf32, #tpu.memory_space<hbm>> -> memref<10000x128xf32, #tpu.memory_space<hbm>>
      tpu.wait_indirect_dma semaphore(%arg9 : memref<!tpu.dma_semaphore, #tpu.memory_space<semaphore_mem>>) src(%dma_wait3A_203 : memref<10000x128xf32, #tpu.memory_space<hbm>>) dst(%dma_wait3A_197 : memref<128x128xf32, #tpu.memory_space<vmem>>)
      %dma_start3A_204 = arith.constant 0 : i32
      %dma_start3A_205 = arith.constant 0 : i32
      %dma_start3A_206 = arith.constant 0 : i32
      %dma_start3A_207 = arith.constant 0 : i32
      %dma_start3A_208 = tpu.memref_slice %arg8[%dma_start3A_204, %dma_start3A_206, %dma_start3A_207] : memref<2x128x128xf32, #tpu.memory_space<vmem>> -> memref<1x128x128xf32, #tpu.memory_space<vmem>>
      %dma_start3A_209 = tpu.memref_squeeze %dma_start3A_208 : memref<1x128x128xf32, #tpu.memory_space<vmem>> -> memref<128x128xf32, #tpu.memory_space<vmem>>
      %dma_start3A_210 = arith.constant 0 : i32
      %dma_start3A_211 = tpu.memref_slice %arg7[%dma_start3A_205, %dma_start3A_210] : memref<8x128xi32, #tpu.memory_space<vmem>> -> memref<1x128xi32, #tpu.memory_space<vmem>>
      %dma_start3A_212 = tpu.memref_squeeze %dma_start3A_211 : memref<1x128xi32, #tpu.memory_space<vmem>> -> memref<128xi32, #tpu.memory_space<vmem>>
      %dma_start3A_213 = arith.constant 0 : i32
      %dma_start3A_214 = arith.constant 0 : i32
      %dma_start3A_215 = tpu.memref_slice %arg13[%dma_start3A_213, %dma_start3A_214] : memref<10240x128xf32, #tpu.memory_space<vmem_shared>> -> memref<10240x128xf32, #tpu.memory_space<vmem_shared>>
      tpu.enqueue_indirect_dma source(%dma_start3A_209 : memref<128x128xf32, #tpu.memory_space<vmem>>) target(%dma_start3A_215 : memref<10240x128xf32, #tpu.memory_space<vmem_shared>>) offsets(%dma_start3A_212 : memref<128xi32, #tpu.memory_space<vmem>>) semaphore(%arg11 : memref<!tpu.dma_semaphore, #tpu.memory_space<semaphore_mem>>) {add = true}
      %dma_wait3A_216 = arith.constant 0 : i32
      %dma_wait3A_217 = arith.constant 0 : i32
      %dma_wait3A_218 = arith.constant 0 : i32
      %dma_wait3A_219 = arith.constant 0 : i32
      %dma_wait3A_220 = tpu.memref_slice %arg8[%dma_wait3A_216, %dma_wait3A_218, %dma_wait3A_219] : memref<2x128x128xf32, #tpu.memory_space<vmem>> -> memref<1x128x128xf32, #tpu.memory_space<vmem>>
      %dma_wait3A_221 = tpu.memref_squeeze %dma_wait3A_220 : memref<1x128x128xf32, #tpu.memory_space<vmem>> -> memref<128x128xf32, #tpu.memory_space<vmem>>
      %dma_wait3A_222 = arith.constant 0 : i32
      %dma_wait3A_223 = tpu.memref_slice %arg7[%dma_wait3A_217, %dma_wait3A_222] : memref<8x128xi32, #tpu.memory_space<vmem>> -> memref<1x128xi32, #tpu.memory_space<vmem>>
      %dma_wait3A_224 = tpu.memref_squeeze %dma_wait3A_223 : memref<1x128xi32, #tpu.memory_space<vmem>> -> memref<128xi32, #tpu.memory_space<vmem>>
      %dma_wait3A_225 = arith.constant 0 : i32
      %dma_wait3A_226 = arith.constant 0 : i32
      %dma_wait3A_227 = tpu.memref_slice %arg13[%dma_wait3A_225, %dma_wait3A_226] : memref<10240x128xf32, #tpu.memory_space<vmem_shared>> -> memref<10240x128xf32, #tpu.memory_space<vmem_shared>>
      tpu.wait_indirect_dma semaphore(%arg11 : memref<!tpu.dma_semaphore, #tpu.memory_space<semaphore_mem>>) src(%dma_wait3A_221 : memref<128x128xf32, #tpu.memory_space<vmem>>) dst(%dma_wait3A_227 : memref<10240x128xf32, #tpu.memory_space<vmem_shared>>)
      %dma_start3A_228 = arith.constant 2 : i32
      %dma_start3A_229 = arith.constant 0 : i32
      %dma_start3A_230 = arith.constant 0 : i32
      %dma_start3A_231 = arith.constant 0 : i32
      %dma_start3A_232 = tpu.memref_slice %arg8[%dma_start3A_229, %dma_start3A_230, %dma_start3A_231] : memref<2x128x128xf32, #tpu.memory_space<vmem>> -> memref<1x128x128xf32, #tpu.memory_space<vmem>>
      %dma_start3A_233 = tpu.memref_squeeze %dma_start3A_232 : memref<1x128x128xf32, #tpu.memory_space<vmem>> -> memref<128x128xf32, #tpu.memory_space<vmem>>
      %dma_start3A_234 = arith.constant 0 : i32
      %dma_start3A_235 = tpu.memref_slice %arg6[%dma_start3A_228, %dma_start3A_234] : memref<8x128xi32, #tpu.memory_space<vmem>> -> memref<1x128xi32, #tpu.memory_space<vmem>>
      %dma_start3A_236 = tpu.memref_squeeze %dma_start3A_235 : memref<1x128xi32, #tpu.memory_space<vmem>> -> memref<128xi32, #tpu.memory_space<vmem>>
      %dma_start3A_237 = arith.constant 0 : i32
      %dma_start3A_238 = arith.constant 0 : i32
      %dma_start3A_239 = tpu.memref_slice %arg2[%dma_start3A_237, %dma_start3A_238] : memref<10000x128xf32, #tpu.memory_space<hbm>> -> memref<10000x128xf32, #tpu.memory_space<hbm>>
      tpu.enqueue_indirect_dma source(%dma_start3A_239 : memref<10000x128xf32, #tpu.memory_space<hbm>>) target(%dma_start3A_233 : memref<128x128xf32, #tpu.memory_space<vmem>>) offsets(%dma_start3A_236 : memref<128xi32, #tpu.memory_space<vmem>>) semaphore(%arg9 : memref<!tpu.dma_semaphore, #tpu.memory_space<semaphore_mem>>)
      %dma_wait3A_240 = arith.constant 1 : i32
      %dma_wait3A_241 = arith.constant 1 : i32
      %dma_wait3A_242 = arith.constant 0 : i32
      %dma_wait3A_243 = arith.constant 0 : i32
      %dma_wait3A_244 = tpu.memref_slice %arg8[%dma_wait3A_241, %dma_wait3A_242, %dma_wait3A_243] : memref<2x128x128xf32, #tpu.memory_space<vmem>> -> memref<1x128x128xf32, #tpu.memory_space<vmem>>
      %dma_wait3A_245 = tpu.memref_squeeze %dma_wait3A_244 : memref<1x128x128xf32, #tpu.memory_space<vmem>> -> memref<128x128xf32, #tpu.memory_space<vmem>>
      %dma_wait3A_246 = arith.constant 0 : i32
      %dma_wait3A_247 = tpu.memref_slice %arg6[%dma_wait3A_240, %dma_wait3A_246] : memref<8x128xi32, #tpu.memory_space<vmem>> -> memref<1x128xi32, #tpu.memory_space<vmem>>
      %dma_wait3A_248 = tpu.memref_squeeze %dma_wait3A_247 : memref<1x128xi32, #tpu.memory_space<vmem>> -> memref<128xi32, #tpu.memory_space<vmem>>
      %dma_wait3A_249 = arith.constant 0 : i32
      %dma_wait3A_250 = arith.constant 0 : i32
      %dma_wait3A_251 = tpu.memref_slice %arg2[%dma_wait3A_249, %dma_wait3A_250] : memref<10000x128xf32, #tpu.memory_space<hbm>> -> memref<10000x128xf32, #tpu.memory_space<hbm>>
      tpu.wait_indirect_dma semaphore(%arg10 : memref<!tpu.dma_semaphore, #tpu.memory_space<semaphore_mem>>) src(%dma_wait3A_251 : memref<10000x128xf32, #tpu.memory_space<hbm>>) dst(%dma_wait3A_245 : memref<128x128xf32, #tpu.memory_space<vmem>>)
      %dma_start3A_252 = arith.constant 1 : i32
      %dma_start3A_253 = arith.constant 1 : i32
      %dma_start3A_254 = arith.constant 0 : i32
      %dma_start3A_255 = arith.constant 0 : i32
      %dma_start3A_256 = tpu.memref_slice %arg8[%dma_start3A_252, %dma_start3A_254, %dma_start3A_255] : memref<2x128x128xf32, #tpu.memory_space<vmem>> -> memref<1x128x128xf32, #tpu.memory_space<vmem>>
      %dma_start3A_257 = tpu.memref_squeeze %dma_start3A_256 : memref<1x128x128xf32, #tpu.memory_space<vmem>> -> memref<128x128xf32, #tpu.memory_space<vmem>>
      %dma_start3A_258 = arith.constant 0 : i32
      %dma_start3A_259 = tpu.memref_slice %arg7[%dma_start3A_253, %dma_start3A_258] : memref<8x128xi32, #tpu.memory_space<vmem>> -> memref<1x128xi32, #tpu.memory_space<vmem>>
      %dma_start3A_260 = tpu.memref_squeeze %dma_start3A_259 : memref<1x128xi32, #tpu.memory_space<vmem>> -> memref<128xi32, #tpu.memory_space<vmem>>
      %dma_start3A_261 = arith.constant 0 : i32
      %dma_start3A_262 = arith.constant 0 : i32
      %dma_start3A_263 = tpu.memref_slice %arg13[%dma_start3A_261, %dma_start3A_262] : memref<10240x128xf32, #tpu.memory_space<vmem_shared>> -> memref<10240x128xf32, #tpu.memory_space<vmem_shared>>
      tpu.enqueue_indirect_dma source(%dma_start3A_257 : memref<128x128xf32, #tpu.memory_space<vmem>>) target(%dma_start3A_263 : memref<10240x128xf32, #tpu.memory_space<vmem_shared>>) offsets(%dma_start3A_260 : memref<128xi32, #tpu.memory_space<vmem>>) semaphore(%arg12 : memref<!tpu.dma_semaphore, #tpu.memory_space<semaphore_mem>>) {add = true}
      %dma_wait3A_264 = arith.constant 1 : i32
      %dma_wait3A_265 = arith.constant 1 : i32
      %dma_wait3A_266 = arith.constant 0 : i32
      %dma_wait3A_267 = arith.constant 0 : i32
      %dma_wait3A_268 = tpu.memref_slice %arg8[%dma_wait3A_264, %dma_wait3A_266, %dma_wait3A_267] : memref<2x128x128xf32, #tpu.memory_space<vmem>> -> memref<1x128x128xf32, #tpu.memory_space<vmem>>
      %dma_wait3A_269 = tpu.memref_squeeze %dma_wait3A_268 : memref<1x128x128xf32, #tpu.memory_space<vmem>> -> memref<128x128xf32, #tpu.memory_space<vmem>>
      %dma_wait3A_270 = arith.constant 0 : i32
      %dma_wait3A_271 = tpu.memref_slice %arg7[%dma_wait3A_265, %dma_wait3A_270] : memref<8x128xi32, #tpu.memory_space<vmem>> -> memref<1x128xi32, #tpu.memory_space<vmem>>
      %dma_wait3A_272 = tpu.memref_squeeze %dma_wait3A_271 : memref<1x128xi32, #tpu.memory_space<vmem>> -> memref<128xi32, #tpu.memory_space<vmem>>
      %dma_wait3A_273 = arith.constant 0 : i32
      %dma_wait3A_274 = arith.constant 0 : i32
      %dma_wait3A_275 = tpu.memref_slice %arg13[%dma_wait3A_273, %dma_wait3A_274] : memref<10240x128xf32, #tpu.memory_space<vmem_shared>> -> memref<10240x128xf32, #tpu.memory_space<vmem_shared>>
      tpu.wait_indirect_dma semaphore(%arg12 : memref<!tpu.dma_semaphore, #tpu.memory_space<semaphore_mem>>) src(%dma_wait3A_269 : memref<128x128xf32, #tpu.memory_space<vmem>>) dst(%dma_wait3A_275 : memref<10240x128xf32, #tpu.memory_space<vmem_shared>>)
      %dma_start3A_276 = arith.constant 3 : i32
      %dma_start3A_277 = arith.constant 1 : i32
      %dma_start3A_278 = arith.constant 0 : i32
      %dma_start3A_279 = arith.constant 0 : i32
      %dma_start3A_280 = tpu.memref_slice %arg8[%dma_start3A_277, %dma_start3A_278, %dma_start3A_279] : memref<2x128x128xf32, #tpu.memory_space<vmem>> -> memref<1x128x128xf32, #tpu.memory_space<vmem>>
      %dma_start3A_281 = tpu.memref_squeeze %dma_start3A_280 : memref<1x128x128xf32, #tpu.memory_space<vmem>> -> memref<128x128xf32, #tpu.memory_space<vmem>>
      %dma_start3A_282 = arith.constant 0 : i32
      %dma_start3A_283 = tpu.memref_slice %arg6[%dma_start3A_276, %dma_start3A_282] : memref<8x128xi32, #tpu.memory_space<vmem>> -> memref<1x128xi32, #tpu.memory_space<vmem>>
      %dma_start3A_284 = tpu.memref_squeeze %dma_start3A_283 : memref<1x128xi32, #tpu.memory_space<vmem>> -> memref<128xi32, #tpu.memory_space<vmem>>
      %dma_start3A_285 = arith.constant 0 : i32
      %dma_start3A_286 = arith.constant 0 : i32
      %dma_start3A_287 = tpu.memref_slice %arg2[%dma_start3A_285, %dma_start3A_286] : memref<10000x128xf32, #tpu.memory_space<hbm>> -> memref<10000x128xf32, #tpu.memory_space<hbm>>
      tpu.enqueue_indirect_dma source(%dma_start3A_287 : memref<10000x128xf32, #tpu.memory_space<hbm>>) target(%dma_start3A_281 : memref<128x128xf32, #tpu.memory_space<vmem>>) offsets(%dma_start3A_284 : memref<128xi32, #tpu.memory_space<vmem>>) semaphore(%arg10 : memref<!tpu.dma_semaphore, #tpu.memory_space<semaphore_mem>>)
      %dma_wait3A_288 = arith.constant 2 : i32
      %dma_wait3A_289 = arith.constant 0 : i32
      %dma_wait3A_290 = arith.constant 0 : i32
      %dma_wait3A_291 = arith.constant 0 : i32
      %dma_wait3A_292 = tpu.memref_slice %arg8[%dma_wait3A_289, %dma_wait3A_290, %dma_wait3A_291] : memref<2x128x128xf32, #tpu.memory_space<vmem>> -> memref<1x128x128xf32, #tpu.memory_space<vmem>>
      %dma_wait3A_293 = tpu.memref_squeeze %dma_wait3A_292 : memref<1x128x128xf32, #tpu.memory_space<vmem>> -> memref<128x128xf32, #tpu.memory_space<vmem>>
      %dma_wait3A_294 = arith.constant 0 : i32
      %dma_wait3A_295 = tpu.memref_slice %arg6[%dma_wait3A_288, %dma_wait3A_294] : memref<8x128xi32, #tpu.memory_space<vmem>> -> memref<1x128xi32, #tpu.memory_space<vmem>>
      %dma_wait3A_296 = tpu.memref_squeeze %dma_wait3A_295 : memref<1x128xi32, #tpu.memory_space<vmem>> -> memref<128xi32, #tpu.memory_space<vmem>>
      %dma_wait3A_297 = arith.constant 0 : i32
      %dma_wait3A_298 = arith.constant 0 : i32
      %dma_wait3A_299 = tpu.memref_slice %arg2[%dma_wait3A_297, %dma_wait3A_298] : memref<10000x128xf32, #tpu.memory_space<hbm>> -> memref<10000x128xf32, #tpu.memory_space<hbm>>
      tpu.wait_indirect_dma semaphore(%arg9 : memref<!tpu.dma_semaphore, #tpu.memory_space<semaphore_mem>>) src(%dma_wait3A_299 : memref<10000x128xf32, #tpu.memory_space<hbm>>) dst(%dma_wait3A_293 : memref<128x128xf32, #tpu.memory_space<vmem>>)
      %dma_start3A_300 = arith.constant 0 : i32
      %dma_start3A_301 = arith.constant 2 : i32
      %dma_start3A_302 = arith.constant 0 : i32
      %dma_start3A_303 = arith.constant 0 : i32
      %dma_start3A_304 = tpu.memref_slice %arg8[%dma_start3A_300, %dma_start3A_302, %dma_start3A_303] : memref<2x128x128xf32, #tpu.memory_space<vmem>> -> memref<1x128x128xf32, #tpu.memory_space<vmem>>
      %dma_start3A_305 = tpu.memref_squeeze %dma_start3A_304 : memref<1x128x128xf32, #tpu.memory_space<vmem>> -> memref<128x128xf32, #tpu.memory_space<vmem>>
      %dma_start3A_306 = arith.constant 0 : i32
      %dma_start3A_307 = tpu.memref_slice %arg7[%dma_start3A_301, %dma_start3A_306] : memref<8x128xi32, #tpu.memory_space<vmem>> -> memref<1x128xi32, #tpu.memory_space<vmem>>
      %dma_start3A_308 = tpu.memref_squeeze %dma_start3A_307 : memref<1x128xi32, #tpu.memory_space<vmem>> -> memref<128xi32, #tpu.memory_space<vmem>>
      %dma_start3A_309 = arith.constant 0 : i32
      %dma_start3A_310 = arith.constant 0 : i32
      %dma_start3A_311 = tpu.memref_slice %arg13[%dma_start3A_309, %dma_start3A_310] : memref<10240x128xf32, #tpu.memory_space<vmem_shared>> -> memref<10240x128xf32, #tpu.memory_space<vmem_shared>>
      tpu.enqueue_indirect_dma source(%dma_start3A_305 : memref<128x128xf32, #tpu.memory_space<vmem>>) target(%dma_start3A_311 : memref<10240x128xf32, #tpu.memory_space<vmem_shared>>) offsets(%dma_start3A_308 : memref<128xi32, #tpu.memory_space<vmem>>) semaphore(%arg11 : memref<!tpu.dma_semaphore, #tpu.memory_space<semaphore_mem>>) {add = true}
      %dma_wait3A_312 = arith.constant 0 : i32
      %dma_wait3A_313 = arith.constant 2 : i32
      %dma_wait3A_314 = arith.constant 0 : i32
      %dma_wait3A_315 = arith.constant 0 : i32
      %dma_wait3A_316 = tpu.memref_slice %arg8[%dma_wait3A_312, %dma_wait3A_314, %dma_wait3A_315] : memref<2x128x128xf32, #tpu.memory_space<vmem>> -> memref<1x128x128xf32, #tpu.memory_space<vmem>>
      %dma_wait3A_317 = tpu.memref_squeeze %dma_wait3A_316 : memref<1x128x128xf32, #tpu.memory_space<vmem>> -> memref<128x128xf32, #tpu.memory_space<vmem>>
      %dma_wait3A_318 = arith.constant 0 : i32
      %dma_wait3A_319 = tpu.memref_slice %arg7[%dma_wait3A_313, %dma_wait3A_318] : memref<8x128xi32, #tpu.memory_space<vmem>> -> memref<1x128xi32, #tpu.memory_space<vmem>>
      %dma_wait3A_320 = tpu.memref_squeeze %dma_wait3A_319 : memref<1x128xi32, #tpu.memory_space<vmem>> -> memref<128xi32, #tpu.memory_space<vmem>>
      %dma_wait3A_321 = arith.constant 0 : i32
      %dma_wait3A_322 = arith.constant 0 : i32
      %dma_wait3A_323 = tpu.memref_slice %arg13[%dma_wait3A_321, %dma_wait3A_322] : memref<10240x128xf32, #tpu.memory_space<vmem_shared>> -> memref<10240x128xf32, #tpu.memory_space<vmem_shared>>
      tpu.wait_indirect_dma semaphore(%arg11 : memref<!tpu.dma_semaphore, #tpu.memory_space<semaphore_mem>>) src(%dma_wait3A_317 : memref<128x128xf32, #tpu.memory_space<vmem>>) dst(%dma_wait3A_323 : memref<10240x128xf32, #tpu.memory_space<vmem_shared>>)
      %dma_start3A_324 = arith.constant 4 : i32
      %dma_start3A_325 = arith.constant 0 : i32
      %dma_start3A_326 = arith.constant 0 : i32
      %dma_start3A_327 = arith.constant 0 : i32
      %dma_start3A_328 = tpu.memref_slice %arg8[%dma_start3A_325, %dma_start3A_326, %dma_start3A_327] : memref<2x128x128xf32, #tpu.memory_space<vmem>> -> memref<1x128x128xf32, #tpu.memory_space<vmem>>
      %dma_start3A_329 = tpu.memref_squeeze %dma_start3A_328 : memref<1x128x128xf32, #tpu.memory_space<vmem>> -> memref<128x128xf32, #tpu.memory_space<vmem>>
      %dma_start3A_330 = arith.constant 0 : i32
      %dma_start3A_331 = tpu.memref_slice %arg6[%dma_start3A_324, %dma_start3A_330] : memref<8x128xi32, #tpu.memory_space<vmem>> -> memref<1x128xi32, #tpu.memory_space<vmem>>
      %dma_start3A_332 = tpu.memref_squeeze %dma_start3A_331 : memref<1x128xi32, #tpu.memory_space<vmem>> -> memref<128xi32, #tpu.memory_space<vmem>>
      %dma_start3A_333 = arith.constant 0 : i32
      %dma_start3A_334 = arith.constant 0 : i32
      %dma_start3A_335 = tpu.memref_slice %arg2[%dma_start3A_333, %dma_start3A_334] : memref<10000x128xf32, #tpu.memory_space<hbm>> -> memref<10000x128xf32, #tpu.memory_space<hbm>>
      tpu.enqueue_indirect_dma source(%dma_start3A_335 : memref<10000x128xf32, #tpu.memory_space<hbm>>) target(%dma_start3A_329 : memref<128x128xf32, #tpu.memory_space<vmem>>) offsets(%dma_start3A_332 : memref<128xi32, #tpu.memory_space<vmem>>) semaphore(%arg9 : memref<!tpu.dma_semaphore, #tpu.memory_space<semaphore_mem>>)
      %dma_wait3A_336 = arith.constant 3 : i32
      %dma_wait3A_337 = arith.constant 1 : i32
      %dma_wait3A_338 = arith.constant 0 : i32
      %dma_wait3A_339 = arith.constant 0 : i32
      %dma_wait3A_340 = tpu.memref_slice %arg8[%dma_wait3A_337, %dma_wait3A_338, %dma_wait3A_339] : memref<2x128x128xf32, #tpu.memory_space<vmem>> -> memref<1x128x128xf32, #tpu.memory_space<vmem>>
      %dma_wait3A_341 = tpu.memref_squeeze %dma_wait3A_340 : memref<1x128x128xf32, #tpu.memory_space<vmem>> -> memref<128x128xf32, #tpu.memory_space<vmem>>
      %dma_wait3A_342 = arith.constant 0 : i32
      %dma_wait3A_343 = tpu.memref_slice %arg6[%dma_wait3A_336, %dma_wait3A_342] : memref<8x128xi32, #tpu.memory_space<vmem>> -> memref<1x128xi32, #tpu.memory_space<vmem>>
      %dma_wait3A_344 = tpu.memref_squeeze %dma_wait3A_343 : memref<1x128xi32, #tpu.memory_space<vmem>> -> memref<128xi32, #tpu.memory_space<vmem>>
      %dma_wait3A_345 = arith.constant 0 : i32
      %dma_wait3A_346 = arith.constant 0 : i32
      %dma_wait3A_347 = tpu.memref_slice %arg2[%dma_wait3A_345, %dma_wait3A_346] : memref<10000x128xf32, #tpu.memory_space<hbm>> -> memref<10000x128xf32, #tpu.memory_space<hbm>>
      tpu.wait_indirect_dma semaphore(%arg10 : memref<!tpu.dma_semaphore, #tpu.memory_space<semaphore_mem>>) src(%dma_wait3A_347 : memref<10000x128xf32, #tpu.memory_space<hbm>>) dst(%dma_wait3A_341 : memref<128x128xf32, #tpu.memory_space<vmem>>)
      %dma_start3A_348 = arith.constant 1 : i32
      %dma_start3A_349 = arith.constant 3 : i32
      %dma_start3A_350 = arith.constant 0 : i32
      %dma_start3A_351 = arith.constant 0 : i32
      %dma_start3A_352 = tpu.memref_slice %arg8[%dma_start3A_348, %dma_start3A_350, %dma_start3A_351] : memref<2x128x128xf32, #tpu.memory_space<vmem>> -> memref<1x128x128xf32, #tpu.memory_space<vmem>>
      %dma_start3A_353 = tpu.memref_squeeze %dma_start3A_352 : memref<1x128x128xf32, #tpu.memory_space<vmem>> -> memref<128x128xf32, #tpu.memory_space<vmem>>
      %dma_start3A_354 = arith.constant 0 : i32
      %dma_start3A_355 = tpu.memref_slice %arg7[%dma_start3A_349, %dma_start3A_354] : memref<8x128xi32, #tpu.memory_space<vmem>> -> memref<1x128xi32, #tpu.memory_space<vmem>>
      %dma_start3A_356 = tpu.memref_squeeze %dma_start3A_355 : memref<1x128xi32, #tpu.memory_space<vmem>> -> memref<128xi32, #tpu.memory_space<vmem>>
      %dma_start3A_357 = arith.constant 0 : i32
      %dma_start3A_358 = arith.constant 0 : i32
      %dma_start3A_359 = tpu.memref_slice %arg13[%dma_start3A_357, %dma_start3A_358] : memref<10240x128xf32, #tpu.memory_space<vmem_shared>> -> memref<10240x128xf32, #tpu.memory_space<vmem_shared>>
      tpu.enqueue_indirect_dma source(%dma_start3A_353 : memref<128x128xf32, #tpu.memory_space<vmem>>) target(%dma_start3A_359 : memref<10240x128xf32, #tpu.memory_space<vmem_shared>>) offsets(%dma_start3A_356 : memref<128xi32, #tpu.memory_space<vmem>>) semaphore(%arg12 : memref<!tpu.dma_semaphore, #tpu.memory_space<semaphore_mem>>) {add = true}
      %dma_wait3A_360 = arith.constant 1 : i32
      %dma_wait3A_361 = arith.constant 3 : i32
      %dma_wait3A_362 = arith.constant 0 : i32
      %dma_wait3A_363 = arith.constant 0 : i32
      %dma_wait3A_364 = tpu.memref_slice %arg8[%dma_wait3A_360, %dma_wait3A_362, %dma_wait3A_363] : memref<2x128x128xf32, #tpu.memory_space<vmem>> -> memref<1x128x128xf32, #tpu.memory_space<vmem>>
      %dma_wait3A_365 = tpu.memref_squeeze %dma_wait3A_364 : memref<1x128x128xf32, #tpu.memory_space<vmem>> -> memref<128x128xf32, #tpu.memory_space<vmem>>
      %dma_wait3A_366 = arith.constant 0 : i32
      %dma_wait3A_367 = tpu.memref_slice %arg7[%dma_wait3A_361, %dma_wait3A_366] : memref<8x128xi32, #tpu.memory_space<vmem>> -> memref<1x128xi32, #tpu.memory_space<vmem>>
      %dma_wait3A_368 = tpu.memref_squeeze %dma_wait3A_367 : memref<1x128xi32, #tpu.memory_space<vmem>> -> memref<128xi32, #tpu.memory_space<vmem>>
      %dma_wait3A_369 = arith.constant 0 : i32
      %dma_wait3A_370 = arith.constant 0 : i32
      %dma_wait3A_371 = tpu.memref_slice %arg13[%dma_wait3A_369, %dma_wait3A_370] : memref<10240x128xf32, #tpu.memory_space<vmem_shared>> -> memref<10240x128xf32, #tpu.memory_space<vmem_shared>>
      tpu.wait_indirect_dma semaphore(%arg12 : memref<!tpu.dma_semaphore, #tpu.memory_space<semaphore_mem>>) src(%dma_wait3A_365 : memref<128x128xf32, #tpu.memory_space<vmem>>) dst(%dma_wait3A_371 : memref<10240x128xf32, #tpu.memory_space<vmem_shared>>)
      %dma_start3A_372 = arith.constant 5 : i32
      %dma_start3A_373 = arith.constant 1 : i32
      %dma_start3A_374 = arith.constant 0 : i32
      %dma_start3A_375 = arith.constant 0 : i32
      %dma_start3A_376 = tpu.memref_slice %arg8[%dma_start3A_373, %dma_start3A_374, %dma_start3A_375] : memref<2x128x128xf32, #tpu.memory_space<vmem>> -> memref<1x128x128xf32, #tpu.memory_space<vmem>>
      %dma_start3A_377 = tpu.memref_squeeze %dma_start3A_376 : memref<1x128x128xf32, #tpu.memory_space<vmem>> -> memref<128x128xf32, #tpu.memory_space<vmem>>
      %dma_start3A_378 = arith.constant 0 : i32
      %dma_start3A_379 = tpu.memref_slice %arg6[%dma_start3A_372, %dma_start3A_378] : memref<8x128xi32, #tpu.memory_space<vmem>> -> memref<1x128xi32, #tpu.memory_space<vmem>>
      %dma_start3A_380 = tpu.memref_squeeze %dma_start3A_379 : memref<1x128xi32, #tpu.memory_space<vmem>> -> memref<128xi32, #tpu.memory_space<vmem>>
      %dma_start3A_381 = arith.constant 0 : i32
      %dma_start3A_382 = arith.constant 0 : i32
      %dma_start3A_383 = tpu.memref_slice %arg2[%dma_start3A_381, %dma_start3A_382] : memref<10000x128xf32, #tpu.memory_space<hbm>> -> memref<10000x128xf32, #tpu.memory_space<hbm>>
      tpu.enqueue_indirect_dma source(%dma_start3A_383 : memref<10000x128xf32, #tpu.memory_space<hbm>>) target(%dma_start3A_377 : memref<128x128xf32, #tpu.memory_space<vmem>>) offsets(%dma_start3A_380 : memref<128xi32, #tpu.memory_space<vmem>>) semaphore(%arg10 : memref<!tpu.dma_semaphore, #tpu.memory_space<semaphore_mem>>)
      %dma_wait3A_384 = arith.constant 4 : i32
      %dma_wait3A_385 = arith.constant 0 : i32
      %dma_wait3A_386 = arith.constant 0 : i32
      %dma_wait3A_387 = arith.constant 0 : i32
      %dma_wait3A_388 = tpu.memref_slice %arg8[%dma_wait3A_385, %dma_wait3A_386, %dma_wait3A_387] : memref<2x128x128xf32, #tpu.memory_space<vmem>> -> memref<1x128x128xf32, #tpu.memory_space<vmem>>
      %dma_wait3A_389 = tpu.memref_squeeze %dma_wait3A_388 : memref<1x128x128xf32, #tpu.memory_space<vmem>> -> memref<128x128xf32, #tpu.memory_space<vmem>>
      %dma_wait3A_390 = arith.constant 0 : i32
      %dma_wait3A_391 = tpu.memref_slice %arg6[%dma_wait3A_384, %dma_wait3A_390] : memref<8x128xi32, #tpu.memory_space<vmem>> -> memref<1x128xi32, #tpu.memory_space<vmem>>
      %dma_wait3A_392 = tpu.memref_squeeze %dma_wait3A_391 : memref<1x128xi32, #tpu.memory_space<vmem>> -> memref<128xi32, #tpu.memory_space<vmem>>
      %dma_wait3A_393 = arith.constant 0 : i32
      %dma_wait3A_394 = arith.constant 0 : i32
      %dma_wait3A_395 = tpu.memref_slice %arg2[%dma_wait3A_393, %dma_wait3A_394] : memref<10000x128xf32, #tpu.memory_space<hbm>> -> memref<10000x128xf32, #tpu.memory_space<hbm>>
      tpu.wait_indirect_dma semaphore(%arg9 : memref<!tpu.dma_semaphore, #tpu.memory_space<semaphore_mem>>) src(%dma_wait3A_395 : memref<10000x128xf32, #tpu.memory_space<hbm>>) dst(%dma_wait3A_389 : memref<128x128xf32, #tpu.memory_space<vmem>>)
      %dma_start3A_396 = arith.constant 0 : i32
      %dma_start3A_397 = arith.constant 4 : i32
      %dma_start3A_398 = arith.constant 0 : i32
      %dma_start3A_399 = arith.constant 0 : i32
      %dma_start3A_400 = tpu.memref_slice %arg8[%dma_start3A_396, %dma_start3A_398, %dma_start3A_399] : memref<2x128x128xf32, #tpu.memory_space<vmem>> -> memref<1x128x128xf32, #tpu.memory_space<vmem>>
      %dma_start3A_401 = tpu.memref_squeeze %dma_start3A_400 : memref<1x128x128xf32, #tpu.memory_space<vmem>> -> memref<128x128xf32, #tpu.memory_space<vmem>>
      %dma_start3A_402 = arith.constant 0 : i32
      %dma_start3A_403 = tpu.memref_slice %arg7[%dma_start3A_397, %dma_start3A_402] : memref<8x128xi32, #tpu.memory_space<vmem>> -> memref<1x128xi32, #tpu.memory_space<vmem>>
      %dma_start3A_404 = tpu.memref_squeeze %dma_start3A_403 : memref<1x128xi32, #tpu.memory_space<vmem>> -> memref<128xi32, #tpu.memory_space<vmem>>
      %dma_start3A_405 = arith.constant 0 : i32
      %dma_start3A_406 = arith.constant 0 : i32
      %dma_start3A_407 = tpu.memref_slice %arg13[%dma_start3A_405, %dma_start3A_406] : memref<10240x128xf32, #tpu.memory_space<vmem_shared>> -> memref<10240x128xf32, #tpu.memory_space<vmem_shared>>
      tpu.enqueue_indirect_dma source(%dma_start3A_401 : memref<128x128xf32, #tpu.memory_space<vmem>>) target(%dma_start3A_407 : memref<10240x128xf32, #tpu.memory_space<vmem_shared>>) offsets(%dma_start3A_404 : memref<128xi32, #tpu.memory_space<vmem>>) semaphore(%arg11 : memref<!tpu.dma_semaphore, #tpu.memory_space<semaphore_mem>>) {add = true}
      %dma_wait3A_408 = arith.constant 0 : i32
      %dma_wait3A_409 = arith.constant 4 : i32
      %dma_wait3A_410 = arith.constant 0 : i32
      %dma_wait3A_411 = arith.constant 0 : i32
      %dma_wait3A_412 = tpu.memref_slice %arg8[%dma_wait3A_408, %dma_wait3A_410, %dma_wait3A_411] : memref<2x128x128xf32, #tpu.memory_space<vmem>> -> memref<1x128x128xf32, #tpu.memory_space<vmem>>
      %dma_wait3A_413 = tpu.memref_squeeze %dma_wait3A_412 : memref<1x128x128xf32, #tpu.memory_space<vmem>> -> memref<128x128xf32, #tpu.memory_space<vmem>>
      %dma_wait3A_414 = arith.constant 0 : i32
      %dma_wait3A_415 = tpu.memref_slice %arg7[%dma_wait3A_409, %dma_wait3A_414] : memref<8x128xi32, #tpu.memory_space<vmem>> -> memref<1x128xi32, #tpu.memory_space<vmem>>
      %dma_wait3A_416 = tpu.memref_squeeze %dma_wait3A_415 : memref<1x128xi32, #tpu.memory_space<vmem>> -> memref<128xi32, #tpu.memory_space<vmem>>
      %dma_wait3A_417 = arith.constant 0 : i32
      %dma_wait3A_418 = arith.constant 0 : i32
      %dma_wait3A_419 = tpu.memref_slice %arg13[%dma_wait3A_417, %dma_wait3A_418] : memref<10240x128xf32, #tpu.memory_space<vmem_shared>> -> memref<10240x128xf32, #tpu.memory_space<vmem_shared>>
      tpu.wait_indirect_dma semaphore(%arg11 : memref<!tpu.dma_semaphore, #tpu.memory_space<semaphore_mem>>) src(%dma_wait3A_413 : memref<128x128xf32, #tpu.memory_space<vmem>>) dst(%dma_wait3A_419 : memref<10240x128xf32, #tpu.memory_space<vmem_shared>>)
      %dma_start3A_420 = arith.constant 6 : i32
      %dma_start3A_421 = arith.constant 0 : i32
      %dma_start3A_422 = arith.constant 0 : i32
      %dma_start3A_423 = arith.constant 0 : i32
      %dma_start3A_424 = tpu.memref_slice %arg8[%dma_start3A_421, %dma_start3A_422, %dma_start3A_423] : memref<2x128x128xf32, #tpu.memory_space<vmem>> -> memref<1x128x128xf32, #tpu.memory_space<vmem>>
      %dma_start3A_425 = tpu.memref_squeeze %dma_start3A_424 : memref<1x128x128xf32, #tpu.memory_space<vmem>> -> memref<128x128xf32, #tpu.memory_space<vmem>>
      %dma_start3A_426 = arith.constant 0 : i32
      %dma_start3A_427 = tpu.memref_slice %arg6[%dma_start3A_420, %dma_start3A_426] : memref<8x128xi32, #tpu.memory_space<vmem>> -> memref<1x128xi32, #tpu.memory_space<vmem>>
      %dma_start3A_428 = tpu.memref_squeeze %dma_start3A_427 : memref<1x128xi32, #tpu.memory_space<vmem>> -> memref<128xi32, #tpu.memory_space<vmem>>
      %dma_start3A_429 = arith.constant 0 : i32
      %dma_start3A_430 = arith.constant 0 : i32
      %dma_start3A_431 = tpu.memref_slice %arg2[%dma_start3A_429, %dma_start3A_430] : memref<10000x128xf32, #tpu.memory_space<hbm>> -> memref<10000x128xf32, #tpu.memory_space<hbm>>
      tpu.enqueue_indirect_dma source(%dma_start3A_431 : memref<10000x128xf32, #tpu.memory_space<hbm>>) target(%dma_start3A_425 : memref<128x128xf32, #tpu.memory_space<vmem>>) offsets(%dma_start3A_428 : memref<128xi32, #tpu.memory_space<vmem>>) semaphore(%arg9 : memref<!tpu.dma_semaphore, #tpu.memory_space<semaphore_mem>>)
      %dma_wait3A_432 = arith.constant 5 : i32
      %dma_wait3A_433 = arith.constant 1 : i32
      %dma_wait3A_434 = arith.constant 0 : i32
      %dma_wait3A_435 = arith.constant 0 : i32
      %dma_wait3A_436 = tpu.memref_slice %arg8[%dma_wait3A_433, %dma_wait3A_434, %dma_wait3A_435] : memref<2x128x128xf32, #tpu.memory_space<vmem>> -> memref<1x128x128xf32, #tpu.memory_space<vmem>>
      %dma_wait3A_437 = tpu.memref_squeeze %dma_wait3A_436 : memref<1x128x128xf32, #tpu.memory_space<vmem>> -> memref<128x128xf32, #tpu.memory_space<vmem>>
      %dma_wait3A_438 = arith.constant 0 : i32
      %dma_wait3A_439 = tpu.memref_slice %arg6[%dma_wait3A_432, %dma_wait3A_438] : memref<8x128xi32, #tpu.memory_space<vmem>> -> memref<1x128xi32, #tpu.memory_space<vmem>>
      %dma_wait3A_440 = tpu.memref_squeeze %dma_wait3A_439 : memref<1x128xi32, #tpu.memory_space<vmem>> -> memref<128xi32, #tpu.memory_space<vmem>>
      %dma_wait3A_441 = arith.constant 0 : i32
      %dma_wait3A_442 = arith.constant 0 : i32
      %dma_wait3A_443 = tpu.memref_slice %arg2[%dma_wait3A_441, %dma_wait3A_442] : memref<10000x128xf32, #tpu.memory_space<hbm>> -> memref<10000x128xf32, #tpu.memory_space<hbm>>
      tpu.wait_indirect_dma semaphore(%arg10 : memref<!tpu.dma_semaphore, #tpu.memory_space<semaphore_mem>>) src(%dma_wait3A_443 : memref<10000x128xf32, #tpu.memory_space<hbm>>) dst(%dma_wait3A_437 : memref<128x128xf32, #tpu.memory_space<vmem>>)
      %dma_start3A_444 = arith.constant 1 : i32
      %dma_start3A_445 = arith.constant 5 : i32
      %dma_start3A_446 = arith.constant 0 : i32
      %dma_start3A_447 = arith.constant 0 : i32
      %dma_start3A_448 = tpu.memref_slice %arg8[%dma_start3A_444, %dma_start3A_446, %dma_start3A_447] : memref<2x128x128xf32, #tpu.memory_space<vmem>> -> memref<1x128x128xf32, #tpu.memory_space<vmem>>
      %dma_start3A_449 = tpu.memref_squeeze %dma_start3A_448 : memref<1x128x128xf32, #tpu.memory_space<vmem>> -> memref<128x128xf32, #tpu.memory_space<vmem>>
      %dma_start3A_450 = arith.constant 0 : i32
      %dma_start3A_451 = tpu.memref_slice %arg7[%dma_start3A_445, %dma_start3A_450] : memref<8x128xi32, #tpu.memory_space<vmem>> -> memref<1x128xi32, #tpu.memory_space<vmem>>
      %dma_start3A_452 = tpu.memref_squeeze %dma_start3A_451 : memref<1x128xi32, #tpu.memory_space<vmem>> -> memref<128xi32, #tpu.memory_space<vmem>>
      %dma_start3A_453 = arith.constant 0 : i32
      %dma_start3A_454 = arith.constant 0 : i32
      %dma_start3A_455 = tpu.memref_slice %arg13[%dma_start3A_453, %dma_start3A_454] : memref<10240x128xf32, #tpu.memory_space<vmem_shared>> -> memref<10240x128xf32, #tpu.memory_space<vmem_shared>>
      tpu.enqueue_indirect_dma source(%dma_start3A_449 : memref<128x128xf32, #tpu.memory_space<vmem>>) target(%dma_start3A_455 : memref<10240x128xf32, #tpu.memory_space<vmem_shared>>) offsets(%dma_start3A_452 : memref<128xi32, #tpu.memory_space<vmem>>) semaphore(%arg12 : memref<!tpu.dma_semaphore, #tpu.memory_space<semaphore_mem>>) {add = true}
      %dma_wait3A_456 = arith.constant 1 : i32
      %dma_wait3A_457 = arith.constant 5 : i32
      %dma_wait3A_458 = arith.constant 0 : i32
      %dma_wait3A_459 = arith.constant 0 : i32
      %dma_wait3A_460 = tpu.memref_slice %arg8[%dma_wait3A_456, %dma_wait3A_458, %dma_wait3A_459] : memref<2x128x128xf32, #tpu.memory_space<vmem>> -> memref<1x128x128xf32, #tpu.memory_space<vmem>>
      %dma_wait3A_461 = tpu.memref_squeeze %dma_wait3A_460 : memref<1x128x128xf32, #tpu.memory_space<vmem>> -> memref<128x128xf32, #tpu.memory_space<vmem>>
      %dma_wait3A_462 = arith.constant 0 : i32
      %dma_wait3A_463 = tpu.memref_slice %arg7[%dma_wait3A_457, %dma_wait3A_462] : memref<8x128xi32, #tpu.memory_space<vmem>> -> memref<1x128xi32, #tpu.memory_space<vmem>>
      %dma_wait3A_464 = tpu.memref_squeeze %dma_wait3A_463 : memref<1x128xi32, #tpu.memory_space<vmem>> -> memref<128xi32, #tpu.memory_space<vmem>>
      %dma_wait3A_465 = arith.constant 0 : i32
      %dma_wait3A_466 = arith.constant 0 : i32
      %dma_wait3A_467 = tpu.memref_slice %arg13[%dma_wait3A_465, %dma_wait3A_466] : memref<10240x128xf32, #tpu.memory_space<vmem_shared>> -> memref<10240x128xf32, #tpu.memory_space<vmem_shared>>
      tpu.wait_indirect_dma semaphore(%arg12 : memref<!tpu.dma_semaphore, #tpu.memory_space<semaphore_mem>>) src(%dma_wait3A_461 : memref<128x128xf32, #tpu.memory_space<vmem>>) dst(%dma_wait3A_467 : memref<10240x128xf32, #tpu.memory_space<vmem_shared>>)
      %dma_start3A_468 = arith.constant 7 : i32
      %dma_start3A_469 = arith.constant 1 : i32
      %dma_start3A_470 = arith.constant 0 : i32
      %dma_start3A_471 = arith.constant 0 : i32
      %dma_start3A_472 = tpu.memref_slice %arg8[%dma_start3A_469, %dma_start3A_470, %dma_start3A_471] : memref<2x128x128xf32, #tpu.memory_space<vmem>> -> memref<1x128x128xf32, #tpu.memory_space<vmem>>
      %dma_start3A_473 = tpu.memref_squeeze %dma_start3A_472 : memref<1x128x128xf32, #tpu.memory_space<vmem>> -> memref<128x128xf32, #tpu.memory_space<vmem>>
      %dma_start3A_474 = arith.constant 0 : i32
      %dma_start3A_475 = tpu.memref_slice %arg6[%dma_start3A_468, %dma_start3A_474] : memref<8x128xi32, #tpu.memory_space<vmem>> -> memref<1x128xi32, #tpu.memory_space<vmem>>
      %dma_start3A_476 = tpu.memref_squeeze %dma_start3A_475 : memref<1x128xi32, #tpu.memory_space<vmem>> -> memref<128xi32, #tpu.memory_space<vmem>>
      %dma_start3A_477 = arith.constant 0 : i32
      %dma_start3A_478 = arith.constant 0 : i32
      %dma_start3A_479 = tpu.memref_slice %arg2[%dma_start3A_477, %dma_start3A_478] : memref<10000x128xf32, #tpu.memory_space<hbm>> -> memref<10000x128xf32, #tpu.memory_space<hbm>>
      tpu.enqueue_indirect_dma source(%dma_start3A_479 : memref<10000x128xf32, #tpu.memory_space<hbm>>) target(%dma_start3A_473 : memref<128x128xf32, #tpu.memory_space<vmem>>) offsets(%dma_start3A_476 : memref<128xi32, #tpu.memory_space<vmem>>) semaphore(%arg10 : memref<!tpu.dma_semaphore, #tpu.memory_space<semaphore_mem>>)
      %dma_wait3A_480 = arith.constant 6 : i32
      %dma_wait3A_481 = arith.constant 0 : i32
      %dma_wait3A_482 = arith.constant 0 : i32
      %dma_wait3A_483 = arith.constant 0 : i32
      %dma_wait3A_484 = tpu.memref_slice %arg8[%dma_wait3A_481, %dma_wait3A_482, %dma_wait3A_483] : memref<2x128x128xf32, #tpu.memory_space<vmem>> -> memref<1x128x128xf32, #tpu.memory_space<vmem>>
      %dma_wait3A_485 = tpu.memref_squeeze %dma_wait3A_484 : memref<1x128x128xf32, #tpu.memory_space<vmem>> -> memref<128x128xf32, #tpu.memory_space<vmem>>
      %dma_wait3A_486 = arith.constant 0 : i32
      %dma_wait3A_487 = tpu.memref_slice %arg6[%dma_wait3A_480, %dma_wait3A_486] : memref<8x128xi32, #tpu.memory_space<vmem>> -> memref<1x128xi32, #tpu.memory_space<vmem>>
      %dma_wait3A_488 = tpu.memref_squeeze %dma_wait3A_487 : memref<1x128xi32, #tpu.memory_space<vmem>> -> memref<128xi32, #tpu.memory_space<vmem>>
      %dma_wait3A_489 = arith.constant 0 : i32
      %dma_wait3A_490 = arith.constant 0 : i32
      %dma_wait3A_491 = tpu.memref_slice %arg2[%dma_wait3A_489, %dma_wait3A_490] : memref<10000x128xf32, #tpu.memory_space<hbm>> -> memref<10000x128xf32, #tpu.memory_space<hbm>>
      tpu.wait_indirect_dma semaphore(%arg9 : memref<!tpu.dma_semaphore, #tpu.memory_space<semaphore_mem>>) src(%dma_wait3A_491 : memref<10000x128xf32, #tpu.memory_space<hbm>>) dst(%dma_wait3A_485 : memref<128x128xf32, #tpu.memory_space<vmem>>)
      %dma_start3A_492 = arith.constant 0 : i32
      %dma_start3A_493 = arith.constant 6 : i32
      %dma_start3A_494 = arith.constant 0 : i32
      %dma_start3A_495 = arith.constant 0 : i32
      %dma_start3A_496 = tpu.memref_slice %arg8[%dma_start3A_492, %dma_start3A_494, %dma_start3A_495] : memref<2x128x128xf32, #tpu.memory_space<vmem>> -> memref<1x128x128xf32, #tpu.memory_space<vmem>>
      %dma_start3A_497 = tpu.memref_squeeze %dma_start3A_496 : memref<1x128x128xf32, #tpu.memory_space<vmem>> -> memref<128x128xf32, #tpu.memory_space<vmem>>
      %dma_start3A_498 = arith.constant 0 : i32
      %dma_start3A_499 = tpu.memref_slice %arg7[%dma_start3A_493, %dma_start3A_498] : memref<8x128xi32, #tpu.memory_space<vmem>> -> memref<1x128xi32, #tpu.memory_space<vmem>>
      %dma_start3A_500 = tpu.memref_squeeze %dma_start3A_499 : memref<1x128xi32, #tpu.memory_space<vmem>> -> memref<128xi32, #tpu.memory_space<vmem>>
      %dma_start3A_501 = arith.constant 0 : i32
      %dma_start3A_502 = arith.constant 0 : i32
      %dma_start3A_503 = tpu.memref_slice %arg13[%dma_start3A_501, %dma_start3A_502] : memref<10240x128xf32, #tpu.memory_space<vmem_shared>> -> memref<10240x128xf32, #tpu.memory_space<vmem_shared>>
      tpu.enqueue_indirect_dma source(%dma_start3A_497 : memref<128x128xf32, #tpu.memory_space<vmem>>) target(%dma_start3A_503 : memref<10240x128xf32, #tpu.memory_space<vmem_shared>>) offsets(%dma_start3A_500 : memref<128xi32, #tpu.memory_space<vmem>>) semaphore(%arg11 : memref<!tpu.dma_semaphore, #tpu.memory_space<semaphore_mem>>) {add = true}
      %dma_wait3A_504 = arith.constant 0 : i32
      %dma_wait3A_505 = arith.constant 6 : i32
      %dma_wait3A_506 = arith.constant 0 : i32
      %dma_wait3A_507 = arith.constant 0 : i32
      %dma_wait3A_508 = tpu.memref_slice %arg8[%dma_wait3A_504, %dma_wait3A_506, %dma_wait3A_507] : memref<2x128x128xf32, #tpu.memory_space<vmem>> -> memref<1x128x128xf32, #tpu.memory_space<vmem>>
      %dma_wait3A_509 = tpu.memref_squeeze %dma_wait3A_508 : memref<1x128x128xf32, #tpu.memory_space<vmem>> -> memref<128x128xf32, #tpu.memory_space<vmem>>
      %dma_wait3A_510 = arith.constant 0 : i32
      %dma_wait3A_511 = tpu.memref_slice %arg7[%dma_wait3A_505, %dma_wait3A_510] : memref<8x128xi32, #tpu.memory_space<vmem>> -> memref<1x128xi32, #tpu.memory_space<vmem>>
      %dma_wait3A_512 = tpu.memref_squeeze %dma_wait3A_511 : memref<1x128xi32, #tpu.memory_space<vmem>> -> memref<128xi32, #tpu.memory_space<vmem>>
      %dma_wait3A_513 = arith.constant 0 : i32
      %dma_wait3A_514 = arith.constant 0 : i32
      %dma_wait3A_515 = tpu.memref_slice %arg13[%dma_wait3A_513, %dma_wait3A_514] : memref<10240x128xf32, #tpu.memory_space<vmem_shared>> -> memref<10240x128xf32, #tpu.memory_space<vmem_shared>>
      tpu.wait_indirect_dma semaphore(%arg11 : memref<!tpu.dma_semaphore, #tpu.memory_space<semaphore_mem>>) src(%dma_wait3A_509 : memref<128x128xf32, #tpu.memory_space<vmem>>) dst(%dma_wait3A_515 : memref<10240x128xf32, #tpu.memory_space<vmem_shared>>)
      %dma_wait3A_516 = arith.constant 7 : i32
      %dma_wait3A_517 = arith.constant 1 : i32
      %dma_wait3A_518 = arith.constant 0 : i32
      %dma_wait3A_519 = arith.constant 0 : i32
      %dma_wait3A_520 = tpu.memref_slice %arg8[%dma_wait3A_517, %dma_wait3A_518, %dma_wait3A_519] : memref<2x128x128xf32, #tpu.memory_space<vmem>> -> memref<1x128x128xf32, #tpu.memory_space<vmem>>
      %dma_wait3A_521 = tpu.memref_squeeze %dma_wait3A_520 : memref<1x128x128xf32, #tpu.memory_space<vmem>> -> memref<128x128xf32, #tpu.memory_space<vmem>>
      %dma_wait3A_522 = arith.constant 0 : i32
      %dma_wait3A_523 = tpu.memref_slice %arg6[%dma_wait3A_516, %dma_wait3A_522] : memref<8x128xi32, #tpu.memory_space<vmem>> -> memref<1x128xi32, #tpu.memory_space<vmem>>
      %dma_wait3A_524 = tpu.memref_squeeze %dma_wait3A_523 : memref<1x128xi32, #tpu.memory_space<vmem>> -> memref<128xi32, #tpu.memory_space<vmem>>
      %dma_wait3A_525 = arith.constant 0 : i32
      %dma_wait3A_526 = arith.constant 0 : i32
      %dma_wait3A_527 = tpu.memref_slice %arg2[%dma_wait3A_525, %dma_wait3A_526] : memref<10000x128xf32, #tpu.memory_space<hbm>> -> memref<10000x128xf32, #tpu.memory_space<hbm>>
      tpu.wait_indirect_dma semaphore(%arg10 : memref<!tpu.dma_semaphore, #tpu.memory_space<semaphore_mem>>) src(%dma_wait3A_527 : memref<10000x128xf32, #tpu.memory_space<hbm>>) dst(%dma_wait3A_521 : memref<128x128xf32, #tpu.memory_space<vmem>>)
      %dma_start3A_528 = arith.constant 1 : i32
      %dma_start3A_529 = arith.constant 7 : i32
      %dma_start3A_530 = arith.constant 0 : i32
      %dma_start3A_531 = arith.constant 0 : i32
      %dma_start3A_532 = tpu.memref_slice %arg8[%dma_start3A_528, %dma_start3A_530, %dma_start3A_531] : memref<2x128x128xf32, #tpu.memory_space<vmem>> -> memref<1x128x128xf32, #tpu.memory_space<vmem>>
      %dma_start3A_533 = tpu.memref_squeeze %dma_start3A_532 : memref<1x128x128xf32, #tpu.memory_space<vmem>> -> memref<128x128xf32, #tpu.memory_space<vmem>>
      %dma_start3A_534 = arith.constant 0 : i32
      %dma_start3A_535 = tpu.memref_slice %arg7[%dma_start3A_529, %dma_start3A_534] : memref<8x128xi32, #tpu.memory_space<vmem>> -> memref<1x128xi32, #tpu.memory_space<vmem>>
      %dma_start3A_536 = tpu.memref_squeeze %dma_start3A_535 : memref<1x128xi32, #tpu.memory_space<vmem>> -> memref<128xi32, #tpu.memory_space<vmem>>
      %dma_start3A_537 = arith.constant 0 : i32
      %dma_start3A_538 = arith.constant 0 : i32
      %dma_start3A_539 = tpu.memref_slice %arg13[%dma_start3A_537, %dma_start3A_538] : memref<10240x128xf32, #tpu.memory_space<vmem_shared>> -> memref<10240x128xf32, #tpu.memory_space<vmem_shared>>
      tpu.enqueue_indirect_dma source(%dma_start3A_533 : memref<128x128xf32, #tpu.memory_space<vmem>>) target(%dma_start3A_539 : memref<10240x128xf32, #tpu.memory_space<vmem_shared>>) offsets(%dma_start3A_536 : memref<128xi32, #tpu.memory_space<vmem>>) semaphore(%arg12 : memref<!tpu.dma_semaphore, #tpu.memory_space<semaphore_mem>>) {add = true}
      %dma_wait3A_540 = arith.constant 1 : i32
      %dma_wait3A_541 = arith.constant 7 : i32
      %dma_wait3A_542 = arith.constant 0 : i32
      %dma_wait3A_543 = arith.constant 0 : i32
      %dma_wait3A_544 = tpu.memref_slice %arg8[%dma_wait3A_540, %dma_wait3A_542, %dma_wait3A_543] : memref<2x128x128xf32, #tpu.memory_space<vmem>> -> memref<1x128x128xf32, #tpu.memory_space<vmem>>
      %dma_wait3A_545 = tpu.memref_squeeze %dma_wait3A_544 : memref<1x128x128xf32, #tpu.memory_space<vmem>> -> memref<128x128xf32, #tpu.memory_space<vmem>>
      %dma_wait3A_546 = arith.constant 0 : i32
      %dma_wait3A_547 = tpu.memref_slice %arg7[%dma_wait3A_541, %dma_wait3A_546] : memref<8x128xi32, #tpu.memory_space<vmem>> -> memref<1x128xi32, #tpu.memory_space<vmem>>
      %dma_wait3A_548 = tpu.memref_squeeze %dma_wait3A_547 : memref<1x128xi32, #tpu.memory_space<vmem>> -> memref<128xi32, #tpu.memory_space<vmem>>
      %dma_wait3A_549 = arith.constant 0 : i32
      %dma_wait3A_550 = arith.constant 0 : i32
      %dma_wait3A_551 = tpu.memref_slice %arg13[%dma_wait3A_549, %dma_wait3A_550] : memref<10240x128xf32, #tpu.memory_space<vmem_shared>> -> memref<10240x128xf32, #tpu.memory_space<vmem_shared>>
      tpu.wait_indirect_dma semaphore(%arg12 : memref<!tpu.dma_semaphore, #tpu.memory_space<semaphore_mem>>) src(%dma_wait3A_545 : memref<128x128xf32, #tpu.memory_space<vmem>>) dst(%dma_wait3A_551 : memref<10240x128xf32, #tpu.memory_space<vmem_shared>>)
    }
    %scan3A_157 = arith.constant 10 : i32
    %barrier3A_158 = arith.constant 0 : index
    tpu.barrier barrier_id(%barrier3A_158)
    %mul3A_159 = arith.constant 640 : i32
    %mul3A_160 = arith.muli %arg1, %mul3A_159 : i32
    %mul3A_161 = arith.constant 640 : i32
    %mul3A_162 = arith.muli %arg1, %mul3A_161 : i32
    "tpu.region"() ({
      %run_scoped3A = tpu.sem_alloc : memref<!tpu.dma_semaphore, #tpu.memory_space<semaphore_mem>>
      %dma_start3A_163 = arith.constant 0 : i32
      %dma_start3A_164 = tpu.memref_slice %arg5[%arg0, %mul3A_162, %dma_start3A_163] : memref<2x10240x128xf32, #tpu.memory_space<hbm>> -> memref<1x640x128xf32, #tpu.memory_space<hbm>>
      %dma_start3A_165 = tpu.memref_squeeze %dma_start3A_164 : memref<1x640x128xf32, #tpu.memory_space<hbm>> -> memref<640x128xf32, #tpu.memory_space<hbm>>
      %dma_start3A_166 = arith.constant 0 : i32
      %dma_start3A_167 = tpu.memref_slice %arg13[%mul3A_160, %dma_start3A_166] : memref<10240x128xf32, #tpu.memory_space<vmem_shared>> -> memref<640x128xf32, #tpu.memory_space<vmem_shared>>
      tpu.enqueue_dma source(%dma_start3A_167 : memref<640x128xf32, #tpu.memory_space<vmem_shared>>) target(%dma_start3A_165 : memref<640x128xf32, #tpu.memory_space<hbm>>) target_semaphore(%run_scoped3A : memref<!tpu.dma_semaphore, #tpu.memory_space<semaphore_mem>>)
      %dma_wait3A_168 = arith.constant 0 : i32
      %dma_wait3A_169 = tpu.memref_slice %arg5[%arg0, %mul3A_162, %dma_wait3A_168] : memref<2x10240x128xf32, #tpu.memory_space<hbm>> -> memref<1x640x128xf32, #tpu.memory_space<hbm>>
      %dma_wait3A_170 = tpu.memref_squeeze %dma_wait3A_169 : memref<1x640x128xf32, #tpu.memory_space<hbm>> -> memref<640x128xf32, #tpu.memory_space<hbm>>
      %dma_wait3A_171 = arith.constant 0 : i32
      %dma_wait3A_172 = tpu.memref_slice %arg13[%mul3A_160, %dma_wait3A_171] : memref<10240x128xf32, #tpu.memory_space<vmem_shared>> -> memref<640x128xf32, #tpu.memory_space<vmem_shared>>
      tpu.wait_dma2 semaphore(%run_scoped3A : memref<!tpu.dma_semaphore, #tpu.memory_space<semaphore_mem>>) src(%dma_wait3A_172 : memref<640x128xf32, #tpu.memory_space<vmem_shared>>) dst(%dma_wait3A_170 : memref<640x128xf32, #tpu.memory_space<hbm>>)
      tpu.yield
    }) : () -> ()
    return
  }
}

#map = affine_map<(d0, d1) -> (0, 0)>
#map1 = affine_map<(d0, d1) -> (0, 0, 0, 0)>
#map2 = affine_map<(d0, d1) -> (0, 0, 0)>
module attributes {stable_mosaic.version = 14 : i64} {
  func.func @_segsum_body(%arg0: i32, %arg1: i32, %arg2: memref<10000x128xf32, #tpu.memory_space<hbm>>, %arg3: memref<2x16x80x128xi32, #tpu.memory_space<hbm>>, %arg4: memref<2x16x80x128xi32, #tpu.memory_space<hbm>>, %arg5: memref<2x10240x128xf32, #tpu.memory_space<hbm>>, %arg6: memref<8x128xi32, #tpu.memory_space<vmem>>, %arg7: memref<8x128xi32, #tpu.memory_space<vmem>>, %arg8: memref<2x128x128xf32, #tpu.memory_space<vmem>>, %arg9: memref<!tpu.dma_semaphore, #tpu.memory_space<semaphore_mem>>, %arg10: memref<!tpu.dma_semaphore, #tpu.memory_space<semaphore_mem>>, %arg11: memref<!tpu.dma_semaphore, #tpu.memory_space<semaphore_mem>>, %arg12: memref<!tpu.dma_semaphore, #tpu.memory_space<semaphore_mem>>, %arg13: memref<10240x128xf32, #tpu.memory_space<vmem_shared>>) attributes {dimension_semantics = [#tpu.dimension_semantics<core_parallel>, #tpu.dimension_semantics<subcore_parallel>], iteration_bounds = array<i64: 2, 16>, scalar_prefetch = 0 : i64, scratch_operands = 8 : i64, tpu.core_type = #tpu.core_type<sc_vector_subcore>, window_params = [{transform_indices = #map}, {transform_indices = #map1}, {transform_indices = #map1}, {transform_indices = #map2}]} {
    %broadcast_in_dim3A = arith.constant 0.000000e+00 : f32
    %broadcast_in_dim3A_0 = vector.broadcast %broadcast_in_dim3A : f32 to vector<16xf32>
    %scan3A = arith.constant 0 : i32
    %scan3A_1 = arith.constant 0 : i32
    %scan3A_2 = arith.constant 128 : i32
    %scan3A_3 = arith.addi %scan3A_1, %scan3A_2 : i32
    %scan3A_4 = arith.constant 1 : i32
    scf.for %scan3A_163 = %scan3A_1 to %scan3A_3 step %scan3A_4  : i32 {
      %swap3A = arith.constant 0 : i32
      %swap3A_164 = arith.index_cast %swap3A : i32 to index
      %swap3A_165 = arith.index_cast %scan3A_163 : i32 to index
      %swap3A_166 = arith.constant 0 : index
      %swap3A_167 = tpu.vector_load %arg8[%swap3A_164, %swap3A_165, %swap3A_166] {strides = array<i32>} : memref<2x128x128xf32, #tpu.memory_space<vmem>>, vector<1x1x16xf32>,
      %swap3A_168 = vector.shape_cast %swap3A_167 : vector<1x1x16xf32> to vector<16xf32>
      %swap3A_169 = vector.shape_cast %broadcast_in_dim3A_0 : vector<16xf32> to vector<1x1x16xf32>
      tpu.vector_store %arg8[%swap3A_164, %swap3A_165, %swap3A_166], %swap3A_169 {strides = array<i32>} : memref<2x128x128xf32, #tpu.memory_space<vmem>>, vector<1x1x16xf32>,
      %swap3A_170 = arith.constant 0 : i32
      %swap3A_171 = arith.index_cast %swap3A_170 : i32 to index
      %swap3A_172 = arith.index_cast %scan3A_163 : i32 to index
      %swap3A_173 = arith.constant 16 : index
      %swap3A_174 = tpu.vector_load %arg8[%swap3A_171, %swap3A_172, %swap3A_173] {strides = array<i32>} : memref<2x128x128xf32, #tpu.memory_space<vmem>>, vector<1x1x16xf32>,
      %swap3A_175 = vector.shape_cast %swap3A_174 : vector<1x1x16xf32> to vector<16xf32>
      %swap3A_176 = vector.shape_cast %broadcast_in_dim3A_0 : vector<16xf32> to vector<1x1x16xf32>
      tpu.vector_store %arg8[%swap3A_171, %swap3A_172, %swap3A_173], %swap3A_176 {strides = array<i32>} : memref<2x128x128xf32, #tpu.memory_space<vmem>>, vector<1x1x16xf32>,
      %swap3A_177 = arith.constant 0 : i32
      %swap3A_178 = arith.index_cast %swap3A_177 : i32 to index
      %swap3A_179 = arith.index_cast %scan3A_163 : i32 to index
      %swap3A_180 = arith.constant 32 : index
      %swap3A_181 = tpu.vector_load %arg8[%swap3A_178, %swap3A_179, %swap3A_180] {strides = array<i32>} : memref<2x128x128xf32, #tpu.memory_space<vmem>>, vector<1x1x16xf32>,
      %swap3A_182 = vector.shape_cast %swap3A_181 : vector<1x1x16xf32> to vector<16xf32>
      %swap3A_183 = vector.shape_cast %broadcast_in_dim3A_0 : vector<16xf32> to vector<1x1x16xf32>
      tpu.vector_store %arg8[%swap3A_178, %swap3A_179, %swap3A_180], %swap3A_183 {strides = array<i32>} : memref<2x128x128xf32, #tpu.memory_space<vmem>>, vector<1x1x16xf32>,
      %swap3A_184 = arith.constant 0 : i32
      %swap3A_185 = arith.index_cast %swap3A_184 : i32 to index
      %swap3A_186 = arith.index_cast %scan3A_163 : i32 to index
      %swap3A_187 = arith.constant 48 : index
      %swap3A_188 = tpu.vector_load %arg8[%swap3A_185, %swap3A_186, %swap3A_187] {strides = array<i32>} : memref<2x128x128xf32, #tpu.memory_space<vmem>>, vector<1x1x16xf32>,
      %swap3A_189 = vector.shape_cast %swap3A_188 : vector<1x1x16xf32> to vector<16xf32>
      %swap3A_190 = vector.shape_cast %broadcast_in_dim3A_0 : vector<16xf32> to vector<1x1x16xf32>
      tpu.vector_store %arg8[%swap3A_185, %swap3A_186, %swap3A_187], %swap3A_190 {strides = array<i32>} : memref<2x128x128xf32, #tpu.memory_space<vmem>>, vector<1x1x16xf32>,
      %swap3A_191 = arith.constant 0 : i32
      %swap3A_192 = arith.index_cast %swap3A_191 : i32 to index
      %swap3A_193 = arith.index_cast %scan3A_163 : i32 to index
      %swap3A_194 = arith.constant 64 : index
      %swap3A_195 = tpu.vector_load %arg8[%swap3A_192, %swap3A_193, %swap3A_194] {strides = array<i32>} : memref<2x128x128xf32, #tpu.memory_space<vmem>>, vector<1x1x16xf32>,
      %swap3A_196 = vector.shape_cast %swap3A_195 : vector<1x1x16xf32> to vector<16xf32>
      %swap3A_197 = vector.shape_cast %broadcast_in_dim3A_0 : vector<16xf32> to vector<1x1x16xf32>
      tpu.vector_store %arg8[%swap3A_192, %swap3A_193, %swap3A_194], %swap3A_197 {strides = array<i32>} : memref<2x128x128xf32, #tpu.memory_space<vmem>>, vector<1x1x16xf32>,
      %swap3A_198 = arith.constant 0 : i32
      %swap3A_199 = arith.index_cast %swap3A_198 : i32 to index
      %swap3A_200 = arith.index_cast %scan3A_163 : i32 to index
      %swap3A_201 = arith.constant 80 : index
      %swap3A_202 = tpu.vector_load %arg8[%swap3A_199, %swap3A_200, %swap3A_201] {strides = array<i32>} : memref<2x128x128xf32, #tpu.memory_space<vmem>>, vector<1x1x16xf32>,
      %swap3A_203 = vector.shape_cast %swap3A_202 : vector<1x1x16xf32> to vector<16xf32>
      %swap3A_204 = vector.shape_cast %broadcast_in_dim3A_0 : vector<16xf32> to vector<1x1x16xf32>
      tpu.vector_store %arg8[%swap3A_199, %swap3A_200, %swap3A_201], %swap3A_204 {strides = array<i32>} : memref<2x128x128xf32, #tpu.memory_space<vmem>>, vector<1x1x16xf32>,
      %swap3A_205 = arith.constant 0 : i32
      %swap3A_206 = arith.index_cast %swap3A_205 : i32 to index
      %swap3A_207 = arith.index_cast %scan3A_163 : i32 to index
      %swap3A_208 = arith.constant 96 : index
      %swap3A_209 = tpu.vector_load %arg8[%swap3A_206, %swap3A_207, %swap3A_208] {strides = array<i32>} : memref<2x128x128xf32, #tpu.memory_space<vmem>>, vector<1x1x16xf32>,
      %swap3A_210 = vector.shape_cast %swap3A_209 : vector<1x1x16xf32> to vector<16xf32>
      %swap3A_211 = vector.shape_cast %broadcast_in_dim3A_0 : vector<16xf32> to vector<1x1x16xf32>
      tpu.vector_store %arg8[%swap3A_206, %swap3A_207, %swap3A_208], %swap3A_211 {strides = array<i32>} : memref<2x128x128xf32, #tpu.memory_space<vmem>>, vector<1x1x16xf32>,
      %swap3A_212 = arith.constant 0 : i32
      %swap3A_213 = arith.index_cast %swap3A_212 : i32 to index
      %swap3A_214 = arith.index_cast %scan3A_163 : i32 to index
      %swap3A_215 = arith.constant 112 : index
      %swap3A_216 = tpu.vector_load %arg8[%swap3A_213, %swap3A_214, %swap3A_215] {strides = array<i32>} : memref<2x128x128xf32, #tpu.memory_space<vmem>>, vector<1x1x16xf32>,
      %swap3A_217 = vector.shape_cast %swap3A_216 : vector<1x1x16xf32> to vector<16xf32>
      %swap3A_218 = vector.shape_cast %broadcast_in_dim3A_0 : vector<16xf32> to vector<1x1x16xf32>
      tpu.vector_store %arg8[%swap3A_213, %swap3A_214, %swap3A_215], %swap3A_218 {strides = array<i32>} : memref<2x128x128xf32, #tpu.memory_space<vmem>>, vector<1x1x16xf32>,
    }
    %scan3A_5 = arith.constant 128 : i32
    %mul3A = arith.constant 640 : i32
    %mul3A_6 = arith.muli %arg1, %mul3A : i32
    %add3A = arith.constant 0 : i32
    %add3A_7 = arith.addi %mul3A_6, %add3A : i32
    %dma_start3A = arith.constant 0 : i32
    %dma_start3A_8 = arith.constant 0 : i32
    %dma_start3A_9 = arith.constant 0 : i32
    %dma_start3A_10 = tpu.memref_slice %arg8[%dma_start3A, %dma_start3A_8, %dma_start3A_9] : memref<2x128x128xf32, #tpu.memory_space<vmem>> -> memref<1x128x128xf32, #tpu.memory_space<vmem>>
    %dma_start3A_11 = tpu.memref_squeeze %dma_start3A_10 : memref<1x128x128xf32, #tpu.memory_space<vmem>> -> memref<128x128xf32, #tpu.memory_space<vmem>>
    %dma_start3A_12 = arith.constant 0 : i32
    %dma_start3A_13 = tpu.memref_slice %arg13[%add3A_7, %dma_start3A_12] : memref<10240x128xf32, #tpu.memory_space<vmem_shared>> -> memref<128x128xf32, #tpu.memory_space<vmem_shared>>
    %dma_start3A_14 = arith.constant 0 : i32
    %dma_start3A_15 = tpu.memref_slice %arg13[%add3A_7, %dma_start3A_14] : memref<10240x128xf32, #tpu.memory_space<vmem_shared>> -> memref<128x128xf32, #tpu.memory_space<vmem_shared>>
    %dma_start3A_16 = arith.constant 0 : i32
    %dma_start3A_17 = arith.constant 0 : i32
    %dma_start3A_18 = tpu.memref_slice %arg8[%dma_start3A, %dma_start3A_16, %dma_start3A_17] : memref<2x128x128xf32, #tpu.memory_space<vmem>> -> memref<1x128x128xf32, #tpu.memory_space<vmem>>
    %dma_start3A_19 = tpu.memref_squeeze %dma_start3A_18 : memref<1x128x128xf32, #tpu.memory_space<vmem>> -> memref<128x128xf32, #tpu.memory_space<vmem>>
    tpu.enqueue_dma source(%dma_start3A_19 : memref<128x128xf32, #tpu.memory_space<vmem>>) target(%dma_start3A_15 : memref<128x128xf32, #tpu.memory_space<vmem_shared>>) target_semaphore(%arg9 : memref<!tpu.dma_semaphore, #tpu.memory_space<semaphore_mem>>)
    %mul3A_20 = arith.constant 640 : i32
    %mul3A_21 = arith.muli %arg1, %mul3A_20 : i32
    %add3A_22 = arith.constant 128 : i32
    %add3A_23 = arith.addi %mul3A_21, %add3A_22 : i32
    %dma_start3A_24 = arith.constant 0 : i32
    %dma_start3A_25 = arith.constant 0 : i32
    %dma_start3A_26 = arith.constant 0 : i32
    %dma_start3A_27 = tpu.memref_slice %arg8[%dma_start3A_24, %dma_start3A_25, %dma_start3A_26] : memref<2x128x128xf32, #tpu.memory_space<vmem>> -> memref<1x128x128xf32, #tpu.memory_space<vmem>>
    %dma_start3A_28 = tpu.memref_squeeze %dma_start3A_27 : memref<1x128x128xf32, #tpu.memory_space<vmem>> -> memref<128x128xf32, #tpu.memory_space<vmem>>
    %dma_start3A_29 = arith.constant 0 : i32
    %dma_start3A_30 = tpu.memref_slice %arg13[%add3A_23, %dma_start3A_29] : memref<10240x128xf32, #tpu.memory_space<vmem_shared>> -> memref<128x128xf32, #tpu.memory_space<vmem_shared>>
    %dma_start3A_31 = arith.constant 0 : i32
    %dma_start3A_32 = tpu.memref_slice %arg13[%add3A_23, %dma_start3A_31] : memref<10240x128xf32, #tpu.memory_space<vmem_shared>> -> memref<128x128xf32, #tpu.memory_space<vmem_shared>>
    %dma_start3A_33 = arith.constant 0 : i32
    %dma_start3A_34 = arith.constant 0 : i32
    %dma_start3A_35 = tpu.memref_slice %arg8[%dma_start3A_24, %dma_start3A_33, %dma_start3A_34] : memref<2x128x128xf32, #tpu.memory_space<vmem>> -> memref<1x128x128xf32, #tpu.memory_space<vmem>>
    %dma_start3A_36 = tpu.memref_squeeze %dma_start3A_35 : memref<1x128x128xf32, #tpu.memory_space<vmem>> -> memref<128x128xf32, #tpu.memory_space<vmem>>
    tpu.enqueue_dma source(%dma_start3A_36 : memref<128x128xf32, #tpu.memory_space<vmem>>) target(%dma_start3A_32 : memref<128x128xf32, #tpu.memory_space<vmem_shared>>) target_semaphore(%arg9 : memref<!tpu.dma_semaphore, #tpu.memory_space<semaphore_mem>>)
    %mul3A_37 = arith.constant 640 : i32
    %mul3A_38 = arith.muli %arg1, %mul3A_37 : i32
    %add3A_39 = arith.constant 256 : i32
    %add3A_40 = arith.addi %mul3A_38, %add3A_39 : i32
    %dma_start3A_41 = arith.constant 0 : i32
    %dma_start3A_42 = arith.constant 0 : i32
    %dma_start3A_43 = arith.constant 0 : i32
    %dma_start3A_44 = tpu.memref_slice %arg8[%dma_start3A_41, %dma_start3A_42, %dma_start3A_43] : memref<2x128x128xf32, #tpu.memory_space<vmem>> -> memref<1x128x128xf32, #tpu.memory_space<vmem>>
    %dma_start3A_45 = tpu.memref_squeeze %dma_start3A_44 : memref<1x128x128xf32, #tpu.memory_space<vmem>> -> memref<128x128xf32, #tpu.memory_space<vmem>>
    %dma_start3A_46 = arith.constant 0 : i32
    %dma_start3A_47 = tpu.memref_slice %arg13[%add3A_40, %dma_start3A_46] : memref<10240x128xf32, #tpu.memory_space<vmem_shared>> -> memref<128x128xf32, #tpu.memory_space<vmem_shared>>
    %dma_start3A_48 = arith.constant 0 : i32
    %dma_start3A_49 = tpu.memref_slice %arg13[%add3A_40, %dma_start3A_48] : memref<10240x128xf32, #tpu.memory_space<vmem_shared>> -> memref<128x128xf32, #tpu.memory_space<vmem_shared>>
    %dma_start3A_50 = arith.constant 0 : i32
    %dma_start3A_51 = arith.constant 0 : i32
    %dma_start3A_52 = tpu.memref_slice %arg8[%dma_start3A_41, %dma_start3A_50, %dma_start3A_51] : memref<2x128x128xf32, #tpu.memory_space<vmem>> -> memref<1x128x128xf32, #tpu.memory_space<vmem>>
    %dma_start3A_53 = tpu.memref_squeeze %dma_start3A_52 : memref<1x128x128xf32, #tpu.memory_space<vmem>> -> memref<128x128xf32, #tpu.memory_space<vmem>>
    tpu.enqueue_dma source(%dma_start3A_53 : memref<128x128xf32, #tpu.memory_space<vmem>>) target(%dma_start3A_49 : memref<128x128xf32, #tpu.memory_space<vmem_shared>>) target_semaphore(%arg9 : memref<!tpu.dma_semaphore, #tpu.memory_space<semaphore_mem>>)
    %mul3A_54 = arith.constant 640 : i32
    %mul3A_55 = arith.muli %arg1, %mul3A_54 : i32
    %add3A_56 = arith.constant 384 : i32
    %add3A_57 = arith.addi %mul3A_55, %add3A_56 : i32
    %dma_start3A_58 = arith.constant 0 : i32
    %dma_start3A_59 = arith.constant 0 : i32
    %dma_start3A_60 = arith.constant 0 : i32
    %dma_start3A_61 = tpu.memref_slice %arg8[%dma_start3A_58, %dma_start3A_59, %dma_start3A_60] : memref<2x128x128xf32, #tpu.memory_space<vmem>> -> memref<1x128x128xf32, #tpu.memory_space<vmem>>
    %dma_start3A_62 = tpu.memref_squeeze %dma_start3A_61 : memref<1x128x128xf32, #tpu.memory_space<vmem>> -> memref<128x128xf32, #tpu.memory_space<vmem>>
    %dma_start3A_63 = arith.constant 0 : i32
    %dma_start3A_64 = tpu.memref_slice %arg13[%add3A_57, %dma_start3A_63] : memref<10240x128xf32, #tpu.memory_space<vmem_shared>> -> memref<128x128xf32, #tpu.memory_space<vmem_shared>>
    %dma_start3A_65 = arith.constant 0 : i32
    %dma_start3A_66 = tpu.memref_slice %arg13[%add3A_57, %dma_start3A_65] : memref<10240x128xf32, #tpu.memory_space<vmem_shared>> -> memref<128x128xf32, #tpu.memory_space<vmem_shared>>
    %dma_start3A_67 = arith.constant 0 : i32
    %dma_start3A_68 = arith.constant 0 : i32
    %dma_start3A_69 = tpu.memref_slice %arg8[%dma_start3A_58, %dma_start3A_67, %dma_start3A_68] : memref<2x128x128xf32, #tpu.memory_space<vmem>> -> memref<1x128x128xf32, #tpu.memory_space<vmem>>
    %dma_start3A_70 = tpu.memref_squeeze %dma_start3A_69 : memref<1x128x128xf32, #tpu.memory_space<vmem>> -> memref<128x128xf32, #tpu.memory_space<vmem>>
    tpu.enqueue_dma source(%dma_start3A_70 : memref<128x128xf32, #tpu.memory_space<vmem>>) target(%dma_start3A_66 : memref<128x128xf32, #tpu.memory_space<vmem_shared>>) target_semaphore(%arg9 : memref<!tpu.dma_semaphore, #tpu.memory_space<semaphore_mem>>)
    %mul3A_71 = arith.constant 640 : i32
    %mul3A_72 = arith.muli %arg1, %mul3A_71 : i32
    %add3A_73 = arith.constant 512 : i32
    %add3A_74 = arith.addi %mul3A_72, %add3A_73 : i32
    %dma_start3A_75 = arith.constant 0 : i32
    %dma_start3A_76 = arith.constant 0 : i32
    %dma_start3A_77 = arith.constant 0 : i32
    %dma_start3A_78 = tpu.memref_slice %arg8[%dma_start3A_75, %dma_start3A_76, %dma_start3A_77] : memref<2x128x128xf32, #tpu.memory_space<vmem>> -> memref<1x128x128xf32, #tpu.memory_space<vmem>>
    %dma_start3A_79 = tpu.memref_squeeze %dma_start3A_78 : memref<1x128x128xf32, #tpu.memory_space<vmem>> -> memref<128x128xf32, #tpu.memory_space<vmem>>
    %dma_start3A_80 = arith.constant 0 : i32
    %dma_start3A_81 = tpu.memref_slice %arg13[%add3A_74, %dma_start3A_80] : memref<10240x128xf32, #tpu.memory_space<vmem_shared>> -> memref<128x128xf32, #tpu.memory_space<vmem_shared>>
    %dma_start3A_82 = arith.constant 0 : i32
    %dma_start3A_83 = tpu.memref_slice %arg13[%add3A_74, %dma_start3A_82] : memref<10240x128xf32, #tpu.memory_space<vmem_shared>> -> memref<128x128xf32, #tpu.memory_space<vmem_shared>>
    %dma_start3A_84 = arith.constant 0 : i32
    %dma_start3A_85 = arith.constant 0 : i32
    %dma_start3A_86 = tpu.memref_slice %arg8[%dma_start3A_75, %dma_start3A_84, %dma_start3A_85] : memref<2x128x128xf32, #tpu.memory_space<vmem>> -> memref<1x128x128xf32, #tpu.memory_space<vmem>>
    %dma_start3A_87 = tpu.memref_squeeze %dma_start3A_86 : memref<1x128x128xf32, #tpu.memory_space<vmem>> -> memref<128x128xf32, #tpu.memory_space<vmem>>
    tpu.enqueue_dma source(%dma_start3A_87 : memref<128x128xf32, #tpu.memory_space<vmem>>) target(%dma_start3A_83 : memref<128x128xf32, #tpu.memory_space<vmem_shared>>) target_semaphore(%arg9 : memref<!tpu.dma_semaphore, #tpu.memory_space<semaphore_mem>>)
    %dma_wait3A = arith.constant 0 : i32
    %dma_wait3A_88 = arith.constant 0 : i32
    %dma_wait3A_89 = arith.constant 0 : i32
    %dma_wait3A_90 = tpu.memref_slice %arg8[%dma_wait3A, %dma_wait3A_88, %dma_wait3A_89] : memref<2x128x128xf32, #tpu.memory_space<vmem>> -> memref<1x128x128xf32, #tpu.memory_space<vmem>>
    %dma_wait3A_91 = tpu.memref_squeeze %dma_wait3A_90 : memref<1x128x128xf32, #tpu.memory_space<vmem>> -> memref<128x128xf32, #tpu.memory_space<vmem>>
    %dma_wait3A_92 = arith.constant 0 : i32
    %dma_wait3A_93 = tpu.memref_slice %arg13[%add3A_7, %dma_wait3A_92] : memref<10240x128xf32, #tpu.memory_space<vmem_shared>> -> memref<128x128xf32, #tpu.memory_space<vmem_shared>>
    %dma_wait3A_94 = arith.constant 0 : i32
    %dma_wait3A_95 = tpu.memref_slice %arg13[%add3A_7, %dma_wait3A_94] : memref<10240x128xf32, #tpu.memory_space<vmem_shared>> -> memref<128x128xf32, #tpu.memory_space<vmem_shared>>
    %dma_wait3A_96 = arith.constant 0 : i32
    %dma_wait3A_97 = arith.constant 0 : i32
    %dma_wait3A_98 = tpu.memref_slice %arg8[%dma_wait3A, %dma_wait3A_96, %dma_wait3A_97] : memref<2x128x128xf32, #tpu.memory_space<vmem>> -> memref<1x128x128xf32, #tpu.memory_space<vmem>>
    %dma_wait3A_99 = tpu.memref_squeeze %dma_wait3A_98 : memref<1x128x128xf32, #tpu.memory_space<vmem>> -> memref<128x128xf32, #tpu.memory_space<vmem>>
    tpu.wait_dma2 semaphore(%arg9 : memref<!tpu.dma_semaphore, #tpu.memory_space<semaphore_mem>>) src(%dma_wait3A_99 : memref<128x128xf32, #tpu.memory_space<vmem>>) dst(%dma_wait3A_95 : memref<128x128xf32, #tpu.memory_space<vmem_shared>>)
    %dma_wait3A_100 = arith.constant 0 : i32
    %dma_wait3A_101 = arith.constant 0 : i32
    %dma_wait3A_102 = arith.constant 0 : i32
    %dma_wait3A_103 = tpu.memref_slice %arg8[%dma_wait3A_100, %dma_wait3A_101, %dma_wait3A_102] : memref<2x128x128xf32, #tpu.memory_space<vmem>> -> memref<1x128x128xf32, #tpu.memory_space<vmem>>
    %dma_wait3A_104 = tpu.memref_squeeze %dma_wait3A_103 : memref<1x128x128xf32, #tpu.memory_space<vmem>> -> memref<128x128xf32, #tpu.memory_space<vmem>>
    %dma_wait3A_105 = arith.constant 0 : i32
    %dma_wait3A_106 = tpu.memref_slice %arg13[%add3A_23, %dma_wait3A_105] : memref<10240x128xf32, #tpu.memory_space<vmem_shared>> -> memref<128x128xf32, #tpu.memory_space<vmem_shared>>
    %dma_wait3A_107 = arith.constant 0 : i32
    %dma_wait3A_108 = tpu.memref_slice %arg13[%add3A_23, %dma_wait3A_107] : memref<10240x128xf32, #tpu.memory_space<vmem_shared>> -> memref<128x128xf32, #tpu.memory_space<vmem_shared>>
    %dma_wait3A_109 = arith.constant 0 : i32
    %dma_wait3A_110 = arith.constant 0 : i32
    %dma_wait3A_111 = tpu.memref_slice %arg8[%dma_wait3A_100, %dma_wait3A_109, %dma_wait3A_110] : memref<2x128x128xf32, #tpu.memory_space<vmem>> -> memref<1x128x128xf32, #tpu.memory_space<vmem>>
    %dma_wait3A_112 = tpu.memref_squeeze %dma_wait3A_111 : memref<1x128x128xf32, #tpu.memory_space<vmem>> -> memref<128x128xf32, #tpu.memory_space<vmem>>
    tpu.wait_dma2 semaphore(%arg9 : memref<!tpu.dma_semaphore, #tpu.memory_space<semaphore_mem>>) src(%dma_wait3A_112 : memref<128x128xf32, #tpu.memory_space<vmem>>) dst(%dma_wait3A_108 : memref<128x128xf32, #tpu.memory_space<vmem_shared>>)
    %dma_wait3A_113 = arith.constant 0 : i32
    %dma_wait3A_114 = arith.constant 0 : i32
    %dma_wait3A_115 = arith.constant 0 : i32
    %dma_wait3A_116 = tpu.memref_slice %arg8[%dma_wait3A_113, %dma_wait3A_114, %dma_wait3A_115] : memref<2x128x128xf32, #tpu.memory_space<vmem>> -> memref<1x128x128xf32, #tpu.memory_space<vmem>>
    %dma_wait3A_117 = tpu.memref_squeeze %dma_wait3A_116 : memref<1x128x128xf32, #tpu.memory_space<vmem>> -> memref<128x128xf32, #tpu.memory_space<vmem>>
    %dma_wait3A_118 = arith.constant 0 : i32
    %dma_wait3A_119 = tpu.memref_slice %arg13[%add3A_40, %dma_wait3A_118] : memref<10240x128xf32, #tpu.memory_space<vmem_shared>> -> memref<128x128xf32, #tpu.memory_space<vmem_shared>>
    %dma_wait3A_120 = arith.constant 0 : i32
    %dma_wait3A_121 = tpu.memref_slice %arg13[%add3A_40, %dma_wait3A_120] : memref<10240x128xf32, #tpu.memory_space<vmem_shared>> -> memref<128x128xf32, #tpu.memory_space<vmem_shared>>
    %dma_wait3A_122 = arith.constant 0 : i32
    %dma_wait3A_123 = arith.constant 0 : i32
    %dma_wait3A_124 = tpu.memref_slice %arg8[%dma_wait3A_113, %dma_wait3A_122, %dma_wait3A_123] : memref<2x128x128xf32, #tpu.memory_space<vmem>> -> memref<1x128x128xf32, #tpu.memory_space<vmem>>
    %dma_wait3A_125 = tpu.memref_squeeze %dma_wait3A_124 : memref<1x128x128xf32, #tpu.memory_space<vmem>> -> memref<128x128xf32, #tpu.memory_space<vmem>>
    tpu.wait_dma2 semaphore(%arg9 : memref<!tpu.dma_semaphore, #tpu.memory_space<semaphore_mem>>) src(%dma_wait3A_125 : memref<128x128xf32, #tpu.memory_space<vmem>>) dst(%dma_wait3A_121 : memref<128x128xf32, #tpu.memory_space<vmem_shared>>)
    %dma_wait3A_126 = arith.constant 0 : i32
    %dma_wait3A_127 = arith.constant 0 : i32
    %dma_wait3A_128 = arith.constant 0 : i32
    %dma_wait3A_129 = tpu.memref_slice %arg8[%dma_wait3A_126, %dma_wait3A_127, %dma_wait3A_128] : memref<2x128x128xf32, #tpu.memory_space<vmem>> -> memref<1x128x128xf32, #tpu.memory_space<vmem>>
    %dma_wait3A_130 = tpu.memref_squeeze %dma_wait3A_129 : memref<1x128x128xf32, #tpu.memory_space<vmem>> -> memref<128x128xf32, #tpu.memory_space<vmem>>
    %dma_wait3A_131 = arith.constant 0 : i32
    %dma_wait3A_132 = tpu.memref_slice %arg13[%add3A_57, %dma_wait3A_131] : memref<10240x128xf32, #tpu.memory_space<vmem_shared>> -> memref<128x128xf32, #tpu.memory_space<vmem_shared>>
    %dma_wait3A_133 = arith.constant 0 : i32
    %dma_wait3A_134 = tpu.memref_slice %arg13[%add3A_57, %dma_wait3A_133] : memref<10240x128xf32, #tpu.memory_space<vmem_shared>> -> memref<128x128xf32, #tpu.memory_space<vmem_shared>>
    %dma_wait3A_135 = arith.constant 0 : i32
    %dma_wait3A_136 = arith.constant 0 : i32
    %dma_wait3A_137 = tpu.memref_slice %arg8[%dma_wait3A_126, %dma_wait3A_135, %dma_wait3A_136] : memref<2x128x128xf32, #tpu.memory_space<vmem>> -> memref<1x128x128xf32, #tpu.memory_space<vmem>>
    %dma_wait3A_138 = tpu.memref_squeeze %dma_wait3A_137 : memref<1x128x128xf32, #tpu.memory_space<vmem>> -> memref<128x128xf32, #tpu.memory_space<vmem>>
    tpu.wait_dma2 semaphore(%arg9 : memref<!tpu.dma_semaphore, #tpu.memory_space<semaphore_mem>>) src(%dma_wait3A_138 : memref<128x128xf32, #tpu.memory_space<vmem>>) dst(%dma_wait3A_134 : memref<128x128xf32, #tpu.memory_space<vmem_shared>>)
    %dma_wait3A_139 = arith.constant 0 : i32
    %dma_wait3A_140 = arith.constant 0 : i32
    %dma_wait3A_141 = arith.constant 0 : i32
    %dma_wait3A_142 = tpu.memref_slice %arg8[%dma_wait3A_139, %dma_wait3A_140, %dma_wait3A_141] : memref<2x128x128xf32, #tpu.memory_space<vmem>> -> memref<1x128x128xf32, #tpu.memory_space<vmem>>
    %dma_wait3A_143 = tpu.memref_squeeze %dma_wait3A_142 : memref<1x128x128xf32, #tpu.memory_space<vmem>> -> memref<128x128xf32, #tpu.memory_space<vmem>>
    %dma_wait3A_144 = arith.constant 0 : i32
    %dma_wait3A_145 = tpu.memref_slice %arg13[%add3A_74, %dma_wait3A_144] : memref<10240x128xf32, #tpu.memory_space<vmem_shared>> -> memref<128x128xf32, #tpu.memory_space<vmem_shared>>
    %dma_wait3A_146 = arith.constant 0 : i32
    %dma_wait3A_147 = tpu.memref_slice %arg13[%add3A_74, %dma_wait3A_146] : memref<10240x128xf32, #tpu.memory_space<vmem_shared>> -> memref<128x128xf32, #tpu.memory_space<vmem_shared>>
    %dma_wait3A_148 = arith.constant 0 : i32
    %dma_wait3A_149 = arith.constant 0 : i32
    %dma_wait3A_150 = tpu.memref_slice %arg8[%dma_wait3A_139, %dma_wait3A_148, %dma_wait3A_149] : memref<2x128x128xf32, #tpu.memory_space<vmem>> -> memref<1x128x128xf32, #tpu.memory_space<vmem>>
    %dma_wait3A_151 = tpu.memref_squeeze %dma_wait3A_150 : memref<1x128x128xf32, #tpu.memory_space<vmem>> -> memref<128x128xf32, #tpu.memory_space<vmem>>
    tpu.wait_dma2 semaphore(%arg9 : memref<!tpu.dma_semaphore, #tpu.memory_space<semaphore_mem>>) src(%dma_wait3A_151 : memref<128x128xf32, #tpu.memory_space<vmem>>) dst(%dma_wait3A_147 : memref<128x128xf32, #tpu.memory_space<vmem_shared>>)
    %barrier3A = arith.constant 0 : index
    tpu.barrier barrier_id(%barrier3A)
    %scan3A_152 = arith.constant 0 : i32
    %scan3A_153 = arith.constant 0 : i32
    %scan3A_154 = arith.constant 10 : i32
    %scan3A_155 = arith.addi %scan3A_153, %scan3A_154 : i32
    %scan3A_156 = arith.constant 1 : i32
    scf.for %scan3A_163 = %scan3A_153 to %scan3A_155 step %scan3A_156  : i32 {
      %mul3A_164 = arith.constant 8 : i32
      %mul3A_165 = arith.muli %scan3A_163, %mul3A_164 : i32
      "tpu.region"() ({
        %run_scoped3A = tpu.sem_alloc : memref<!tpu.dma_semaphore, #tpu.memory_space<semaphore_mem>>
        %dma_start3A_552 = arith.constant 0 : i32
        %dma_start3A_553 = tpu.memref_slice %arg3[%arg0, %arg1, %mul3A_165, %dma_start3A_552] : memref<2x16x80x128xi32, #tpu.memory_space<hbm>> -> memref<1x1x8x128xi32, #tpu.memory_space<hbm>>
        %dma_start3A_554 = tpu.memref_squeeze %dma_start3A_553 : memref<1x1x8x128xi32, #tpu.memory_space<hbm>> -> memref<8x128xi32, #tpu.memory_space<hbm>>
        %dma_start3A_555 = arith.constant 0 : i32
        %dma_start3A_556 = tpu.memref_slice %arg3[%arg0, %arg1, %mul3A_165, %dma_start3A_555] : memref<2x16x80x128xi32, #tpu.memory_space<hbm>> -> memref<1x1x8x128xi32, #tpu.memory_space<hbm>>
        %dma_start3A_557 = tpu.memref_squeeze %dma_start3A_556 : memref<1x1x8x128xi32, #tpu.memory_space<hbm>> -> memref<8x128xi32, #tpu.memory_space<hbm>>
        tpu.enqueue_dma source(%dma_start3A_557 : memref<8x128xi32, #tpu.memory_space<hbm>>) target(%arg6 : memref<8x128xi32, #tpu.memory_space<vmem>>) target_semaphore(%run_scoped3A : memref<!tpu.dma_semaphore, #tpu.memory_space<semaphore_mem>>)
        %dma_wait3A_558 = arith.constant 0 : i32
        %dma_wait3A_559 = tpu.memref_slice %arg3[%arg0, %arg1, %mul3A_165, %dma_wait3A_558] : memref<2x16x80x128xi32, #tpu.memory_space<hbm>> -> memref<1x1x8x128xi32, #tpu.memory_space<hbm>>
        %dma_wait3A_560 = tpu.memref_squeeze %dma_wait3A_559 : memref<1x1x8x128xi32, #tpu.memory_space<hbm>> -> memref<8x128xi32, #tpu.memory_space<hbm>>
        %dma_wait3A_561 = arith.constant 0 : i32
        %dma_wait3A_562 = tpu.memref_slice %arg3[%arg0, %arg1, %mul3A_165, %dma_wait3A_561] : memref<2x16x80x128xi32, #tpu.memory_space<hbm>> -> memref<1x1x8x128xi32, #tpu.memory_space<hbm>>
        %dma_wait3A_563 = tpu.memref_squeeze %dma_wait3A_562 : memref<1x1x8x128xi32, #tpu.memory_space<hbm>> -> memref<8x128xi32, #tpu.memory_space<hbm>>
        tpu.wait_dma2 semaphore(%run_scoped3A : memref<!tpu.dma_semaphore, #tpu.memory_space<semaphore_mem>>) src(%dma_wait3A_563 : memref<8x128xi32, #tpu.memory_space<hbm>>) dst(%arg6 : memref<8x128xi32, #tpu.memory_space<vmem>>)
        tpu.yield
      }) : () -> ()
      %mul3A_166 = arith.constant 8 : i32
      %mul3A_167 = arith.muli %scan3A_163, %mul3A_166 : i32
      "tpu.region"() ({
        %run_scoped3A = tpu.sem_alloc : memref<!tpu.dma_semaphore, #tpu.memory_space<semaphore_mem>>
        %dma_start3A_552 = arith.constant 0 : i32
        %dma_start3A_553 = tpu.memref_slice %arg4[%arg0, %arg1, %mul3A_167, %dma_start3A_552] : memref<2x16x80x128xi32, #tpu.memory_space<hbm>> -> memref<1x1x8x128xi32, #tpu.memory_space<hbm>>
        %dma_start3A_554 = tpu.memref_squeeze %dma_start3A_553 : memref<1x1x8x128xi32, #tpu.memory_space<hbm>> -> memref<8x128xi32, #tpu.memory_space<hbm>>
        %dma_start3A_555 = arith.constant 0 : i32
        %dma_start3A_556 = tpu.memref_slice %arg4[%arg0, %arg1, %mul3A_167, %dma_start3A_555] : memref<2x16x80x128xi32, #tpu.memory_space<hbm>> -> memref<1x1x8x128xi32, #tpu.memory_space<hbm>>
        %dma_start3A_557 = tpu.memref_squeeze %dma_start3A_556 : memref<1x1x8x128xi32, #tpu.memory_space<hbm>> -> memref<8x128xi32, #tpu.memory_space<hbm>>
        tpu.enqueue_dma source(%dma_start3A_557 : memref<8x128xi32, #tpu.memory_space<hbm>>) target(%arg7 : memref<8x128xi32, #tpu.memory_space<vmem>>) target_semaphore(%run_scoped3A : memref<!tpu.dma_semaphore, #tpu.memory_space<semaphore_mem>>)
        %dma_wait3A_558 = arith.constant 0 : i32
        %dma_wait3A_559 = tpu.memref_slice %arg4[%arg0, %arg1, %mul3A_167, %dma_wait3A_558] : memref<2x16x80x128xi32, #tpu.memory_space<hbm>> -> memref<1x1x8x128xi32, #tpu.memory_space<hbm>>
        %dma_wait3A_560 = tpu.memref_squeeze %dma_wait3A_559 : memref<1x1x8x128xi32, #tpu.memory_space<hbm>> -> memref<8x128xi32, #tpu.memory_space<hbm>>
        %dma_wait3A_561 = arith.constant 0 : i32
        %dma_wait3A_562 = tpu.memref_slice %arg4[%arg0, %arg1, %mul3A_167, %dma_wait3A_561] : memref<2x16x80x128xi32, #tpu.memory_space<hbm>> -> memref<1x1x8x128xi32, #tpu.memory_space<hbm>>
        %dma_wait3A_563 = tpu.memref_squeeze %dma_wait3A_562 : memref<1x1x8x128xi32, #tpu.memory_space<hbm>> -> memref<8x128xi32, #tpu.memory_space<hbm>>
        tpu.wait_dma2 semaphore(%run_scoped3A : memref<!tpu.dma_semaphore, #tpu.memory_space<semaphore_mem>>) src(%dma_wait3A_563 : memref<8x128xi32, #tpu.memory_space<hbm>>) dst(%arg7 : memref<8x128xi32, #tpu.memory_space<vmem>>)
        tpu.yield
      }) : () -> ()
      %dma_start3A_168 = arith.constant 0 : i32
      %dma_start3A_169 = arith.constant 0 : i32
      %dma_start3A_170 = arith.constant 0 : i32
      %dma_start3A_171 = arith.constant 0 : i32
      %dma_start3A_172 = tpu.memref_slice %arg8[%dma_start3A_169, %dma_start3A_170, %dma_start3A_171] : memref<2x128x128xf32, #tpu.memory_space<vmem>> -> memref<1x128x128xf32, #tpu.memory_space<vmem>>
      %dma_start3A_173 = tpu.memref_squeeze %dma_start3A_172 : memref<1x128x128xf32, #tpu.memory_space<vmem>> -> memref<128x128xf32, #tpu.memory_space<vmem>>
      %dma_start3A_174 = arith.constant 0 : i32
      %dma_start3A_175 = tpu.memref_slice %arg6[%dma_start3A_168, %dma_start3A_174] : memref<8x128xi32, #tpu.memory_space<vmem>> -> memref<1x128xi32, #tpu.memory_space<vmem>>
      %dma_start3A_176 = tpu.memref_squeeze %dma_start3A_175 : memref<1x128xi32, #tpu.memory_space<vmem>> -> memref<128xi32, #tpu.memory_space<vmem>>
      %dma_start3A_177 = arith.constant 0 : i32
      %dma_start3A_178 = arith.constant 0 : i32
      %dma_start3A_179 = tpu.memref_slice %arg2[%dma_start3A_177, %dma_start3A_178] : memref<10000x128xf32, #tpu.memory_space<hbm>> -> memref<10000x128xf32, #tpu.memory_space<hbm>>
      tpu.enqueue_indirect_dma source(%dma_start3A_179 : memref<10000x128xf32, #tpu.memory_space<hbm>>) target(%dma_start3A_173 : memref<128x128xf32, #tpu.memory_space<vmem>>) offsets(%dma_start3A_176 : memref<128xi32, #tpu.memory_space<vmem>>) semaphore(%arg9 : memref<!tpu.dma_semaphore, #tpu.memory_space<semaphore_mem>>)
      %dma_start3A_180 = arith.constant 1 : i32
      %dma_start3A_181 = arith.constant 1 : i32
      %dma_start3A_182 = arith.constant 0 : i32
      %dma_start3A_183 = arith.constant 0 : i32
      %dma_start3A_184 = tpu.memref_slice %arg8[%dma_start3A_181, %dma_start3A_182, %dma_start3A_183] : memref<2x128x128xf32, #tpu.memory_space<vmem>> -> memref<1x128x128xf32, #tpu.memory_space<vmem>>
      %dma_start3A_185 = tpu.memref_squeeze %dma_start3A_184 : memref<1x128x128xf32, #tpu.memory_space<vmem>> -> memref<128x128xf32, #tpu.memory_space<vmem>>
      %dma_start3A_186 = arith.constant 0 : i32
      %dma_start3A_187 = tpu.memref_slice %arg6[%dma_start3A_180, %dma_start3A_186] : memref<8x128xi32, #tpu.memory_space<vmem>> -> memref<1x128xi32, #tpu.memory_space<vmem>>
      %dma_start3A_188 = tpu.memref_squeeze %dma_start3A_187 : memref<1x128xi32, #tpu.memory_space<vmem>> -> memref<128xi32, #tpu.memory_space<vmem>>
      %dma_start3A_189 = arith.constant 0 : i32
      %dma_start3A_190 = arith.constant 0 : i32
      %dma_start3A_191 = tpu.memref_slice %arg2[%dma_start3A_189, %dma_start3A_190] : memref<10000x128xf32, #tpu.memory_space<hbm>> -> memref<10000x128xf32, #tpu.memory_space<hbm>>
      tpu.enqueue_indirect_dma source(%dma_start3A_191 : memref<10000x128xf32, #tpu.memory_space<hbm>>) target(%dma_start3A_185 : memref<128x128xf32, #tpu.memory_space<vmem>>) offsets(%dma_start3A_188 : memref<128xi32, #tpu.memory_space<vmem>>) semaphore(%arg10 : memref<!tpu.dma_semaphore, #tpu.memory_space<semaphore_mem>>)
      %dma_wait3A_192 = arith.constant 0 : i32
      %dma_wait3A_193 = arith.constant 0 : i32
      %dma_wait3A_194 = arith.constant 0 : i32
      %dma_wait3A_195 = arith.constant 0 : i32
      %dma_wait3A_196 = tpu.memref_slice %arg8[%dma_wait3A_193, %dma_wait3A_194, %dma_wait3A_195] : memref<2x128x128xf32, #tpu.memory_space<vmem>> -> memref<1x128x128xf32, #tpu.memory_space<vmem>>
      %dma_wait3A_197 = tpu.memref_squeeze %dma_wait3A_196 : memref<1x128x128xf32, #tpu.memory_space<vmem>> -> memref<128x128xf32, #tpu.memory_space<vmem>>
      %dma_wait3A_198 = arith.constant 0 : i32
      %dma_wait3A_199 = tpu.memref_slice %arg6[%dma_wait3A_192, %dma_wait3A_198] : memref<8x128xi32, #tpu.memory_space<vmem>> -> memref<1x128xi32, #tpu.memory_space<vmem>>
      %dma_wait3A_200 = tpu.memref_squeeze %dma_wait3A_199 : memref<1x128xi32, #tpu.memory_space<vmem>> -> memref<128xi32, #tpu.memory_space<vmem>>
      %dma_wait3A_201 = arith.constant 0 : i32
      %dma_wait3A_202 = arith.constant 0 : i32
      %dma_wait3A_203 = tpu.memref_slice %arg2[%dma_wait3A_201, %dma_wait3A_202] : memref<10000x128xf32, #tpu.memory_space<hbm>> -> memref<10000x128xf32, #tpu.memory_space<hbm>>
      tpu.wait_indirect_dma semaphore(%arg9 : memref<!tpu.dma_semaphore, #tpu.memory_space<semaphore_mem>>) src(%dma_wait3A_203 : memref<10000x128xf32, #tpu.memory_space<hbm>>) dst(%dma_wait3A_197 : memref<128x128xf32, #tpu.memory_space<vmem>>)
      %dma_start3A_204 = arith.constant 0 : i32
      %dma_start3A_205 = arith.constant 0 : i32
      %dma_start3A_206 = arith.constant 0 : i32
      %dma_start3A_207 = arith.constant 0 : i32
      %dma_start3A_208 = tpu.memref_slice %arg8[%dma_start3A_204, %dma_start3A_206, %dma_start3A_207] : memref<2x128x128xf32, #tpu.memory_space<vmem>> -> memref<1x128x128xf32, #tpu.memory_space<vmem>>
      %dma_start3A_209 = tpu.memref_squeeze %dma_start3A_208 : memref<1x128x128xf32, #tpu.memory_space<vmem>> -> memref<128x128xf32, #tpu.memory_space<vmem>>
      %dma_start3A_210 = arith.constant 0 : i32
      %dma_start3A_211 = tpu.memref_slice %arg7[%dma_start3A_205, %dma_start3A_210] : memref<8x128xi32, #tpu.memory_space<vmem>> -> memref<1x128xi32, #tpu.memory_space<vmem>>
      %dma_start3A_212 = tpu.memref_squeeze %dma_start3A_211 : memref<1x128xi32, #tpu.memory_space<vmem>> -> memref<128xi32, #tpu.memory_space<vmem>>
      %dma_start3A_213 = arith.constant 0 : i32
      %dma_start3A_214 = arith.constant 0 : i32
      %dma_start3A_215 = tpu.memref_slice %arg13[%dma_start3A_213, %dma_start3A_214] : memref<10240x128xf32, #tpu.memory_space<vmem_shared>> -> memref<10240x128xf32, #tpu.memory_space<vmem_shared>>
      tpu.enqueue_indirect_dma source(%dma_start3A_209 : memref<128x128xf32, #tpu.memory_space<vmem>>) target(%dma_start3A_215 : memref<10240x128xf32, #tpu.memory_space<vmem_shared>>) offsets(%dma_start3A_212 : memref<128xi32, #tpu.memory_space<vmem>>) semaphore(%arg11 : memref<!tpu.dma_semaphore, #tpu.memory_space<semaphore_mem>>) {add = true}
      %dma_wait3A_216 = arith.constant 0 : i32
      %dma_wait3A_217 = arith.constant 0 : i32
      %dma_wait3A_218 = arith.constant 0 : i32
      %dma_wait3A_219 = arith.constant 0 : i32
      %dma_wait3A_220 = tpu.memref_slice %arg8[%dma_wait3A_216, %dma_wait3A_218, %dma_wait3A_219] : memref<2x128x128xf32, #tpu.memory_space<vmem>> -> memref<1x128x128xf32, #tpu.memory_space<vmem>>
      %dma_wait3A_221 = tpu.memref_squeeze %dma_wait3A_220 : memref<1x128x128xf32, #tpu.memory_space<vmem>> -> memref<128x128xf32, #tpu.memory_space<vmem>>
      %dma_wait3A_222 = arith.constant 0 : i32
      %dma_wait3A_223 = tpu.memref_slice %arg7[%dma_wait3A_217, %dma_wait3A_222] : memref<8x128xi32, #tpu.memory_space<vmem>> -> memref<1x128xi32, #tpu.memory_space<vmem>>
      %dma_wait3A_224 = tpu.memref_squeeze %dma_wait3A_223 : memref<1x128xi32, #tpu.memory_space<vmem>> -> memref<128xi32, #tpu.memory_space<vmem>>
      %dma_wait3A_225 = arith.constant 0 : i32
      %dma_wait3A_226 = arith.constant 0 : i32
      %dma_wait3A_227 = tpu.memref_slice %arg13[%dma_wait3A_225, %dma_wait3A_226] : memref<10240x128xf32, #tpu.memory_space<vmem_shared>> -> memref<10240x128xf32, #tpu.memory_space<vmem_shared>>
      tpu.wait_indirect_dma semaphore(%arg11 : memref<!tpu.dma_semaphore, #tpu.memory_space<semaphore_mem>>) src(%dma_wait3A_221 : memref<128x128xf32, #tpu.memory_space<vmem>>) dst(%dma_wait3A_227 : memref<10240x128xf32, #tpu.memory_space<vmem_shared>>)
      %dma_start3A_228 = arith.constant 2 : i32
      %dma_start3A_229 = arith.constant 0 : i32
      %dma_start3A_230 = arith.constant 0 : i32
      %dma_start3A_231 = arith.constant 0 : i32
      %dma_start3A_232 = tpu.memref_slice %arg8[%dma_start3A_229, %dma_start3A_230, %dma_start3A_231] : memref<2x128x128xf32, #tpu.memory_space<vmem>> -> memref<1x128x128xf32, #tpu.memory_space<vmem>>
      %dma_start3A_233 = tpu.memref_squeeze %dma_start3A_232 : memref<1x128x128xf32, #tpu.memory_space<vmem>> -> memref<128x128xf32, #tpu.memory_space<vmem>>
      %dma_start3A_234 = arith.constant 0 : i32
      %dma_start3A_235 = tpu.memref_slice %arg6[%dma_start3A_228, %dma_start3A_234] : memref<8x128xi32, #tpu.memory_space<vmem>> -> memref<1x128xi32, #tpu.memory_space<vmem>>
      %dma_start3A_236 = tpu.memref_squeeze %dma_start3A_235 : memref<1x128xi32, #tpu.memory_space<vmem>> -> memref<128xi32, #tpu.memory_space<vmem>>
      %dma_start3A_237 = arith.constant 0 : i32
      %dma_start3A_238 = arith.constant 0 : i32
      %dma_start3A_239 = tpu.memref_slice %arg2[%dma_start3A_237, %dma_start3A_238] : memref<10000x128xf32, #tpu.memory_space<hbm>> -> memref<10000x128xf32, #tpu.memory_space<hbm>>
      tpu.enqueue_indirect_dma source(%dma_start3A_239 : memref<10000x128xf32, #tpu.memory_space<hbm>>) target(%dma_start3A_233 : memref<128x128xf32, #tpu.memory_space<vmem>>) offsets(%dma_start3A_236 : memref<128xi32, #tpu.memory_space<vmem>>) semaphore(%arg9 : memref<!tpu.dma_semaphore, #tpu.memory_space<semaphore_mem>>)
      %dma_wait3A_240 = arith.constant 1 : i32
      %dma_wait3A_241 = arith.constant 1 : i32
      %dma_wait3A_242 = arith.constant 0 : i32
      %dma_wait3A_243 = arith.constant 0 : i32
      %dma_wait3A_244 = tpu.memref_slice %arg8[%dma_wait3A_241, %dma_wait3A_242, %dma_wait3A_243] : memref<2x128x128xf32, #tpu.memory_space<vmem>> -> memref<1x128x128xf32, #tpu.memory_space<vmem>>
      %dma_wait3A_245 = tpu.memref_squeeze %dma_wait3A_244 : memref<1x128x128xf32, #tpu.memory_space<vmem>> -> memref<128x128xf32, #tpu.memory_space<vmem>>
      %dma_wait3A_246 = arith.constant 0 : i32
      %dma_wait3A_247 = tpu.memref_slice %arg6[%dma_wait3A_240, %dma_wait3A_246] : memref<8x128xi32, #tpu.memory_space<vmem>> -> memref<1x128xi32, #tpu.memory_space<vmem>>
      %dma_wait3A_248 = tpu.memref_squeeze %dma_wait3A_247 : memref<1x128xi32, #tpu.memory_space<vmem>> -> memref<128xi32, #tpu.memory_space<vmem>>
      %dma_wait3A_249 = arith.constant 0 : i32
      %dma_wait3A_250 = arith.constant 0 : i32
      %dma_wait3A_251 = tpu.memref_slice %arg2[%dma_wait3A_249, %dma_wait3A_250] : memref<10000x128xf32, #tpu.memory_space<hbm>> -> memref<10000x128xf32, #tpu.memory_space<hbm>>
      tpu.wait_indirect_dma semaphore(%arg10 : memref<!tpu.dma_semaphore, #tpu.memory_space<semaphore_mem>>) src(%dma_wait3A_251 : memref<10000x128xf32, #tpu.memory_space<hbm>>) dst(%dma_wait3A_245 : memref<128x128xf32, #tpu.memory_space<vmem>>)
      %dma_start3A_252 = arith.constant 1 : i32
      %dma_start3A_253 = arith.constant 1 : i32
      %dma_start3A_254 = arith.constant 0 : i32
      %dma_start3A_255 = arith.constant 0 : i32
      %dma_start3A_256 = tpu.memref_slice %arg8[%dma_start3A_252, %dma_start3A_254, %dma_start3A_255] : memref<2x128x128xf32, #tpu.memory_space<vmem>> -> memref<1x128x128xf32, #tpu.memory_space<vmem>>
      %dma_start3A_257 = tpu.memref_squeeze %dma_start3A_256 : memref<1x128x128xf32, #tpu.memory_space<vmem>> -> memref<128x128xf32, #tpu.memory_space<vmem>>
      %dma_start3A_258 = arith.constant 0 : i32
      %dma_start3A_259 = tpu.memref_slice %arg7[%dma_start3A_253, %dma_start3A_258] : memref<8x128xi32, #tpu.memory_space<vmem>> -> memref<1x128xi32, #tpu.memory_space<vmem>>
      %dma_start3A_260 = tpu.memref_squeeze %dma_start3A_259 : memref<1x128xi32, #tpu.memory_space<vmem>> -> memref<128xi32, #tpu.memory_space<vmem>>
      %dma_start3A_261 = arith.constant 0 : i32
      %dma_start3A_262 = arith.constant 0 : i32
      %dma_start3A_263 = tpu.memref_slice %arg13[%dma_start3A_261, %dma_start3A_262] : memref<10240x128xf32, #tpu.memory_space<vmem_shared>> -> memref<10240x128xf32, #tpu.memory_space<vmem_shared>>
      tpu.enqueue_indirect_dma source(%dma_start3A_257 : memref<128x128xf32, #tpu.memory_space<vmem>>) target(%dma_start3A_263 : memref<10240x128xf32, #tpu.memory_space<vmem_shared>>) offsets(%dma_start3A_260 : memref<128xi32, #tpu.memory_space<vmem>>) semaphore(%arg12 : memref<!tpu.dma_semaphore, #tpu.memory_space<semaphore_mem>>) {add = true}
      %dma_wait3A_264 = arith.constant 1 : i32
      %dma_wait3A_265 = arith.constant 1 : i32
      %dma_wait3A_266 = arith.constant 0 : i32
      %dma_wait3A_267 = arith.constant 0 : i32
      %dma_wait3A_268 = tpu.memref_slice %arg8[%dma_wait3A_264, %dma_wait3A_266, %dma_wait3A_267] : memref<2x128x128xf32, #tpu.memory_space<vmem>> -> memref<1x128x128xf32, #tpu.memory_space<vmem>>
      %dma_wait3A_269 = tpu.memref_squeeze %dma_wait3A_268 : memref<1x128x128xf32, #tpu.memory_space<vmem>> -> memref<128x128xf32, #tpu.memory_space<vmem>>
      %dma_wait3A_270 = arith.constant 0 : i32
      %dma_wait3A_271 = tpu.memref_slice %arg7[%dma_wait3A_265, %dma_wait3A_270] : memref<8x128xi32, #tpu.memory_space<vmem>> -> memref<1x128xi32, #tpu.memory_space<vmem>>
      %dma_wait3A_272 = tpu.memref_squeeze %dma_wait3A_271 : memref<1x128xi32, #tpu.memory_space<vmem>> -> memref<128xi32, #tpu.memory_space<vmem>>
      %dma_wait3A_273 = arith.constant 0 : i32
      %dma_wait3A_274 = arith.constant 0 : i32
      %dma_wait3A_275 = tpu.memref_slice %arg13[%dma_wait3A_273, %dma_wait3A_274] : memref<10240x128xf32, #tpu.memory_space<vmem_shared>> -> memref<10240x128xf32, #tpu.memory_space<vmem_shared>>
      tpu.wait_indirect_dma semaphore(%arg12 : memref<!tpu.dma_semaphore, #tpu.memory_space<semaphore_mem>>) src(%dma_wait3A_269 : memref<128x128xf32, #tpu.memory_space<vmem>>) dst(%dma_wait3A_275 : memref<10240x128xf32, #tpu.memory_space<vmem_shared>>)
      %dma_start3A_276 = arith.constant 3 : i32
      %dma_start3A_277 = arith.constant 1 : i32
      %dma_start3A_278 = arith.constant 0 : i32
      %dma_start3A_279 = arith.constant 0 : i32
      %dma_start3A_280 = tpu.memref_slice %arg8[%dma_start3A_277, %dma_start3A_278, %dma_start3A_279] : memref<2x128x128xf32, #tpu.memory_space<vmem>> -> memref<1x128x128xf32, #tpu.memory_space<vmem>>
      %dma_start3A_281 = tpu.memref_squeeze %dma_start3A_280 : memref<1x128x128xf32, #tpu.memory_space<vmem>> -> memref<128x128xf32, #tpu.memory_space<vmem>>
      %dma_start3A_282 = arith.constant 0 : i32
      %dma_start3A_283 = tpu.memref_slice %arg6[%dma_start3A_276, %dma_start3A_282] : memref<8x128xi32, #tpu.memory_space<vmem>> -> memref<1x128xi32, #tpu.memory_space<vmem>>
      %dma_start3A_284 = tpu.memref_squeeze %dma_start3A_283 : memref<1x128xi32, #tpu.memory_space<vmem>> -> memref<128xi32, #tpu.memory_space<vmem>>
      %dma_start3A_285 = arith.constant 0 : i32
      %dma_start3A_286 = arith.constant 0 : i32
      %dma_start3A_287 = tpu.memref_slice %arg2[%dma_start3A_285, %dma_start3A_286] : memref<10000x128xf32, #tpu.memory_space<hbm>> -> memref<10000x128xf32, #tpu.memory_space<hbm>>
      tpu.enqueue_indirect_dma source(%dma_start3A_287 : memref<10000x128xf32, #tpu.memory_space<hbm>>) target(%dma_start3A_281 : memref<128x128xf32, #tpu.memory_space<vmem>>) offsets(%dma_start3A_284 : memref<128xi32, #tpu.memory_space<vmem>>) semaphore(%arg10 : memref<!tpu.dma_semaphore, #tpu.memory_space<semaphore_mem>>)
      %dma_wait3A_288 = arith.constant 2 : i32
      %dma_wait3A_289 = arith.constant 0 : i32
      %dma_wait3A_290 = arith.constant 0 : i32
      %dma_wait3A_291 = arith.constant 0 : i32
      %dma_wait3A_292 = tpu.memref_slice %arg8[%dma_wait3A_289, %dma_wait3A_290, %dma_wait3A_291] : memref<2x128x128xf32, #tpu.memory_space<vmem>> -> memref<1x128x128xf32, #tpu.memory_space<vmem>>
      %dma_wait3A_293 = tpu.memref_squeeze %dma_wait3A_292 : memref<1x128x128xf32, #tpu.memory_space<vmem>> -> memref<128x128xf32, #tpu.memory_space<vmem>>
      %dma_wait3A_294 = arith.constant 0 : i32
      %dma_wait3A_295 = tpu.memref_slice %arg6[%dma_wait3A_288, %dma_wait3A_294] : memref<8x128xi32, #tpu.memory_space<vmem>> -> memref<1x128xi32, #tpu.memory_space<vmem>>
      %dma_wait3A_296 = tpu.memref_squeeze %dma_wait3A_295 : memref<1x128xi32, #tpu.memory_space<vmem>> -> memref<128xi32, #tpu.memory_space<vmem>>
      %dma_wait3A_297 = arith.constant 0 : i32
      %dma_wait3A_298 = arith.constant 0 : i32
      %dma_wait3A_299 = tpu.memref_slice %arg2[%dma_wait3A_297, %dma_wait3A_298] : memref<10000x128xf32, #tpu.memory_space<hbm>> -> memref<10000x128xf32, #tpu.memory_space<hbm>>
      tpu.wait_indirect_dma semaphore(%arg9 : memref<!tpu.dma_semaphore, #tpu.memory_space<semaphore_mem>>) src(%dma_wait3A_299 : memref<10000x128xf32, #tpu.memory_space<hbm>>) dst(%dma_wait3A_293 : memref<128x128xf32, #tpu.memory_space<vmem>>)
      %dma_start3A_300 = arith.constant 0 : i32
      %dma_start3A_301 = arith.constant 2 : i32
      %dma_start3A_302 = arith.constant 0 : i32
      %dma_start3A_303 = arith.constant 0 : i32
      %dma_start3A_304 = tpu.memref_slice %arg8[%dma_start3A_300, %dma_start3A_302, %dma_start3A_303] : memref<2x128x128xf32, #tpu.memory_space<vmem>> -> memref<1x128x128xf32, #tpu.memory_space<vmem>>
      %dma_start3A_305 = tpu.memref_squeeze %dma_start3A_304 : memref<1x128x128xf32, #tpu.memory_space<vmem>> -> memref<128x128xf32, #tpu.memory_space<vmem>>
      %dma_start3A_306 = arith.constant 0 : i32
      %dma_start3A_307 = tpu.memref_slice %arg7[%dma_start3A_301, %dma_start3A_306] : memref<8x128xi32, #tpu.memory_space<vmem>> -> memref<1x128xi32, #tpu.memory_space<vmem>>
      %dma_start3A_308 = tpu.memref_squeeze %dma_start3A_307 : memref<1x128xi32, #tpu.memory_space<vmem>> -> memref<128xi32, #tpu.memory_space<vmem>>
      %dma_start3A_309 = arith.constant 0 : i32
      %dma_start3A_310 = arith.constant 0 : i32
      %dma_start3A_311 = tpu.memref_slice %arg13[%dma_start3A_309, %dma_start3A_310] : memref<10240x128xf32, #tpu.memory_space<vmem_shared>> -> memref<10240x128xf32, #tpu.memory_space<vmem_shared>>
      tpu.enqueue_indirect_dma source(%dma_start3A_305 : memref<128x128xf32, #tpu.memory_space<vmem>>) target(%dma_start3A_311 : memref<10240x128xf32, #tpu.memory_space<vmem_shared>>) offsets(%dma_start3A_308 : memref<128xi32, #tpu.memory_space<vmem>>) semaphore(%arg11 : memref<!tpu.dma_semaphore, #tpu.memory_space<semaphore_mem>>) {add = true}
      %dma_wait3A_312 = arith.constant 0 : i32
      %dma_wait3A_313 = arith.constant 2 : i32
      %dma_wait3A_314 = arith.constant 0 : i32
      %dma_wait3A_315 = arith.constant 0 : i32
      %dma_wait3A_316 = tpu.memref_slice %arg8[%dma_wait3A_312, %dma_wait3A_314, %dma_wait3A_315] : memref<2x128x128xf32, #tpu.memory_space<vmem>> -> memref<1x128x128xf32, #tpu.memory_space<vmem>>
      %dma_wait3A_317 = tpu.memref_squeeze %dma_wait3A_316 : memref<1x128x128xf32, #tpu.memory_space<vmem>> -> memref<128x128xf32, #tpu.memory_space<vmem>>
      %dma_wait3A_318 = arith.constant 0 : i32
      %dma_wait3A_319 = tpu.memref_slice %arg7[%dma_wait3A_313, %dma_wait3A_318] : memref<8x128xi32, #tpu.memory_space<vmem>> -> memref<1x128xi32, #tpu.memory_space<vmem>>
      %dma_wait3A_320 = tpu.memref_squeeze %dma_wait3A_319 : memref<1x128xi32, #tpu.memory_space<vmem>> -> memref<128xi32, #tpu.memory_space<vmem>>
      %dma_wait3A_321 = arith.constant 0 : i32
      %dma_wait3A_322 = arith.constant 0 : i32
      %dma_wait3A_323 = tpu.memref_slice %arg13[%dma_wait3A_321, %dma_wait3A_322] : memref<10240x128xf32, #tpu.memory_space<vmem_shared>> -> memref<10240x128xf32, #tpu.memory_space<vmem_shared>>
      tpu.wait_indirect_dma semaphore(%arg11 : memref<!tpu.dma_semaphore, #tpu.memory_space<semaphore_mem>>) src(%dma_wait3A_317 : memref<128x128xf32, #tpu.memory_space<vmem>>) dst(%dma_wait3A_323 : memref<10240x128xf32, #tpu.memory_space<vmem_shared>>)
      %dma_start3A_324 = arith.constant 4 : i32
      %dma_start3A_325 = arith.constant 0 : i32
      %dma_start3A_326 = arith.constant 0 : i32
      %dma_start3A_327 = arith.constant 0 : i32
      %dma_start3A_328 = tpu.memref_slice %arg8[%dma_start3A_325, %dma_start3A_326, %dma_start3A_327] : memref<2x128x128xf32, #tpu.memory_space<vmem>> -> memref<1x128x128xf32, #tpu.memory_space<vmem>>
      %dma_start3A_329 = tpu.memref_squeeze %dma_start3A_328 : memref<1x128x128xf32, #tpu.memory_space<vmem>> -> memref<128x128xf32, #tpu.memory_space<vmem>>
      %dma_start3A_330 = arith.constant 0 : i32
      %dma_start3A_331 = tpu.memref_slice %arg6[%dma_start3A_324, %dma_start3A_330] : memref<8x128xi32, #tpu.memory_space<vmem>> -> memref<1x128xi32, #tpu.memory_space<vmem>>
      %dma_start3A_332 = tpu.memref_squeeze %dma_start3A_331 : memref<1x128xi32, #tpu.memory_space<vmem>> -> memref<128xi32, #tpu.memory_space<vmem>>
      %dma_start3A_333 = arith.constant 0 : i32
      %dma_start3A_334 = arith.constant 0 : i32
      %dma_start3A_335 = tpu.memref_slice %arg2[%dma_start3A_333, %dma_start3A_334] : memref<10000x128xf32, #tpu.memory_space<hbm>> -> memref<10000x128xf32, #tpu.memory_space<hbm>>
      tpu.enqueue_indirect_dma source(%dma_start3A_335 : memref<10000x128xf32, #tpu.memory_space<hbm>>) target(%dma_start3A_329 : memref<128x128xf32, #tpu.memory_space<vmem>>) offsets(%dma_start3A_332 : memref<128xi32, #tpu.memory_space<vmem>>) semaphore(%arg9 : memref<!tpu.dma_semaphore, #tpu.memory_space<semaphore_mem>>)
      %dma_wait3A_336 = arith.constant 3 : i32
      %dma_wait3A_337 = arith.constant 1 : i32
      %dma_wait3A_338 = arith.constant 0 : i32
      %dma_wait3A_339 = arith.constant 0 : i32
      %dma_wait3A_340 = tpu.memref_slice %arg8[%dma_wait3A_337, %dma_wait3A_338, %dma_wait3A_339] : memref<2x128x128xf32, #tpu.memory_space<vmem>> -> memref<1x128x128xf32, #tpu.memory_space<vmem>>
      %dma_wait3A_341 = tpu.memref_squeeze %dma_wait3A_340 : memref<1x128x128xf32, #tpu.memory_space<vmem>> -> memref<128x128xf32, #tpu.memory_space<vmem>>
      %dma_wait3A_342 = arith.constant 0 : i32
      %dma_wait3A_343 = tpu.memref_slice %arg6[%dma_wait3A_336, %dma_wait3A_342] : memref<8x128xi32, #tpu.memory_space<vmem>> -> memref<1x128xi32, #tpu.memory_space<vmem>>
      %dma_wait3A_344 = tpu.memref_squeeze %dma_wait3A_343 : memref<1x128xi32, #tpu.memory_space<vmem>> -> memref<128xi32, #tpu.memory_space<vmem>>
      %dma_wait3A_345 = arith.constant 0 : i32
      %dma_wait3A_346 = arith.constant 0 : i32
      %dma_wait3A_347 = tpu.memref_slice %arg2[%dma_wait3A_345, %dma_wait3A_346] : memref<10000x128xf32, #tpu.memory_space<hbm>> -> memref<10000x128xf32, #tpu.memory_space<hbm>>
      tpu.wait_indirect_dma semaphore(%arg10 : memref<!tpu.dma_semaphore, #tpu.memory_space<semaphore_mem>>) src(%dma_wait3A_347 : memref<10000x128xf32, #tpu.memory_space<hbm>>) dst(%dma_wait3A_341 : memref<128x128xf32, #tpu.memory_space<vmem>>)
      %dma_start3A_348 = arith.constant 1 : i32
      %dma_start3A_349 = arith.constant 3 : i32
      %dma_start3A_350 = arith.constant 0 : i32
      %dma_start3A_351 = arith.constant 0 : i32
      %dma_start3A_352 = tpu.memref_slice %arg8[%dma_start3A_348, %dma_start3A_350, %dma_start3A_351] : memref<2x128x128xf32, #tpu.memory_space<vmem>> -> memref<1x128x128xf32, #tpu.memory_space<vmem>>
      %dma_start3A_353 = tpu.memref_squeeze %dma_start3A_352 : memref<1x128x128xf32, #tpu.memory_space<vmem>> -> memref<128x128xf32, #tpu.memory_space<vmem>>
      %dma_start3A_354 = arith.constant 0 : i32
      %dma_start3A_355 = tpu.memref_slice %arg7[%dma_start3A_349, %dma_start3A_354] : memref<8x128xi32, #tpu.memory_space<vmem>> -> memref<1x128xi32, #tpu.memory_space<vmem>>
      %dma_start3A_356 = tpu.memref_squeeze %dma_start3A_355 : memref<1x128xi32, #tpu.memory_space<vmem>> -> memref<128xi32, #tpu.memory_space<vmem>>
      %dma_start3A_357 = arith.constant 0 : i32
      %dma_start3A_358 = arith.constant 0 : i32
      %dma_start3A_359 = tpu.memref_slice %arg13[%dma_start3A_357, %dma_start3A_358] : memref<10240x128xf32, #tpu.memory_space<vmem_shared>> -> memref<10240x128xf32, #tpu.memory_space<vmem_shared>>
      tpu.enqueue_indirect_dma source(%dma_start3A_353 : memref<128x128xf32, #tpu.memory_space<vmem>>) target(%dma_start3A_359 : memref<10240x128xf32, #tpu.memory_space<vmem_shared>>) offsets(%dma_start3A_356 : memref<128xi32, #tpu.memory_space<vmem>>) semaphore(%arg12 : memref<!tpu.dma_semaphore, #tpu.memory_space<semaphore_mem>>) {add = true}
      %dma_wait3A_360 = arith.constant 1 : i32
      %dma_wait3A_361 = arith.constant 3 : i32
      %dma_wait3A_362 = arith.constant 0 : i32
      %dma_wait3A_363 = arith.constant 0 : i32
      %dma_wait3A_364 = tpu.memref_slice %arg8[%dma_wait3A_360, %dma_wait3A_362, %dma_wait3A_363] : memref<2x128x128xf32, #tpu.memory_space<vmem>> -> memref<1x128x128xf32, #tpu.memory_space<vmem>>
      %dma_wait3A_365 = tpu.memref_squeeze %dma_wait3A_364 : memref<1x128x128xf32, #tpu.memory_space<vmem>> -> memref<128x128xf32, #tpu.memory_space<vmem>>
      %dma_wait3A_366 = arith.constant 0 : i32
      %dma_wait3A_367 = tpu.memref_slice %arg7[%dma_wait3A_361, %dma_wait3A_366] : memref<8x128xi32, #tpu.memory_space<vmem>> -> memref<1x128xi32, #tpu.memory_space<vmem>>
      %dma_wait3A_368 = tpu.memref_squeeze %dma_wait3A_367 : memref<1x128xi32, #tpu.memory_space<vmem>> -> memref<128xi32, #tpu.memory_space<vmem>>
      %dma_wait3A_369 = arith.constant 0 : i32
      %dma_wait3A_370 = arith.constant 0 : i32
      %dma_wait3A_371 = tpu.memref_slice %arg13[%dma_wait3A_369, %dma_wait3A_370] : memref<10240x128xf32, #tpu.memory_space<vmem_shared>> -> memref<10240x128xf32, #tpu.memory_space<vmem_shared>>
      tpu.wait_indirect_dma semaphore(%arg12 : memref<!tpu.dma_semaphore, #tpu.memory_space<semaphore_mem>>) src(%dma_wait3A_365 : memref<128x128xf32, #tpu.memory_space<vmem>>) dst(%dma_wait3A_371 : memref<10240x128xf32, #tpu.memory_space<vmem_shared>>)
      %dma_start3A_372 = arith.constant 5 : i32
      %dma_start3A_373 = arith.constant 1 : i32
      %dma_start3A_374 = arith.constant 0 : i32
      %dma_start3A_375 = arith.constant 0 : i32
      %dma_start3A_376 = tpu.memref_slice %arg8[%dma_start3A_373, %dma_start3A_374, %dma_start3A_375] : memref<2x128x128xf32, #tpu.memory_space<vmem>> -> memref<1x128x128xf32, #tpu.memory_space<vmem>>
      %dma_start3A_377 = tpu.memref_squeeze %dma_start3A_376 : memref<1x128x128xf32, #tpu.memory_space<vmem>> -> memref<128x128xf32, #tpu.memory_space<vmem>>
      %dma_start3A_378 = arith.constant 0 : i32
      %dma_start3A_379 = tpu.memref_slice %arg6[%dma_start3A_372, %dma_start3A_378] : memref<8x128xi32, #tpu.memory_space<vmem>> -> memref<1x128xi32, #tpu.memory_space<vmem>>
      %dma_start3A_380 = tpu.memref_squeeze %dma_start3A_379 : memref<1x128xi32, #tpu.memory_space<vmem>> -> memref<128xi32, #tpu.memory_space<vmem>>
      %dma_start3A_381 = arith.constant 0 : i32
      %dma_start3A_382 = arith.constant 0 : i32
      %dma_start3A_383 = tpu.memref_slice %arg2[%dma_start3A_381, %dma_start3A_382] : memref<10000x128xf32, #tpu.memory_space<hbm>> -> memref<10000x128xf32, #tpu.memory_space<hbm>>
      tpu.enqueue_indirect_dma source(%dma_start3A_383 : memref<10000x128xf32, #tpu.memory_space<hbm>>) target(%dma_start3A_377 : memref<128x128xf32, #tpu.memory_space<vmem>>) offsets(%dma_start3A_380 : memref<128xi32, #tpu.memory_space<vmem>>) semaphore(%arg10 : memref<!tpu.dma_semaphore, #tpu.memory_space<semaphore_mem>>)
      %dma_wait3A_384 = arith.constant 4 : i32
      %dma_wait3A_385 = arith.constant 0 : i32
      %dma_wait3A_386 = arith.constant 0 : i32
      %dma_wait3A_387 = arith.constant 0 : i32
      %dma_wait3A_388 = tpu.memref_slice %arg8[%dma_wait3A_385, %dma_wait3A_386, %dma_wait3A_387] : memref<2x128x128xf32, #tpu.memory_space<vmem>> -> memref<1x128x128xf32, #tpu.memory_space<vmem>>
      %dma_wait3A_389 = tpu.memref_squeeze %dma_wait3A_388 : memref<1x128x128xf32, #tpu.memory_space<vmem>> -> memref<128x128xf32, #tpu.memory_space<vmem>>
      %dma_wait3A_390 = arith.constant 0 : i32
      %dma_wait3A_391 = tpu.memref_slice %arg6[%dma_wait3A_384, %dma_wait3A_390] : memref<8x128xi32, #tpu.memory_space<vmem>> -> memref<1x128xi32, #tpu.memory_space<vmem>>
      %dma_wait3A_392 = tpu.memref_squeeze %dma_wait3A_391 : memref<1x128xi32, #tpu.memory_space<vmem>> -> memref<128xi32, #tpu.memory_space<vmem>>
      %dma_wait3A_393 = arith.constant 0 : i32
      %dma_wait3A_394 = arith.constant 0 : i32
      %dma_wait3A_395 = tpu.memref_slice %arg2[%dma_wait3A_393, %dma_wait3A_394] : memref<10000x128xf32, #tpu.memory_space<hbm>> -> memref<10000x128xf32, #tpu.memory_space<hbm>>
      tpu.wait_indirect_dma semaphore(%arg9 : memref<!tpu.dma_semaphore, #tpu.memory_space<semaphore_mem>>) src(%dma_wait3A_395 : memref<10000x128xf32, #tpu.memory_space<hbm>>) dst(%dma_wait3A_389 : memref<128x128xf32, #tpu.memory_space<vmem>>)
      %dma_start3A_396 = arith.constant 0 : i32
      %dma_start3A_397 = arith.constant 4 : i32
      %dma_start3A_398 = arith.constant 0 : i32
      %dma_start3A_399 = arith.constant 0 : i32
      %dma_start3A_400 = tpu.memref_slice %arg8[%dma_start3A_396, %dma_start3A_398, %dma_start3A_399] : memref<2x128x128xf32, #tpu.memory_space<vmem>> -> memref<1x128x128xf32, #tpu.memory_space<vmem>>
      %dma_start3A_401 = tpu.memref_squeeze %dma_start3A_400 : memref<1x128x128xf32, #tpu.memory_space<vmem>> -> memref<128x128xf32, #tpu.memory_space<vmem>>
      %dma_start3A_402 = arith.constant 0 : i32
      %dma_start3A_403 = tpu.memref_slice %arg7[%dma_start3A_397, %dma_start3A_402] : memref<8x128xi32, #tpu.memory_space<vmem>> -> memref<1x128xi32, #tpu.memory_space<vmem>>
      %dma_start3A_404 = tpu.memref_squeeze %dma_start3A_403 : memref<1x128xi32, #tpu.memory_space<vmem>> -> memref<128xi32, #tpu.memory_space<vmem>>
      %dma_start3A_405 = arith.constant 0 : i32
      %dma_start3A_406 = arith.constant 0 : i32
      %dma_start3A_407 = tpu.memref_slice %arg13[%dma_start3A_405, %dma_start3A_406] : memref<10240x128xf32, #tpu.memory_space<vmem_shared>> -> memref<10240x128xf32, #tpu.memory_space<vmem_shared>>
      tpu.enqueue_indirect_dma source(%dma_start3A_401 : memref<128x128xf32, #tpu.memory_space<vmem>>) target(%dma_start3A_407 : memref<10240x128xf32, #tpu.memory_space<vmem_shared>>) offsets(%dma_start3A_404 : memref<128xi32, #tpu.memory_space<vmem>>) semaphore(%arg11 : memref<!tpu.dma_semaphore, #tpu.memory_space<semaphore_mem>>) {add = true}
      %dma_wait3A_408 = arith.constant 0 : i32
      %dma_wait3A_409 = arith.constant 4 : i32
      %dma_wait3A_410 = arith.constant 0 : i32
      %dma_wait3A_411 = arith.constant 0 : i32
      %dma_wait3A_412 = tpu.memref_slice %arg8[%dma_wait3A_408, %dma_wait3A_410, %dma_wait3A_411] : memref<2x128x128xf32, #tpu.memory_space<vmem>> -> memref<1x128x128xf32, #tpu.memory_space<vmem>>
      %dma_wait3A_413 = tpu.memref_squeeze %dma_wait3A_412 : memref<1x128x128xf32, #tpu.memory_space<vmem>> -> memref<128x128xf32, #tpu.memory_space<vmem>>
      %dma_wait3A_414 = arith.constant 0 : i32
      %dma_wait3A_415 = tpu.memref_slice %arg7[%dma_wait3A_409, %dma_wait3A_414] : memref<8x128xi32, #tpu.memory_space<vmem>> -> memref<1x128xi32, #tpu.memory_space<vmem>>
      %dma_wait3A_416 = tpu.memref_squeeze %dma_wait3A_415 : memref<1x128xi32, #tpu.memory_space<vmem>> -> memref<128xi32, #tpu.memory_space<vmem>>
      %dma_wait3A_417 = arith.constant 0 : i32
      %dma_wait3A_418 = arith.constant 0 : i32
      %dma_wait3A_419 = tpu.memref_slice %arg13[%dma_wait3A_417, %dma_wait3A_418] : memref<10240x128xf32, #tpu.memory_space<vmem_shared>> -> memref<10240x128xf32, #tpu.memory_space<vmem_shared>>
      tpu.wait_indirect_dma semaphore(%arg11 : memref<!tpu.dma_semaphore, #tpu.memory_space<semaphore_mem>>) src(%dma_wait3A_413 : memref<128x128xf32, #tpu.memory_space<vmem>>) dst(%dma_wait3A_419 : memref<10240x128xf32, #tpu.memory_space<vmem_shared>>)
      %dma_start3A_420 = arith.constant 6 : i32
      %dma_start3A_421 = arith.constant 0 : i32
      %dma_start3A_422 = arith.constant 0 : i32
      %dma_start3A_423 = arith.constant 0 : i32
      %dma_start3A_424 = tpu.memref_slice %arg8[%dma_start3A_421, %dma_start3A_422, %dma_start3A_423] : memref<2x128x128xf32, #tpu.memory_space<vmem>> -> memref<1x128x128xf32, #tpu.memory_space<vmem>>
      %dma_start3A_425 = tpu.memref_squeeze %dma_start3A_424 : memref<1x128x128xf32, #tpu.memory_space<vmem>> -> memref<128x128xf32, #tpu.memory_space<vmem>>
      %dma_start3A_426 = arith.constant 0 : i32
      %dma_start3A_427 = tpu.memref_slice %arg6[%dma_start3A_420, %dma_start3A_426] : memref<8x128xi32, #tpu.memory_space<vmem>> -> memref<1x128xi32, #tpu.memory_space<vmem>>
      %dma_start3A_428 = tpu.memref_squeeze %dma_start3A_427 : memref<1x128xi32, #tpu.memory_space<vmem>> -> memref<128xi32, #tpu.memory_space<vmem>>
      %dma_start3A_429 = arith.constant 0 : i32
      %dma_start3A_430 = arith.constant 0 : i32
      %dma_start3A_431 = tpu.memref_slice %arg2[%dma_start3A_429, %dma_start3A_430] : memref<10000x128xf32, #tpu.memory_space<hbm>> -> memref<10000x128xf32, #tpu.memory_space<hbm>>
      tpu.enqueue_indirect_dma source(%dma_start3A_431 : memref<10000x128xf32, #tpu.memory_space<hbm>>) target(%dma_start3A_425 : memref<128x128xf32, #tpu.memory_space<vmem>>) offsets(%dma_start3A_428 : memref<128xi32, #tpu.memory_space<vmem>>) semaphore(%arg9 : memref<!tpu.dma_semaphore, #tpu.memory_space<semaphore_mem>>)
      %dma_wait3A_432 = arith.constant 5 : i32
      %dma_wait3A_433 = arith.constant 1 : i32
      %dma_wait3A_434 = arith.constant 0 : i32
      %dma_wait3A_435 = arith.constant 0 : i32
      %dma_wait3A_436 = tpu.memref_slice %arg8[%dma_wait3A_433, %dma_wait3A_434, %dma_wait3A_435] : memref<2x128x128xf32, #tpu.memory_space<vmem>> -> memref<1x128x128xf32, #tpu.memory_space<vmem>>
      %dma_wait3A_437 = tpu.memref_squeeze %dma_wait3A_436 : memref<1x128x128xf32, #tpu.memory_space<vmem>> -> memref<128x128xf32, #tpu.memory_space<vmem>>
      %dma_wait3A_438 = arith.constant 0 : i32
      %dma_wait3A_439 = tpu.memref_slice %arg6[%dma_wait3A_432, %dma_wait3A_438] : memref<8x128xi32, #tpu.memory_space<vmem>> -> memref<1x128xi32, #tpu.memory_space<vmem>>
      %dma_wait3A_440 = tpu.memref_squeeze %dma_wait3A_439 : memref<1x128xi32, #tpu.memory_space<vmem>> -> memref<128xi32, #tpu.memory_space<vmem>>
      %dma_wait3A_441 = arith.constant 0 : i32
      %dma_wait3A_442 = arith.constant 0 : i32
      %dma_wait3A_443 = tpu.memref_slice %arg2[%dma_wait3A_441, %dma_wait3A_442] : memref<10000x128xf32, #tpu.memory_space<hbm>> -> memref<10000x128xf32, #tpu.memory_space<hbm>>
      tpu.wait_indirect_dma semaphore(%arg10 : memref<!tpu.dma_semaphore, #tpu.memory_space<semaphore_mem>>) src(%dma_wait3A_443 : memref<10000x128xf32, #tpu.memory_space<hbm>>) dst(%dma_wait3A_437 : memref<128x128xf32, #tpu.memory_space<vmem>>)
      %dma_start3A_444 = arith.constant 1 : i32
      %dma_start3A_445 = arith.constant 5 : i32
      %dma_start3A_446 = arith.constant 0 : i32
      %dma_start3A_447 = arith.constant 0 : i32
      %dma_start3A_448 = tpu.memref_slice %arg8[%dma_start3A_444, %dma_start3A_446, %dma_start3A_447] : memref<2x128x128xf32, #tpu.memory_space<vmem>> -> memref<1x128x128xf32, #tpu.memory_space<vmem>>
      %dma_start3A_449 = tpu.memref_squeeze %dma_start3A_448 : memref<1x128x128xf32, #tpu.memory_space<vmem>> -> memref<128x128xf32, #tpu.memory_space<vmem>>
      %dma_start3A_450 = arith.constant 0 : i32
      %dma_start3A_451 = tpu.memref_slice %arg7[%dma_start3A_445, %dma_start3A_450] : memref<8x128xi32, #tpu.memory_space<vmem>> -> memref<1x128xi32, #tpu.memory_space<vmem>>
      %dma_start3A_452 = tpu.memref_squeeze %dma_start3A_451 : memref<1x128xi32, #tpu.memory_space<vmem>> -> memref<128xi32, #tpu.memory_space<vmem>>
      %dma_start3A_453 = arith.constant 0 : i32
      %dma_start3A_454 = arith.constant 0 : i32
      %dma_start3A_455 = tpu.memref_slice %arg13[%dma_start3A_453, %dma_start3A_454] : memref<10240x128xf32, #tpu.memory_space<vmem_shared>> -> memref<10240x128xf32, #tpu.memory_space<vmem_shared>>
      tpu.enqueue_indirect_dma source(%dma_start3A_449 : memref<128x128xf32, #tpu.memory_space<vmem>>) target(%dma_start3A_455 : memref<10240x128xf32, #tpu.memory_space<vmem_shared>>) offsets(%dma_start3A_452 : memref<128xi32, #tpu.memory_space<vmem>>) semaphore(%arg12 : memref<!tpu.dma_semaphore, #tpu.memory_space<semaphore_mem>>) {add = true}
      %dma_wait3A_456 = arith.constant 1 : i32
      %dma_wait3A_457 = arith.constant 5 : i32
      %dma_wait3A_458 = arith.constant 0 : i32
      %dma_wait3A_459 = arith.constant 0 : i32
      %dma_wait3A_460 = tpu.memref_slice %arg8[%dma_wait3A_456, %dma_wait3A_458, %dma_wait3A_459] : memref<2x128x128xf32, #tpu.memory_space<vmem>> -> memref<1x128x128xf32, #tpu.memory_space<vmem>>
      %dma_wait3A_461 = tpu.memref_squeeze %dma_wait3A_460 : memref<1x128x128xf32, #tpu.memory_space<vmem>> -> memref<128x128xf32, #tpu.memory_space<vmem>>
      %dma_wait3A_462 = arith.constant 0 : i32
      %dma_wait3A_463 = tpu.memref_slice %arg7[%dma_wait3A_457, %dma_wait3A_462] : memref<8x128xi32, #tpu.memory_space<vmem>> -> memref<1x128xi32, #tpu.memory_space<vmem>>
      %dma_wait3A_464 = tpu.memref_squeeze %dma_wait3A_463 : memref<1x128xi32, #tpu.memory_space<vmem>> -> memref<128xi32, #tpu.memory_space<vmem>>
      %dma_wait3A_465 = arith.constant 0 : i32
      %dma_wait3A_466 = arith.constant 0 : i32
      %dma_wait3A_467 = tpu.memref_slice %arg13[%dma_wait3A_465, %dma_wait3A_466] : memref<10240x128xf32, #tpu.memory_space<vmem_shared>> -> memref<10240x128xf32, #tpu.memory_space<vmem_shared>>
      tpu.wait_indirect_dma semaphore(%arg12 : memref<!tpu.dma_semaphore, #tpu.memory_space<semaphore_mem>>) src(%dma_wait3A_461 : memref<128x128xf32, #tpu.memory_space<vmem>>) dst(%dma_wait3A_467 : memref<10240x128xf32, #tpu.memory_space<vmem_shared>>)
      %dma_start3A_468 = arith.constant 7 : i32
      %dma_start3A_469 = arith.constant 1 : i32
      %dma_start3A_470 = arith.constant 0 : i32
      %dma_start3A_471 = arith.constant 0 : i32
      %dma_start3A_472 = tpu.memref_slice %arg8[%dma_start3A_469, %dma_start3A_470, %dma_start3A_471] : memref<2x128x128xf32, #tpu.memory_space<vmem>> -> memref<1x128x128xf32, #tpu.memory_space<vmem>>
      %dma_start3A_473 = tpu.memref_squeeze %dma_start3A_472 : memref<1x128x128xf32, #tpu.memory_space<vmem>> -> memref<128x128xf32, #tpu.memory_space<vmem>>
      %dma_start3A_474 = arith.constant 0 : i32
      %dma_start3A_475 = tpu.memref_slice %arg6[%dma_start3A_468, %dma_start3A_474] : memref<8x128xi32, #tpu.memory_space<vmem>> -> memref<1x128xi32, #tpu.memory_space<vmem>>
      %dma_start3A_476 = tpu.memref_squeeze %dma_start3A_475 : memref<1x128xi32, #tpu.memory_space<vmem>> -> memref<128xi32, #tpu.memory_space<vmem>>
      %dma_start3A_477 = arith.constant 0 : i32
      %dma_start3A_478 = arith.constant 0 : i32
      %dma_start3A_479 = tpu.memref_slice %arg2[%dma_start3A_477, %dma_start3A_478] : memref<10000x128xf32, #tpu.memory_space<hbm>> -> memref<10000x128xf32, #tpu.memory_space<hbm>>
      tpu.enqueue_indirect_dma source(%dma_start3A_479 : memref<10000x128xf32, #tpu.memory_space<hbm>>) target(%dma_start3A_473 : memref<128x128xf32, #tpu.memory_space<vmem>>) offsets(%dma_start3A_476 : memref<128xi32, #tpu.memory_space<vmem>>) semaphore(%arg10 : memref<!tpu.dma_semaphore, #tpu.memory_space<semaphore_mem>>)
      %dma_wait3A_480 = arith.constant 6 : i32
      %dma_wait3A_481 = arith.constant 0 : i32
      %dma_wait3A_482 = arith.constant 0 : i32
      %dma_wait3A_483 = arith.constant 0 : i32
      %dma_wait3A_484 = tpu.memref_slice %arg8[%dma_wait3A_481, %dma_wait3A_482, %dma_wait3A_483] : memref<2x128x128xf32, #tpu.memory_space<vmem>> -> memref<1x128x128xf32, #tpu.memory_space<vmem>>
      %dma_wait3A_485 = tpu.memref_squeeze %dma_wait3A_484 : memref<1x128x128xf32, #tpu.memory_space<vmem>> -> memref<128x128xf32, #tpu.memory_space<vmem>>
      %dma_wait3A_486 = arith.constant 0 : i32
      %dma_wait3A_487 = tpu.memref_slice %arg6[%dma_wait3A_480, %dma_wait3A_486] : memref<8x128xi32, #tpu.memory_space<vmem>> -> memref<1x128xi32, #tpu.memory_space<vmem>>
      %dma_wait3A_488 = tpu.memref_squeeze %dma_wait3A_487 : memref<1x128xi32, #tpu.memory_space<vmem>> -> memref<128xi32, #tpu.memory_space<vmem>>
      %dma_wait3A_489 = arith.constant 0 : i32
      %dma_wait3A_490 = arith.constant 0 : i32
      %dma_wait3A_491 = tpu.memref_slice %arg2[%dma_wait3A_489, %dma_wait3A_490] : memref<10000x128xf32, #tpu.memory_space<hbm>> -> memref<10000x128xf32, #tpu.memory_space<hbm>>
      tpu.wait_indirect_dma semaphore(%arg9 : memref<!tpu.dma_semaphore, #tpu.memory_space<semaphore_mem>>) src(%dma_wait3A_491 : memref<10000x128xf32, #tpu.memory_space<hbm>>) dst(%dma_wait3A_485 : memref<128x128xf32, #tpu.memory_space<vmem>>)
      %dma_start3A_492 = arith.constant 0 : i32
      %dma_start3A_493 = arith.constant 6 : i32
      %dma_start3A_494 = arith.constant 0 : i32
      %dma_start3A_495 = arith.constant 0 : i32
      %dma_start3A_496 = tpu.memref_slice %arg8[%dma_start3A_492, %dma_start3A_494, %dma_start3A_495] : memref<2x128x128xf32, #tpu.memory_space<vmem>> -> memref<1x128x128xf32, #tpu.memory_space<vmem>>
      %dma_start3A_497 = tpu.memref_squeeze %dma_start3A_496 : memref<1x128x128xf32, #tpu.memory_space<vmem>> -> memref<128x128xf32, #tpu.memory_space<vmem>>
      %dma_start3A_498 = arith.constant 0 : i32
      %dma_start3A_499 = tpu.memref_slice %arg7[%dma_start3A_493, %dma_start3A_498] : memref<8x128xi32, #tpu.memory_space<vmem>> -> memref<1x128xi32, #tpu.memory_space<vmem>>
      %dma_start3A_500 = tpu.memref_squeeze %dma_start3A_499 : memref<1x128xi32, #tpu.memory_space<vmem>> -> memref<128xi32, #tpu.memory_space<vmem>>
      %dma_start3A_501 = arith.constant 0 : i32
      %dma_start3A_502 = arith.constant 0 : i32
      %dma_start3A_503 = tpu.memref_slice %arg13[%dma_start3A_501, %dma_start3A_502] : memref<10240x128xf32, #tpu.memory_space<vmem_shared>> -> memref<10240x128xf32, #tpu.memory_space<vmem_shared>>
      tpu.enqueue_indirect_dma source(%dma_start3A_497 : memref<128x128xf32, #tpu.memory_space<vmem>>) target(%dma_start3A_503 : memref<10240x128xf32, #tpu.memory_space<vmem_shared>>) offsets(%dma_start3A_500 : memref<128xi32, #tpu.memory_space<vmem>>) semaphore(%arg11 : memref<!tpu.dma_semaphore, #tpu.memory_space<semaphore_mem>>) {add = true}
      %dma_wait3A_504 = arith.constant 0 : i32
      %dma_wait3A_505 = arith.constant 6 : i32
      %dma_wait3A_506 = arith.constant 0 : i32
      %dma_wait3A_507 = arith.constant 0 : i32
      %dma_wait3A_508 = tpu.memref_slice %arg8[%dma_wait3A_504, %dma_wait3A_506, %dma_wait3A_507] : memref<2x128x128xf32, #tpu.memory_space<vmem>> -> memref<1x128x128xf32, #tpu.memory_space<vmem>>
      %dma_wait3A_509 = tpu.memref_squeeze %dma_wait3A_508 : memref<1x128x128xf32, #tpu.memory_space<vmem>> -> memref<128x128xf32, #tpu.memory_space<vmem>>
      %dma_wait3A_510 = arith.constant 0 : i32
      %dma_wait3A_511 = tpu.memref_slice %arg7[%dma_wait3A_505, %dma_wait3A_510] : memref<8x128xi32, #tpu.memory_space<vmem>> -> memref<1x128xi32, #tpu.memory_space<vmem>>
      %dma_wait3A_512 = tpu.memref_squeeze %dma_wait3A_511 : memref<1x128xi32, #tpu.memory_space<vmem>> -> memref<128xi32, #tpu.memory_space<vmem>>
      %dma_wait3A_513 = arith.constant 0 : i32
      %dma_wait3A_514 = arith.constant 0 : i32
      %dma_wait3A_515 = tpu.memref_slice %arg13[%dma_wait3A_513, %dma_wait3A_514] : memref<10240x128xf32, #tpu.memory_space<vmem_shared>> -> memref<10240x128xf32, #tpu.memory_space<vmem_shared>>
      tpu.wait_indirect_dma semaphore(%arg11 : memref<!tpu.dma_semaphore, #tpu.memory_space<semaphore_mem>>) src(%dma_wait3A_509 : memref<128x128xf32, #tpu.memory_space<vmem>>) dst(%dma_wait3A_515 : memref<10240x128xf32, #tpu.memory_space<vmem_shared>>)
      %dma_wait3A_516 = arith.constant 7 : i32
      %dma_wait3A_517 = arith.constant 1 : i32
      %dma_wait3A_518 = arith.constant 0 : i32
      %dma_wait3A_519 = arith.constant 0 : i32
      %dma_wait3A_520 = tpu.memref_slice %arg8[%dma_wait3A_517, %dma_wait3A_518, %dma_wait3A_519] : memref<2x128x128xf32, #tpu.memory_space<vmem>> -> memref<1x128x128xf32, #tpu.memory_space<vmem>>
      %dma_wait3A_521 = tpu.memref_squeeze %dma_wait3A_520 : memref<1x128x128xf32, #tpu.memory_space<vmem>> -> memref<128x128xf32, #tpu.memory_space<vmem>>
      %dma_wait3A_522 = arith.constant 0 : i32
      %dma_wait3A_523 = tpu.memref_slice %arg6[%dma_wait3A_516, %dma_wait3A_522] : memref<8x128xi32, #tpu.memory_space<vmem>> -> memref<1x128xi32, #tpu.memory_space<vmem>>
      %dma_wait3A_524 = tpu.memref_squeeze %dma_wait3A_523 : memref<1x128xi32, #tpu.memory_space<vmem>> -> memref<128xi32, #tpu.memory_space<vmem>>
      %dma_wait3A_525 = arith.constant 0 : i32
      %dma_wait3A_526 = arith.constant 0 : i32
      %dma_wait3A_527 = tpu.memref_slice %arg2[%dma_wait3A_525, %dma_wait3A_526] : memref<10000x128xf32, #tpu.memory_space<hbm>> -> memref<10000x128xf32, #tpu.memory_space<hbm>>
      tpu.wait_indirect_dma semaphore(%arg10 : memref<!tpu.dma_semaphore, #tpu.memory_space<semaphore_mem>>) src(%dma_wait3A_527 : memref<10000x128xf32, #tpu.memory_space<hbm>>) dst(%dma_wait3A_521 : memref<128x128xf32, #tpu.memory_space<vmem>>)
      %dma_start3A_528 = arith.constant 1 : i32
      %dma_start3A_529 = arith.constant 7 : i32
      %dma_start3A_530 = arith.constant 0 : i32
      %dma_start3A_531 = arith.constant 0 : i32
      %dma_start3A_532 = tpu.memref_slice %arg8[%dma_start3A_528, %dma_start3A_530, %dma_start3A_531] : memref<2x128x128xf32, #tpu.memory_space<vmem>> -> memref<1x128x128xf32, #tpu.memory_space<vmem>>
      %dma_start3A_533 = tpu.memref_squeeze %dma_start3A_532 : memref<1x128x128xf32, #tpu.memory_space<vmem>> -> memref<128x128xf32, #tpu.memory_space<vmem>>
      %dma_start3A_534 = arith.constant 0 : i32
      %dma_start3A_535 = tpu.memref_slice %arg7[%dma_start3A_529, %dma_start3A_534] : memref<8x128xi32, #tpu.memory_space<vmem>> -> memref<1x128xi32, #tpu.memory_space<vmem>>
      %dma_start3A_536 = tpu.memref_squeeze %dma_start3A_535 : memref<1x128xi32, #tpu.memory_space<vmem>> -> memref<128xi32, #tpu.memory_space<vmem>>
      %dma_start3A_537 = arith.constant 0 : i32
      %dma_start3A_538 = arith.constant 0 : i32
      %dma_start3A_539 = tpu.memref_slice %arg13[%dma_start3A_537, %dma_start3A_538] : memref<10240x128xf32, #tpu.memory_space<vmem_shared>> -> memref<10240x128xf32, #tpu.memory_space<vmem_shared>>
      tpu.enqueue_indirect_dma source(%dma_start3A_533 : memref<128x128xf32, #tpu.memory_space<vmem>>) target(%dma_start3A_539 : memref<10240x128xf32, #tpu.memory_space<vmem_shared>>) offsets(%dma_start3A_536 : memref<128xi32, #tpu.memory_space<vmem>>) semaphore(%arg12 : memref<!tpu.dma_semaphore, #tpu.memory_space<semaphore_mem>>) {add = true}
      %dma_wait3A_540 = arith.constant 1 : i32
      %dma_wait3A_541 = arith.constant 7 : i32
      %dma_wait3A_542 = arith.constant 0 : i32
      %dma_wait3A_543 = arith.constant 0 : i32
      %dma_wait3A_544 = tpu.memref_slice %arg8[%dma_wait3A_540, %dma_wait3A_542, %dma_wait3A_543] : memref<2x128x128xf32, #tpu.memory_space<vmem>> -> memref<1x128x128xf32, #tpu.memory_space<vmem>>
      %dma_wait3A_545 = tpu.memref_squeeze %dma_wait3A_544 : memref<1x128x128xf32, #tpu.memory_space<vmem>> -> memref<128x128xf32, #tpu.memory_space<vmem>>
      %dma_wait3A_546 = arith.constant 0 : i32
      %dma_wait3A_547 = tpu.memref_slice %arg7[%dma_wait3A_541, %dma_wait3A_546] : memref<8x128xi32, #tpu.memory_space<vmem>> -> memref<1x128xi32, #tpu.memory_space<vmem>>
      %dma_wait3A_548 = tpu.memref_squeeze %dma_wait3A_547 : memref<1x128xi32, #tpu.memory_space<vmem>> -> memref<128xi32, #tpu.memory_space<vmem>>
      %dma_wait3A_549 = arith.constant 0 : i32
      %dma_wait3A_550 = arith.constant 0 : i32
      %dma_wait3A_551 = tpu.memref_slice %arg13[%dma_wait3A_549, %dma_wait3A_550] : memref<10240x128xf32, #tpu.memory_space<vmem_shared>> -> memref<10240x128xf32, #tpu.memory_space<vmem_shared>>
      tpu.wait_indirect_dma semaphore(%arg12 : memref<!tpu.dma_semaphore, #tpu.memory_space<semaphore_mem>>) src(%dma_wait3A_545 : memref<128x128xf32, #tpu.memory_space<vmem>>) dst(%dma_wait3A_551 : memref<10240x128xf32, #tpu.memory_space<vmem_shared>>)
    }
    %scan3A_157 = arith.constant 10 : i32
    %barrier3A_158 = arith.constant 0 : index
    tpu.barrier barrier_id(%barrier3A_158)
    %mul3A_159 = arith.constant 640 : i32
    %mul3A_160 = arith.muli %arg1, %mul3A_159 : i32
    %mul3A_161 = arith.constant 640 : i32
    %mul3A_162 = arith.muli %arg1, %mul3A_161 : i32
    "tpu.region"() ({
      %run_scoped3A = tpu.sem_alloc : memref<!tpu.dma_semaphore, #tpu.memory_space<semaphore_mem>>
      %dma_start3A_163 = arith.constant 0 : i32
      %dma_start3A_164 = tpu.memref_slice %arg5[%arg0, %mul3A_162, %dma_start3A_163] : memref<2x10240x128xf32, #tpu.memory_space<hbm>> -> memref<1x640x128xf32, #tpu.memory_space<hbm>>
      %dma_start3A_165 = tpu.memref_squeeze %dma_start3A_164 : memref<1x640x128xf32, #tpu.memory_space<hbm>> -> memref<640x128xf32, #tpu.memory_space<hbm>>
      %dma_start3A_166 = arith.constant 0 : i32
      %dma_start3A_167 = tpu.memref_slice %arg13[%mul3A_160, %dma_start3A_166] : memref<10240x128xf32, #tpu.memory_space<vmem_shared>> -> memref<640x128xf32, #tpu.memory_space<vmem_shared>>
      tpu.enqueue_dma source(%dma_start3A_167 : memref<640x128xf32, #tpu.memory_space<vmem_shared>>) target(%dma_start3A_165 : memref<640x128xf32, #tpu.memory_space<hbm>>) target_semaphore(%run_scoped3A : memref<!tpu.dma_semaphore, #tpu.memory_space<semaphore_mem>>)
      %dma_wait3A_168 = arith.constant 0 : i32
      %dma_wait3A_169 = tpu.memref_slice %arg5[%arg0, %mul3A_162, %dma_wait3A_168] : memref<2x10240x128xf32, #tpu.memory_space<hbm>> -> memref<1x640x128xf32, #tpu.memory_space<hbm>>
      %dma_wait3A_170 = tpu.memref_squeeze %dma_wait3A_169 : memref<1x640x128xf32, #tpu.memory_space<hbm>> -> memref<640x128xf32, #tpu.memory_space<hbm>>
      %dma_wait3A_171 = arith.constant 0 : i32
      %dma_wait3A_172 = tpu.memref_slice %arg13[%mul3A_160, %dma_wait3A_171] : memref<10240x128xf32, #tpu.memory_space<vmem_shared>> -> memref<640x128xf32, #tpu.memory_space<vmem_shared>>
      tpu.wait_dma2 semaphore(%run_scoped3A : memref<!tpu.dma_semaphore, #tpu.memory_space<semaphore_mem>>) src(%dma_wait3A_172 : memref<640x128xf32, #tpu.memory_space<vmem_shared>>) dst(%dma_wait3A_170 : memref<640x128xf32, #tpu.memory_space<hbm>>)
      tpu.yield
    }) : () -> ()
    return
  }
}

#map = affine_map<(d0, d1) -> (0, 0)>
#map1 = affine_map<(d0, d1) -> (0, 0, 0, 0)>
#map2 = affine_map<(d0, d1) -> (0, 0, 0)>
module attributes {stable_mosaic.version = 14 : i64} {
  func.func @_segsum_body(%arg0: i32, %arg1: i32, %arg2: memref<10000x128xf32, #tpu.memory_space<hbm>>, %arg3: memref<2x16x80x128xi32, #tpu.memory_space<hbm>>, %arg4: memref<2x16x80x128xi32, #tpu.memory_space<hbm>>, %arg5: memref<2x10240x128xf32, #tpu.memory_space<hbm>>, %arg6: memref<8x128xi32, #tpu.memory_space<vmem>>, %arg7: memref<8x128xi32, #tpu.memory_space<vmem>>, %arg8: memref<2x128x128xf32, #tpu.memory_space<vmem>>, %arg9: memref<!tpu.dma_semaphore, #tpu.memory_space<semaphore_mem>>, %arg10: memref<!tpu.dma_semaphore, #tpu.memory_space<semaphore_mem>>, %arg11: memref<!tpu.dma_semaphore, #tpu.memory_space<semaphore_mem>>, %arg12: memref<!tpu.dma_semaphore, #tpu.memory_space<semaphore_mem>>, %arg13: memref<10240x128xf32, #tpu.memory_space<vmem_shared>>) attributes {dimension_semantics = [#tpu.dimension_semantics<core_parallel>, #tpu.dimension_semantics<subcore_parallel>], iteration_bounds = array<i64: 2, 16>, scalar_prefetch = 0 : i64, scratch_operands = 8 : i64, tpu.core_type = #tpu.core_type<sc_vector_subcore>, window_params = [{transform_indices = #map}, {transform_indices = #map1}, {transform_indices = #map1}, {transform_indices = #map2}]} {
    %broadcast_in_dim3A = arith.constant 0.000000e+00 : f32
    %broadcast_in_dim3A_0 = vector.broadcast %broadcast_in_dim3A : f32 to vector<16xf32>
    %scan3A = arith.constant 0 : i32
    %scan3A_1 = arith.constant 0 : i32
    %scan3A_2 = arith.constant 128 : i32
    %scan3A_3 = arith.addi %scan3A_1, %scan3A_2 : i32
    %scan3A_4 = arith.constant 1 : i32
    scf.for %scan3A_163 = %scan3A_1 to %scan3A_3 step %scan3A_4  : i32 {
      %swap3A = arith.constant 0 : i32
      %swap3A_164 = arith.index_cast %swap3A : i32 to index
      %swap3A_165 = arith.index_cast %scan3A_163 : i32 to index
      %swap3A_166 = arith.constant 0 : index
      %swap3A_167 = tpu.vector_load %arg8[%swap3A_164, %swap3A_165, %swap3A_166] {strides = array<i32>} : memref<2x128x128xf32, #tpu.memory_space<vmem>>, vector<1x1x16xf32>,
      %swap3A_168 = vector.shape_cast %swap3A_167 : vector<1x1x16xf32> to vector<16xf32>
      %swap3A_169 = vector.shape_cast %broadcast_in_dim3A_0 : vector<16xf32> to vector<1x1x16xf32>
      tpu.vector_store %arg8[%swap3A_164, %swap3A_165, %swap3A_166], %swap3A_169 {strides = array<i32>} : memref<2x128x128xf32, #tpu.memory_space<vmem>>, vector<1x1x16xf32>,
      %swap3A_170 = arith.constant 0 : i32
      %swap3A_171 = arith.index_cast %swap3A_170 : i32 to index
      %swap3A_172 = arith.index_cast %scan3A_163 : i32 to index
      %swap3A_173 = arith.constant 16 : index
      %swap3A_174 = tpu.vector_load %arg8[%swap3A_171, %swap3A_172, %swap3A_173] {strides = array<i32>} : memref<2x128x128xf32, #tpu.memory_space<vmem>>, vector<1x1x16xf32>,
      %swap3A_175 = vector.shape_cast %swap3A_174 : vector<1x1x16xf32> to vector<16xf32>
      %swap3A_176 = vector.shape_cast %broadcast_in_dim3A_0 : vector<16xf32> to vector<1x1x16xf32>
      tpu.vector_store %arg8[%swap3A_171, %swap3A_172, %swap3A_173], %swap3A_176 {strides = array<i32>} : memref<2x128x128xf32, #tpu.memory_space<vmem>>, vector<1x1x16xf32>,
      %swap3A_177 = arith.constant 0 : i32
      %swap3A_178 = arith.index_cast %swap3A_177 : i32 to index
      %swap3A_179 = arith.index_cast %scan3A_163 : i32 to index
      %swap3A_180 = arith.constant 32 : index
      %swap3A_181 = tpu.vector_load %arg8[%swap3A_178, %swap3A_179, %swap3A_180] {strides = array<i32>} : memref<2x128x128xf32, #tpu.memory_space<vmem>>, vector<1x1x16xf32>,
      %swap3A_182 = vector.shape_cast %swap3A_181 : vector<1x1x16xf32> to vector<16xf32>
      %swap3A_183 = vector.shape_cast %broadcast_in_dim3A_0 : vector<16xf32> to vector<1x1x16xf32>
      tpu.vector_store %arg8[%swap3A_178, %swap3A_179, %swap3A_180], %swap3A_183 {strides = array<i32>} : memref<2x128x128xf32, #tpu.memory_space<vmem>>, vector<1x1x16xf32>,
      %swap3A_184 = arith.constant 0 : i32
      %swap3A_185 = arith.index_cast %swap3A_184 : i32 to index
      %swap3A_186 = arith.index_cast %scan3A_163 : i32 to index
      %swap3A_187 = arith.constant 48 : index
      %swap3A_188 = tpu.vector_load %arg8[%swap3A_185, %swap3A_186, %swap3A_187] {strides = array<i32>} : memref<2x128x128xf32, #tpu.memory_space<vmem>>, vector<1x1x16xf32>,
      %swap3A_189 = vector.shape_cast %swap3A_188 : vector<1x1x16xf32> to vector<16xf32>
      %swap3A_190 = vector.shape_cast %broadcast_in_dim3A_0 : vector<16xf32> to vector<1x1x16xf32>
      tpu.vector_store %arg8[%swap3A_185, %swap3A_186, %swap3A_187], %swap3A_190 {strides = array<i32>} : memref<2x128x128xf32, #tpu.memory_space<vmem>>, vector<1x1x16xf32>,
      %swap3A_191 = arith.constant 0 : i32
      %swap3A_192 = arith.index_cast %swap3A_191 : i32 to index
      %swap3A_193 = arith.index_cast %scan3A_163 : i32 to index
      %swap3A_194 = arith.constant 64 : index
      %swap3A_195 = tpu.vector_load %arg8[%swap3A_192, %swap3A_193, %swap3A_194] {strides = array<i32>} : memref<2x128x128xf32, #tpu.memory_space<vmem>>, vector<1x1x16xf32>,
      %swap3A_196 = vector.shape_cast %swap3A_195 : vector<1x1x16xf32> to vector<16xf32>
      %swap3A_197 = vector.shape_cast %broadcast_in_dim3A_0 : vector<16xf32> to vector<1x1x16xf32>
      tpu.vector_store %arg8[%swap3A_192, %swap3A_193, %swap3A_194], %swap3A_197 {strides = array<i32>} : memref<2x128x128xf32, #tpu.memory_space<vmem>>, vector<1x1x16xf32>,
      %swap3A_198 = arith.constant 0 : i32
      %swap3A_199 = arith.index_cast %swap3A_198 : i32 to index
      %swap3A_200 = arith.index_cast %scan3A_163 : i32 to index
      %swap3A_201 = arith.constant 80 : index
      %swap3A_202 = tpu.vector_load %arg8[%swap3A_199, %swap3A_200, %swap3A_201] {strides = array<i32>} : memref<2x128x128xf32, #tpu.memory_space<vmem>>, vector<1x1x16xf32>,
      %swap3A_203 = vector.shape_cast %swap3A_202 : vector<1x1x16xf32> to vector<16xf32>
      %swap3A_204 = vector.shape_cast %broadcast_in_dim3A_0 : vector<16xf32> to vector<1x1x16xf32>
      tpu.vector_store %arg8[%swap3A_199, %swap3A_200, %swap3A_201], %swap3A_204 {strides = array<i32>} : memref<2x128x128xf32, #tpu.memory_space<vmem>>, vector<1x1x16xf32>,
      %swap3A_205 = arith.constant 0 : i32
      %swap3A_206 = arith.index_cast %swap3A_205 : i32 to index
      %swap3A_207 = arith.index_cast %scan3A_163 : i32 to index
      %swap3A_208 = arith.constant 96 : index
      %swap3A_209 = tpu.vector_load %arg8[%swap3A_206, %swap3A_207, %swap3A_208] {strides = array<i32>} : memref<2x128x128xf32, #tpu.memory_space<vmem>>, vector<1x1x16xf32>,
      %swap3A_210 = vector.shape_cast %swap3A_209 : vector<1x1x16xf32> to vector<16xf32>
      %swap3A_211 = vector.shape_cast %broadcast_in_dim3A_0 : vector<16xf32> to vector<1x1x16xf32>
      tpu.vector_store %arg8[%swap3A_206, %swap3A_207, %swap3A_208], %swap3A_211 {strides = array<i32>} : memref<2x128x128xf32, #tpu.memory_space<vmem>>, vector<1x1x16xf32>,
      %swap3A_212 = arith.constant 0 : i32
      %swap3A_213 = arith.index_cast %swap3A_212 : i32 to index
      %swap3A_214 = arith.index_cast %scan3A_163 : i32 to index
      %swap3A_215 = arith.constant 112 : index
      %swap3A_216 = tpu.vector_load %arg8[%swap3A_213, %swap3A_214, %swap3A_215] {strides = array<i32>} : memref<2x128x128xf32, #tpu.memory_space<vmem>>, vector<1x1x16xf32>,
      %swap3A_217 = vector.shape_cast %swap3A_216 : vector<1x1x16xf32> to vector<16xf32>
      %swap3A_218 = vector.shape_cast %broadcast_in_dim3A_0 : vector<16xf32> to vector<1x1x16xf32>
      tpu.vector_store %arg8[%swap3A_213, %swap3A_214, %swap3A_215], %swap3A_218 {strides = array<i32>} : memref<2x128x128xf32, #tpu.memory_space<vmem>>, vector<1x1x16xf32>,
    }
    %scan3A_5 = arith.constant 128 : i32
    %mul3A = arith.constant 640 : i32
    %mul3A_6 = arith.muli %arg1, %mul3A : i32
    %add3A = arith.constant 0 : i32
    %add3A_7 = arith.addi %mul3A_6, %add3A : i32
    %dma_start3A = arith.constant 0 : i32
    %dma_start3A_8 = arith.constant 0 : i32
    %dma_start3A_9 = arith.constant 0 : i32
    %dma_start3A_10 = tpu.memref_slice %arg8[%dma_start3A, %dma_start3A_8, %dma_start3A_9] : memref<2x128x128xf32, #tpu.memory_space<vmem>> -> memref<1x128x128xf32, #tpu.memory_space<vmem>>
    %dma_start3A_11 = tpu.memref_squeeze %dma_start3A_10 : memref<1x128x128xf32, #tpu.memory_space<vmem>> -> memref<128x128xf32, #tpu.memory_space<vmem>>
    %dma_start3A_12 = arith.constant 0 : i32
    %dma_start3A_13 = tpu.memref_slice %arg13[%add3A_7, %dma_start3A_12] : memref<10240x128xf32, #tpu.memory_space<vmem_shared>> -> memref<128x128xf32, #tpu.memory_space<vmem_shared>>
    %dma_start3A_14 = arith.constant 0 : i32
    %dma_start3A_15 = tpu.memref_slice %arg13[%add3A_7, %dma_start3A_14] : memref<10240x128xf32, #tpu.memory_space<vmem_shared>> -> memref<128x128xf32, #tpu.memory_space<vmem_shared>>
    %dma_start3A_16 = arith.constant 0 : i32
    %dma_start3A_17 = arith.constant 0 : i32
    %dma_start3A_18 = tpu.memref_slice %arg8[%dma_start3A, %dma_start3A_16, %dma_start3A_17] : memref<2x128x128xf32, #tpu.memory_space<vmem>> -> memref<1x128x128xf32, #tpu.memory_space<vmem>>
    %dma_start3A_19 = tpu.memref_squeeze %dma_start3A_18 : memref<1x128x128xf32, #tpu.memory_space<vmem>> -> memref<128x128xf32, #tpu.memory_space<vmem>>
    tpu.enqueue_dma source(%dma_start3A_19 : memref<128x128xf32, #tpu.memory_space<vmem>>) target(%dma_start3A_15 : memref<128x128xf32, #tpu.memory_space<vmem_shared>>) target_semaphore(%arg9 : memref<!tpu.dma_semaphore, #tpu.memory_space<semaphore_mem>>)
    %mul3A_20 = arith.constant 640 : i32
    %mul3A_21 = arith.muli %arg1, %mul3A_20 : i32
    %add3A_22 = arith.constant 128 : i32
    %add3A_23 = arith.addi %mul3A_21, %add3A_22 : i32
    %dma_start3A_24 = arith.constant 0 : i32
    %dma_start3A_25 = arith.constant 0 : i32
    %dma_start3A_26 = arith.constant 0 : i32
    %dma_start3A_27 = tpu.memref_slice %arg8[%dma_start3A_24, %dma_start3A_25, %dma_start3A_26] : memref<2x128x128xf32, #tpu.memory_space<vmem>> -> memref<1x128x128xf32, #tpu.memory_space<vmem>>
    %dma_start3A_28 = tpu.memref_squeeze %dma_start3A_27 : memref<1x128x128xf32, #tpu.memory_space<vmem>> -> memref<128x128xf32, #tpu.memory_space<vmem>>
    %dma_start3A_29 = arith.constant 0 : i32
    %dma_start3A_30 = tpu.memref_slice %arg13[%add3A_23, %dma_start3A_29] : memref<10240x128xf32, #tpu.memory_space<vmem_shared>> -> memref<128x128xf32, #tpu.memory_space<vmem_shared>>
    %dma_start3A_31 = arith.constant 0 : i32
    %dma_start3A_32 = tpu.memref_slice %arg13[%add3A_23, %dma_start3A_31] : memref<10240x128xf32, #tpu.memory_space<vmem_shared>> -> memref<128x128xf32, #tpu.memory_space<vmem_shared>>
    %dma_start3A_33 = arith.constant 0 : i32
    %dma_start3A_34 = arith.constant 0 : i32
    %dma_start3A_35 = tpu.memref_slice %arg8[%dma_start3A_24, %dma_start3A_33, %dma_start3A_34] : memref<2x128x128xf32, #tpu.memory_space<vmem>> -> memref<1x128x128xf32, #tpu.memory_space<vmem>>
    %dma_start3A_36 = tpu.memref_squeeze %dma_start3A_35 : memref<1x128x128xf32, #tpu.memory_space<vmem>> -> memref<128x128xf32, #tpu.memory_space<vmem>>
    tpu.enqueue_dma source(%dma_start3A_36 : memref<128x128xf32, #tpu.memory_space<vmem>>) target(%dma_start3A_32 : memref<128x128xf32, #tpu.memory_space<vmem_shared>>) target_semaphore(%arg9 : memref<!tpu.dma_semaphore, #tpu.memory_space<semaphore_mem>>)
    %mul3A_37 = arith.constant 640 : i32
    %mul3A_38 = arith.muli %arg1, %mul3A_37 : i32
    %add3A_39 = arith.constant 256 : i32
    %add3A_40 = arith.addi %mul3A_38, %add3A_39 : i32
    %dma_start3A_41 = arith.constant 0 : i32
    %dma_start3A_42 = arith.constant 0 : i32
    %dma_start3A_43 = arith.constant 0 : i32
    %dma_start3A_44 = tpu.memref_slice %arg8[%dma_start3A_41, %dma_start3A_42, %dma_start3A_43] : memref<2x128x128xf32, #tpu.memory_space<vmem>> -> memref<1x128x128xf32, #tpu.memory_space<vmem>>
    %dma_start3A_45 = tpu.memref_squeeze %dma_start3A_44 : memref<1x128x128xf32, #tpu.memory_space<vmem>> -> memref<128x128xf32, #tpu.memory_space<vmem>>
    %dma_start3A_46 = arith.constant 0 : i32
    %dma_start3A_47 = tpu.memref_slice %arg13[%add3A_40, %dma_start3A_46] : memref<10240x128xf32, #tpu.memory_space<vmem_shared>> -> memref<128x128xf32, #tpu.memory_space<vmem_shared>>
    %dma_start3A_48 = arith.constant 0 : i32
    %dma_start3A_49 = tpu.memref_slice %arg13[%add3A_40, %dma_start3A_48] : memref<10240x128xf32, #tpu.memory_space<vmem_shared>> -> memref<128x128xf32, #tpu.memory_space<vmem_shared>>
    %dma_start3A_50 = arith.constant 0 : i32
    %dma_start3A_51 = arith.constant 0 : i32
    %dma_start3A_52 = tpu.memref_slice %arg8[%dma_start3A_41, %dma_start3A_50, %dma_start3A_51] : memref<2x128x128xf32, #tpu.memory_space<vmem>> -> memref<1x128x128xf32, #tpu.memory_space<vmem>>
    %dma_start3A_53 = tpu.memref_squeeze %dma_start3A_52 : memref<1x128x128xf32, #tpu.memory_space<vmem>> -> memref<128x128xf32, #tpu.memory_space<vmem>>
    tpu.enqueue_dma source(%dma_start3A_53 : memref<128x128xf32, #tpu.memory_space<vmem>>) target(%dma_start3A_49 : memref<128x128xf32, #tpu.memory_space<vmem_shared>>) target_semaphore(%arg9 : memref<!tpu.dma_semaphore, #tpu.memory_space<semaphore_mem>>)
    %mul3A_54 = arith.constant 640 : i32
    %mul3A_55 = arith.muli %arg1, %mul3A_54 : i32
    %add3A_56 = arith.constant 384 : i32
    %add3A_57 = arith.addi %mul3A_55, %add3A_56 : i32
    %dma_start3A_58 = arith.constant 0 : i32
    %dma_start3A_59 = arith.constant 0 : i32
    %dma_start3A_60 = arith.constant 0 : i32
    %dma_start3A_61 = tpu.memref_slice %arg8[%dma_start3A_58, %dma_start3A_59, %dma_start3A_60] : memref<2x128x128xf32, #tpu.memory_space<vmem>> -> memref<1x128x128xf32, #tpu.memory_space<vmem>>
    %dma_start3A_62 = tpu.memref_squeeze %dma_start3A_61 : memref<1x128x128xf32, #tpu.memory_space<vmem>> -> memref<128x128xf32, #tpu.memory_space<vmem>>
    %dma_start3A_63 = arith.constant 0 : i32
    %dma_start3A_64 = tpu.memref_slice %arg13[%add3A_57, %dma_start3A_63] : memref<10240x128xf32, #tpu.memory_space<vmem_shared>> -> memref<128x128xf32, #tpu.memory_space<vmem_shared>>
    %dma_start3A_65 = arith.constant 0 : i32
    %dma_start3A_66 = tpu.memref_slice %arg13[%add3A_57, %dma_start3A_65] : memref<10240x128xf32, #tpu.memory_space<vmem_shared>> -> memref<128x128xf32, #tpu.memory_space<vmem_shared>>
    %dma_start3A_67 = arith.constant 0 : i32
    %dma_start3A_68 = arith.constant 0 : i32
    %dma_start3A_69 = tpu.memref_slice %arg8[%dma_start3A_58, %dma_start3A_67, %dma_start3A_68] : memref<2x128x128xf32, #tpu.memory_space<vmem>> -> memref<1x128x128xf32, #tpu.memory_space<vmem>>
    %dma_start3A_70 = tpu.memref_squeeze %dma_start3A_69 : memref<1x128x128xf32, #tpu.memory_space<vmem>> -> memref<128x128xf32, #tpu.memory_space<vmem>>
    tpu.enqueue_dma source(%dma_start3A_70 : memref<128x128xf32, #tpu.memory_space<vmem>>) target(%dma_start3A_66 : memref<128x128xf32, #tpu.memory_space<vmem_shared>>) target_semaphore(%arg9 : memref<!tpu.dma_semaphore, #tpu.memory_space<semaphore_mem>>)
    %mul3A_71 = arith.constant 640 : i32
    %mul3A_72 = arith.muli %arg1, %mul3A_71 : i32
    %add3A_73 = arith.constant 512 : i32
    %add3A_74 = arith.addi %mul3A_72, %add3A_73 : i32
    %dma_start3A_75 = arith.constant 0 : i32
    %dma_start3A_76 = arith.constant 0 : i32
    %dma_start3A_77 = arith.constant 0 : i32
    %dma_start3A_78 = tpu.memref_slice %arg8[%dma_start3A_75, %dma_start3A_76, %dma_start3A_77] : memref<2x128x128xf32, #tpu.memory_space<vmem>> -> memref<1x128x128xf32, #tpu.memory_space<vmem>>
    %dma_start3A_79 = tpu.memref_squeeze %dma_start3A_78 : memref<1x128x128xf32, #tpu.memory_space<vmem>> -> memref<128x128xf32, #tpu.memory_space<vmem>>
    %dma_start3A_80 = arith.constant 0 : i32
    %dma_start3A_81 = tpu.memref_slice %arg13[%add3A_74, %dma_start3A_80] : memref<10240x128xf32, #tpu.memory_space<vmem_shared>> -> memref<128x128xf32, #tpu.memory_space<vmem_shared>>
    %dma_start3A_82 = arith.constant 0 : i32
    %dma_start3A_83 = tpu.memref_slice %arg13[%add3A_74, %dma_start3A_82] : memref<10240x128xf32, #tpu.memory_space<vmem_shared>> -> memref<128x128xf32, #tpu.memory_space<vmem_shared>>
    %dma_start3A_84 = arith.constant 0 : i32
    %dma_start3A_85 = arith.constant 0 : i32
    %dma_start3A_86 = tpu.memref_slice %arg8[%dma_start3A_75, %dma_start3A_84, %dma_start3A_85] : memref<2x128x128xf32, #tpu.memory_space<vmem>> -> memref<1x128x128xf32, #tpu.memory_space<vmem>>
    %dma_start3A_87 = tpu.memref_squeeze %dma_start3A_86 : memref<1x128x128xf32, #tpu.memory_space<vmem>> -> memref<128x128xf32, #tpu.memory_space<vmem>>
    tpu.enqueue_dma source(%dma_start3A_87 : memref<128x128xf32, #tpu.memory_space<vmem>>) target(%dma_start3A_83 : memref<128x128xf32, #tpu.memory_space<vmem_shared>>) target_semaphore(%arg9 : memref<!tpu.dma_semaphore, #tpu.memory_space<semaphore_mem>>)
    %dma_wait3A = arith.constant 0 : i32
    %dma_wait3A_88 = arith.constant 0 : i32
    %dma_wait3A_89 = arith.constant 0 : i32
    %dma_wait3A_90 = tpu.memref_slice %arg8[%dma_wait3A, %dma_wait3A_88, %dma_wait3A_89] : memref<2x128x128xf32, #tpu.memory_space<vmem>> -> memref<1x128x128xf32, #tpu.memory_space<vmem>>
    %dma_wait3A_91 = tpu.memref_squeeze %dma_wait3A_90 : memref<1x128x128xf32, #tpu.memory_space<vmem>> -> memref<128x128xf32, #tpu.memory_space<vmem>>
    %dma_wait3A_92 = arith.constant 0 : i32
    %dma_wait3A_93 = tpu.memref_slice %arg13[%add3A_7, %dma_wait3A_92] : memref<10240x128xf32, #tpu.memory_space<vmem_shared>> -> memref<128x128xf32, #tpu.memory_space<vmem_shared>>
    %dma_wait3A_94 = arith.constant 0 : i32
    %dma_wait3A_95 = tpu.memref_slice %arg13[%add3A_7, %dma_wait3A_94] : memref<10240x128xf32, #tpu.memory_space<vmem_shared>> -> memref<128x128xf32, #tpu.memory_space<vmem_shared>>
    %dma_wait3A_96 = arith.constant 0 : i32
    %dma_wait3A_97 = arith.constant 0 : i32
    %dma_wait3A_98 = tpu.memref_slice %arg8[%dma_wait3A, %dma_wait3A_96, %dma_wait3A_97] : memref<2x128x128xf32, #tpu.memory_space<vmem>> -> memref<1x128x128xf32, #tpu.memory_space<vmem>>
    %dma_wait3A_99 = tpu.memref_squeeze %dma_wait3A_98 : memref<1x128x128xf32, #tpu.memory_space<vmem>> -> memref<128x128xf32, #tpu.memory_space<vmem>>
    tpu.wait_dma2 semaphore(%arg9 : memref<!tpu.dma_semaphore, #tpu.memory_space<semaphore_mem>>) src(%dma_wait3A_99 : memref<128x128xf32, #tpu.memory_space<vmem>>) dst(%dma_wait3A_95 : memref<128x128xf32, #tpu.memory_space<vmem_shared>>)
    %dma_wait3A_100 = arith.constant 0 : i32
    %dma_wait3A_101 = arith.constant 0 : i32
    %dma_wait3A_102 = arith.constant 0 : i32
    %dma_wait3A_103 = tpu.memref_slice %arg8[%dma_wait3A_100, %dma_wait3A_101, %dma_wait3A_102] : memref<2x128x128xf32, #tpu.memory_space<vmem>> -> memref<1x128x128xf32, #tpu.memory_space<vmem>>
    %dma_wait3A_104 = tpu.memref_squeeze %dma_wait3A_103 : memref<1x128x128xf32, #tpu.memory_space<vmem>> -> memref<128x128xf32, #tpu.memory_space<vmem>>
    %dma_wait3A_105 = arith.constant 0 : i32
    %dma_wait3A_106 = tpu.memref_slice %arg13[%add3A_23, %dma_wait3A_105] : memref<10240x128xf32, #tpu.memory_space<vmem_shared>> -> memref<128x128xf32, #tpu.memory_space<vmem_shared>>
    %dma_wait3A_107 = arith.constant 0 : i32
    %dma_wait3A_108 = tpu.memref_slice %arg13[%add3A_23, %dma_wait3A_107] : memref<10240x128xf32, #tpu.memory_space<vmem_shared>> -> memref<128x128xf32, #tpu.memory_space<vmem_shared>>
    %dma_wait3A_109 = arith.constant 0 : i32
    %dma_wait3A_110 = arith.constant 0 : i32
    %dma_wait3A_111 = tpu.memref_slice %arg8[%dma_wait3A_100, %dma_wait3A_109, %dma_wait3A_110] : memref<2x128x128xf32, #tpu.memory_space<vmem>> -> memref<1x128x128xf32, #tpu.memory_space<vmem>>
    %dma_wait3A_112 = tpu.memref_squeeze %dma_wait3A_111 : memref<1x128x128xf32, #tpu.memory_space<vmem>> -> memref<128x128xf32, #tpu.memory_space<vmem>>
    tpu.wait_dma2 semaphore(%arg9 : memref<!tpu.dma_semaphore, #tpu.memory_space<semaphore_mem>>) src(%dma_wait3A_112 : memref<128x128xf32, #tpu.memory_space<vmem>>) dst(%dma_wait3A_108 : memref<128x128xf32, #tpu.memory_space<vmem_shared>>)
    %dma_wait3A_113 = arith.constant 0 : i32
    %dma_wait3A_114 = arith.constant 0 : i32
    %dma_wait3A_115 = arith.constant 0 : i32
    %dma_wait3A_116 = tpu.memref_slice %arg8[%dma_wait3A_113, %dma_wait3A_114, %dma_wait3A_115] : memref<2x128x128xf32, #tpu.memory_space<vmem>> -> memref<1x128x128xf32, #tpu.memory_space<vmem>>
    %dma_wait3A_117 = tpu.memref_squeeze %dma_wait3A_116 : memref<1x128x128xf32, #tpu.memory_space<vmem>> -> memref<128x128xf32, #tpu.memory_space<vmem>>
    %dma_wait3A_118 = arith.constant 0 : i32
    %dma_wait3A_119 = tpu.memref_slice %arg13[%add3A_40, %dma_wait3A_118] : memref<10240x128xf32, #tpu.memory_space<vmem_shared>> -> memref<128x128xf32, #tpu.memory_space<vmem_shared>>
    %dma_wait3A_120 = arith.constant 0 : i32
    %dma_wait3A_121 = tpu.memref_slice %arg13[%add3A_40, %dma_wait3A_120] : memref<10240x128xf32, #tpu.memory_space<vmem_shared>> -> memref<128x128xf32, #tpu.memory_space<vmem_shared>>
    %dma_wait3A_122 = arith.constant 0 : i32
    %dma_wait3A_123 = arith.constant 0 : i32
    %dma_wait3A_124 = tpu.memref_slice %arg8[%dma_wait3A_113, %dma_wait3A_122, %dma_wait3A_123] : memref<2x128x128xf32, #tpu.memory_space<vmem>> -> memref<1x128x128xf32, #tpu.memory_space<vmem>>
    %dma_wait3A_125 = tpu.memref_squeeze %dma_wait3A_124 : memref<1x128x128xf32, #tpu.memory_space<vmem>> -> memref<128x128xf32, #tpu.memory_space<vmem>>
    tpu.wait_dma2 semaphore(%arg9 : memref<!tpu.dma_semaphore, #tpu.memory_space<semaphore_mem>>) src(%dma_wait3A_125 : memref<128x128xf32, #tpu.memory_space<vmem>>) dst(%dma_wait3A_121 : memref<128x128xf32, #tpu.memory_space<vmem_shared>>)
    %dma_wait3A_126 = arith.constant 0 : i32
    %dma_wait3A_127 = arith.constant 0 : i32
    %dma_wait3A_128 = arith.constant 0 : i32
    %dma_wait3A_129 = tpu.memref_slice %arg8[%dma_wait3A_126, %dma_wait3A_127, %dma_wait3A_128] : memref<2x128x128xf32, #tpu.memory_space<vmem>> -> memref<1x128x128xf32, #tpu.memory_space<vmem>>
    %dma_wait3A_130 = tpu.memref_squeeze %dma_wait3A_129 : memref<1x128x128xf32, #tpu.memory_space<vmem>> -> memref<128x128xf32, #tpu.memory_space<vmem>>
    %dma_wait3A_131 = arith.constant 0 : i32
    %dma_wait3A_132 = tpu.memref_slice %arg13[%add3A_57, %dma_wait3A_131] : memref<10240x128xf32, #tpu.memory_space<vmem_shared>> -> memref<128x128xf32, #tpu.memory_space<vmem_shared>>
    %dma_wait3A_133 = arith.constant 0 : i32
    %dma_wait3A_134 = tpu.memref_slice %arg13[%add3A_57, %dma_wait3A_133] : memref<10240x128xf32, #tpu.memory_space<vmem_shared>> -> memref<128x128xf32, #tpu.memory_space<vmem_shared>>
    %dma_wait3A_135 = arith.constant 0 : i32
    %dma_wait3A_136 = arith.constant 0 : i32
    %dma_wait3A_137 = tpu.memref_slice %arg8[%dma_wait3A_126, %dma_wait3A_135, %dma_wait3A_136] : memref<2x128x128xf32, #tpu.memory_space<vmem>> -> memref<1x128x128xf32, #tpu.memory_space<vmem>>
    %dma_wait3A_138 = tpu.memref_squeeze %dma_wait3A_137 : memref<1x128x128xf32, #tpu.memory_space<vmem>> -> memref<128x128xf32, #tpu.memory_space<vmem>>
    tpu.wait_dma2 semaphore(%arg9 : memref<!tpu.dma_semaphore, #tpu.memory_space<semaphore_mem>>) src(%dma_wait3A_138 : memref<128x128xf32, #tpu.memory_space<vmem>>) dst(%dma_wait3A_134 : memref<128x128xf32, #tpu.memory_space<vmem_shared>>)
    %dma_wait3A_139 = arith.constant 0 : i32
    %dma_wait3A_140 = arith.constant 0 : i32
    %dma_wait3A_141 = arith.constant 0 : i32
    %dma_wait3A_142 = tpu.memref_slice %arg8[%dma_wait3A_139, %dma_wait3A_140, %dma_wait3A_141] : memref<2x128x128xf32, #tpu.memory_space<vmem>> -> memref<1x128x128xf32, #tpu.memory_space<vmem>>
    %dma_wait3A_143 = tpu.memref_squeeze %dma_wait3A_142 : memref<1x128x128xf32, #tpu.memory_space<vmem>> -> memref<128x128xf32, #tpu.memory_space<vmem>>
    %dma_wait3A_144 = arith.constant 0 : i32
    %dma_wait3A_145 = tpu.memref_slice %arg13[%add3A_74, %dma_wait3A_144] : memref<10240x128xf32, #tpu.memory_space<vmem_shared>> -> memref<128x128xf32, #tpu.memory_space<vmem_shared>>
    %dma_wait3A_146 = arith.constant 0 : i32
    %dma_wait3A_147 = tpu.memref_slice %arg13[%add3A_74, %dma_wait3A_146] : memref<10240x128xf32, #tpu.memory_space<vmem_shared>> -> memref<128x128xf32, #tpu.memory_space<vmem_shared>>
    %dma_wait3A_148 = arith.constant 0 : i32
    %dma_wait3A_149 = arith.constant 0 : i32
    %dma_wait3A_150 = tpu.memref_slice %arg8[%dma_wait3A_139, %dma_wait3A_148, %dma_wait3A_149] : memref<2x128x128xf32, #tpu.memory_space<vmem>> -> memref<1x128x128xf32, #tpu.memory_space<vmem>>
    %dma_wait3A_151 = tpu.memref_squeeze %dma_wait3A_150 : memref<1x128x128xf32, #tpu.memory_space<vmem>> -> memref<128x128xf32, #tpu.memory_space<vmem>>
    tpu.wait_dma2 semaphore(%arg9 : memref<!tpu.dma_semaphore, #tpu.memory_space<semaphore_mem>>) src(%dma_wait3A_151 : memref<128x128xf32, #tpu.memory_space<vmem>>) dst(%dma_wait3A_147 : memref<128x128xf32, #tpu.memory_space<vmem_shared>>)
    %barrier3A = arith.constant 0 : index
    tpu.barrier barrier_id(%barrier3A)
    %scan3A_152 = arith.constant 0 : i32
    %scan3A_153 = arith.constant 0 : i32
    %scan3A_154 = arith.constant 10 : i32
    %scan3A_155 = arith.addi %scan3A_153, %scan3A_154 : i32
    %scan3A_156 = arith.constant 1 : i32
    scf.for %scan3A_163 = %scan3A_153 to %scan3A_155 step %scan3A_156  : i32 {
      %mul3A_164 = arith.constant 8 : i32
      %mul3A_165 = arith.muli %scan3A_163, %mul3A_164 : i32
      "tpu.region"() ({
        %run_scoped3A = tpu.sem_alloc : memref<!tpu.dma_semaphore, #tpu.memory_space<semaphore_mem>>
        %dma_start3A_552 = arith.constant 0 : i32
        %dma_start3A_553 = tpu.memref_slice %arg3[%arg0, %arg1, %mul3A_165, %dma_start3A_552] : memref<2x16x80x128xi32, #tpu.memory_space<hbm>> -> memref<1x1x8x128xi32, #tpu.memory_space<hbm>>
        %dma_start3A_554 = tpu.memref_squeeze %dma_start3A_553 : memref<1x1x8x128xi32, #tpu.memory_space<hbm>> -> memref<8x128xi32, #tpu.memory_space<hbm>>
        %dma_start3A_555 = arith.constant 0 : i32
        %dma_start3A_556 = tpu.memref_slice %arg3[%arg0, %arg1, %mul3A_165, %dma_start3A_555] : memref<2x16x80x128xi32, #tpu.memory_space<hbm>> -> memref<1x1x8x128xi32, #tpu.memory_space<hbm>>
        %dma_start3A_557 = tpu.memref_squeeze %dma_start3A_556 : memref<1x1x8x128xi32, #tpu.memory_space<hbm>> -> memref<8x128xi32, #tpu.memory_space<hbm>>
        tpu.enqueue_dma source(%dma_start3A_557 : memref<8x128xi32, #tpu.memory_space<hbm>>) target(%arg6 : memref<8x128xi32, #tpu.memory_space<vmem>>) target_semaphore(%run_scoped3A : memref<!tpu.dma_semaphore, #tpu.memory_space<semaphore_mem>>)
        %dma_wait3A_558 = arith.constant 0 : i32
        %dma_wait3A_559 = tpu.memref_slice %arg3[%arg0, %arg1, %mul3A_165, %dma_wait3A_558] : memref<2x16x80x128xi32, #tpu.memory_space<hbm>> -> memref<1x1x8x128xi32, #tpu.memory_space<hbm>>
        %dma_wait3A_560 = tpu.memref_squeeze %dma_wait3A_559 : memref<1x1x8x128xi32, #tpu.memory_space<hbm>> -> memref<8x128xi32, #tpu.memory_space<hbm>>
        %dma_wait3A_561 = arith.constant 0 : i32
        %dma_wait3A_562 = tpu.memref_slice %arg3[%arg0, %arg1, %mul3A_165, %dma_wait3A_561] : memref<2x16x80x128xi32, #tpu.memory_space<hbm>> -> memref<1x1x8x128xi32, #tpu.memory_space<hbm>>
        %dma_wait3A_563 = tpu.memref_squeeze %dma_wait3A_562 : memref<1x1x8x128xi32, #tpu.memory_space<hbm>> -> memref<8x128xi32, #tpu.memory_space<hbm>>
        tpu.wait_dma2 semaphore(%run_scoped3A : memref<!tpu.dma_semaphore, #tpu.memory_space<semaphore_mem>>) src(%dma_wait3A_563 : memref<8x128xi32, #tpu.memory_space<hbm>>) dst(%arg6 : memref<8x128xi32, #tpu.memory_space<vmem>>)
        tpu.yield
      }) : () -> ()
      %mul3A_166 = arith.constant 8 : i32
      %mul3A_167 = arith.muli %scan3A_163, %mul3A_166 : i32
      "tpu.region"() ({
        %run_scoped3A = tpu.sem_alloc : memref<!tpu.dma_semaphore, #tpu.memory_space<semaphore_mem>>
        %dma_start3A_552 = arith.constant 0 : i32
        %dma_start3A_553 = tpu.memref_slice %arg4[%arg0, %arg1, %mul3A_167, %dma_start3A_552] : memref<2x16x80x128xi32, #tpu.memory_space<hbm>> -> memref<1x1x8x128xi32, #tpu.memory_space<hbm>>
        %dma_start3A_554 = tpu.memref_squeeze %dma_start3A_553 : memref<1x1x8x128xi32, #tpu.memory_space<hbm>> -> memref<8x128xi32, #tpu.memory_space<hbm>>
        %dma_start3A_555 = arith.constant 0 : i32
        %dma_start3A_556 = tpu.memref_slice %arg4[%arg0, %arg1, %mul3A_167, %dma_start3A_555] : memref<2x16x80x128xi32, #tpu.memory_space<hbm>> -> memref<1x1x8x128xi32, #tpu.memory_space<hbm>>
        %dma_start3A_557 = tpu.memref_squeeze %dma_start3A_556 : memref<1x1x8x128xi32, #tpu.memory_space<hbm>> -> memref<8x128xi32, #tpu.memory_space<hbm>>
        tpu.enqueue_dma source(%dma_start3A_557 : memref<8x128xi32, #tpu.memory_space<hbm>>) target(%arg7 : memref<8x128xi32, #tpu.memory_space<vmem>>) target_semaphore(%run_scoped3A : memref<!tpu.dma_semaphore, #tpu.memory_space<semaphore_mem>>)
        %dma_wait3A_558 = arith.constant 0 : i32
        %dma_wait3A_559 = tpu.memref_slice %arg4[%arg0, %arg1, %mul3A_167, %dma_wait3A_558] : memref<2x16x80x128xi32, #tpu.memory_space<hbm>> -> memref<1x1x8x128xi32, #tpu.memory_space<hbm>>
        %dma_wait3A_560 = tpu.memref_squeeze %dma_wait3A_559 : memref<1x1x8x128xi32, #tpu.memory_space<hbm>> -> memref<8x128xi32, #tpu.memory_space<hbm>>
        %dma_wait3A_561 = arith.constant 0 : i32
        %dma_wait3A_562 = tpu.memref_slice %arg4[%arg0, %arg1, %mul3A_167, %dma_wait3A_561] : memref<2x16x80x128xi32, #tpu.memory_space<hbm>> -> memref<1x1x8x128xi32, #tpu.memory_space<hbm>>
        %dma_wait3A_563 = tpu.memref_squeeze %dma_wait3A_562 : memref<1x1x8x128xi32, #tpu.memory_space<hbm>> -> memref<8x128xi32, #tpu.memory_space<hbm>>
        tpu.wait_dma2 semaphore(%run_scoped3A : memref<!tpu.dma_semaphore, #tpu.memory_space<semaphore_mem>>) src(%dma_wait3A_563 : memref<8x128xi32, #tpu.memory_space<hbm>>) dst(%arg7 : memref<8x128xi32, #tpu.memory_space<vmem>>)
        tpu.yield
      }) : () -> ()
      %dma_start3A_168 = arith.constant 0 : i32
      %dma_start3A_169 = arith.constant 0 : i32
      %dma_start3A_170 = arith.constant 0 : i32
      %dma_start3A_171 = arith.constant 0 : i32
      %dma_start3A_172 = tpu.memref_slice %arg8[%dma_start3A_169, %dma_start3A_170, %dma_start3A_171] : memref<2x128x128xf32, #tpu.memory_space<vmem>> -> memref<1x128x128xf32, #tpu.memory_space<vmem>>
      %dma_start3A_173 = tpu.memref_squeeze %dma_start3A_172 : memref<1x128x128xf32, #tpu.memory_space<vmem>> -> memref<128x128xf32, #tpu.memory_space<vmem>>
      %dma_start3A_174 = arith.constant 0 : i32
      %dma_start3A_175 = tpu.memref_slice %arg6[%dma_start3A_168, %dma_start3A_174] : memref<8x128xi32, #tpu.memory_space<vmem>> -> memref<1x128xi32, #tpu.memory_space<vmem>>
      %dma_start3A_176 = tpu.memref_squeeze %dma_start3A_175 : memref<1x128xi32, #tpu.memory_space<vmem>> -> memref<128xi32, #tpu.memory_space<vmem>>
      %dma_start3A_177 = arith.constant 0 : i32
      %dma_start3A_178 = arith.constant 0 : i32
      %dma_start3A_179 = tpu.memref_slice %arg2[%dma_start3A_177, %dma_start3A_178] : memref<10000x128xf32, #tpu.memory_space<hbm>> -> memref<10000x128xf32, #tpu.memory_space<hbm>>
      tpu.enqueue_indirect_dma source(%dma_start3A_179 : memref<10000x128xf32, #tpu.memory_space<hbm>>) target(%dma_start3A_173 : memref<128x128xf32, #tpu.memory_space<vmem>>) offsets(%dma_start3A_176 : memref<128xi32, #tpu.memory_space<vmem>>) semaphore(%arg9 : memref<!tpu.dma_semaphore, #tpu.memory_space<semaphore_mem>>)
      %dma_start3A_180 = arith.constant 1 : i32
      %dma_start3A_181 = arith.constant 1 : i32
      %dma_start3A_182 = arith.constant 0 : i32
      %dma_start3A_183 = arith.constant 0 : i32
      %dma_start3A_184 = tpu.memref_slice %arg8[%dma_start3A_181, %dma_start3A_182, %dma_start3A_183] : memref<2x128x128xf32, #tpu.memory_space<vmem>> -> memref<1x128x128xf32, #tpu.memory_space<vmem>>
      %dma_start3A_185 = tpu.memref_squeeze %dma_start3A_184 : memref<1x128x128xf32, #tpu.memory_space<vmem>> -> memref<128x128xf32, #tpu.memory_space<vmem>>
      %dma_start3A_186 = arith.constant 0 : i32
      %dma_start3A_187 = tpu.memref_slice %arg6[%dma_start3A_180, %dma_start3A_186] : memref<8x128xi32, #tpu.memory_space<vmem>> -> memref<1x128xi32, #tpu.memory_space<vmem>>
      %dma_start3A_188 = tpu.memref_squeeze %dma_start3A_187 : memref<1x128xi32, #tpu.memory_space<vmem>> -> memref<128xi32, #tpu.memory_space<vmem>>
      %dma_start3A_189 = arith.constant 0 : i32
      %dma_start3A_190 = arith.constant 0 : i32
      %dma_start3A_191 = tpu.memref_slice %arg2[%dma_start3A_189, %dma_start3A_190] : memref<10000x128xf32, #tpu.memory_space<hbm>> -> memref<10000x128xf32, #tpu.memory_space<hbm>>
      tpu.enqueue_indirect_dma source(%dma_start3A_191 : memref<10000x128xf32, #tpu.memory_space<hbm>>) target(%dma_start3A_185 : memref<128x128xf32, #tpu.memory_space<vmem>>) offsets(%dma_start3A_188 : memref<128xi32, #tpu.memory_space<vmem>>) semaphore(%arg10 : memref<!tpu.dma_semaphore, #tpu.memory_space<semaphore_mem>>)
      %dma_wait3A_192 = arith.constant 0 : i32
      %dma_wait3A_193 = arith.constant 0 : i32
      %dma_wait3A_194 = arith.constant 0 : i32
      %dma_wait3A_195 = arith.constant 0 : i32
      %dma_wait3A_196 = tpu.memref_slice %arg8[%dma_wait3A_193, %dma_wait3A_194, %dma_wait3A_195] : memref<2x128x128xf32, #tpu.memory_space<vmem>> -> memref<1x128x128xf32, #tpu.memory_space<vmem>>
      %dma_wait3A_197 = tpu.memref_squeeze %dma_wait3A_196 : memref<1x128x128xf32, #tpu.memory_space<vmem>> -> memref<128x128xf32, #tpu.memory_space<vmem>>
      %dma_wait3A_198 = arith.constant 0 : i32
      %dma_wait3A_199 = tpu.memref_slice %arg6[%dma_wait3A_192, %dma_wait3A_198] : memref<8x128xi32, #tpu.memory_space<vmem>> -> memref<1x128xi32, #tpu.memory_space<vmem>>
      %dma_wait3A_200 = tpu.memref_squeeze %dma_wait3A_199 : memref<1x128xi32, #tpu.memory_space<vmem>> -> memref<128xi32, #tpu.memory_space<vmem>>
      %dma_wait3A_201 = arith.constant 0 : i32
      %dma_wait3A_202 = arith.constant 0 : i32
      %dma_wait3A_203 = tpu.memref_slice %arg2[%dma_wait3A_201, %dma_wait3A_202] : memref<10000x128xf32, #tpu.memory_space<hbm>> -> memref<10000x128xf32, #tpu.memory_space<hbm>>
      tpu.wait_indirect_dma semaphore(%arg9 : memref<!tpu.dma_semaphore, #tpu.memory_space<semaphore_mem>>) src(%dma_wait3A_203 : memref<10000x128xf32, #tpu.memory_space<hbm>>) dst(%dma_wait3A_197 : memref<128x128xf32, #tpu.memory_space<vmem>>)
      %dma_start3A_204 = arith.constant 0 : i32
      %dma_start3A_205 = arith.constant 0 : i32
      %dma_start3A_206 = arith.constant 0 : i32
      %dma_start3A_207 = arith.constant 0 : i32
      %dma_start3A_208 = tpu.memref_slice %arg8[%dma_start3A_204, %dma_start3A_206, %dma_start3A_207] : memref<2x128x128xf32, #tpu.memory_space<vmem>> -> memref<1x128x128xf32, #tpu.memory_space<vmem>>
      %dma_start3A_209 = tpu.memref_squeeze %dma_start3A_208 : memref<1x128x128xf32, #tpu.memory_space<vmem>> -> memref<128x128xf32, #tpu.memory_space<vmem>>
      %dma_start3A_210 = arith.constant 0 : i32
      %dma_start3A_211 = tpu.memref_slice %arg7[%dma_start3A_205, %dma_start3A_210] : memref<8x128xi32, #tpu.memory_space<vmem>> -> memref<1x128xi32, #tpu.memory_space<vmem>>
      %dma_start3A_212 = tpu.memref_squeeze %dma_start3A_211 : memref<1x128xi32, #tpu.memory_space<vmem>> -> memref<128xi32, #tpu.memory_space<vmem>>
      %dma_start3A_213 = arith.constant 0 : i32
      %dma_start3A_214 = arith.constant 0 : i32
      %dma_start3A_215 = tpu.memref_slice %arg13[%dma_start3A_213, %dma_start3A_214] : memref<10240x128xf32, #tpu.memory_space<vmem_shared>> -> memref<10240x128xf32, #tpu.memory_space<vmem_shared>>
      tpu.enqueue_indirect_dma source(%dma_start3A_209 : memref<128x128xf32, #tpu.memory_space<vmem>>) target(%dma_start3A_215 : memref<10240x128xf32, #tpu.memory_space<vmem_shared>>) offsets(%dma_start3A_212 : memref<128xi32, #tpu.memory_space<vmem>>) semaphore(%arg11 : memref<!tpu.dma_semaphore, #tpu.memory_space<semaphore_mem>>) {add = true}
      %dma_wait3A_216 = arith.constant 0 : i32
      %dma_wait3A_217 = arith.constant 0 : i32
      %dma_wait3A_218 = arith.constant 0 : i32
      %dma_wait3A_219 = arith.constant 0 : i32
      %dma_wait3A_220 = tpu.memref_slice %arg8[%dma_wait3A_216, %dma_wait3A_218, %dma_wait3A_219] : memref<2x128x128xf32, #tpu.memory_space<vmem>> -> memref<1x128x128xf32, #tpu.memory_space<vmem>>
      %dma_wait3A_221 = tpu.memref_squeeze %dma_wait3A_220 : memref<1x128x128xf32, #tpu.memory_space<vmem>> -> memref<128x128xf32, #tpu.memory_space<vmem>>
      %dma_wait3A_222 = arith.constant 0 : i32
      %dma_wait3A_223 = tpu.memref_slice %arg7[%dma_wait3A_217, %dma_wait3A_222] : memref<8x128xi32, #tpu.memory_space<vmem>> -> memref<1x128xi32, #tpu.memory_space<vmem>>
      %dma_wait3A_224 = tpu.memref_squeeze %dma_wait3A_223 : memref<1x128xi32, #tpu.memory_space<vmem>> -> memref<128xi32, #tpu.memory_space<vmem>>
      %dma_wait3A_225 = arith.constant 0 : i32
      %dma_wait3A_226 = arith.constant 0 : i32
      %dma_wait3A_227 = tpu.memref_slice %arg13[%dma_wait3A_225, %dma_wait3A_226] : memref<10240x128xf32, #tpu.memory_space<vmem_shared>> -> memref<10240x128xf32, #tpu.memory_space<vmem_shared>>
      tpu.wait_indirect_dma semaphore(%arg11 : memref<!tpu.dma_semaphore, #tpu.memory_space<semaphore_mem>>) src(%dma_wait3A_221 : memref<128x128xf32, #tpu.memory_space<vmem>>) dst(%dma_wait3A_227 : memref<10240x128xf32, #tpu.memory_space<vmem_shared>>)
      %dma_start3A_228 = arith.constant 2 : i32
      %dma_start3A_229 = arith.constant 0 : i32
      %dma_start3A_230 = arith.constant 0 : i32
      %dma_start3A_231 = arith.constant 0 : i32
      %dma_start3A_232 = tpu.memref_slice %arg8[%dma_start3A_229, %dma_start3A_230, %dma_start3A_231] : memref<2x128x128xf32, #tpu.memory_space<vmem>> -> memref<1x128x128xf32, #tpu.memory_space<vmem>>
      %dma_start3A_233 = tpu.memref_squeeze %dma_start3A_232 : memref<1x128x128xf32, #tpu.memory_space<vmem>> -> memref<128x128xf32, #tpu.memory_space<vmem>>
      %dma_start3A_234 = arith.constant 0 : i32
      %dma_start3A_235 = tpu.memref_slice %arg6[%dma_start3A_228, %dma_start3A_234] : memref<8x128xi32, #tpu.memory_space<vmem>> -> memref<1x128xi32, #tpu.memory_space<vmem>>
      %dma_start3A_236 = tpu.memref_squeeze %dma_start3A_235 : memref<1x128xi32, #tpu.memory_space<vmem>> -> memref<128xi32, #tpu.memory_space<vmem>>
      %dma_start3A_237 = arith.constant 0 : i32
      %dma_start3A_238 = arith.constant 0 : i32
      %dma_start3A_239 = tpu.memref_slice %arg2[%dma_start3A_237, %dma_start3A_238] : memref<10000x128xf32, #tpu.memory_space<hbm>> -> memref<10000x128xf32, #tpu.memory_space<hbm>>
      tpu.enqueue_indirect_dma source(%dma_start3A_239 : memref<10000x128xf32, #tpu.memory_space<hbm>>) target(%dma_start3A_233 : memref<128x128xf32, #tpu.memory_space<vmem>>) offsets(%dma_start3A_236 : memref<128xi32, #tpu.memory_space<vmem>>) semaphore(%arg9 : memref<!tpu.dma_semaphore, #tpu.memory_space<semaphore_mem>>)
      %dma_wait3A_240 = arith.constant 1 : i32
      %dma_wait3A_241 = arith.constant 1 : i32
      %dma_wait3A_242 = arith.constant 0 : i32
      %dma_wait3A_243 = arith.constant 0 : i32
      %dma_wait3A_244 = tpu.memref_slice %arg8[%dma_wait3A_241, %dma_wait3A_242, %dma_wait3A_243] : memref<2x128x128xf32, #tpu.memory_space<vmem>> -> memref<1x128x128xf32, #tpu.memory_space<vmem>>
      %dma_wait3A_245 = tpu.memref_squeeze %dma_wait3A_244 : memref<1x128x128xf32, #tpu.memory_space<vmem>> -> memref<128x128xf32, #tpu.memory_space<vmem>>
      %dma_wait3A_246 = arith.constant 0 : i32
      %dma_wait3A_247 = tpu.memref_slice %arg6[%dma_wait3A_240, %dma_wait3A_246] : memref<8x128xi32, #tpu.memory_space<vmem>> -> memref<1x128xi32, #tpu.memory_space<vmem>>
      %dma_wait3A_248 = tpu.memref_squeeze %dma_wait3A_247 : memref<1x128xi32, #tpu.memory_space<vmem>> -> memref<128xi32, #tpu.memory_space<vmem>>
      %dma_wait3A_249 = arith.constant 0 : i32
      %dma_wait3A_250 = arith.constant 0 : i32
      %dma_wait3A_251 = tpu.memref_slice %arg2[%dma_wait3A_249, %dma_wait3A_250] : memref<10000x128xf32, #tpu.memory_space<hbm>> -> memref<10000x128xf32, #tpu.memory_space<hbm>>
      tpu.wait_indirect_dma semaphore(%arg10 : memref<!tpu.dma_semaphore, #tpu.memory_space<semaphore_mem>>) src(%dma_wait3A_251 : memref<10000x128xf32, #tpu.memory_space<hbm>>) dst(%dma_wait3A_245 : memref<128x128xf32, #tpu.memory_space<vmem>>)
      %dma_start3A_252 = arith.constant 1 : i32
      %dma_start3A_253 = arith.constant 1 : i32
      %dma_start3A_254 = arith.constant 0 : i32
      %dma_start3A_255 = arith.constant 0 : i32
      %dma_start3A_256 = tpu.memref_slice %arg8[%dma_start3A_252, %dma_start3A_254, %dma_start3A_255] : memref<2x128x128xf32, #tpu.memory_space<vmem>> -> memref<1x128x128xf32, #tpu.memory_space<vmem>>
      %dma_start3A_257 = tpu.memref_squeeze %dma_start3A_256 : memref<1x128x128xf32, #tpu.memory_space<vmem>> -> memref<128x128xf32, #tpu.memory_space<vmem>>
      %dma_start3A_258 = arith.constant 0 : i32
      %dma_start3A_259 = tpu.memref_slice %arg7[%dma_start3A_253, %dma_start3A_258] : memref<8x128xi32, #tpu.memory_space<vmem>> -> memref<1x128xi32, #tpu.memory_space<vmem>>
      %dma_start3A_260 = tpu.memref_squeeze %dma_start3A_259 : memref<1x128xi32, #tpu.memory_space<vmem>> -> memref<128xi32, #tpu.memory_space<vmem>>
      %dma_start3A_261 = arith.constant 0 : i32
      %dma_start3A_262 = arith.constant 0 : i32
      %dma_start3A_263 = tpu.memref_slice %arg13[%dma_start3A_261, %dma_start3A_262] : memref<10240x128xf32, #tpu.memory_space<vmem_shared>> -> memref<10240x128xf32, #tpu.memory_space<vmem_shared>>
      tpu.enqueue_indirect_dma source(%dma_start3A_257 : memref<128x128xf32, #tpu.memory_space<vmem>>) target(%dma_start3A_263 : memref<10240x128xf32, #tpu.memory_space<vmem_shared>>) offsets(%dma_start3A_260 : memref<128xi32, #tpu.memory_space<vmem>>) semaphore(%arg12 : memref<!tpu.dma_semaphore, #tpu.memory_space<semaphore_mem>>) {add = true}
      %dma_wait3A_264 = arith.constant 1 : i32
      %dma_wait3A_265 = arith.constant 1 : i32
      %dma_wait3A_266 = arith.constant 0 : i32
      %dma_wait3A_267 = arith.constant 0 : i32
      %dma_wait3A_268 = tpu.memref_slice %arg8[%dma_wait3A_264, %dma_wait3A_266, %dma_wait3A_267] : memref<2x128x128xf32, #tpu.memory_space<vmem>> -> memref<1x128x128xf32, #tpu.memory_space<vmem>>
      %dma_wait3A_269 = tpu.memref_squeeze %dma_wait3A_268 : memref<1x128x128xf32, #tpu.memory_space<vmem>> -> memref<128x128xf32, #tpu.memory_space<vmem>>
      %dma_wait3A_270 = arith.constant 0 : i32
      %dma_wait3A_271 = tpu.memref_slice %arg7[%dma_wait3A_265, %dma_wait3A_270] : memref<8x128xi32, #tpu.memory_space<vmem>> -> memref<1x128xi32, #tpu.memory_space<vmem>>
      %dma_wait3A_272 = tpu.memref_squeeze %dma_wait3A_271 : memref<1x128xi32, #tpu.memory_space<vmem>> -> memref<128xi32, #tpu.memory_space<vmem>>
      %dma_wait3A_273 = arith.constant 0 : i32
      %dma_wait3A_274 = arith.constant 0 : i32
      %dma_wait3A_275 = tpu.memref_slice %arg13[%dma_wait3A_273, %dma_wait3A_274] : memref<10240x128xf32, #tpu.memory_space<vmem_shared>> -> memref<10240x128xf32, #tpu.memory_space<vmem_shared>>
      tpu.wait_indirect_dma semaphore(%arg12 : memref<!tpu.dma_semaphore, #tpu.memory_space<semaphore_mem>>) src(%dma_wait3A_269 : memref<128x128xf32, #tpu.memory_space<vmem>>) dst(%dma_wait3A_275 : memref<10240x128xf32, #tpu.memory_space<vmem_shared>>)
      %dma_start3A_276 = arith.constant 3 : i32
      %dma_start3A_277 = arith.constant 1 : i32
      %dma_start3A_278 = arith.constant 0 : i32
      %dma_start3A_279 = arith.constant 0 : i32
      %dma_start3A_280 = tpu.memref_slice %arg8[%dma_start3A_277, %dma_start3A_278, %dma_start3A_279] : memref<2x128x128xf32, #tpu.memory_space<vmem>> -> memref<1x128x128xf32, #tpu.memory_space<vmem>>
      %dma_start3A_281 = tpu.memref_squeeze %dma_start3A_280 : memref<1x128x128xf32, #tpu.memory_space<vmem>> -> memref<128x128xf32, #tpu.memory_space<vmem>>
      %dma_start3A_282 = arith.constant 0 : i32
      %dma_start3A_283 = tpu.memref_slice %arg6[%dma_start3A_276, %dma_start3A_282] : memref<8x128xi32, #tpu.memory_space<vmem>> -> memref<1x128xi32, #tpu.memory_space<vmem>>
      %dma_start3A_284 = tpu.memref_squeeze %dma_start3A_283 : memref<1x128xi32, #tpu.memory_space<vmem>> -> memref<128xi32, #tpu.memory_space<vmem>>
      %dma_start3A_285 = arith.constant 0 : i32
      %dma_start3A_286 = arith.constant 0 : i32
      %dma_start3A_287 = tpu.memref_slice %arg2[%dma_start3A_285, %dma_start3A_286] : memref<10000x128xf32, #tpu.memory_space<hbm>> -> memref<10000x128xf32, #tpu.memory_space<hbm>>
      tpu.enqueue_indirect_dma source(%dma_start3A_287 : memref<10000x128xf32, #tpu.memory_space<hbm>>) target(%dma_start3A_281 : memref<128x128xf32, #tpu.memory_space<vmem>>) offsets(%dma_start3A_284 : memref<128xi32, #tpu.memory_space<vmem>>) semaphore(%arg10 : memref<!tpu.dma_semaphore, #tpu.memory_space<semaphore_mem>>)
      %dma_wait3A_288 = arith.constant 2 : i32
      %dma_wait3A_289 = arith.constant 0 : i32
      %dma_wait3A_290 = arith.constant 0 : i32
      %dma_wait3A_291 = arith.constant 0 : i32
      %dma_wait3A_292 = tpu.memref_slice %arg8[%dma_wait3A_289, %dma_wait3A_290, %dma_wait3A_291] : memref<2x128x128xf32, #tpu.memory_space<vmem>> -> memref<1x128x128xf32, #tpu.memory_space<vmem>>
      %dma_wait3A_293 = tpu.memref_squeeze %dma_wait3A_292 : memref<1x128x128xf32, #tpu.memory_space<vmem>> -> memref<128x128xf32, #tpu.memory_space<vmem>>
      %dma_wait3A_294 = arith.constant 0 : i32
      %dma_wait3A_295 = tpu.memref_slice %arg6[%dma_wait3A_288, %dma_wait3A_294] : memref<8x128xi32, #tpu.memory_space<vmem>> -> memref<1x128xi32, #tpu.memory_space<vmem>>
      %dma_wait3A_296 = tpu.memref_squeeze %dma_wait3A_295 : memref<1x128xi32, #tpu.memory_space<vmem>> -> memref<128xi32, #tpu.memory_space<vmem>>
      %dma_wait3A_297 = arith.constant 0 : i32
      %dma_wait3A_298 = arith.constant 0 : i32
      %dma_wait3A_299 = tpu.memref_slice %arg2[%dma_wait3A_297, %dma_wait3A_298] : memref<10000x128xf32, #tpu.memory_space<hbm>> -> memref<10000x128xf32, #tpu.memory_space<hbm>>
      tpu.wait_indirect_dma semaphore(%arg9 : memref<!tpu.dma_semaphore, #tpu.memory_space<semaphore_mem>>) src(%dma_wait3A_299 : memref<10000x128xf32, #tpu.memory_space<hbm>>) dst(%dma_wait3A_293 : memref<128x128xf32, #tpu.memory_space<vmem>>)
      %dma_start3A_300 = arith.constant 0 : i32
      %dma_start3A_301 = arith.constant 2 : i32
      %dma_start3A_302 = arith.constant 0 : i32
      %dma_start3A_303 = arith.constant 0 : i32
      %dma_start3A_304 = tpu.memref_slice %arg8[%dma_start3A_300, %dma_start3A_302, %dma_start3A_303] : memref<2x128x128xf32, #tpu.memory_space<vmem>> -> memref<1x128x128xf32, #tpu.memory_space<vmem>>
      %dma_start3A_305 = tpu.memref_squeeze %dma_start3A_304 : memref<1x128x128xf32, #tpu.memory_space<vmem>> -> memref<128x128xf32, #tpu.memory_space<vmem>>
      %dma_start3A_306 = arith.constant 0 : i32
      %dma_start3A_307 = tpu.memref_slice %arg7[%dma_start3A_301, %dma_start3A_306] : memref<8x128xi32, #tpu.memory_space<vmem>> -> memref<1x128xi32, #tpu.memory_space<vmem>>
      %dma_start3A_308 = tpu.memref_squeeze %dma_start3A_307 : memref<1x128xi32, #tpu.memory_space<vmem>> -> memref<128xi32, #tpu.memory_space<vmem>>
      %dma_start3A_309 = arith.constant 0 : i32
      %dma_start3A_310 = arith.constant 0 : i32
      %dma_start3A_311 = tpu.memref_slice %arg13[%dma_start3A_309, %dma_start3A_310] : memref<10240x128xf32, #tpu.memory_space<vmem_shared>> -> memref<10240x128xf32, #tpu.memory_space<vmem_shared>>
      tpu.enqueue_indirect_dma source(%dma_start3A_305 : memref<128x128xf32, #tpu.memory_space<vmem>>) target(%dma_start3A_311 : memref<10240x128xf32, #tpu.memory_space<vmem_shared>>) offsets(%dma_start3A_308 : memref<128xi32, #tpu.memory_space<vmem>>) semaphore(%arg11 : memref<!tpu.dma_semaphore, #tpu.memory_space<semaphore_mem>>) {add = true}
      %dma_wait3A_312 = arith.constant 0 : i32
      %dma_wait3A_313 = arith.constant 2 : i32
      %dma_wait3A_314 = arith.constant 0 : i32
      %dma_wait3A_315 = arith.constant 0 : i32
      %dma_wait3A_316 = tpu.memref_slice %arg8[%dma_wait3A_312, %dma_wait3A_314, %dma_wait3A_315] : memref<2x128x128xf32, #tpu.memory_space<vmem>> -> memref<1x128x128xf32, #tpu.memory_space<vmem>>
      %dma_wait3A_317 = tpu.memref_squeeze %dma_wait3A_316 : memref<1x128x128xf32, #tpu.memory_space<vmem>> -> memref<128x128xf32, #tpu.memory_space<vmem>>
      %dma_wait3A_318 = arith.constant 0 : i32
      %dma_wait3A_319 = tpu.memref_slice %arg7[%dma_wait3A_313, %dma_wait3A_318] : memref<8x128xi32, #tpu.memory_space<vmem>> -> memref<1x128xi32, #tpu.memory_space<vmem>>
      %dma_wait3A_320 = tpu.memref_squeeze %dma_wait3A_319 : memref<1x128xi32, #tpu.memory_space<vmem>> -> memref<128xi32, #tpu.memory_space<vmem>>
      %dma_wait3A_321 = arith.constant 0 : i32
      %dma_wait3A_322 = arith.constant 0 : i32
      %dma_wait3A_323 = tpu.memref_slice %arg13[%dma_wait3A_321, %dma_wait3A_322] : memref<10240x128xf32, #tpu.memory_space<vmem_shared>> -> memref<10240x128xf32, #tpu.memory_space<vmem_shared>>
      tpu.wait_indirect_dma semaphore(%arg11 : memref<!tpu.dma_semaphore, #tpu.memory_space<semaphore_mem>>) src(%dma_wait3A_317 : memref<128x128xf32, #tpu.memory_space<vmem>>) dst(%dma_wait3A_323 : memref<10240x128xf32, #tpu.memory_space<vmem_shared>>)
      %dma_start3A_324 = arith.constant 4 : i32
      %dma_start3A_325 = arith.constant 0 : i32
      %dma_start3A_326 = arith.constant 0 : i32
      %dma_start3A_327 = arith.constant 0 : i32
      %dma_start3A_328 = tpu.memref_slice %arg8[%dma_start3A_325, %dma_start3A_326, %dma_start3A_327] : memref<2x128x128xf32, #tpu.memory_space<vmem>> -> memref<1x128x128xf32, #tpu.memory_space<vmem>>
      %dma_start3A_329 = tpu.memref_squeeze %dma_start3A_328 : memref<1x128x128xf32, #tpu.memory_space<vmem>> -> memref<128x128xf32, #tpu.memory_space<vmem>>
      %dma_start3A_330 = arith.constant 0 : i32
      %dma_start3A_331 = tpu.memref_slice %arg6[%dma_start3A_324, %dma_start3A_330] : memref<8x128xi32, #tpu.memory_space<vmem>> -> memref<1x128xi32, #tpu.memory_space<vmem>>
      %dma_start3A_332 = tpu.memref_squeeze %dma_start3A_331 : memref<1x128xi32, #tpu.memory_space<vmem>> -> memref<128xi32, #tpu.memory_space<vmem>>
      %dma_start3A_333 = arith.constant 0 : i32
      %dma_start3A_334 = arith.constant 0 : i32
      %dma_start3A_335 = tpu.memref_slice %arg2[%dma_start3A_333, %dma_start3A_334] : memref<10000x128xf32, #tpu.memory_space<hbm>> -> memref<10000x128xf32, #tpu.memory_space<hbm>>
      tpu.enqueue_indirect_dma source(%dma_start3A_335 : memref<10000x128xf32, #tpu.memory_space<hbm>>) target(%dma_start3A_329 : memref<128x128xf32, #tpu.memory_space<vmem>>) offsets(%dma_start3A_332 : memref<128xi32, #tpu.memory_space<vmem>>) semaphore(%arg9 : memref<!tpu.dma_semaphore, #tpu.memory_space<semaphore_mem>>)
      %dma_wait3A_336 = arith.constant 3 : i32
      %dma_wait3A_337 = arith.constant 1 : i32
      %dma_wait3A_338 = arith.constant 0 : i32
      %dma_wait3A_339 = arith.constant 0 : i32
      %dma_wait3A_340 = tpu.memref_slice %arg8[%dma_wait3A_337, %dma_wait3A_338, %dma_wait3A_339] : memref<2x128x128xf32, #tpu.memory_space<vmem>> -> memref<1x128x128xf32, #tpu.memory_space<vmem>>
      %dma_wait3A_341 = tpu.memref_squeeze %dma_wait3A_340 : memref<1x128x128xf32, #tpu.memory_space<vmem>> -> memref<128x128xf32, #tpu.memory_space<vmem>>
      %dma_wait3A_342 = arith.constant 0 : i32
      %dma_wait3A_343 = tpu.memref_slice %arg6[%dma_wait3A_336, %dma_wait3A_342] : memref<8x128xi32, #tpu.memory_space<vmem>> -> memref<1x128xi32, #tpu.memory_space<vmem>>
      %dma_wait3A_344 = tpu.memref_squeeze %dma_wait3A_343 : memref<1x128xi32, #tpu.memory_space<vmem>> -> memref<128xi32, #tpu.memory_space<vmem>>
      %dma_wait3A_345 = arith.constant 0 : i32
      %dma_wait3A_346 = arith.constant 0 : i32
      %dma_wait3A_347 = tpu.memref_slice %arg2[%dma_wait3A_345, %dma_wait3A_346] : memref<10000x128xf32, #tpu.memory_space<hbm>> -> memref<10000x128xf32, #tpu.memory_space<hbm>>
      tpu.wait_indirect_dma semaphore(%arg10 : memref<!tpu.dma_semaphore, #tpu.memory_space<semaphore_mem>>) src(%dma_wait3A_347 : memref<10000x128xf32, #tpu.memory_space<hbm>>) dst(%dma_wait3A_341 : memref<128x128xf32, #tpu.memory_space<vmem>>)
      %dma_start3A_348 = arith.constant 1 : i32
      %dma_start3A_349 = arith.constant 3 : i32
      %dma_start3A_350 = arith.constant 0 : i32
      %dma_start3A_351 = arith.constant 0 : i32
      %dma_start3A_352 = tpu.memref_slice %arg8[%dma_start3A_348, %dma_start3A_350, %dma_start3A_351] : memref<2x128x128xf32, #tpu.memory_space<vmem>> -> memref<1x128x128xf32, #tpu.memory_space<vmem>>
      %dma_start3A_353 = tpu.memref_squeeze %dma_start3A_352 : memref<1x128x128xf32, #tpu.memory_space<vmem>> -> memref<128x128xf32, #tpu.memory_space<vmem>>
      %dma_start3A_354 = arith.constant 0 : i32
      %dma_start3A_355 = tpu.memref_slice %arg7[%dma_start3A_349, %dma_start3A_354] : memref<8x128xi32, #tpu.memory_space<vmem>> -> memref<1x128xi32, #tpu.memory_space<vmem>>
      %dma_start3A_356 = tpu.memref_squeeze %dma_start3A_355 : memref<1x128xi32, #tpu.memory_space<vmem>> -> memref<128xi32, #tpu.memory_space<vmem>>
      %dma_start3A_357 = arith.constant 0 : i32
      %dma_start3A_358 = arith.constant 0 : i32
      %dma_start3A_359 = tpu.memref_slice %arg13[%dma_start3A_357, %dma_start3A_358] : memref<10240x128xf32, #tpu.memory_space<vmem_shared>> -> memref<10240x128xf32, #tpu.memory_space<vmem_shared>>
      tpu.enqueue_indirect_dma source(%dma_start3A_353 : memref<128x128xf32, #tpu.memory_space<vmem>>) target(%dma_start3A_359 : memref<10240x128xf32, #tpu.memory_space<vmem_shared>>) offsets(%dma_start3A_356 : memref<128xi32, #tpu.memory_space<vmem>>) semaphore(%arg12 : memref<!tpu.dma_semaphore, #tpu.memory_space<semaphore_mem>>) {add = true}
      %dma_wait3A_360 = arith.constant 1 : i32
      %dma_wait3A_361 = arith.constant 3 : i32
      %dma_wait3A_362 = arith.constant 0 : i32
      %dma_wait3A_363 = arith.constant 0 : i32
      %dma_wait3A_364 = tpu.memref_slice %arg8[%dma_wait3A_360, %dma_wait3A_362, %dma_wait3A_363] : memref<2x128x128xf32, #tpu.memory_space<vmem>> -> memref<1x128x128xf32, #tpu.memory_space<vmem>>
      %dma_wait3A_365 = tpu.memref_squeeze %dma_wait3A_364 : memref<1x128x128xf32, #tpu.memory_space<vmem>> -> memref<128x128xf32, #tpu.memory_space<vmem>>
      %dma_wait3A_366 = arith.constant 0 : i32
      %dma_wait3A_367 = tpu.memref_slice %arg7[%dma_wait3A_361, %dma_wait3A_366] : memref<8x128xi32, #tpu.memory_space<vmem>> -> memref<1x128xi32, #tpu.memory_space<vmem>>
      %dma_wait3A_368 = tpu.memref_squeeze %dma_wait3A_367 : memref<1x128xi32, #tpu.memory_space<vmem>> -> memref<128xi32, #tpu.memory_space<vmem>>
      %dma_wait3A_369 = arith.constant 0 : i32
      %dma_wait3A_370 = arith.constant 0 : i32
      %dma_wait3A_371 = tpu.memref_slice %arg13[%dma_wait3A_369, %dma_wait3A_370] : memref<10240x128xf32, #tpu.memory_space<vmem_shared>> -> memref<10240x128xf32, #tpu.memory_space<vmem_shared>>
      tpu.wait_indirect_dma semaphore(%arg12 : memref<!tpu.dma_semaphore, #tpu.memory_space<semaphore_mem>>) src(%dma_wait3A_365 : memref<128x128xf32, #tpu.memory_space<vmem>>) dst(%dma_wait3A_371 : memref<10240x128xf32, #tpu.memory_space<vmem_shared>>)
      %dma_start3A_372 = arith.constant 5 : i32
      %dma_start3A_373 = arith.constant 1 : i32
      %dma_start3A_374 = arith.constant 0 : i32
      %dma_start3A_375 = arith.constant 0 : i32
      %dma_start3A_376 = tpu.memref_slice %arg8[%dma_start3A_373, %dma_start3A_374, %dma_start3A_375] : memref<2x128x128xf32, #tpu.memory_space<vmem>> -> memref<1x128x128xf32, #tpu.memory_space<vmem>>
      %dma_start3A_377 = tpu.memref_squeeze %dma_start3A_376 : memref<1x128x128xf32, #tpu.memory_space<vmem>> -> memref<128x128xf32, #tpu.memory_space<vmem>>
      %dma_start3A_378 = arith.constant 0 : i32
      %dma_start3A_379 = tpu.memref_slice %arg6[%dma_start3A_372, %dma_start3A_378] : memref<8x128xi32, #tpu.memory_space<vmem>> -> memref<1x128xi32, #tpu.memory_space<vmem>>
      %dma_start3A_380 = tpu.memref_squeeze %dma_start3A_379 : memref<1x128xi32, #tpu.memory_space<vmem>> -> memref<128xi32, #tpu.memory_space<vmem>>
      %dma_start3A_381 = arith.constant 0 : i32
      %dma_start3A_382 = arith.constant 0 : i32
      %dma_start3A_383 = tpu.memref_slice %arg2[%dma_start3A_381, %dma_start3A_382] : memref<10000x128xf32, #tpu.memory_space<hbm>> -> memref<10000x128xf32, #tpu.memory_space<hbm>>
      tpu.enqueue_indirect_dma source(%dma_start3A_383 : memref<10000x128xf32, #tpu.memory_space<hbm>>) target(%dma_start3A_377 : memref<128x128xf32, #tpu.memory_space<vmem>>) offsets(%dma_start3A_380 : memref<128xi32, #tpu.memory_space<vmem>>) semaphore(%arg10 : memref<!tpu.dma_semaphore, #tpu.memory_space<semaphore_mem>>)
      %dma_wait3A_384 = arith.constant 4 : i32
      %dma_wait3A_385 = arith.constant 0 : i32
      %dma_wait3A_386 = arith.constant 0 : i32
      %dma_wait3A_387 = arith.constant 0 : i32
      %dma_wait3A_388 = tpu.memref_slice %arg8[%dma_wait3A_385, %dma_wait3A_386, %dma_wait3A_387] : memref<2x128x128xf32, #tpu.memory_space<vmem>> -> memref<1x128x128xf32, #tpu.memory_space<vmem>>
      %dma_wait3A_389 = tpu.memref_squeeze %dma_wait3A_388 : memref<1x128x128xf32, #tpu.memory_space<vmem>> -> memref<128x128xf32, #tpu.memory_space<vmem>>
      %dma_wait3A_390 = arith.constant 0 : i32
      %dma_wait3A_391 = tpu.memref_slice %arg6[%dma_wait3A_384, %dma_wait3A_390] : memref<8x128xi32, #tpu.memory_space<vmem>> -> memref<1x128xi32, #tpu.memory_space<vmem>>
      %dma_wait3A_392 = tpu.memref_squeeze %dma_wait3A_391 : memref<1x128xi32, #tpu.memory_space<vmem>> -> memref<128xi32, #tpu.memory_space<vmem>>
      %dma_wait3A_393 = arith.constant 0 : i32
      %dma_wait3A_394 = arith.constant 0 : i32
      %dma_wait3A_395 = tpu.memref_slice %arg2[%dma_wait3A_393, %dma_wait3A_394] : memref<10000x128xf32, #tpu.memory_space<hbm>> -> memref<10000x128xf32, #tpu.memory_space<hbm>>
      tpu.wait_indirect_dma semaphore(%arg9 : memref<!tpu.dma_semaphore, #tpu.memory_space<semaphore_mem>>) src(%dma_wait3A_395 : memref<10000x128xf32, #tpu.memory_space<hbm>>) dst(%dma_wait3A_389 : memref<128x128xf32, #tpu.memory_space<vmem>>)
      %dma_start3A_396 = arith.constant 0 : i32
      %dma_start3A_397 = arith.constant 4 : i32
      %dma_start3A_398 = arith.constant 0 : i32
      %dma_start3A_399 = arith.constant 0 : i32
      %dma_start3A_400 = tpu.memref_slice %arg8[%dma_start3A_396, %dma_start3A_398, %dma_start3A_399] : memref<2x128x128xf32, #tpu.memory_space<vmem>> -> memref<1x128x128xf32, #tpu.memory_space<vmem>>
      %dma_start3A_401 = tpu.memref_squeeze %dma_start3A_400 : memref<1x128x128xf32, #tpu.memory_space<vmem>> -> memref<128x128xf32, #tpu.memory_space<vmem>>
      %dma_start3A_402 = arith.constant 0 : i32
      %dma_start3A_403 = tpu.memref_slice %arg7[%dma_start3A_397, %dma_start3A_402] : memref<8x128xi32, #tpu.memory_space<vmem>> -> memref<1x128xi32, #tpu.memory_space<vmem>>
      %dma_start3A_404 = tpu.memref_squeeze %dma_start3A_403 : memref<1x128xi32, #tpu.memory_space<vmem>> -> memref<128xi32, #tpu.memory_space<vmem>>
      %dma_start3A_405 = arith.constant 0 : i32
      %dma_start3A_406 = arith.constant 0 : i32
      %dma_start3A_407 = tpu.memref_slice %arg13[%dma_start3A_405, %dma_start3A_406] : memref<10240x128xf32, #tpu.memory_space<vmem_shared>> -> memref<10240x128xf32, #tpu.memory_space<vmem_shared>>
      tpu.enqueue_indirect_dma source(%dma_start3A_401 : memref<128x128xf32, #tpu.memory_space<vmem>>) target(%dma_start3A_407 : memref<10240x128xf32, #tpu.memory_space<vmem_shared>>) offsets(%dma_start3A_404 : memref<128xi32, #tpu.memory_space<vmem>>) semaphore(%arg11 : memref<!tpu.dma_semaphore, #tpu.memory_space<semaphore_mem>>) {add = true}
      %dma_wait3A_408 = arith.constant 0 : i32
      %dma_wait3A_409 = arith.constant 4 : i32
      %dma_wait3A_410 = arith.constant 0 : i32
      %dma_wait3A_411 = arith.constant 0 : i32
      %dma_wait3A_412 = tpu.memref_slice %arg8[%dma_wait3A_408, %dma_wait3A_410, %dma_wait3A_411] : memref<2x128x128xf32, #tpu.memory_space<vmem>> -> memref<1x128x128xf32, #tpu.memory_space<vmem>>
      %dma_wait3A_413 = tpu.memref_squeeze %dma_wait3A_412 : memref<1x128x128xf32, #tpu.memory_space<vmem>> -> memref<128x128xf32, #tpu.memory_space<vmem>>
      %dma_wait3A_414 = arith.constant 0 : i32
      %dma_wait3A_415 = tpu.memref_slice %arg7[%dma_wait3A_409, %dma_wait3A_414] : memref<8x128xi32, #tpu.memory_space<vmem>> -> memref<1x128xi32, #tpu.memory_space<vmem>>
      %dma_wait3A_416 = tpu.memref_squeeze %dma_wait3A_415 : memref<1x128xi32, #tpu.memory_space<vmem>> -> memref<128xi32, #tpu.memory_space<vmem>>
      %dma_wait3A_417 = arith.constant 0 : i32
      %dma_wait3A_418 = arith.constant 0 : i32
      %dma_wait3A_419 = tpu.memref_slice %arg13[%dma_wait3A_417, %dma_wait3A_418] : memref<10240x128xf32, #tpu.memory_space<vmem_shared>> -> memref<10240x128xf32, #tpu.memory_space<vmem_shared>>
      tpu.wait_indirect_dma semaphore(%arg11 : memref<!tpu.dma_semaphore, #tpu.memory_space<semaphore_mem>>) src(%dma_wait3A_413 : memref<128x128xf32, #tpu.memory_space<vmem>>) dst(%dma_wait3A_419 : memref<10240x128xf32, #tpu.memory_space<vmem_shared>>)
      %dma_start3A_420 = arith.constant 6 : i32
      %dma_start3A_421 = arith.constant 0 : i32
      %dma_start3A_422 = arith.constant 0 : i32
      %dma_start3A_423 = arith.constant 0 : i32
      %dma_start3A_424 = tpu.memref_slice %arg8[%dma_start3A_421, %dma_start3A_422, %dma_start3A_423] : memref<2x128x128xf32, #tpu.memory_space<vmem>> -> memref<1x128x128xf32, #tpu.memory_space<vmem>>
      %dma_start3A_425 = tpu.memref_squeeze %dma_start3A_424 : memref<1x128x128xf32, #tpu.memory_space<vmem>> -> memref<128x128xf32, #tpu.memory_space<vmem>>
      %dma_start3A_426 = arith.constant 0 : i32
      %dma_start3A_427 = tpu.memref_slice %arg6[%dma_start3A_420, %dma_start3A_426] : memref<8x128xi32, #tpu.memory_space<vmem>> -> memref<1x128xi32, #tpu.memory_space<vmem>>
      %dma_start3A_428 = tpu.memref_squeeze %dma_start3A_427 : memref<1x128xi32, #tpu.memory_space<vmem>> -> memref<128xi32, #tpu.memory_space<vmem>>
      %dma_start3A_429 = arith.constant 0 : i32
      %dma_start3A_430 = arith.constant 0 : i32
      %dma_start3A_431 = tpu.memref_slice %arg2[%dma_start3A_429, %dma_start3A_430] : memref<10000x128xf32, #tpu.memory_space<hbm>> -> memref<10000x128xf32, #tpu.memory_space<hbm>>
      tpu.enqueue_indirect_dma source(%dma_start3A_431 : memref<10000x128xf32, #tpu.memory_space<hbm>>) target(%dma_start3A_425 : memref<128x128xf32, #tpu.memory_space<vmem>>) offsets(%dma_start3A_428 : memref<128xi32, #tpu.memory_space<vmem>>) semaphore(%arg9 : memref<!tpu.dma_semaphore, #tpu.memory_space<semaphore_mem>>)
      %dma_wait3A_432 = arith.constant 5 : i32
      %dma_wait3A_433 = arith.constant 1 : i32
      %dma_wait3A_434 = arith.constant 0 : i32
      %dma_wait3A_435 = arith.constant 0 : i32
      %dma_wait3A_436 = tpu.memref_slice %arg8[%dma_wait3A_433, %dma_wait3A_434, %dma_wait3A_435] : memref<2x128x128xf32, #tpu.memory_space<vmem>> -> memref<1x128x128xf32, #tpu.memory_space<vmem>>
      %dma_wait3A_437 = tpu.memref_squeeze %dma_wait3A_436 : memref<1x128x128xf32, #tpu.memory_space<vmem>> -> memref<128x128xf32, #tpu.memory_space<vmem>>
      %dma_wait3A_438 = arith.constant 0 : i32
      %dma_wait3A_439 = tpu.memref_slice %arg6[%dma_wait3A_432, %dma_wait3A_438] : memref<8x128xi32, #tpu.memory_space<vmem>> -> memref<1x128xi32, #tpu.memory_space<vmem>>
      %dma_wait3A_440 = tpu.memref_squeeze %dma_wait3A_439 : memref<1x128xi32, #tpu.memory_space<vmem>> -> memref<128xi32, #tpu.memory_space<vmem>>
      %dma_wait3A_441 = arith.constant 0 : i32
      %dma_wait3A_442 = arith.constant 0 : i32
      %dma_wait3A_443 = tpu.memref_slice %arg2[%dma_wait3A_441, %dma_wait3A_442] : memref<10000x128xf32, #tpu.memory_space<hbm>> -> memref<10000x128xf32, #tpu.memory_space<hbm>>
      tpu.wait_indirect_dma semaphore(%arg10 : memref<!tpu.dma_semaphore, #tpu.memory_space<semaphore_mem>>) src(%dma_wait3A_443 : memref<10000x128xf32, #tpu.memory_space<hbm>>) dst(%dma_wait3A_437 : memref<128x128xf32, #tpu.memory_space<vmem>>)
      %dma_start3A_444 = arith.constant 1 : i32
      %dma_start3A_445 = arith.constant 5 : i32
      %dma_start3A_446 = arith.constant 0 : i32
      %dma_start3A_447 = arith.constant 0 : i32
      %dma_start3A_448 = tpu.memref_slice %arg8[%dma_start3A_444, %dma_start3A_446, %dma_start3A_447] : memref<2x128x128xf32, #tpu.memory_space<vmem>> -> memref<1x128x128xf32, #tpu.memory_space<vmem>>
      %dma_start3A_449 = tpu.memref_squeeze %dma_start3A_448 : memref<1x128x128xf32, #tpu.memory_space<vmem>> -> memref<128x128xf32, #tpu.memory_space<vmem>>
      %dma_start3A_450 = arith.constant 0 : i32
      %dma_start3A_451 = tpu.memref_slice %arg7[%dma_start3A_445, %dma_start3A_450] : memref<8x128xi32, #tpu.memory_space<vmem>> -> memref<1x128xi32, #tpu.memory_space<vmem>>
      %dma_start3A_452 = tpu.memref_squeeze %dma_start3A_451 : memref<1x128xi32, #tpu.memory_space<vmem>> -> memref<128xi32, #tpu.memory_space<vmem>>
      %dma_start3A_453 = arith.constant 0 : i32
      %dma_start3A_454 = arith.constant 0 : i32
      %dma_start3A_455 = tpu.memref_slice %arg13[%dma_start3A_453, %dma_start3A_454] : memref<10240x128xf32, #tpu.memory_space<vmem_shared>> -> memref<10240x128xf32, #tpu.memory_space<vmem_shared>>
      tpu.enqueue_indirect_dma source(%dma_start3A_449 : memref<128x128xf32, #tpu.memory_space<vmem>>) target(%dma_start3A_455 : memref<10240x128xf32, #tpu.memory_space<vmem_shared>>) offsets(%dma_start3A_452 : memref<128xi32, #tpu.memory_space<vmem>>) semaphore(%arg12 : memref<!tpu.dma_semaphore, #tpu.memory_space<semaphore_mem>>) {add = true}
      %dma_wait3A_456 = arith.constant 1 : i32
      %dma_wait3A_457 = arith.constant 5 : i32
      %dma_wait3A_458 = arith.constant 0 : i32
      %dma_wait3A_459 = arith.constant 0 : i32
      %dma_wait3A_460 = tpu.memref_slice %arg8[%dma_wait3A_456, %dma_wait3A_458, %dma_wait3A_459] : memref<2x128x128xf32, #tpu.memory_space<vmem>> -> memref<1x128x128xf32, #tpu.memory_space<vmem>>
      %dma_wait3A_461 = tpu.memref_squeeze %dma_wait3A_460 : memref<1x128x128xf32, #tpu.memory_space<vmem>> -> memref<128x128xf32, #tpu.memory_space<vmem>>
      %dma_wait3A_462 = arith.constant 0 : i32
      %dma_wait3A_463 = tpu.memref_slice %arg7[%dma_wait3A_457, %dma_wait3A_462] : memref<8x128xi32, #tpu.memory_space<vmem>> -> memref<1x128xi32, #tpu.memory_space<vmem>>
      %dma_wait3A_464 = tpu.memref_squeeze %dma_wait3A_463 : memref<1x128xi32, #tpu.memory_space<vmem>> -> memref<128xi32, #tpu.memory_space<vmem>>
      %dma_wait3A_465 = arith.constant 0 : i32
      %dma_wait3A_466 = arith.constant 0 : i32
      %dma_wait3A_467 = tpu.memref_slice %arg13[%dma_wait3A_465, %dma_wait3A_466] : memref<10240x128xf32, #tpu.memory_space<vmem_shared>> -> memref<10240x128xf32, #tpu.memory_space<vmem_shared>>
      tpu.wait_indirect_dma semaphore(%arg12 : memref<!tpu.dma_semaphore, #tpu.memory_space<semaphore_mem>>) src(%dma_wait3A_461 : memref<128x128xf32, #tpu.memory_space<vmem>>) dst(%dma_wait3A_467 : memref<10240x128xf32, #tpu.memory_space<vmem_shared>>)
      %dma_start3A_468 = arith.constant 7 : i32
      %dma_start3A_469 = arith.constant 1 : i32
      %dma_start3A_470 = arith.constant 0 : i32
      %dma_start3A_471 = arith.constant 0 : i32
      %dma_start3A_472 = tpu.memref_slice %arg8[%dma_start3A_469, %dma_start3A_470, %dma_start3A_471] : memref<2x128x128xf32, #tpu.memory_space<vmem>> -> memref<1x128x128xf32, #tpu.memory_space<vmem>>
      %dma_start3A_473 = tpu.memref_squeeze %dma_start3A_472 : memref<1x128x128xf32, #tpu.memory_space<vmem>> -> memref<128x128xf32, #tpu.memory_space<vmem>>
      %dma_start3A_474 = arith.constant 0 : i32
      %dma_start3A_475 = tpu.memref_slice %arg6[%dma_start3A_468, %dma_start3A_474] : memref<8x128xi32, #tpu.memory_space<vmem>> -> memref<1x128xi32, #tpu.memory_space<vmem>>
      %dma_start3A_476 = tpu.memref_squeeze %dma_start3A_475 : memref<1x128xi32, #tpu.memory_space<vmem>> -> memref<128xi32, #tpu.memory_space<vmem>>
      %dma_start3A_477 = arith.constant 0 : i32
      %dma_start3A_478 = arith.constant 0 : i32
      %dma_start3A_479 = tpu.memref_slice %arg2[%dma_start3A_477, %dma_start3A_478] : memref<10000x128xf32, #tpu.memory_space<hbm>> -> memref<10000x128xf32, #tpu.memory_space<hbm>>
      tpu.enqueue_indirect_dma source(%dma_start3A_479 : memref<10000x128xf32, #tpu.memory_space<hbm>>) target(%dma_start3A_473 : memref<128x128xf32, #tpu.memory_space<vmem>>) offsets(%dma_start3A_476 : memref<128xi32, #tpu.memory_space<vmem>>) semaphore(%arg10 : memref<!tpu.dma_semaphore, #tpu.memory_space<semaphore_mem>>)
      %dma_wait3A_480 = arith.constant 6 : i32
      %dma_wait3A_481 = arith.constant 0 : i32
      %dma_wait3A_482 = arith.constant 0 : i32
      %dma_wait3A_483 = arith.constant 0 : i32
      %dma_wait3A_484 = tpu.memref_slice %arg8[%dma_wait3A_481, %dma_wait3A_482, %dma_wait3A_483] : memref<2x128x128xf32, #tpu.memory_space<vmem>> -> memref<1x128x128xf32, #tpu.memory_space<vmem>>
      %dma_wait3A_485 = tpu.memref_squeeze %dma_wait3A_484 : memref<1x128x128xf32, #tpu.memory_space<vmem>> -> memref<128x128xf32, #tpu.memory_space<vmem>>
      %dma_wait3A_486 = arith.constant 0 : i32
      %dma_wait3A_487 = tpu.memref_slice %arg6[%dma_wait3A_480, %dma_wait3A_486] : memref<8x128xi32, #tpu.memory_space<vmem>> -> memref<1x128xi32, #tpu.memory_space<vmem>>
      %dma_wait3A_488 = tpu.memref_squeeze %dma_wait3A_487 : memref<1x128xi32, #tpu.memory_space<vmem>> -> memref<128xi32, #tpu.memory_space<vmem>>
      %dma_wait3A_489 = arith.constant 0 : i32
      %dma_wait3A_490 = arith.constant 0 : i32
      %dma_wait3A_491 = tpu.memref_slice %arg2[%dma_wait3A_489, %dma_wait3A_490] : memref<10000x128xf32, #tpu.memory_space<hbm>> -> memref<10000x128xf32, #tpu.memory_space<hbm>>
      tpu.wait_indirect_dma semaphore(%arg9 : memref<!tpu.dma_semaphore, #tpu.memory_space<semaphore_mem>>) src(%dma_wait3A_491 : memref<10000x128xf32, #tpu.memory_space<hbm>>) dst(%dma_wait3A_485 : memref<128x128xf32, #tpu.memory_space<vmem>>)
      %dma_start3A_492 = arith.constant 0 : i32
      %dma_start3A_493 = arith.constant 6 : i32
      %dma_start3A_494 = arith.constant 0 : i32
      %dma_start3A_495 = arith.constant 0 : i32
      %dma_start3A_496 = tpu.memref_slice %arg8[%dma_start3A_492, %dma_start3A_494, %dma_start3A_495] : memref<2x128x128xf32, #tpu.memory_space<vmem>> -> memref<1x128x128xf32, #tpu.memory_space<vmem>>
      %dma_start3A_497 = tpu.memref_squeeze %dma_start3A_496 : memref<1x128x128xf32, #tpu.memory_space<vmem>> -> memref<128x128xf32, #tpu.memory_space<vmem>>
      %dma_start3A_498 = arith.constant 0 : i32
      %dma_start3A_499 = tpu.memref_slice %arg7[%dma_start3A_493, %dma_start3A_498] : memref<8x128xi32, #tpu.memory_space<vmem>> -> memref<1x128xi32, #tpu.memory_space<vmem>>
      %dma_start3A_500 = tpu.memref_squeeze %dma_start3A_499 : memref<1x128xi32, #tpu.memory_space<vmem>> -> memref<128xi32, #tpu.memory_space<vmem>>
      %dma_start3A_501 = arith.constant 0 : i32
      %dma_start3A_502 = arith.constant 0 : i32
      %dma_start3A_503 = tpu.memref_slice %arg13[%dma_start3A_501, %dma_start3A_502] : memref<10240x128xf32, #tpu.memory_space<vmem_shared>> -> memref<10240x128xf32, #tpu.memory_space<vmem_shared>>
      tpu.enqueue_indirect_dma source(%dma_start3A_497 : memref<128x128xf32, #tpu.memory_space<vmem>>) target(%dma_start3A_503 : memref<10240x128xf32, #tpu.memory_space<vmem_shared>>) offsets(%dma_start3A_500 : memref<128xi32, #tpu.memory_space<vmem>>) semaphore(%arg11 : memref<!tpu.dma_semaphore, #tpu.memory_space<semaphore_mem>>) {add = true}
      %dma_wait3A_504 = arith.constant 0 : i32
      %dma_wait3A_505 = arith.constant 6 : i32
      %dma_wait3A_506 = arith.constant 0 : i32
      %dma_wait3A_507 = arith.constant 0 : i32
      %dma_wait3A_508 = tpu.memref_slice %arg8[%dma_wait3A_504, %dma_wait3A_506, %dma_wait3A_507] : memref<2x128x128xf32, #tpu.memory_space<vmem>> -> memref<1x128x128xf32, #tpu.memory_space<vmem>>
      %dma_wait3A_509 = tpu.memref_squeeze %dma_wait3A_508 : memref<1x128x128xf32, #tpu.memory_space<vmem>> -> memref<128x128xf32, #tpu.memory_space<vmem>>
      %dma_wait3A_510 = arith.constant 0 : i32
      %dma_wait3A_511 = tpu.memref_slice %arg7[%dma_wait3A_505, %dma_wait3A_510] : memref<8x128xi32, #tpu.memory_space<vmem>> -> memref<1x128xi32, #tpu.memory_space<vmem>>
      %dma_wait3A_512 = tpu.memref_squeeze %dma_wait3A_511 : memref<1x128xi32, #tpu.memory_space<vmem>> -> memref<128xi32, #tpu.memory_space<vmem>>
      %dma_wait3A_513 = arith.constant 0 : i32
      %dma_wait3A_514 = arith.constant 0 : i32
      %dma_wait3A_515 = tpu.memref_slice %arg13[%dma_wait3A_513, %dma_wait3A_514] : memref<10240x128xf32, #tpu.memory_space<vmem_shared>> -> memref<10240x128xf32, #tpu.memory_space<vmem_shared>>
      tpu.wait_indirect_dma semaphore(%arg11 : memref<!tpu.dma_semaphore, #tpu.memory_space<semaphore_mem>>) src(%dma_wait3A_509 : memref<128x128xf32, #tpu.memory_space<vmem>>) dst(%dma_wait3A_515 : memref<10240x128xf32, #tpu.memory_space<vmem_shared>>)
      %dma_wait3A_516 = arith.constant 7 : i32
      %dma_wait3A_517 = arith.constant 1 : i32
      %dma_wait3A_518 = arith.constant 0 : i32
      %dma_wait3A_519 = arith.constant 0 : i32
      %dma_wait3A_520 = tpu.memref_slice %arg8[%dma_wait3A_517, %dma_wait3A_518, %dma_wait3A_519] : memref<2x128x128xf32, #tpu.memory_space<vmem>> -> memref<1x128x128xf32, #tpu.memory_space<vmem>>
      %dma_wait3A_521 = tpu.memref_squeeze %dma_wait3A_520 : memref<1x128x128xf32, #tpu.memory_space<vmem>> -> memref<128x128xf32, #tpu.memory_space<vmem>>
      %dma_wait3A_522 = arith.constant 0 : i32
      %dma_wait3A_523 = tpu.memref_slice %arg6[%dma_wait3A_516, %dma_wait3A_522] : memref<8x128xi32, #tpu.memory_space<vmem>> -> memref<1x128xi32, #tpu.memory_space<vmem>>
      %dma_wait3A_524 = tpu.memref_squeeze %dma_wait3A_523 : memref<1x128xi32, #tpu.memory_space<vmem>> -> memref<128xi32, #tpu.memory_space<vmem>>
      %dma_wait3A_525 = arith.constant 0 : i32
      %dma_wait3A_526 = arith.constant 0 : i32
      %dma_wait3A_527 = tpu.memref_slice %arg2[%dma_wait3A_525, %dma_wait3A_526] : memref<10000x128xf32, #tpu.memory_space<hbm>> -> memref<10000x128xf32, #tpu.memory_space<hbm>>
      tpu.wait_indirect_dma semaphore(%arg10 : memref<!tpu.dma_semaphore, #tpu.memory_space<semaphore_mem>>) src(%dma_wait3A_527 : memref<10000x128xf32, #tpu.memory_space<hbm>>) dst(%dma_wait3A_521 : memref<128x128xf32, #tpu.memory_space<vmem>>)
      %dma_start3A_528 = arith.constant 1 : i32
      %dma_start3A_529 = arith.constant 7 : i32
      %dma_start3A_530 = arith.constant 0 : i32
      %dma_start3A_531 = arith.constant 0 : i32
      %dma_start3A_532 = tpu.memref_slice %arg8[%dma_start3A_528, %dma_start3A_530, %dma_start3A_531] : memref<2x128x128xf32, #tpu.memory_space<vmem>> -> memref<1x128x128xf32, #tpu.memory_space<vmem>>
      %dma_start3A_533 = tpu.memref_squeeze %dma_start3A_532 : memref<1x128x128xf32, #tpu.memory_space<vmem>> -> memref<128x128xf32, #tpu.memory_space<vmem>>
      %dma_start3A_534 = arith.constant 0 : i32
      %dma_start3A_535 = tpu.memref_slice %arg7[%dma_start3A_529, %dma_start3A_534] : memref<8x128xi32, #tpu.memory_space<vmem>> -> memref<1x128xi32, #tpu.memory_space<vmem>>
      %dma_start3A_536 = tpu.memref_squeeze %dma_start3A_535 : memref<1x128xi32, #tpu.memory_space<vmem>> -> memref<128xi32, #tpu.memory_space<vmem>>
      %dma_start3A_537 = arith.constant 0 : i32
      %dma_start3A_538 = arith.constant 0 : i32
      %dma_start3A_539 = tpu.memref_slice %arg13[%dma_start3A_537, %dma_start3A_538] : memref<10240x128xf32, #tpu.memory_space<vmem_shared>> -> memref<10240x128xf32, #tpu.memory_space<vmem_shared>>
      tpu.enqueue_indirect_dma source(%dma_start3A_533 : memref<128x128xf32, #tpu.memory_space<vmem>>) target(%dma_start3A_539 : memref<10240x128xf32, #tpu.memory_space<vmem_shared>>) offsets(%dma_start3A_536 : memref<128xi32, #tpu.memory_space<vmem>>) semaphore(%arg12 : memref<!tpu.dma_semaphore, #tpu.memory_space<semaphore_mem>>) {add = true}
      %dma_wait3A_540 = arith.constant 1 : i32
      %dma_wait3A_541 = arith.constant 7 : i32
      %dma_wait3A_542 = arith.constant 0 : i32
      %dma_wait3A_543 = arith.constant 0 : i32
      %dma_wait3A_544 = tpu.memref_slice %arg8[%dma_wait3A_540, %dma_wait3A_542, %dma_wait3A_543] : memref<2x128x128xf32, #tpu.memory_space<vmem>> -> memref<1x128x128xf32, #tpu.memory_space<vmem>>
      %dma_wait3A_545 = tpu.memref_squeeze %dma_wait3A_544 : memref<1x128x128xf32, #tpu.memory_space<vmem>> -> memref<128x128xf32, #tpu.memory_space<vmem>>
      %dma_wait3A_546 = arith.constant 0 : i32
      %dma_wait3A_547 = tpu.memref_slice %arg7[%dma_wait3A_541, %dma_wait3A_546] : memref<8x128xi32, #tpu.memory_space<vmem>> -> memref<1x128xi32, #tpu.memory_space<vmem>>
      %dma_wait3A_548 = tpu.memref_squeeze %dma_wait3A_547 : memref<1x128xi32, #tpu.memory_space<vmem>> -> memref<128xi32, #tpu.memory_space<vmem>>
      %dma_wait3A_549 = arith.constant 0 : i32
      %dma_wait3A_550 = arith.constant 0 : i32
      %dma_wait3A_551 = tpu.memref_slice %arg13[%dma_wait3A_549, %dma_wait3A_550] : memref<10240x128xf32, #tpu.memory_space<vmem_shared>> -> memref<10240x128xf32, #tpu.memory_space<vmem_shared>>
      tpu.wait_indirect_dma semaphore(%arg12 : memref<!tpu.dma_semaphore, #tpu.memory_space<semaphore_mem>>) src(%dma_wait3A_545 : memref<128x128xf32, #tpu.memory_space<vmem>>) dst(%dma_wait3A_551 : memref<10240x128xf32, #tpu.memory_space<vmem_shared>>)
    }
    %scan3A_157 = arith.constant 10 : i32
    %barrier3A_158 = arith.constant 0 : index
    tpu.barrier barrier_id(%barrier3A_158)
    %mul3A_159 = arith.constant 640 : i32
    %mul3A_160 = arith.muli %arg1, %mul3A_159 : i32
    %mul3A_161 = arith.constant 640 : i32
    %mul3A_162 = arith.muli %arg1, %mul3A_161 : i32
    "tpu.region"() ({
      %run_scoped3A = tpu.sem_alloc : memref<!tpu.dma_semaphore, #tpu.memory_space<semaphore_mem>>
      %dma_start3A_163 = arith.constant 0 : i32
      %dma_start3A_164 = tpu.memref_slice %arg5[%arg0, %mul3A_162, %dma_start3A_163] : memref<2x10240x128xf32, #tpu.memory_space<hbm>> -> memref<1x640x128xf32, #tpu.memory_space<hbm>>
      %dma_start3A_165 = tpu.memref_squeeze %dma_start3A_164 : memref<1x640x128xf32, #tpu.memory_space<hbm>> -> memref<640x128xf32, #tpu.memory_space<hbm>>
      %dma_start3A_166 = arith.constant 0 : i32
      %dma_start3A_167 = tpu.memref_slice %arg13[%mul3A_160, %dma_start3A_166] : memref<10240x128xf32, #tpu.memory_space<vmem_shared>> -> memref<640x128xf32, #tpu.memory_space<vmem_shared>>
      tpu.enqueue_dma source(%dma_start3A_167 : memref<640x128xf32, #tpu.memory_space<vmem_shared>>) target(%dma_start3A_165 : memref<640x128xf32, #tpu.memory_space<hbm>>) target_semaphore(%run_scoped3A : memref<!tpu.dma_semaphore, #tpu.memory_space<semaphore_mem>>)
      %dma_wait3A_168 = arith.constant 0 : i32
      %dma_wait3A_169 = tpu.memref_slice %arg5[%arg0, %mul3A_162, %dma_wait3A_168] : memref<2x10240x128xf32, #tpu.memory_space<hbm>> -> memref<1x640x128xf32, #tpu.memory_space<hbm>>
      %dma_wait3A_170 = tpu.memref_squeeze %dma_wait3A_169 : memref<1x640x128xf32, #tpu.memory_space<hbm>> -> memref<640x128xf32, #tpu.memory_space<hbm>>
      %dma_wait3A_171 = arith.constant 0 : i32
      %dma_wait3A_172 = tpu.memref_slice %arg13[%mul3A_160, %dma_wait3A_171] : memref<10240x128xf32, #tpu.memory_space<vmem_shared>> -> memref<640x128xf32, #tpu.memory_space<vmem_shared>>
      tpu.wait_dma2 semaphore(%run_scoped3A : memref<!tpu.dma_semaphore, #tpu.memory_space<semaphore_mem>>) src(%dma_wait3A_172 : memref<640x128xf32, #tpu.memory_space<vmem_shared>>) dst(%dma_wait3A_170 : memref<640x128xf32, #tpu.memory_space<hbm>>)
      tpu.yield
    }) : () -> ()
    return
  }
}

module attributes {stable_mosaic.version = 14 : i64} {
  func.func @_tc_mid_body(%arg0: i32, %arg1: memref<2x5000x128xf32, #tpu.memory_space<vmem>>, %arg2: memref<5000x1xf32, #tpu.memory_space<vmem>>, %arg3: memref<5000x128xf32, #tpu.memory_space<vmem>>, %arg4: memref<128x128xf32, #tpu.memory_space<vmem>>, %arg5: memref<1x128xf32, #tpu.memory_space<vmem>>, %arg6: memref<128x128xf32, #tpu.memory_space<vmem>>, %arg7: memref<5000x128xf32, #tpu.memory_space<vmem>>) attributes {dimension_semantics = [#tpu.dimension_semantics<arbitrary>], iteration_bounds = array<i64: 2>, scalar_prefetch = 0 : i64, scratch_operands = 0 : i64, tpu.core_type = #tpu.core_type<tc>, window_params = [{transform_indices = @transform_0, window_bounds = array<i64: 2, 5000, 128>}, {transform_indices = @transform_1, window_bounds = array<i64: 5000, 1>}, {transform_indices = @transform_2, window_bounds = array<i64: 5000, 128>}, {pipeline_mode = #tpu.pipeline_mode<synchronous>, transform_indices = @transform_3, window_bounds = array<i64: 128, 128>}, {pipeline_mode = #tpu.pipeline_mode<synchronous>, transform_indices = @transform_4, window_bounds = array<i64: 1, 128>}, {pipeline_mode = #tpu.pipeline_mode<synchronous>, transform_indices = @transform_5, window_bounds = array<i64: 128, 128>}, {transform_indices = @transform_6, window_bounds = array<i64: 5000, 128>}]} {
    %get3A = arith.constant 0 : index
    %get3A_0 = arith.constant 0 : index
    %get3A_1 = arith.constant 0 : index
    %get3A_2 = vector.load %arg1[%get3A, %get3A_0, %get3A_1] : memref<2x5000x128xf32, #tpu.memory_space<vmem>>, vector<1x5000x128xf32>
    %get3A_3 = vector.shape_cast %get3A_2 : vector<1x5000x128xf32> to vector<5000x128xf32>
    %get3A_4 = arith.constant 1 : index
    %get3A_5 = arith.constant 0 : index
    %get3A_6 = arith.constant 0 : index
    %get3A_7 = vector.load %arg1[%get3A_4, %get3A_5, %get3A_6] : memref<2x5000x128xf32, #tpu.memory_space<vmem>>, vector<1x5000x128xf32>
    %get3A_8 = vector.shape_cast %get3A_7 : vector<1x5000x128xf32> to vector<5000x128xf32>
    %add3A = arith.addf %get3A_3, %get3A_8 : vector<5000x128xf32>
    %get3A_9 = arith.constant 0 : index
    %get3A_10 = arith.constant 0 : index
    %get3A_11 = vector.load %arg2[%get3A_9, %get3A_10] : memref<5000x1xf32, #tpu.memory_space<vmem>>, vector<5000x1xf32>
    %mul3A = vector.broadcast %get3A_11 : vector<5000x1xf32> to vector<5000x128xf32>
    %mul3A_12 = arith.mulf %add3A, %mul3A : vector<5000x128xf32>
    %get3A_13 = arith.constant 0 : index
    %get3A_14 = arith.constant 0 : index
    %get3A_15 = vector.load %arg4[%get3A_13, %get3A_14] : memref<128x128xf32, #tpu.memory_space<vmem>>, vector<128x128xf32>
    %dot_general3A = arith.constant dense<0.000000e+00> : vector<5000x128xf32>
    %dot_general3A_16 = tpu.matmul %mul3A_12, %get3A_15, %dot_general3A {dimension_numbers = #tpu.dot_dimension_numbers<[1], [0], [0], [1], [0, 0, 1, 1], [], []>, transpose_lhs_hint = false} : vector<5000x128xf32>, vector<128x128xf32>, vector<5000x128xf32> -> vector<5000x128xf32>
    %get3A_17 = arith.constant 0 : index
    %get3A_18 = arith.constant 0 : index
    %get3A_19 = vector.load %arg5[%get3A_17, %get3A_18] : memref<1x128xf32, #tpu.memory_space<vmem>>, vector<1x128xf32>
    %add3A_20 = vector.broadcast %get3A_19 : vector<1x128xf32> to vector<5000x128xf32>
    %add3A_21 = arith.addf %dot_general3A_16, %add3A_20 : vector<5000x128xf32>
    %get3A_22 = arith.constant 0 : index
    %get3A_23 = arith.constant 0 : index
    %get3A_24 = vector.load %arg3[%get3A_22, %get3A_23] : memref<5000x128xf32, #tpu.memory_space<vmem>>, vector<5000x128xf32>
    %get3A_25 = arith.constant 0 : index
    %get3A_26 = arith.constant 0 : index
    %get3A_27 = vector.load %arg6[%get3A_25, %get3A_26] : memref<128x128xf32, #tpu.memory_space<vmem>>, vector<128x128xf32>
    %dot_general3A_28 = arith.constant dense<0.000000e+00> : vector<5000x128xf32>
    %dot_general3A_29 = tpu.matmul %get3A_24, %get3A_27, %dot_general3A_28 {dimension_numbers = #tpu.dot_dimension_numbers<[1], [0], [0], [1], [0, 0, 1, 1], [], []>, transpose_lhs_hint = false} : vector<5000x128xf32>, vector<128x128xf32>, vector<5000x128xf32> -> vector<5000x128xf32>
    %add3A_30 = arith.addf %add3A_21, %dot_general3A_29 : vector<5000x128xf32>
    %max3A = arith.constant 0.000000e+00 : f32
    %max3A_31 = vector.broadcast %max3A : f32 to vector<5000x128xf32>
    %max3A_32 = arith.maximumf %add3A_30, %max3A_31 : vector<5000x128xf32>
    %swap3A = arith.constant 0 : index
    %swap3A_33 = arith.constant 0 : index
    %swap3A_34 = vector.load %arg7[%swap3A, %swap3A_33] : memref<5000x128xf32, #tpu.memory_space<vmem>>, vector<5000x128xf32>
    tpu.vector_store %arg7[%swap3A, %swap3A_33], %max3A_32 {strides = array<i32>} : memref<5000x128xf32, #tpu.memory_space<vmem>>, vector<5000x128xf32>,
    return
  }
  func.func @transform_0(%arg0: i32) -> (i32, i32, i32) {
    %c0_i32 = arith.constant 0 : i32
    %c0_i32_0 = arith.constant 0 : i32
    %c0_i32_1 = arith.constant 0 : i32
    return %c0_i32, %arg0, %c0_i32_0 : i32, i32, i32
  }
  func.func @transform_1(%arg0: i32) -> (i32, i32) {
    %c0_i32 = arith.constant 0 : i32
    %c0_i32_0 = arith.constant 0 : i32
    return %arg0, %c0_i32 : i32, i32
  }
  func.func @transform_2(%arg0: i32) -> (i32, i32) {
    %c0_i32 = arith.constant 0 : i32
    %c0_i32_0 = arith.constant 0 : i32
    return %arg0, %c0_i32 : i32, i32
  }
  func.func @transform_3(%arg0: i32) -> (i32, i32) {
    %c0_i32 = arith.constant 0 : i32
    %c0_i32_0 = arith.constant 0 : i32
    %c0_i32_1 = arith.constant 0 : i32
    return %c0_i32, %c0_i32_0 : i32, i32
  }
  func.func @transform_4(%arg0: i32) -> (i32, i32) {
    %c0_i32 = arith.constant 0 : i32
    %c0_i32_0 = arith.constant 0 : i32
    %c0_i32_1 = arith.constant 0 : i32
    return %c0_i32, %c0_i32_0 : i32, i32
  }
  func.func @transform_5(%arg0: i32) -> (i32, i32) {
    %c0_i32 = arith.constant 0 : i32
    %c0_i32_0 = arith.constant 0 : i32
    %c0_i32_1 = arith.constant 0 : i32
    return %c0_i32, %c0_i32_0 : i32, i32
  }
  func.func @transform_6(%arg0: i32) -> (i32, i32) {
    %c0_i32 = arith.constant 0 : i32
    %c0_i32_0 = arith.constant 0 : i32
    return %arg0, %c0_i32 : i32, i32
  }
}

module attributes {stable_mosaic.version = 14 : i64} {
  func.func @_tc1_body(%arg0: i32, %arg1: memref<2x5000x128xf32, #tpu.memory_space<vmem>>, %arg2: memref<2x5000x1xf32, #tpu.memory_space<vmem>>, %arg3: memref<5000x128xf32, #tpu.memory_space<vmem>>, %arg4: memref<128x128xf32, #tpu.memory_space<vmem>>, %arg5: memref<1x128xf32, #tpu.memory_space<vmem>>, %arg6: memref<128x128xf32, #tpu.memory_space<vmem>>, %arg7: memref<5000x128xf32, #tpu.memory_space<vmem>>, %arg8: memref<5000x1xf32, #tpu.memory_space<vmem>>) attributes {dimension_semantics = [#tpu.dimension_semantics<arbitrary>], iteration_bounds = array<i64: 2>, scalar_prefetch = 0 : i64, scratch_operands = 0 : i64, tpu.core_type = #tpu.core_type<tc>, window_params = [{transform_indices = @transform_0, window_bounds = array<i64: 2, 5000, 128>}, {transform_indices = @transform_1, window_bounds = array<i64: 2, 5000, 1>}, {transform_indices = @transform_2, window_bounds = array<i64: 5000, 128>}, {pipeline_mode = #tpu.pipeline_mode<synchronous>, transform_indices = @transform_3, window_bounds = array<i64: 128, 128>}, {pipeline_mode = #tpu.pipeline_mode<synchronous>, transform_indices = @transform_4, window_bounds = array<i64: 1, 128>}, {pipeline_mode = #tpu.pipeline_mode<synchronous>, transform_indices = @transform_5, window_bounds = array<i64: 128, 128>}, {transform_indices = @transform_6, window_bounds = array<i64: 5000, 128>}, {transform_indices = @transform_7, window_bounds = array<i64: 5000, 1>}]} {
    %get3A = arith.constant 0 : index
    %get3A_0 = arith.constant 0 : index
    %get3A_1 = arith.constant 0 : index
    %get3A_2 = vector.load %arg1[%get3A, %get3A_0, %get3A_1] : memref<2x5000x128xf32, #tpu.memory_space<vmem>>, vector<1x5000x128xf32>
    %get3A_3 = vector.shape_cast %get3A_2 : vector<1x5000x128xf32> to vector<5000x128xf32>
    %get3A_4 = arith.constant 1 : index
    %get3A_5 = arith.constant 0 : index
    %get3A_6 = arith.constant 0 : index
    %get3A_7 = vector.load %arg1[%get3A_4, %get3A_5, %get3A_6] : memref<2x5000x128xf32, #tpu.memory_space<vmem>>, vector<1x5000x128xf32>
    %get3A_8 = vector.shape_cast %get3A_7 : vector<1x5000x128xf32> to vector<5000x128xf32>
    %add3A = arith.addf %get3A_3, %get3A_8 : vector<5000x128xf32>
    %get3A_9 = arith.constant 0 : index
    %get3A_10 = arith.constant 0 : index
    %get3A_11 = arith.constant 0 : index
    %get3A_12 = vector.load %arg2[%get3A_9, %get3A_10, %get3A_11] : memref<2x5000x1xf32, #tpu.memory_space<vmem>>, vector<1x5000x1xf32>
    %get3A_13 = vector.shape_cast %get3A_12 : vector<1x5000x1xf32> to vector<5000x1xf32>
    %get3A_14 = arith.constant 1 : index
    %get3A_15 = arith.constant 0 : index
    %get3A_16 = arith.constant 0 : index
    %get3A_17 = vector.load %arg2[%get3A_14, %get3A_15, %get3A_16] : memref<2x5000x1xf32, #tpu.memory_space<vmem>>, vector<1x5000x1xf32>
    %get3A_18 = vector.shape_cast %get3A_17 : vector<1x5000x1xf32> to vector<5000x1xf32>
    %add3A_19 = arith.addf %get3A_13, %get3A_18 : vector<5000x1xf32>
    %max3A = arith.constant 1.000000e+00 : f32
    %max3A_20 = vector.broadcast %max3A : f32 to vector<5000x1xf32>
    %max3A_21 = arith.maximumf %add3A_19, %max3A_20 : vector<5000x1xf32>
    %div3A = arith.constant 1.000000e+00 : f32
    %div3A_22 = vector.broadcast %div3A : f32 to vector<5000x1xf32>
    %div3A_23 = arith.divf %div3A_22, %max3A_21 : vector<5000x1xf32>
    %mul3A = vector.broadcast %div3A_23 : vector<5000x1xf32> to vector<5000x128xf32>
    %mul3A_24 = arith.mulf %add3A, %mul3A : vector<5000x128xf32>
    %get3A_25 = arith.constant 0 : index
    %get3A_26 = arith.constant 0 : index
    %get3A_27 = vector.load %arg4[%get3A_25, %get3A_26] : memref<128x128xf32, #tpu.memory_space<vmem>>, vector<128x128xf32>
    %dot_general3A = arith.constant dense<0.000000e+00> : vector<5000x128xf32>
    %dot_general3A_28 = tpu.matmul %mul3A_24, %get3A_27, %dot_general3A {dimension_numbers = #tpu.dot_dimension_numbers<[1], [0], [0], [1], [0, 0, 1, 1], [], []>, transpose_lhs_hint = false} : vector<5000x128xf32>, vector<128x128xf32>, vector<5000x128xf32> -> vector<5000x128xf32>
    %get3A_29 = arith.constant 0 : index
    %get3A_30 = arith.constant 0 : index
    %get3A_31 = vector.load %arg5[%get3A_29, %get3A_30] : memref<1x128xf32, #tpu.memory_space<vmem>>, vector<1x128xf32>
    %add3A_32 = vector.broadcast %get3A_31 : vector<1x128xf32> to vector<5000x128xf32>
    %add3A_33 = arith.addf %dot_general3A_28, %add3A_32 : vector<5000x128xf32>
    %get3A_34 = arith.constant 0 : index
    %get3A_35 = arith.constant 0 : index
    %get3A_36 = vector.load %arg3[%get3A_34, %get3A_35] : memref<5000x128xf32, #tpu.memory_space<vmem>>, vector<5000x128xf32>
    %get3A_37 = arith.constant 0 : index
    %get3A_38 = arith.constant 0 : index
    %get3A_39 = vector.load %arg6[%get3A_37, %get3A_38] : memref<128x128xf32, #tpu.memory_space<vmem>>, vector<128x128xf32>
    %dot_general3A_40 = arith.constant dense<0.000000e+00> : vector<5000x128xf32>
    %dot_general3A_41 = tpu.matmul %get3A_36, %get3A_39, %dot_general3A_40 {dimension_numbers = #tpu.dot_dimension_numbers<[1], [0], [0], [1], [0, 0, 1, 1], [], []>, transpose_lhs_hint = false} : vector<5000x128xf32>, vector<128x128xf32>, vector<5000x128xf32> -> vector<5000x128xf32>
    %add3A_42 = arith.addf %add3A_33, %dot_general3A_41 : vector<5000x128xf32>
    %max3A_43 = arith.constant 0.000000e+00 : f32
    %max3A_44 = vector.broadcast %max3A_43 : f32 to vector<5000x128xf32>
    %max3A_45 = arith.maximumf %add3A_42, %max3A_44 : vector<5000x128xf32>
    %swap3A = arith.constant 0 : index
    %swap3A_46 = arith.constant 0 : index
    %swap3A_47 = vector.load %arg7[%swap3A, %swap3A_46] : memref<5000x128xf32, #tpu.memory_space<vmem>>, vector<5000x128xf32>
    tpu.vector_store %arg7[%swap3A, %swap3A_46], %max3A_45 {strides = array<i32>} : memref<5000x128xf32, #tpu.memory_space<vmem>>, vector<5000x128xf32>,
    %swap3A_48 = arith.constant 0 : index
    %swap3A_49 = arith.constant 0 : index
    %swap3A_50 = vector.load %arg8[%swap3A_48, %swap3A_49] : memref<5000x1xf32, #tpu.memory_space<vmem>>, vector<5000x1xf32>
    tpu.vector_store %arg8[%swap3A_48, %swap3A_49], %div3A_23 {strides = array<i32>} : memref<5000x1xf32, #tpu.memory_space<vmem>>, vector<5000x1xf32>,
    return
  }
  func.func @transform_0(%arg0: i32) -> (i32, i32, i32) {
    %c0_i32 = arith.constant 0 : i32
    %c0_i32_0 = arith.constant 0 : i32
    %c0_i32_1 = arith.constant 0 : i32
    return %c0_i32, %arg0, %c0_i32_0 : i32, i32, i32
  }
  func.func @transform_1(%arg0: i32) -> (i32, i32, i32) {
    %c0_i32 = arith.constant 0 : i32
    %c0_i32_0 = arith.constant 0 : i32
    %c0_i32_1 = arith.constant 0 : i32
    return %c0_i32, %arg0, %c0_i32_0 : i32, i32, i32
  }
  func.func @transform_2(%arg0: i32) -> (i32, i32) {
    %c0_i32 = arith.constant 0 : i32
    %c0_i32_0 = arith.constant 0 : i32
    return %arg0, %c0_i32 : i32, i32
  }
  func.func @transform_3(%arg0: i32) -> (i32, i32) {
    %c0_i32 = arith.constant 0 : i32
    %c0_i32_0 = arith.constant 0 : i32
    %c0_i32_1 = arith.constant 0 : i32
    return %c0_i32, %c0_i32_0 : i32, i32
  }
  func.func @transform_4(%arg0: i32) -> (i32, i32) {
    %c0_i32 = arith.constant 0 : i32
    %c0_i32_0 = arith.constant 0 : i32
    %c0_i32_1 = arith.constant 0 : i32
    return %c0_i32, %c0_i32_0 : i32, i32
  }
  func.func @transform_5(%arg0: i32) -> (i32, i32) {
    %c0_i32 = arith.constant 0 : i32
    %c0_i32_0 = arith.constant 0 : i32
    %c0_i32_1 = arith.constant 0 : i32
    return %c0_i32, %c0_i32_0 : i32, i32
  }
  func.func @transform_6(%arg0: i32) -> (i32, i32) {
    %c0_i32 = arith.constant 0 : i32
    %c0_i32_0 = arith.constant 0 : i32
    return %arg0, %c0_i32 : i32, i32
  }
  func.func @transform_7(%arg0: i32) -> (i32, i32) {
    %c0_i32 = arith.constant 0 : i32
    %c0_i32_0 = arith.constant 0 : i32
    return %arg0, %c0_i32 : i32, i32
  }
}

module attributes {stable_mosaic.version = 14 : i64} {
  func.func @_tc_final_body(%arg0: i32, %arg1: memref<2x5000x128xf32, #tpu.memory_space<vmem>>, %arg2: memref<5000x1xf32, #tpu.memory_space<vmem>>, %arg3: memref<5000x128xf32, #tpu.memory_space<vmem>>, %arg4: memref<128x128xf32, #tpu.memory_space<vmem>>, %arg5: memref<1x128xf32, #tpu.memory_space<vmem>>, %arg6: memref<128x128xf32, #tpu.memory_space<vmem>>, %arg7: memref<5000x1xi32, #tpu.memory_space<vmem>>, %arg8: memref<128x10xf32, #tpu.memory_space<vmem>>, %arg9: memref<1x10xf32, #tpu.memory_space<vmem>>, %arg10: memref<64x10xf32, #tpu.memory_space<vmem>>, %arg11: memref<64x128xf32, #tpu.memory_space<vmem>>, %arg12: memref<64x1xf32, #tpu.memory_space<vmem>>) attributes {dimension_semantics = [#tpu.dimension_semantics<arbitrary>], iteration_bounds = array<i64: 2>, scalar_prefetch = 0 : i64, scratch_operands = 2 : i64, tpu.core_type = #tpu.core_type<tc>, window_params = [{transform_indices = @transform_0, window_bounds = array<i64: 2, 5000, 128>}, {transform_indices = @transform_1, window_bounds = array<i64: 5000, 1>}, {transform_indices = @transform_2, window_bounds = array<i64: 5000, 128>}, {pipeline_mode = #tpu.pipeline_mode<synchronous>, transform_indices = @transform_3, window_bounds = array<i64: 128, 128>}, {pipeline_mode = #tpu.pipeline_mode<synchronous>, transform_indices = @transform_4, window_bounds = array<i64: 1, 128>}, {pipeline_mode = #tpu.pipeline_mode<synchronous>, transform_indices = @transform_5, window_bounds = array<i64: 128, 128>}, {transform_indices = @transform_6, window_bounds = array<i64: 5000, 1>}, {pipeline_mode = #tpu.pipeline_mode<synchronous>, transform_indices = @transform_7, window_bounds = array<i64: 128, 10>}, {pipeline_mode = #tpu.pipeline_mode<synchronous>, transform_indices = @transform_8, window_bounds = array<i64: 1, 10>}, {pipeline_mode = #tpu.pipeline_mode<synchronous>, transform_indices = @transform_9, window_bounds = array<i64: 64, 10>}]} {
    %eq3A = arith.constant 0 : i32
    %eq3A_0 = arith.cmpi eq, %arg0, %eq3A : i32
    %convert_element_type3A = arith.extui %eq3A_0 : i1 to i32
    %cond3A = arith.constant 0 : i32
    %cond3A_1 = arith.cmpi ne, %convert_element_type3A, %cond3A : i32
    scf.if %cond3A_1 {
      %broadcast_in_dim3A_63 = arith.constant 0.000000e+00 : f32
      %broadcast_in_dim3A_64 = vector.broadcast %broadcast_in_dim3A_63 : f32 to vector<64x128xf32>
      %swap3A_65 = arith.constant 0 : index
      %swap3A_66 = arith.constant 0 : index
      %swap3A_67 = vector.load %arg11[%swap3A_65, %swap3A_66] : memref<64x128xf32, #tpu.memory_space<vmem>>, vector<64x128xf32>
      tpu.vector_store %arg11[%swap3A_65, %swap3A_66], %broadcast_in_dim3A_64 {strides = array<i32>} : memref<64x128xf32, #tpu.memory_space<vmem>>, vector<64x128xf32>,
      %broadcast_in_dim3A_68 = arith.constant 0.000000e+00 : f32
      %broadcast_in_dim3A_69 = vector.broadcast %broadcast_in_dim3A_68 : f32 to vector<64x1xf32>
      %swap3A_70 = arith.constant 0 : index
      %swap3A_71 = arith.constant 0 : index
      %swap3A_72 = vector.load %arg12[%swap3A_70, %swap3A_71] : memref<64x1xf32, #tpu.memory_space<vmem>>, vector<64x1xf32>
      tpu.vector_store %arg12[%swap3A_70, %swap3A_71], %broadcast_in_dim3A_69 {strides = array<i32>} : memref<64x1xf32, #tpu.memory_space<vmem>>, vector<64x1xf32>,
    } else {
    }
    %get3A = arith.constant 0 : index
    %get3A_2 = arith.constant 0 : index
    %get3A_3 = arith.constant 0 : index
    %get3A_4 = vector.load %arg1[%get3A, %get3A_2, %get3A_3] : memref<2x5000x128xf32, #tpu.memory_space<vmem>>, vector<1x5000x128xf32>
    %get3A_5 = vector.shape_cast %get3A_4 : vector<1x5000x128xf32> to vector<5000x128xf32>
    %get3A_6 = arith.constant 1 : index
    %get3A_7 = arith.constant 0 : index
    %get3A_8 = arith.constant 0 : index
    %get3A_9 = vector.load %arg1[%get3A_6, %get3A_7, %get3A_8] : memref<2x5000x128xf32, #tpu.memory_space<vmem>>, vector<1x5000x128xf32>
    %get3A_10 = vector.shape_cast %get3A_9 : vector<1x5000x128xf32> to vector<5000x128xf32>
    %add3A = arith.addf %get3A_5, %get3A_10 : vector<5000x128xf32>
    %get3A_11 = arith.constant 0 : index
    %get3A_12 = arith.constant 0 : index
    %get3A_13 = vector.load %arg2[%get3A_11, %get3A_12] : memref<5000x1xf32, #tpu.memory_space<vmem>>, vector<5000x1xf32>
    %mul3A = vector.broadcast %get3A_13 : vector<5000x1xf32> to vector<5000x128xf32>
    %mul3A_14 = arith.mulf %add3A, %mul3A : vector<5000x128xf32>
    %get3A_15 = arith.constant 0 : index
    %get3A_16 = arith.constant 0 : index
    %get3A_17 = vector.load %arg4[%get3A_15, %get3A_16] : memref<128x128xf32, #tpu.memory_space<vmem>>, vector<128x128xf32>
    %dot_general3A = arith.constant dense<0.000000e+00> : vector<5000x128xf32>
    %dot_general3A_18 = tpu.matmul %mul3A_14, %get3A_17, %dot_general3A {dimension_numbers = #tpu.dot_dimension_numbers<[1], [0], [0], [1], [0, 0, 1, 1], [], []>, transpose_lhs_hint = false} : vector<5000x128xf32>, vector<128x128xf32>, vector<5000x128xf32> -> vector<5000x128xf32>
    %get3A_19 = arith.constant 0 : index
    %get3A_20 = arith.constant 0 : index
    %get3A_21 = vector.load %arg5[%get3A_19, %get3A_20] : memref<1x128xf32, #tpu.memory_space<vmem>>, vector<1x128xf32>
    %add3A_22 = vector.broadcast %get3A_21 : vector<1x128xf32> to vector<5000x128xf32>
    %add3A_23 = arith.addf %dot_general3A_18, %add3A_22 : vector<5000x128xf32>
    %get3A_24 = arith.constant 0 : index
    %get3A_25 = arith.constant 0 : index
    %get3A_26 = vector.load %arg3[%get3A_24, %get3A_25] : memref<5000x128xf32, #tpu.memory_space<vmem>>, vector<5000x128xf32>
    %get3A_27 = arith.constant 0 : index
    %get3A_28 = arith.constant 0 : index
    %get3A_29 = vector.load %arg6[%get3A_27, %get3A_28] : memref<128x128xf32, #tpu.memory_space<vmem>>, vector<128x128xf32>
    %dot_general3A_30 = arith.constant dense<0.000000e+00> : vector<5000x128xf32>
    %dot_general3A_31 = tpu.matmul %get3A_26, %get3A_29, %dot_general3A_30 {dimension_numbers = #tpu.dot_dimension_numbers<[1], [0], [0], [1], [0, 0, 1, 1], [], []>, transpose_lhs_hint = false} : vector<5000x128xf32>, vector<128x128xf32>, vector<5000x128xf32> -> vector<5000x128xf32>
    %add3A_32 = arith.addf %add3A_23, %dot_general3A_31 : vector<5000x128xf32>
    %iota3A = tpu.iota {dimensions = array<i32: 1>} : vector<5000x64xi32>
    %get3A_33 = arith.constant 0 : index
    %get3A_34 = arith.constant 0 : index
    %get3A_35 = vector.load %arg7[%get3A_33, %get3A_34] : memref<5000x1xi32, #tpu.memory_space<vmem>>, vector<5000x1xi32>
    %eq3A_36 = vector.broadcast %get3A_35 : vector<5000x1xi32> to vector<5000x64xi32>
    %eq3A_37 = arith.cmpi eq, %eq3A_36, %iota3A : vector<5000x64xi32>
    %convert_element_type3A_38 = arith.extui %eq3A_37 : vector<5000x64xi1> to vector<5000x64xi32>
    %convert_element_type3A_39 = arith.sitofp %convert_element_type3A_38 : vector<5000x64xi32> to vector<5000x64xf32>
    %get3A_40 = arith.constant 0 : index
    %get3A_41 = arith.constant 0 : index
    %get3A_42 = vector.load %arg11[%get3A_40, %get3A_41] : memref<64x128xf32, #tpu.memory_space<vmem>>, vector<64x128xf32>
    %dot_general3A_43 = arith.constant dense<0.000000e+00> : vector<64x128xf32>
    %dot_general3A_44 = tpu.matmul %convert_element_type3A_39, %add3A_32, %dot_general3A_43 {dimension_numbers = #tpu.dot_dimension_numbers<[0], [0], [1], [1], [0, 1, 1, 1], [], []>, transpose_lhs_hint = false} : vector<5000x64xf32>, vector<5000x128xf32>, vector<64x128xf32> -> vector<64x128xf32>
    %add3A_45 = arith.addf %get3A_42, %dot_general3A_44 : vector<64x128xf32>
    %swap3A = arith.constant 0 : index
    %swap3A_46 = arith.constant 0 : index
    %swap3A_47 = vector.load %arg11[%swap3A, %swap3A_46] : memref<64x128xf32, #tpu.memory_space<vmem>>, vector<64x128xf32>
    tpu.vector_store %arg11[%swap3A, %swap3A_46], %add3A_45 {strides = array<i32>} : memref<64x128xf32, #tpu.memory_space<vmem>>, vector<64x128xf32>,
    %get3A_48 = arith.constant 0 : index
    %get3A_49 = arith.constant 0 : index
    %get3A_50 = vector.load %arg12[%get3A_48, %get3A_49] : memref<64x1xf32, #tpu.memory_space<vmem>>, vector<64x1xf32>
    %broadcast_in_dim3A = arith.constant 1.000000e+00 : f32
    %broadcast_in_dim3A_51 = vector.broadcast %broadcast_in_dim3A : f32 to vector<5000x1xf32>
    %dot_general3A_52 = arith.constant dense<0.000000e+00> : vector<64x1xf32>
    %dot_general3A_53 = tpu.matmul %convert_element_type3A_39, %broadcast_in_dim3A_51, %dot_general3A_52 {dimension_numbers = #tpu.dot_dimension_numbers<[0], [0], [1], [1], [0, 1, 1, 1], [], []>, transpose_lhs_hint = false} : vector<5000x64xf32>, vector<5000x1xf32>, vector<64x1xf32> -> vector<64x1xf32>
    %add3A_54 = arith.addf %get3A_50, %dot_general3A_53 : vector<64x1xf32>
    %swap3A_55 = arith.constant 0 : index
    %swap3A_56 = arith.constant 0 : index
    %swap3A_57 = vector.load %arg12[%swap3A_55, %swap3A_56] : memref<64x1xf32, #tpu.memory_space<vmem>>, vector<64x1xf32>
    tpu.vector_store %arg12[%swap3A_55, %swap3A_56], %add3A_54 {strides = array<i32>} : memref<64x1xf32, #tpu.memory_space<vmem>>, vector<64x1xf32>,
    %eq3A_58 = arith.constant 1 : i32
    %eq3A_59 = arith.cmpi eq, %arg0, %eq3A_58 : i32
    %convert_element_type3A_60 = arith.extui %eq3A_59 : i1 to i32
    %cond3A_61 = arith.constant 0 : i32
    %cond3A_62 = arith.cmpi ne, %convert_element_type3A_60, %cond3A_61 : i32
    scf.if %cond3A_62 {
      %get3A_63 = arith.constant 0 : index
      %get3A_64 = arith.constant 0 : index
      %get3A_65 = vector.load %arg11[%get3A_63, %get3A_64] : memref<64x128xf32, #tpu.memory_space<vmem>>, vector<64x128xf32>
      %get3A_66 = arith.constant 0 : index
      %get3A_67 = arith.constant 0 : index
      %get3A_68 = vector.load %arg12[%get3A_66, %get3A_67] : memref<64x1xf32, #tpu.memory_space<vmem>>, vector<64x1xf32>
      %max3A = arith.constant 1.000000e+00 : f32
      %max3A_69 = vector.broadcast %max3A : f32 to vector<64x1xf32>
      %max3A_70 = arith.maximumf %get3A_68, %max3A_69 : vector<64x1xf32>
      %div3A = vector.broadcast %max3A_70 : vector<64x1xf32> to vector<64x128xf32>
      %div3A_71 = arith.divf %get3A_65, %div3A : vector<64x128xf32>
      %get3A_72 = arith.constant 0 : index
      %get3A_73 = arith.constant 0 : index
      %get3A_74 = vector.load %arg8[%get3A_72, %get3A_73] : memref<128x10xf32, #tpu.memory_space<vmem>>, vector<128x10xf32>
      %dot_general3A_75 = arith.constant dense<0.000000e+00> : vector<64x10xf32>
      %dot_general3A_76 = tpu.matmul %div3A_71, %get3A_74, %dot_general3A_75 {dimension_numbers = #tpu.dot_dimension_numbers<[1], [0], [0], [1], [0, 0, 1, 1], [], []>, transpose_lhs_hint = false} : vector<64x128xf32>, vector<128x10xf32>, vector<64x10xf32> -> vector<64x10xf32>
      %get3A_77 = arith.constant 0 : index
      %get3A_78 = arith.constant 0 : index
      %get3A_79 = vector.load %arg9[%get3A_77, %get3A_78] : memref<1x10xf32, #tpu.memory_space<vmem>>, vector<1x10xf32>
      %add3A_80 = vector.broadcast %get3A_79 : vector<1x10xf32> to vector<64x10xf32>
      %add3A_81 = arith.addf %dot_general3A_76, %add3A_80 : vector<64x10xf32>
      %swap3A_82 = arith.constant 0 : index
      %swap3A_83 = arith.constant 0 : index
      %swap3A_84 = vector.load %arg10[%swap3A_82, %swap3A_83] : memref<64x10xf32, #tpu.memory_space<vmem>>, vector<64x10xf32>
      tpu.vector_store %arg10[%swap3A_82, %swap3A_83], %add3A_81 {strides = array<i32>} : memref<64x10xf32, #tpu.memory_space<vmem>>, vector<64x10xf32>,
    } else {
    }
    return
  }
  func.func @transform_0(%arg0: i32) -> (i32, i32, i32) {
    %c0_i32 = arith.constant 0 : i32
    %c0_i32_0 = arith.constant 0 : i32
    %c0_i32_1 = arith.constant 0 : i32
    return %c0_i32, %arg0, %c0_i32_0 : i32, i32, i32
  }
  func.func @transform_1(%arg0: i32) -> (i32, i32) {
    %c0_i32 = arith.constant 0 : i32
    %c0_i32_0 = arith.constant 0 : i32
    return %arg0, %c0_i32 : i32, i32
  }
  func.func @transform_2(%arg0: i32) -> (i32, i32) {
    %c0_i32 = arith.constant 0 : i32
    %c0_i32_0 = arith.constant 0 : i32
    return %arg0, %c0_i32 : i32, i32
  }
  func.func @transform_3(%arg0: i32) -> (i32, i32) {
    %c0_i32 = arith.constant 0 : i32
    %c0_i32_0 = arith.constant 0 : i32
    %c0_i32_1 = arith.constant 0 : i32
    return %c0_i32, %c0_i32_0 : i32, i32
  }
  func.func @transform_4(%arg0: i32) -> (i32, i32) {
    %c0_i32 = arith.constant 0 : i32
    %c0_i32_0 = arith.constant 0 : i32
    %c0_i32_1 = arith.constant 0 : i32
    return %c0_i32, %c0_i32_0 : i32, i32
  }
  func.func @transform_5(%arg0: i32) -> (i32, i32) {
    %c0_i32 = arith.constant 0 : i32
    %c0_i32_0 = arith.constant 0 : i32
    %c0_i32_1 = arith.constant 0 : i32
    return %c0_i32, %c0_i32_0 : i32, i32
  }
  func.func @transform_6(%arg0: i32) -> (i32, i32) {
    %c0_i32 = arith.constant 0 : i32
    %c0_i32_0 = arith.constant 0 : i32
    return %arg0, %c0_i32 : i32, i32
  }
  func.func @transform_7(%arg0: i32) -> (i32, i32) {
    %c0_i32 = arith.constant 0 : i32
    %c0_i32_0 = arith.constant 0 : i32
    %c0_i32_1 = arith.constant 0 : i32
    return %c0_i32, %c0_i32_0 : i32, i32
  }
  func.func @transform_8(%arg0: i32) -> (i32, i32) {
    %c0_i32 = arith.constant 0 : i32
    %c0_i32_0 = arith.constant 0 : i32
    %c0_i32_1 = arith.constant 0 : i32
    return %c0_i32, %c0_i32_0 : i32, i32
  }
  func.func @transform_9(%arg0: i32) -> (i32, i32) {
    %c0_i32 = arith.constant 0 : i32
    %c0_i32_0 = arith.constant 0 : i32
    %c0_i32_1 = arith.constant 0 : i32
    return %c0_i32, %c0_i32_0 : i32, i32
  }
}

</mosaic_0001>

<sc_bundles>
// kernel: kernel.12.cloned.1.call-start
scs
__scs_entry_jumppad:
0x0: {  	(pc) =	sbr.rel $0x88, $3  }
0x1: {  	(tag) =	ssettag $0x0;
	lr =	simm.s32 $0x1  }
0x2: {  	[smem:$0x3F93] =	sst lr;
	_ =	strace $0xD0000000  }
0x3: {  	_ = 	snop  }
0x4: {  	_ = 	snop  }
0x5: {  	_ = 	snop  }
0x6: {  	_ = 	snop  }
0x7: {  	_ = 	snop  }
__scs_overlays_trampoline_lowered:
0x8: {  	[smem:$0x3FA2] =	sst s0  }
0x9: {  	[smem:$0x3FA3] =	sst s1  }
0xa: {  	[smem:$0x3FA4] =	sst s2  }
0xb: {  	[smem:$0x3FA5] =	sst s3  }
0xc: {  	[smem:$0x3FA6] =	sst s4  }
0xd: {  	[smem:$0x3FA7] =	sst s5  }
0xe: {  	[smem:$0x3FA8] =	sst s6  }
0xf: {  	[smem:$0x3FA9] =	sst s7  }
0x10: {  	[smem:$0x3FAA] =	sst s8  }
0x11: {  	[smem:$0x3FAB] =	sst s9;
	s0 =	simm.s32 @!p0 $0x0  }
0x12: {  	s1 =	sld [smem:$0x3F91];
	s0 =	simm.s32 @p0 $0x1  }
0x13: {  	[smem:$0x3FAC] =	sst s0;
	s0 =	simm.s32 @!p1 $0x0  }
0x14: {  	s2 =	sld [smem:$0x3F90];
	s0 =	simm.s32 @p1 $0x1  }
0x15: {  	[smem:$0x3FAD] =	sst s0;
	s0 =	simm.s32 @!p2 $0x0  }
0x16: {  	s3 =	sld [smem:$0x3FDB];
	s0 =	simm.s32 @p2 $0x1  }
0x17: {  	s4 =	simm.s32 $0x1BF5;
	[smem:$0x3FAF] =	sst s0  }
0x18: {  	s0 =	sld [smem:$0x3F92];
	_ =	swait.ge [sflag:s4], $0x0  }
0x19: {  	s7 =	sld [smem:$0x3F93]  }
0x1a: {  	s8 =	sadd.s32 $0xFFFFE003, lr  }
0x1b: {  	s9 =	sadd.s32 $0xFFFFFEF7, lr;
	s5 =	simm.s32 $0xFFFFFFFF;
	p2 =	slt.u32 s8, $0xFFFFF086  }
0x1c: {  	p1 =	slt.u32 s9, $0xF7A;
	s5 =	simm.s32 @!p2 $0x0  }
0x1d: {  	s5 =	simm.s32 @p1 $0x1;
	p0 =	seq.s32 s7, s2  }
0x1e: {  	s7 =	smul.u32 @!p0 $0xF7A, s2;
	p2 =	seq.s32 @!p0 s5, $0x0  }
0x1f: {  	s9 =	smul.u32 $0xF7A, s1;
	s8 =	simm.s32 @!p0 $0x1BF5;
	p2 =	por !p2, p0  }
0x20: {  	[sflag:s8] =	ssyncset.s32 @!p0 $0xFFFFF086;
	s6 =	sadd.s32 @!p0 s3, s7;
	s7 =	simm.s32 @!p0 $0x108  }
0x21: {  	s3 =	sadd.s32 s3, s9;
	s6 =	sadd.s32 @!p0 $0x88, s6;
	s7 =	simm.s32 @p2 $0x1082  }
0x22: {  	[simem:s7], [sflag:s8] =	dma.local @!p0 [hbm:s6], $0xF7A  }
0x23: {  	s9 =	sor.u32 $0xD0000000, s2;
	s6 =	simm.s32 $0x108;
	_ =	swait.ge @!p0 [sflag:s8], $0x0  }
0x24: {  	s3 =	sadd.s32 $0x88, s3;
	s6 =	simm.s32 @!p1 $0x1082;
	[sflag:s4] =	ssyncset.s32 $0xFFFFF086  }
0x25: {  	[simem:s6], [sflag:s4] =	dma.local [hbm:s3], $0xF7A  }
0x26: {  	[smem:$0x3F93] =	sst s1;
	(tag) =	ssettag s2;
	_ =	strace s9  }
0x27: {  	s1 =	sld [smem:$0x3FA3]  }
0x28: {  	s2 =	sld [smem:$0x3FA4]  }
0x29: {  	s4 =	sld [smem:$0x3FA6]  }
0x2a: {  	p0 =	seq.s32 s5, $0x0;
	s5 =	sld [smem:$0x3FA7]  }
0x2b: {  	s6 =	sld [smem:$0x3FA8]  }
0x2c: {  	s7 =	sld [smem:$0x3FA9]  }
0x2d: {  	s3 =	simm.s32 $0x108;
	s8 =	sld [smem:$0x3FAA]  }
0x2e: {  	s3 =	simm.s32 @!p0 $0x1082;
	s9 =	sld [smem:$0x3FAB]  }
0x2f: {  	lr =	sadd.s32 s0, s3;
	s0 =	sld [smem:$0x3FA2]  }
0x30: {  	s3 =	sld [smem:$0x3FA5]  }
0x31: {  	[smem:$0x3FAE] =	sst s10  }
0x32: {  	s10 =	sld [smem:$0x3FAC];
	_ =	sdelay $0x3  }
0x33: {  	p0 =	seq.s32 s10, $0x1;
	s10 =	sld [smem:$0x3FAE];
	_ =	sdelay $0x3  }
0x34: {  	[smem:$0x3FAE] =	sst s10  }
0x35: {  	s10 =	sld [smem:$0x3FAD];
	_ =	sdelay $0x3  }
0x36: {  	p1 =	seq.s32 s10, $0x1;
	s10 =	sld [smem:$0x3FAE];
	_ =	sdelay $0x3  }
0x37: {  	[smem:$0x3FAE] =	sst s10  }
0x38: {  	s10 =	sld [smem:$0x3FAF]  }
0x39: {  	_ = 	snop;
	(pc) =	sbr.ind lr, $3  }
0x3a: {  	_ = 	snop  }
0x3b: {  	_ = 	snop  }
0x3c: {  	p2 =	seq.s32 s10, $0x1;
	s10 =	sld [smem:$0x3FAE]  }
0x3d: {  	_ =	shalt  }
0x3e: {  	_ =	shalt  }
0x3f: {  	_ =	shalt  }
0x40: {  	_ =	shalt  }
0x41: {  	_ =	shalt  }
0x42: {  	_ =	shalt  }
0x43: {  	_ =	shalt  }
0x44: {  	_ =	shalt  }
0x45: {  	_ =	shalt  }
0x46: {  	_ =	shalt  }
0x47: {  	_ =	shalt  }
0x48: {  	_ =	shalt  }
0x49: {  	_ =	shalt  }
0x4a: {  	_ =	shalt  }
0x4b: {  	_ =	shalt  }
0x4c: {  	_ =	shalt  }
0x4d: {  	_ =	shalt  }
0x4e: {  	_ =	shalt  }
0x4f: {  	_ =	shalt  }
0x50: {  	_ =	shalt  }
0x51: {  	_ =	shalt  }
0x52: {  	_ =	shalt  }
0x53: {  	_ =	shalt  }
0x54: {  	_ =	shalt  }
0x55: {  	_ =	shalt  }
0x56: {  	_ =	shalt  }
0x57: {  	_ =	shalt  }
0x58: {  	_ =	shalt  }
0x59: {  	_ =	shalt  }
0x5a: {  	_ =	shalt  }
0x5b: {  	_ =	shalt  }
0x5c: {  	_ =	shalt  }
0x5d: {  	_ =	shalt  }
0x5e: {  	_ =	shalt  }
0x5f: {  	_ =	shalt  }
0x60: {  	_ =	shalt  }
0x61: {  	_ =	shalt  }
0x62: {  	_ =	shalt  }
0x63: {  	_ =	shalt  }
0x64: {  	_ =	shalt  }
0x65: {  	_ =	shalt  }
0x66: {  	_ =	shalt  }
0x67: {  	_ =	shalt  }
0x68: {  	_ =	shalt  }
0x69: {  	_ =	shalt  }
0x6a: {  	_ =	shalt  }
0x6b: {  	_ =	shalt  }
0x6c: {  	_ =	shalt  }
0x6d: {  	_ =	shalt  }
0x6e: {  	_ =	shalt  }
0x6f: {  	_ =	shalt  }
0x70: {  	_ =	shalt  }
0x71: {  	_ =	shalt  }
0x72: {  	_ =	shalt  }
0x73: {  	_ =	shalt  }
0x74: {  	_ =	shalt  }
0x75: {  	_ =	shalt  }
0x76: {  	_ =	shalt  }
0x77: {  	_ =	shalt  }
0x78: {  	_ =	shalt  }
0x79: {  	_ =	shalt  }
0x7a: {  	_ =	shalt  }
0x7b: {  	_ =	shalt  }
0x7c: {  	_ =	shalt  }
0x7d: {  	_ =	shalt  }
0x7e: {  	_ =	shalt  }
0x7f: {  	_ =	shalt  }
0x80: {  	_ =	shalt  }
0x81: {  	_ =	shalt  }
0x82: {  	_ =	shalt  }
0x83: {  	_ =	shalt  }
0x84: {  	_ =	shalt  }
0x85: {  	_ =	shalt  }
0x86: {  	_ =	shalt  }
0x87: {  	_ =	shalt  }
.Lfunc_end0:
.L_simem_size_0:
called_computation.1_lowered:
.L_overlay_start_0:
0x88: {  	s2 =	sld [smem:$0x3FD9]  }
0x89: {  	s3 =	sld [smem:$0x3FFE];
	_ =	sdelay $0x1  }
0x8a: {  	s1 =	srdreg.scid  }
0x8b: {  	s0 =	sand.u32 $0x1, s1  }
0x8c: {  	s17 =	sshll.u32 s0, $0xA;
	s2 =	sadd.s32 s3, s2  }
0x8d: {  	s2 =	sadd.s32 s2, s17  }
0x8e: {  	[smem:$0x3FBA] =	sst s2  }
0x8f: {  	_ = 	snop  }
0x90: {  	(tm) =	ssettm $0x1  }
0x91: {  	s18 =	sld [smem:$0x3FFB];
	_ =	sdelay $0x3  }
0x92: {  	_ =	strace s18  }
0x93: {  	s2 =	sld [smem:$0x3FFC];
	_ =	sdelay $0x3  }
0x94: {  	_ =	strace s2  }
0x95: {  	s2 =	sld [smem:$0x3FFD];
	_ =	sdelay $0x3  }
0x96: {  	_ =	strace s2  }
0x97: {  	_ =	strace $0x8FFFFFFF  }
0x98: {  	s19 =	sld [smem:$0x3FDB];
	_ =	sdelay $0x1  }
0x99: {  	s20 =	simm.s32 $_scs_section_size  }
0x9a: {  	s4 =	simm.s32 $_size__tile_overlayer_lowered;
	s5 =	simm.s32 $_tile_overlayer_lowered  }
0x9b: {  	s6 =	simm.s32 $0x1BFF;
	s21 =	sshll.u32 s5, $0x1;
	s3 =	sadd.s32 s20, s19  }
0x9c: {  	s22 =	simm.s32 $0x0;
	s4 =	sshll.u32 s4, $0x1;
	s5 =	sadd.s32 s21, s3  }
0x9d: {  	[timem:s22], [sflag:s6] =	dma.local [hbm:s5], s4  }
0x9e: {  	_ =	swait.ge [sflag:s6], s4  }
0x9f: {  	s4 =	ssub.s32 $0x0, s4;
	[sflag:s6] =	ssyncset.done $0x0  }
0xa0: {  	[sflag:s6] =	ssyncadd.s32 s4;
	_ =	sdelay $0x1  }
0xa1: {  	s23 =	simm.s32 $0x1B8B  }
0xa2: {  	_ =	swait.ge [sflag:s23], $0x1  }
0xa3: {  	[sflag:s23] =	ssyncset.done $0x0  }
0xa4: {  	[sflag:s23] =	ssyncadd.s32 $0xFFFFFFFF  }
0xa5: {  	s4 =	sld [smem:$0x0]  }
0xa6: {  	s5 =	sand.u32 $0xFFFFFFFE, s1  }
0xa7: {  	p0 =	sne.s32 s1, s5  }
0xa8: {  	s5 =	sshll.u32 @p0 s5, $0xE  }
0xa9: {  	s5 =	sadd.s32 @p0 $0x11B8D, s5;
	s6 =	sshll.u32 @p0 s4, $0x11  }
0xaa: {  	s5 =	sor.u32 @p0 s6, s5  }
0xab: {  	[sflag:s5] =	ssyncadd.remote.s32 @p0 $0x1;
	_ =	sdelay $0x1  }
0xac: {  	s5 =	simm.s32 @p0 $0x1B8D  }
0xad: {  	_ =	swait.eq @p0 [sflag:s5], $0x1  }
0xae: {  	[sflag:s5] =	ssyncadd.s32 @p0 $0xFFFFFFFF  }
0xaf: {  	s6 =	sshll.u32 @!p0 s1, $0xE  }
0xb0: {  	s6 =	sor.u32 @!p0 $0x4000, s6;
	s5 =	simm.s32 @!p0 $0x1B8D  }
0xb1: {  	s4 =	sshll.u32 @!p0 s4, $0x11;
	s6 =	sadd.s32 @!p0 $0x11B8D, s6;
	_ =	swait.eq @!p0 [sflag:s5], $0x1  }
0xb2: {  	s4 =	sor.u32 @!p0 s4, s6;
	[sflag:s5] =	ssyncadd.s32 @!p0 $0xFFFFFFFF  }
0xb3: {  	s25 =	simm.s32 $0x1B8E;
	s24 =	sld [smem:$0x3FFE];
	[sflag:s4] =	ssyncadd.remote.s32 @!p0 $0x1  }
0xb4: {  	s26 =	simm.s32 $execute0_lowered;
	[smem:$0x3FD2] =	sst s25  }
0xb5: {  	s5 =	sshll.u32 s26, $0x1;
	_ =	strace $0x80000049;
	[dreg:$0x1] =	wrdreg $0xFFFFFFFF  }
0xb6: {  	s28 =	simm.s32 $_size_execute0_lowered;
	s3 =	sadd.s32 s3, s5;
	[dreg:$0x0] =	wrdreg $0x0  }
0xb7: {  	s5 =	sshll.u32 s28, $0x1;
	[dreg:$0x2] =	wrdreg s3  }
0xb8: {  	[dreg:$0x3] =	wrdreg s5  }
0xb9: {  	[dreg:$0x4] =	wrdreg $0xC0  }
0xba: {  	_ =	task [dreg:s22], $0x5FFFF  }
0xbb: {  	[dreg:$0x1] =	wrdreg $0xFFFFFFFF  }
0xbc: {  	[dreg:$0x0] =	wrdreg $0x60  }
0xbd: {  	[dreg:$0x2] =	wrdreg s24  }
0xbe: {  	[dreg:$0x3] =	wrdreg $0x68000  }
0xbf: {  	[dreg:$0x4] =	wrdreg $0xA  }
0xc0: {  	_ =	task.clear_ibuf [dreg:s22], $0x5FFFF;
	_ =	strace $0x90000049  }
0xc1: {  	s29 =	simm.s32 $0xA;
	_ =	strace $0x8000004B  }
0xc2: {  	_ =	swait.ge [sflag:s29], $0x1  }
0xc3: {  	[sflag:s29] =	ssyncadd.s32 $0xFFFFFFFF  }
0xc4: {  	_ =	strace $0x9000004B  }
0xc5: {  	_ =	sfence  }
0xc6: {  	s30 =	sld [smem:$0x0];
	_ =	sdelay $0x2  }
0xc7: {  	s31 =	sshll.u32 s1, $0xD;
	s1 =	sshrl.u32 s1, $0x2  }
0xc8: {  	s4 =	sand.u32 $0x4000, s31;
	s1 =	sadd.s32 s1, s30  }
0xc9: {  	s0 =	sor.u32 s4, s0;
	s1 =	sshll.u32 s1, $0x11  }
0xca: {  	s0 =	sor.u32 s1, s0  }
0xcb: {  	s0 =	sadd.s32 $0x8F2B, s0  }
0xcc: {  	[sflag:s0] =	ssyncadd.remote.s32 $0x1  }
0xcd: {  	_ =	sfence.sel $0xFFFF  }
0xce: {  	[dreg:$0x0] =	wrdreg $0xFFFFFFFF;
	(pc) =	sbr.abs _section_cstart, $3  }
0xcf: {  	[dreg:$0x1] =	wrdreg $0xFFFFFFFF  }
0xd0: {  	_ =	task.clear_ibuf [dreg:s22], $0x2FFFF;
	_ =	strace $0x9FFFFFFF  }
0xd1: {  	(tm) =	ssettm $0x7FFFFFFF  }
tec
execute0_lowered:
.L_overlay_start_1:
0x0: {  	(tag) =	ssettag $0x1  }
0x1: {  	s0 =	srdreg.scid;
	s4 =	rddreg [dreg:$0x0]  }
0x2: {  	s2 =	rddreg [dreg:$0x1];
	s5 =	sand.u32 $0x1, s0  }
0x3: {  	s0 =	stileid.u32;
	s6 =	smul.u32 $0x28000, s5  }
0x4: {  	s1 =	rddreg [dreg:$0x2];
	s3 =	simm.s32 $0x0;
	s7 =	smul.u32 $0x2800, s0  }
0x5: {  	s13 =	simm.s32 $0x1;
	s14 =	simm.s32 $0x2;
	s8 =	smul.u32 $0x140000, s5  }
0x6: {  	s15 =	simm.s32 $0x80;
	[smem:$0x7FF] =	sst s3;
	s28 =	smul.u32 $0x14000, s0  }
0x7: {  	s9 =	smul.u32 $0x50000, s0;
	_ =	strace $0x8000004A;
	s5 =	ssub.s32 $0x2, s5  }
0x8: {  	s16 =	sshll.u32 s0, $0x6;
	s31 =	sshrl.u32 s5, $0x1;
	s6 =	sadd.s32 s7, s6  }
0x9: {  	s16 =	sor.u32 $0x1C02, s16;
	s29 =	sadd.s32 s28, s8;
	s6 =	sshrl.u32 s6, $0x3  }
0xa: {  	s30 =	sshrl.u32 s9, $0x2;
	s10 =	sadd.s32 s6, s4;
	s6 =	sshrl.u32 s29, $0x3  }
0xb: {  	s12 =	ssub.s32 s5, s31;
	s11 =	sadd.s32 s6, s4;
	s4 =	sadd.s32 s30, s2  }
0xc: {  	s9 =	sadd.s32 $0xDA00, s10;
	s5 =	sadd.s32 $0x4000, s4;
	s6 =	sadd.s32 $0x8000, s4  }
0xd: {  	s7 =	sadd.s32 $0xC000, s4;
	s8 =	sadd.s32 $0x10000, s4;
	s10 =	sadd.s32 $0x67A00, s11  }
0xe: {  	v0 =	vimm.f32 $0.0e+00;
	v1 =	vimm.f32 $1.000000000e+00;
	s11 =	smax.u32 s12, $0x1;
	s12 =	simm.s32 $0x2800;
	s17 =	sshrl.u32 s4, $0x3  }
.LBB2_1:
0xf: {  	s18 =	simm.s32 $0x0;
	s19 =	simm.s32 $0x200  }
.LBB2_2:
0x10: {  	p0 =	sne.s32 s19, $0xFE00;
	[tilespmem:s18+$0x2870] =	vst v0  }
0x11: {  	[tilespmem:s18+$0x2800] =	vst v0  }
0x12: {  	[tilespmem:s18+$0x2810] =	vst v0  }
.Ltmp0:
0x13: {  	[tilespmem:s18+$0x2820] =	vst v0;
	(pc) =	sbr.rel @p0 .LBB2_2-.Ltmp0, $4  }
0x14: {  	[tilespmem:s18+$0x2830] =	vst v0  }
0x15: {  	[tilespmem:s18+$0x2840] =	vst v0  }
0x16: {  	[tilespmem:s18+$0x2850] =	vst v0  }
0x17: {  	[tilespmem:s18+$0x2860] =	vst v0;
	s18 =	sshra.s32 s19, $0x2;
	s19 =	sadd.s32 $0x200, s19  }
0x18: {  	[tilespmem:s18+$0x2870] =	vst v0  }
0x19: {  	[tilespmem:s18+$0x2800] =	vst v0  }
0x1a: {  	[tilespmem:s18+$0x2810] =	vst v0  }
0x1b: {  	[tilespmem:s18+$0x2820] =	vst v0  }
0x1c: {  	[tilespmem:s18+$0x2830] =	vst v0  }
0x1d: {  	[tilespmem:s18+$0x2840] =	vst v0  }
0x1e: {  	[tilespmem:s18+$0x2850] =	vst v0  }
0x1f: {  	[tilespmem:s18+$0x2860] =	vst v0  }
0x20: {  	[spmem:s4] =	stream.linear.scatter [tilespmem:s12], [sflag:$0x1], $0x4000, $0x38;
	[tilespmem:$0x1A800] =	vst v63  }
0x21: {  	_ = 	snop  }
0x22: {  	[spmem:s5] =	stream.linear.scatter [tilespmem:s12], [sflag:$0x1], $0x4000, $0x38;
	[tilespmem:$0x1A800] =	vst v63  }
0x23: {  	_ = 	snop  }
0x24: {  	[spmem:s6] =	stream.linear.scatter [tilespmem:s12], [sflag:$0x1], $0x4000, $0x38;
	[tilespmem:$0x1A800] =	vst v63  }
0x25: {  	_ = 	snop  }
0x26: {  	[spmem:s7] =	stream.linear.scatter [tilespmem:s12], [sflag:$0x1], $0x4000, $0x38;
	[tilespmem:$0x1A800] =	vst v63  }
0x27: {  	_ = 	snop  }
0x28: {  	[spmem:s8] =	stream.linear.scatter [tilespmem:s12], [sflag:$0x1], $0x4000, $0x38;
	[tilespmem:$0x1A800] =	vst v63  }
0x29: {  	_ =	swait.ge [sflag:s13], $0x4000  }
0x2a: {  	[sflag:s13] =	ssyncset.done $0x0  }
0x2b: {  	[sflag:s13] =	ssyncadd.s32 $0xFFFFC000  }
0x2c: {  	_ =	swait.ge [sflag:s13], $0x4000  }
0x2d: {  	[sflag:s13] =	ssyncset.done $0x0  }
0x2e: {  	[sflag:s13] =	ssyncadd.s32 $0xFFFFC000  }
0x2f: {  	_ =	swait.ge [sflag:s13], $0x4000  }
0x30: {  	[sflag:s13] =	ssyncset.done $0x0  }
0x31: {  	[sflag:s13] =	ssyncadd.s32 $0xFFFFC000  }
0x32: {  	_ =	swait.ge [sflag:s13], $0x4000  }
0x33: {  	[sflag:s13] =	ssyncset.done $0x0  }
0x34: {  	[sflag:s13] =	ssyncadd.s32 $0xFFFFC000  }
0x35: {  	_ =	swait.ge [sflag:s13], $0x4000  }
0x36: {  	[sflag:s13] =	ssyncset.done $0x0  }
0x37: {  	s18 =	simm.s32 $0x0;
	s19 =	simm.s32 $0x200;
	[sflag:s13] =	ssyncadd.s32 $0xFFFFC000  }
.LBB2_4:
0x38: {  	p0 =	sne.s32 s19, $0xFE00;
	[tilespmem:s18+$0x2870] =	vst v1  }
0x39: {  	[tilespmem:s18+$0x2800] =	vst v1  }
0x3a: {  	[tilespmem:s18+$0x2810] =	vst v1  }
.Ltmp1:
0x3b: {  	[tilespmem:s18+$0x2820] =	vst v1;
	(pc) =	sbr.rel @p0 .LBB2_4-.Ltmp1, $4  }
0x3c: {  	[tilespmem:s18+$0x2830] =	vst v1  }
0x3d: {  	[tilespmem:s18+$0x2840] =	vst v1  }
0x3e: {  	[tilespmem:s18+$0x2850] =	vst v1  }
0x3f: {  	[tilespmem:s18+$0x2860] =	vst v1;
	s18 =	sshra.s32 s19, $0x2;
	s19 =	sadd.s32 $0x200, s19  }
0x40: {  	[tilespmem:s18+$0x2870] =	vst v1  }
0x41: {  	[tilespmem:s18+$0x2800] =	vst v1  }
0x42: {  	[tilespmem:s18+$0x2810] =	vst v1  }
0x43: {  	[tilespmem:s18+$0x2820] =	vst v1  }
0x44: {  	[tilespmem:s18+$0x2830] =	vst v1  }
0x45: {  	[tilespmem:s18+$0x2840] =	vst v1  }
0x46: {  	[tilespmem:s18+$0x2850] =	vst v1  }
0x47: {  	[tilespmem:s18+$0x2860] =	vst v1;
	s26 =	simm.s32 $0x0  }
0x48: {  	[tilespmem:s26], [sflag:$0x2] =	stream.linear.gather [hbm4b:s9+s26], $0x2800, $0x38;
	[tilespmem:$0x1A800] =	vst v63  }
0x49: {  	_ =	swait.ge [sflag:s14], $0x2800  }
0x4a: {  	[sflag:s14] =	ssyncset.done $0x0  }
0x4b: {  	[sflag:s14] =	ssyncadd.s32 $0xFFFFD800  }
0x4c: {  	s28 =	simm.s32 $0x0;
	[bflag:$0x0] =	sbarrier.arrive $0xFFFF  }
0x4d: {  	[spmem:s2] =	stream.indirect.scatter.add.f32 [tilespmem:s12], [sflag:$0x1], $0x80, s28, s15, $0xb8;
	[tilespmem:$0x1A800] =	vst v63  }
0x4e: {  	s29 =	simm.s32 $0x80  }
0x4f: {  	[spmem:s2] =	stream.indirect.scatter.add.f32 [tilespmem:s12], [sflag:$0x1], $0x80, s29, s15, $0xb8;
	[tilespmem:$0x1A800] =	vst v63  }
0x50: {  	s30 =	simm.s32 $0x100  }
0x51: {  	[spmem:s2] =	stream.indirect.scatter.add.f32 [tilespmem:s12], [sflag:$0x1], $0x80, s30, s15, $0xb8;
	[tilespmem:$0x1A800] =	vst v63  }
0x52: {  	s31 =	simm.s32 $0x180  }
0x53: {  	[spmem:s2] =	stream.indirect.scatter.add.f32 [tilespmem:s12], [sflag:$0x1], $0x80, s31, s15, $0xb8;
	[tilespmem:$0x1A800] =	vst v63  }
0x54: {  	s19 =	simm.s32 $0x200  }
0x55: {  	[spmem:s2] =	stream.indirect.scatter.add.f32 [tilespmem:s12], [sflag:$0x1], $0x80, s19, s15, $0xb8;
	[tilespmem:$0x1A800] =	vst v63  }
0x56: {  	s20 =	simm.s32 $0x280  }
0x57: {  	[spmem:s2] =	stream.indirect.scatter.add.f32 [tilespmem:s12], [sflag:$0x1], $0x80, s20, s15, $0xb8;
	[tilespmem:$0x1A800] =	vst v63  }
0x58: {  	s21 =	simm.s32 $0x300  }
0x59: {  	[spmem:s2] =	stream.indirect.scatter.add.f32 [tilespmem:s12], [sflag:$0x1], $0x80, s21, s15, $0xb8;
	[tilespmem:$0x1A800] =	vst v63  }
0x5a: {  	s22 =	simm.s32 $0x380  }
0x5b: {  	[spmem:s2] =	stream.indirect.scatter.add.f32 [tilespmem:s12], [sflag:$0x1], $0x80, s22, s15, $0xb8;
	[tilespmem:$0x1A800] =	vst v63  }
0x5c: {  	s23 =	simm.s32 $0x400  }
0x5d: {  	[spmem:s2] =	stream.indirect.scatter.add.f32 [tilespmem:s12], [sflag:$0x1], $0x80, s23, s15, $0xb8;
	[tilespmem:$0x1A800] =	vst v63  }
0x5e: {  	s24 =	simm.s32 $0x480  }
0x5f: {  	[spmem:s2] =	stream.indirect.scatter.add.f32 [tilespmem:s12], [sflag:$0x1], $0x80, s24, s15, $0xb8;
	[tilespmem:$0x1A800] =	vst v63  }
0x60: {  	s25 =	simm.s32 $0x500  }
0x61: {  	[spmem:s2] =	stream.indirect.scatter.add.f32 [tilespmem:s12], [sflag:$0x1], $0x80, s25, s15, $0xb8;
	[tilespmem:$0x1A800] =	vst v63  }
0x62: {  	s26 =	simm.s32 $0x580  }
0x63: {  	[spmem:s2] =	stream.indirect.scatter.add.f32 [tilespmem:s12], [sflag:$0x1], $0x80, s26, s15, $0xb8;
	[tilespmem:$0x1A800] =	vst v63  }
0x64: {  	s28 =	simm.s32 $0x600  }
0x65: {  	[spmem:s2] =	stream.indirect.scatter.add.f32 [tilespmem:s12], [sflag:$0x1], $0x80, s28, s15, $0xb8;
	[tilespmem:$0x1A800] =	vst v63  }
0x66: {  	s29 =	simm.s32 $0x680  }
0x67: {  	[spmem:s2] =	stream.indirect.scatter.add.f32 [tilespmem:s12], [sflag:$0x1], $0x80, s29, s15, $0xb8;
	[tilespmem:$0x1A800] =	vst v63  }
0x68: {  	s30 =	simm.s32 $0x700  }
0x69: {  	[spmem:s2] =	stream.indirect.scatter.add.f32 [tilespmem:s12], [sflag:$0x1], $0x80, s30, s15, $0xb8;
	[tilespmem:$0x1A800] =	vst v63  }
0x6a: {  	s31 =	simm.s32 $0x780  }
0x6b: {  	[spmem:s2] =	stream.indirect.scatter.add.f32 [tilespmem:s12], [sflag:$0x1], $0x80, s31, s15, $0xb8;
	[tilespmem:$0x1A800] =	vst v63  }
0x6c: {  	_ =	swait.ge [sflag:s13], $0x4000  }
0x6d: {  	[sflag:s13] =	ssyncset.done $0x0  }
0x6e: {  	[sflag:s13] =	ssyncadd.s32 $0xFFFFC000  }
0x6f: {  	_ =	swait.ge [sflag:s13], $0x4000  }
0x70: {  	[sflag:s13] =	ssyncset.done $0x0  }
0x71: {  	[sflag:s13] =	ssyncadd.s32 $0xFFFFC000  }
0x72: {  	_ =	swait.ge [sflag:s13], $0x4000  }
0x73: {  	[sflag:s13] =	ssyncset.done $0x0  }
0x74: {  	[sflag:s13] =	ssyncadd.s32 $0xFFFFC000  }
0x75: {  	_ =	swait.ge [sflag:s13], $0x4000  }
0x76: {  	[sflag:s13] =	ssyncset.done $0x0  }
0x77: {  	[sflag:s13] =	ssyncadd.s32 $0xFFFFC000  }
0x78: {  	_ =	swait.ge [sflag:s13], $0x4000  }
0x79: {  	[sflag:s13] =	ssyncset.done $0x0  }
0x7a: {  	[sflag:s13] =	ssyncadd.s32 $0xFFFFC000  }
0x7b: {  	_ =	swait.ge [sflag:s13], $0x4000  }
0x7c: {  	[sflag:s13] =	ssyncset.done $0x0  }
0x7d: {  	[sflag:s13] =	ssyncadd.s32 $0xFFFFC000  }
0x7e: {  	_ =	swait.ge [sflag:s13], $0x4000  }
0x7f: {  	[sflag:s13] =	ssyncset.done $0x0  }
0x80: {  	[sflag:s13] =	ssyncadd.s32 $0xFFFFC000  }
0x81: {  	_ =	swait.ge [sflag:s13], $0x4000  }
0x82: {  	[sflag:s13] =	ssyncset.done $0x0  }
0x83: {  	[sflag:s13] =	ssyncadd.s32 $0xFFFFC000  }
0x84: {  	_ =	swait.ge [sflag:s13], $0x4000  }
0x85: {  	[sflag:s13] =	ssyncset.done $0x0  }
0x86: {  	[sflag:s13] =	ssyncadd.s32 $0xFFFFC000  }
0x87: {  	_ =	swait.ge [sflag:s13], $0x4000  }
0x88: {  	[sflag:s13] =	ssyncset.done $0x0  }
0x89: {  	[sflag:s13] =	ssyncadd.s32 $0xFFFFC000  }
0x8a: {  	_ =	swait.ge [sflag:s13], $0x4000  }
0x8b: {  	[sflag:s13] =	ssyncset.done $0x0  }
0x8c: {  	[sflag:s13] =	ssyncadd.s32 $0xFFFFC000  }
0x8d: {  	_ =	swait.ge [sflag:s13], $0x4000  }
0x8e: {  	[sflag:s13] =	ssyncset.done $0x0  }
0x8f: {  	[sflag:s13] =	ssyncadd.s32 $0xFFFFC000  }
0x90: {  	_ =	swait.ge [sflag:s13], $0x4000  }
0x91: {  	[sflag:s13] =	ssyncset.done $0x0  }
0x92: {  	[sflag:s13] =	ssyncadd.s32 $0xFFFFC000  }
0x93: {  	_ =	swait.ge [sflag:s13], $0x4000  }
0x94: {  	[sflag:s13] =	ssyncset.done $0x0  }
0x95: {  	[sflag:s13] =	ssyncadd.s32 $0xFFFFC000  }
0x96: {  	_ =	swait.ge [sflag:s13], $0x4000  }
0x97: {  	[sflag:s13] =	ssyncset.done $0x0  }
0x98: {  	[sflag:s13] =	ssyncadd.s32 $0xFFFFC000  }
0x99: {  	_ =	swait.ge [sflag:s13], $0x4000  }
0x9a: {  	s18 =	simm.s32 $0x2000;
	s21 =	simm.s32 $0x4000;
	[sflag:s13] =	ssyncset.done $0x0  }
.LBB2_6:
0x9b: {  	s20 =	sshra.s32 s18, $0x2  }
0x9c: {  	[sflag:s13] =	ssyncadd.s32 $0xFFFFC000;
	s18 =	smov.u32 s21;
	s19 =	sadd.s32 $0x2000, s21  }
0x9d: {  	[spmem:s2] =	stream.indirect.scatter.add.f32 [tilespmem:s12], [sflag:$0x1], $0x80, s20, s15, $0xb8;
	[tilespmem:$0x1A800] =	vst v63  }
0x9e: {  	p0 =	sne.s32 s21, $0x8000;
	s21 =	sadd.s32 $0x80, s20  }
0x9f: {  	[spmem:s2] =	stream.indirect.scatter.add.f32 [tilespmem:s12], [sflag:$0x1], $0x80, s21, s15, $0xb8;
	[tilespmem:$0x1A800] =	vst v63  }
0xa0: {  	s21 =	sadd.s32 $0x100, s20  }
0xa1: {  	[spmem:s2] =	stream.indirect.scatter.add.f32 [tilespmem:s12], [sflag:$0x1], $0x80, s21, s15, $0xb8;
	[tilespmem:$0x1A800] =	vst v63  }
0xa2: {  	s21 =	sadd.s32 $0x180, s20  }
0xa3: {  	[spmem:s2] =	stream.indirect.scatter.add.f32 [tilespmem:s12], [sflag:$0x1], $0x80, s21, s15, $0xb8;
	[tilespmem:$0x1A800] =	vst v63  }
0xa4: {  	s21 =	sadd.s32 $0x200, s20  }
0xa5: {  	[spmem:s2] =	stream.indirect.scatter.add.f32 [tilespmem:s12], [sflag:$0x1], $0x80, s21, s15, $0xb8;
	[tilespmem:$0x1A800] =	vst v63  }
0xa6: {  	s21 =	sadd.s32 $0x280, s20  }
0xa7: {  	[spmem:s2] =	stream.indirect.scatter.add.f32 [tilespmem:s12], [sflag:$0x1], $0x80, s21, s15, $0xb8;
	[tilespmem:$0x1A800] =	vst v63  }
0xa8: {  	s21 =	sadd.s32 $0x300, s20  }
0xa9: {  	[spmem:s2] =	stream.indirect.scatter.add.f32 [tilespmem:s12], [sflag:$0x1], $0x80, s21, s15, $0xb8;
	[tilespmem:$0x1A800] =	vst v63  }
0xaa: {  	s21 =	sadd.s32 $0x380, s20  }
0xab: {  	[spmem:s2] =	stream.indirect.scatter.add.f32 [tilespmem:s12], [sflag:$0x1], $0x80, s21, s15, $0xb8;
	[tilespmem:$0x1A800] =	vst v63  }
0xac: {  	s21 =	sadd.s32 $0x400, s20  }
0xad: {  	[spmem:s2] =	stream.indirect.scatter.add.f32 [tilespmem:s12], [sflag:$0x1], $0x80, s21, s15, $0xb8;
	[tilespmem:$0x1A800] =	vst v63  }
0xae: {  	s21 =	sadd.s32 $0x480, s20  }
0xaf: {  	[spmem:s2] =	stream.indirect.scatter.add.f32 [tilespmem:s12], [sflag:$0x1], $0x80, s21, s15, $0xb8;
	[tilespmem:$0x1A800] =	vst v63  }
0xb0: {  	s21 =	sadd.s32 $0x500, s20  }
0xb1: {  	[spmem:s2] =	stream.indirect.scatter.add.f32 [tilespmem:s12], [sflag:$0x1], $0x80, s21, s15, $0xb8;
	[tilespmem:$0x1A800] =	vst v63  }
0xb2: {  	s21 =	sadd.s32 $0x580, s20  }
0xb3: {  	[spmem:s2] =	stream.indirect.scatter.add.f32 [tilespmem:s12], [sflag:$0x1], $0x80, s21, s15, $0xb8;
	[tilespmem:$0x1A800] =	vst v63  }
0xb4: {  	s21 =	sadd.s32 $0x600, s20  }
0xb5: {  	[spmem:s2] =	stream.indirect.scatter.add.f32 [tilespmem:s12], [sflag:$0x1], $0x80, s21, s15, $0xb8;
	[tilespmem:$0x1A800] =	vst v63  }
0xb6: {  	s21 =	sadd.s32 $0x680, s20  }
0xb7: {  	[spmem:s2] =	stream.indirect.scatter.add.f32 [tilespmem:s12], [sflag:$0x1], $0x80, s21, s15, $0xb8;
	[tilespmem:$0x1A800] =	vst v63  }
0xb8: {  	s21 =	sadd.s32 $0x700, s20  }
0xb9: {  	[spmem:s2] =	stream.indirect.scatter.add.f32 [tilespmem:s12], [sflag:$0x1], $0x80, s21, s15, $0xb8;
	[tilespmem:$0x1A800] =	vst v63  }
0xba: {  	s20 =	sadd.s32 $0x780, s20  }
0xbb: {  	[spmem:s2] =	stream.indirect.scatter.add.f32 [tilespmem:s12], [sflag:$0x1], $0x80, s20, s15, $0xb8;
	[tilespmem:$0x1A800] =	vst v63  }
0xbc: {  	_ =	swait.ge [sflag:s13], $0x4000  }
0xbd: {  	[sflag:s13] =	ssyncset.done $0x0  }
0xbe: {  	[sflag:s13] =	ssyncadd.s32 $0xFFFFC000  }
0xbf: {  	_ =	swait.ge [sflag:s13], $0x4000  }
0xc0: {  	[sflag:s13] =	ssyncset.done $0x0  }
0xc1: {  	[sflag:s13] =	ssyncadd.s32 $0xFFFFC000  }
0xc2: {  	_ =	swait.ge [sflag:s13], $0x4000  }
0xc3: {  	[sflag:s13] =	ssyncset.done $0x0  }
0xc4: {  	[sflag:s13] =	ssyncadd.s32 $0xFFFFC000  }
0xc5: {  	_ =	swait.ge [sflag:s13], $0x4000  }
0xc6: {  	[sflag:s13] =	ssyncset.done $0x0  }
0xc7: {  	[sflag:s13] =	ssyncadd.s32 $0xFFFFC000  }
0xc8: {  	_ =	swait.ge [sflag:s13], $0x4000  }
0xc9: {  	[sflag:s13] =	ssyncset.done $0x0  }
0xca: {  	[sflag:s13] =	ssyncadd.s32 $0xFFFFC000  }
0xcb: {  	_ =	swait.ge [sflag:s13], $0x4000  }
0xcc: {  	[sflag:s13] =	ssyncset.done $0x0  }
0xcd: {  	[sflag:s13] =	ssyncadd.s32 $0xFFFFC000  }
0xce: {  	_ =	swait.ge [sflag:s13], $0x4000  }
0xcf: {  	[sflag:s13] =	ssyncset.done $0x0  }
0xd0: {  	[sflag:s13] =	ssyncadd.s32 $0xFFFFC000  }
0xd1: {  	_ =	swait.ge [sflag:s13], $0x4000  }
0xd2: {  	[sflag:s13] =	ssyncset.done $0x0  }
0xd3: {  	[sflag:s13] =	ssyncadd.s32 $0xFFFFC000  }
0xd4: {  	_ =	swait.ge [sflag:s13], $0x4000  }
0xd5: {  	[sflag:s13] =	ssyncset.done $0x0  }
0xd6: {  	[sflag:s13] =	ssyncadd.s32 $0xFFFFC000  }
0xd7: {  	_ =	swait.ge [sflag:s13], $0x4000  }
0xd8: {  	[sflag:s13] =	ssyncset.done $0x0  }
0xd9: {  	[sflag:s13] =	ssyncadd.s32 $0xFFFFC000  }
0xda: {  	_ =	swait.ge [sflag:s13], $0x4000  }
0xdb: {  	[sflag:s13] =	ssyncset.done $0x0  }
0xdc: {  	[sflag:s13] =	ssyncadd.s32 $0xFFFFC000  }
0xdd: {  	_ =	swait.ge [sflag:s13], $0x4000  }
0xde: {  	[sflag:s13] =	ssyncset.done $0x0  }
0xdf: {  	[sflag:s13] =	ssyncadd.s32 $0xFFFFC000  }
0xe0: {  	_ =	swait.ge [sflag:s13], $0x4000  }
0xe1: {  	[sflag:s13] =	ssyncset.done $0x0  }
0xe2: {  	[sflag:s13] =	ssyncadd.s32 $0xFFFFC000  }
0xe3: {  	_ =	swait.ge [sflag:s13], $0x4000  }
0xe4: {  	[sflag:s13] =	ssyncset.done $0x0  }
0xe5: {  	[sflag:s13] =	ssyncadd.s32 $0xFFFFC000  }
.Ltmp2:
0xe6: {  	_ =	swait.ge [sflag:s13], $0x4000;
	(pc) =	sbr.rel @p0 .LBB2_6-.Ltmp2, $4  }
0xe7: {  	[sflag:s13] =	ssyncset.done $0x0  }
0xe8: {  	[sflag:s13] =	ssyncadd.s32 $0xFFFFC000  }
0xe9: {  	_ =	swait.ge [sflag:s13], $0x4000  }
0xea: {  	s21 =	smov.u32 s19;
	[sflag:s13] =	ssyncset.done $0x0  }
0xeb: {  	s18 =	sshra.s32 s18, $0x2;
	[sflag:s13] =	ssyncadd.s32 $0xFFFFC000  }
0xec: {  	[spmem:s2] =	stream.indirect.scatter.add.f32 [tilespmem:s12], [sflag:$0x1], $0x80, s18, s15, $0xb8;
	[tilespmem:$0x1A800] =	vst v63  }
0xed: {  	s19 =	sadd.s32 $0x80, s18  }
0xee: {  	[spmem:s2] =	stream.indirect.scatter.add.f32 [tilespmem:s12], [sflag:$0x1], $0x80, s19, s15, $0xb8;
	[tilespmem:$0x1A800] =	vst v63  }
0xef: {  	s30 =	sadd.s32 $0x100, s18  }
0xf0: {  	[spmem:s2] =	stream.indirect.scatter.add.f32 [tilespmem:s12], [sflag:$0x1], $0x80, s30, s15, $0xb8;
	[tilespmem:$0x1A800] =	vst v63  }
0xf1: {  	s31 =	sadd.s32 $0x180, s18  }
0xf2: {  	[spmem:s2] =	stream.indirect.scatter.add.f32 [tilespmem:s12], [sflag:$0x1], $0x80, s31, s15, $0xb8;
	[tilespmem:$0x1A800] =	vst v63  }
0xf3: {  	s20 =	sadd.s32 $0x200, s18  }
0xf4: {  	[spmem:s2] =	stream.indirect.scatter.add.f32 [tilespmem:s12], [sflag:$0x1], $0x80, s20, s15, $0xb8;
	[tilespmem:$0x1A800] =	vst v63  }
0xf5: {  	s21 =	sadd.s32 $0x280, s18  }
0xf6: {  	[spmem:s2] =	stream.indirect.scatter.add.f32 [tilespmem:s12], [sflag:$0x1], $0x80, s21, s15, $0xb8;
	[tilespmem:$0x1A800] =	vst v63  }
0xf7: {  	s22 =	sadd.s32 $0x300, s18  }
0xf8: {  	[spmem:s2] =	stream.indirect.scatter.add.f32 [tilespmem:s12], [sflag:$0x1], $0x80, s22, s15, $0xb8;
	[tilespmem:$0x1A800] =	vst v63  }
0xf9: {  	s23 =	sadd.s32 $0x380, s18  }
0xfa: {  	[spmem:s2] =	stream.indirect.scatter.add.f32 [tilespmem:s12], [sflag:$0x1], $0x80, s23, s15, $0xb8;
	[tilespmem:$0x1A800] =	vst v63  }
0xfb: {  	s24 =	sadd.s32 $0x400, s18  }
0xfc: {  	[spmem:s2] =	stream.indirect.scatter.add.f32 [tilespmem:s12], [sflag:$0x1], $0x80, s24, s15, $0xb8;
	[tilespmem:$0x1A800] =	vst v63  }
0xfd: {  	s25 =	sadd.s32 $0x480, s18  }
0xfe: {  	[spmem:s2] =	stream.indirect.scatter.add.f32 [tilespmem:s12], [sflag:$0x1], $0x80, s25, s15, $0xb8;
	[tilespmem:$0x1A800] =	vst v63  }
0xff: {  	s26 =	sadd.s32 $0x500, s18  }
0x100: {  	[spmem:s2] =	stream.indirect.scatter.add.f32 [tilespmem:s12], [sflag:$0x1], $0x80, s26, s15, $0xb8;
	[tilespmem:$0x1A800] =	vst v63  }
0x101: {  	s28 =	sadd.s32 $0x580, s18  }
0x102: {  	[spmem:s2] =	stream.indirect.scatter.add.f32 [tilespmem:s12], [sflag:$0x1], $0x80, s28, s15, $0xb8;
	[tilespmem:$0x1A800] =	vst v63  }
0x103: {  	s29 =	sadd.s32 $0x600, s18  }
0x104: {  	[spmem:s2] =	stream.indirect.scatter.add.f32 [tilespmem:s12], [sflag:$0x1], $0x80, s29, s15, $0xb8;
	[tilespmem:$0x1A800] =	vst v63  }
0x105: {  	s30 =	sadd.s32 $0x680, s18  }
0x106: {  	[spmem:s2] =	stream.indirect.scatter.add.f32 [tilespmem:s12], [sflag:$0x1], $0x80, s30, s15, $0xb8;
	[tilespmem:$0x1A800] =	vst v63  }
0x107: {  	s31 =	sadd.s32 $0x700, s18  }
0x108: {  	[spmem:s2] =	stream.indirect.scatter.add.f32 [tilespmem:s12], [sflag:$0x1], $0x80, s31, s15, $0xb8;
	[tilespmem:$0x1A800] =	vst v63  }
0x109: {  	s18 =	sadd.s32 $0x780, s18  }
0x10a: {  	[spmem:s2] =	stream.indirect.scatter.add.f32 [tilespmem:s12], [sflag:$0x1], $0x80, s18, s15, $0xb8;
	[tilespmem:$0x1A800] =	vst v63  }
0x10b: {  	_ =	swait.ge [sflag:s13], $0x4000  }
0x10c: {  	[sflag:s13] =	ssyncset.done $0x0  }
0x10d: {  	[sflag:s13] =	ssyncadd.s32 $0xFFFFC000  }
0x10e: {  	_ =	swait.ge [sflag:s13], $0x4000  }
0x10f: {  	[sflag:s13] =	ssyncset.done $0x0  }
0x110: {  	[sflag:s13] =	ssyncadd.s32 $0xFFFFC000  }
0x111: {  	_ =	swait.ge [sflag:s13], $0x4000  }
0x112: {  	[sflag:s13] =	ssyncset.done $0x0  }
0x113: {  	[sflag:s13] =	ssyncadd.s32 $0xFFFFC000  }
0x114: {  	_ =	swait.ge [sflag:s13], $0x4000  }
0x115: {  	[sflag:s13] =	ssyncset.done $0x0  }
0x116: {  	[sflag:s13] =	ssyncadd.s32 $0xFFFFC000  }
0x117: {  	_ =	swait.ge [sflag:s13], $0x4000  }
0x118: {  	[sflag:s13] =	ssyncset.done $0x0  }
0x119: {  	[sflag:s13] =	ssyncadd.s32 $0xFFFFC000  }
0x11a: {  	_ =	swait.ge [sflag:s13], $0x4000  }
0x11b: {  	[sflag:s13] =	ssyncset.done $0x0  }
0x11c: {  	[sflag:s13] =	ssyncadd.s32 $0xFFFFC000  }
0x11d: {  	_ =	swait.ge [sflag:s13], $0x4000  }
0x11e: {  	[sflag:s13] =	ssyncset.done $0x0  }
0x11f: {  	[sflag:s13] =	ssyncadd.s32 $0xFFFFC000  }
0x120: {  	_ =	swait.ge [sflag:s13], $0x4000  }
0x121: {  	[sflag:s13] =	ssyncset.done $0x0  }
0x122: {  	[sflag:s13] =	ssyncadd.s32 $0xFFFFC000  }
0x123: {  	_ =	swait.ge [sflag:s13], $0x4000  }
0x124: {  	[sflag:s13] =	ssyncset.done $0x0  }
0x125: {  	[sflag:s13] =	ssyncadd.s32 $0xFFFFC000  }
0x126: {  	_ =	swait.ge [sflag:s13], $0x4000  }
0x127: {  	[sflag:s13] =	ssyncset.done $0x0  }
0x128: {  	[sflag:s13] =	ssyncadd.s32 $0xFFFFC000  }
0x129: {  	_ =	swait.ge [sflag:s13], $0x4000  }
0x12a: {  	[sflag:s13] =	ssyncset.done $0x0  }
0x12b: {  	[sflag:s13] =	ssyncadd.s32 $0xFFFFC000  }
0x12c: {  	_ =	swait.ge [sflag:s13], $0x4000  }
0x12d: {  	[sflag:s13] =	ssyncset.done $0x0  }
0x12e: {  	[sflag:s13] =	ssyncadd.s32 $0xFFFFC000  }
0x12f: {  	_ =	swait.ge [sflag:s13], $0x4000  }
0x130: {  	[sflag:s13] =	ssyncset.done $0x0  }
0x131: {  	[sflag:s13] =	ssyncadd.s32 $0xFFFFC000  }
0x132: {  	_ =	swait.ge [sflag:s13], $0x4000  }
0x133: {  	[sflag:s13] =	ssyncset.done $0x0  }
0x134: {  	[sflag:s13] =	ssyncadd.s32 $0xFFFFC000  }
0x135: {  	_ =	swait.ge [sflag:s13], $0x4000  }
0x136: {  	[sflag:s13] =	ssyncset.done $0x0  }
0x137: {  	[sflag:s13] =	ssyncadd.s32 $0xFFFFC000  }
0x138: {  	_ =	swait.ge [sflag:s13], $0x4000  }
0x139: {  	s3 =	sadd.s32 $0x1, s3;
	[sflag:s13] =	ssyncset.done $0x0  }
0x13a: {  	p0 =	sne.s32 s3, s11;
	[sflag:s13] =	ssyncadd.s32 $0xFFFFC000  }
.Ltmp3:
0x13b: {  	[bflag:$0x0] =	sbarrier.arrive $0xFFFF;
	(pc) =	sbr.rel @p0 .LBB2_1-.Ltmp3, $4  }
0x13c: {  	[hbm:s10], [sflag:s16] =	dma.local [spmem:s17], $0x2800  }
0x13d: {  	_ =	swait.ge [sflag:s14], $0x2800  }
0x13e: {  	[sflag:s14] =	ssyncset.done $0x0  }
0x13f: {  	[sflag:s14] =	ssyncadd.s32 $0xFFFFD800  }
0x140: {  	_ =	sfence.sel $0x180000  }
0x141: {  	[bflag:$0x0] =	sbarrier.arrive $0xFFFF  }
0x142: {  	p0 =	sne.s32 s0, $0x0;
	_ =	strace $0x9000004A  }
0x143: {  	s0 =	sadd.s32 @!p0 $0x100000, s1;
	[bflag:$0x2] =	sbarrier.arrive $0xFFFF  }
0x144: {  	[sflag:s0] =	ssyncadd.tile.s32 @!p0 $0x1;
	_ =	shalt  }
.Lfunc_end2:
_tile_overlayer_lowered:
.L_overlay_start_2:
0x145: {  	(tag) =	ssettag $0x2  }
0x146: {  	s0 =	rddreg [dreg:$0x0];
	s2 =	stileid.u32  }
0x147: {  	s1 =	rddreg [dreg:$0x1];
	p0 =	sne.s32 s2, $0x0  }
0x148: {  	s3 =	rddreg [dreg:$0x2];
	[bflag:$0x3] =	sbarrier.arrive $0xFFFF;
	s2 =	simm.s32 @!p0 $0x1C02  }
0x149: {  	[timem:s3], [sflag:s2] =	dma.local @!p0 [hbm:s0], s1  }
0x14a: {  	s0 =	simm.s32 @!p0 $0x2  }
0x14b: {  	_ =	swait.ge @!p0 [sflag:s0], s1  }
0x14c: {  	s1 =	ssub.s32 @!p0 $0x0, s1;
	[sflag:s0] =	ssyncset.done @!p0 $0x0  }
0x14d: {  	[sflag:s0] =	ssyncadd.s32 @!p0 s1  }
0x14e: {  	[bflag:$0x3] =	sbarrier.arrive $0xFFFF  }
0x14f: {  	_ =	shalt  }

// kernel: kernel.15.cloned.1.call-start
scs
__scs_entry_jumppad:
0x0: {  	(pc) =	sbr.rel $0x88, $3  }
0x1: {  	(tag) =	ssettag $0x0;
	lr =	simm.s32 $0x1  }
0x2: {  	[smem:$0x3F93] =	sst lr;
	_ =	strace $0xD0000000  }
0x3: {  	_ = 	snop  }
0x4: {  	_ = 	snop  }
0x5: {  	_ = 	snop  }
0x6: {  	_ = 	snop  }
0x7: {  	_ = 	snop  }
__scs_overlays_trampoline_lowered:
0x8: {  	[smem:$0x3FA2] =	sst s0  }
0x9: {  	[smem:$0x3FA3] =	sst s1  }
0xa: {  	[smem:$0x3FA4] =	sst s2  }
0xb: {  	[smem:$0x3FA5] =	sst s3  }
0xc: {  	[smem:$0x3FA6] =	sst s4  }
0xd: {  	[smem:$0x3FA7] =	sst s5  }
0xe: {  	[smem:$0x3FA8] =	sst s6  }
0xf: {  	[smem:$0x3FA9] =	sst s7  }
0x10: {  	[smem:$0x3FAA] =	sst s8  }
0x11: {  	[smem:$0x3FAB] =	sst s9;
	s0 =	simm.s32 @!p0 $0x0  }
0x12: {  	s1 =	sld [smem:$0x3F91];
	s0 =	simm.s32 @p0 $0x1  }
0x13: {  	[smem:$0x3FAC] =	sst s0;
	s0 =	simm.s32 @!p1 $0x0  }
0x14: {  	s2 =	sld [smem:$0x3F90];
	s0 =	simm.s32 @p1 $0x1  }
0x15: {  	[smem:$0x3FAD] =	sst s0;
	s0 =	simm.s32 @!p2 $0x0  }
0x16: {  	s3 =	sld [smem:$0x3FDB];
	s0 =	simm.s32 @p2 $0x1  }
0x17: {  	s4 =	simm.s32 $0x1BF5;
	[smem:$0x3FAF] =	sst s0  }
0x18: {  	s0 =	sld [smem:$0x3F92];
	_ =	swait.ge [sflag:s4], $0x0  }
0x19: {  	s7 =	sld [smem:$0x3F93]  }
0x1a: {  	s8 =	sadd.s32 $0xFFFFE003, lr  }
0x1b: {  	s9 =	sadd.s32 $0xFFFFFEF7, lr;
	s5 =	simm.s32 $0xFFFFFFFF;
	p2 =	slt.u32 s8, $0xFFFFF086  }
0x1c: {  	p1 =	slt.u32 s9, $0xF7A;
	s5 =	simm.s32 @!p2 $0x0  }
0x1d: {  	s5 =	simm.s32 @p1 $0x1;
	p0 =	seq.s32 s7, s2  }
0x1e: {  	s7 =	smul.u32 @!p0 $0xF7A, s2;
	p2 =	seq.s32 @!p0 s5, $0x0  }
0x1f: {  	s9 =	smul.u32 $0xF7A, s1;
	s8 =	simm.s32 @!p0 $0x1BF5;
	p2 =	por !p2, p0  }
0x20: {  	[sflag:s8] =	ssyncset.s32 @!p0 $0xFFFFF086;
	s6 =	sadd.s32 @!p0 s3, s7;
	s7 =	simm.s32 @!p0 $0x108  }
0x21: {  	s3 =	sadd.s32 s3, s9;
	s6 =	sadd.s32 @!p0 $0x88, s6;
	s7 =	simm.s32 @p2 $0x1082  }
0x22: {  	[simem:s7], [sflag:s8] =	dma.local @!p0 [hbm:s6], $0xF7A  }
0x23: {  	s9 =	sor.u32 $0xD0000000, s2;
	s6 =	simm.s32 $0x108;
	_ =	swait.ge @!p0 [sflag:s8], $0x0  }
0x24: {  	s3 =	sadd.s32 $0x88, s3;
	s6 =	simm.s32 @!p1 $0x1082;
	[sflag:s4] =	ssyncset.s32 $0xFFFFF086  }
0x25: {  	[simem:s6], [sflag:s4] =	dma.local [hbm:s3], $0xF7A  }
0x26: {  	[smem:$0x3F93] =	sst s1;
	(tag) =	ssettag s2;
	_ =	strace s9  }
0x27: {  	s1 =	sld [smem:$0x3FA3]  }
0x28: {  	s2 =	sld [smem:$0x3FA4]  }
0x29: {  	s4 =	sld [smem:$0x3FA6]  }
0x2a: {  	p0 =	seq.s32 s5, $0x0;
	s5 =	sld [smem:$0x3FA7]  }
0x2b: {  	s6 =	sld [smem:$0x3FA8]  }
0x2c: {  	s7 =	sld [smem:$0x3FA9]  }
0x2d: {  	s3 =	simm.s32 $0x108;
	s8 =	sld [smem:$0x3FAA]  }
0x2e: {  	s3 =	simm.s32 @!p0 $0x1082;
	s9 =	sld [smem:$0x3FAB]  }
0x2f: {  	lr =	sadd.s32 s0, s3;
	s0 =	sld [smem:$0x3FA2]  }
0x30: {  	s3 =	sld [smem:$0x3FA5]  }
0x31: {  	[smem:$0x3FAE] =	sst s10  }
0x32: {  	s10 =	sld [smem:$0x3FAC];
	_ =	sdelay $0x3  }
0x33: {  	p0 =	seq.s32 s10, $0x1;
	s10 =	sld [smem:$0x3FAE];
	_ =	sdelay $0x3  }
0x34: {  	[smem:$0x3FAE] =	sst s10  }
0x35: {  	s10 =	sld [smem:$0x3FAD];
	_ =	sdelay $0x3  }
0x36: {  	p1 =	seq.s32 s10, $0x1;
	s10 =	sld [smem:$0x3FAE];
	_ =	sdelay $0x3  }
0x37: {  	[smem:$0x3FAE] =	sst s10  }
0x38: {  	s10 =	sld [smem:$0x3FAF]  }
0x39: {  	_ = 	snop;
	(pc) =	sbr.ind lr, $3  }
0x3a: {  	_ = 	snop  }
0x3b: {  	_ = 	snop  }
0x3c: {  	p2 =	seq.s32 s10, $0x1;
	s10 =	sld [smem:$0x3FAE]  }
0x3d: {  	_ =	shalt  }
0x3e: {  	_ =	shalt  }
0x3f: {  	_ =	shalt  }
0x40: {  	_ =	shalt  }
0x41: {  	_ =	shalt  }
0x42: {  	_ =	shalt  }
0x43: {  	_ =	shalt  }
0x44: {  	_ =	shalt  }
0x45: {  	_ =	shalt  }
0x46: {  	_ =	shalt  }
0x47: {  	_ =	shalt  }
0x48: {  	_ =	shalt  }
0x49: {  	_ =	shalt  }
0x4a: {  	_ =	shalt  }
0x4b: {  	_ =	shalt  }
0x4c: {  	_ =	shalt  }
0x4d: {  	_ =	shalt  }
0x4e: {  	_ =	shalt  }
0x4f: {  	_ =	shalt  }
0x50: {  	_ =	shalt  }
0x51: {  	_ =	shalt  }
0x52: {  	_ =	shalt  }
0x53: {  	_ =	shalt  }
0x54: {  	_ =	shalt  }
0x55: {  	_ =	shalt  }
0x56: {  	_ =	shalt  }
0x57: {  	_ =	shalt  }
0x58: {  	_ =	shalt  }
0x59: {  	_ =	shalt  }
0x5a: {  	_ =	shalt  }
0x5b: {  	_ =	shalt  }
0x5c: {  	_ =	shalt  }
0x5d: {  	_ =	shalt  }
0x5e: {  	_ =	shalt  }
0x5f: {  	_ =	shalt  }
0x60: {  	_ =	shalt  }
0x61: {  	_ =	shalt  }
0x62: {  	_ =	shalt  }
0x63: {  	_ =	shalt  }
0x64: {  	_ =	shalt  }
0x65: {  	_ =	shalt  }
0x66: {  	_ =	shalt  }
0x67: {  	_ =	shalt  }
0x68: {  	_ =	shalt  }
0x69: {  	_ =	shalt  }
0x6a: {  	_ =	shalt  }
0x6b: {  	_ =	shalt  }
0x6c: {  	_ =	shalt  }
0x6d: {  	_ =	shalt  }
0x6e: {  	_ =	shalt  }
0x6f: {  	_ =	shalt  }
0x70: {  	_ =	shalt  }
0x71: {  	_ =	shalt  }
0x72: {  	_ =	shalt  }
0x73: {  	_ =	shalt  }
0x74: {  	_ =	shalt  }
0x75: {  	_ =	shalt  }
0x76: {  	_ =	shalt  }
0x77: {  	_ =	shalt  }
0x78: {  	_ =	shalt  }
0x79: {  	_ =	shalt  }
0x7a: {  	_ =	shalt  }
0x7b: {  	_ =	shalt  }
0x7c: {  	_ =	shalt  }
0x7d: {  	_ =	shalt  }
0x7e: {  	_ =	shalt  }
0x7f: {  	_ =	shalt  }
0x80: {  	_ =	shalt  }
0x81: {  	_ =	shalt  }
0x82: {  	_ =	shalt  }
0x83: {  	_ =	shalt  }
0x84: {  	_ =	shalt  }
0x85: {  	_ =	shalt  }
0x86: {  	_ =	shalt  }
0x87: {  	_ =	shalt  }
.Lfunc_end0:
.L_simem_size_0:
called_computation.2_lowered:
.L_overlay_start_0:
0x88: {  	s2 =	sld [smem:$0x3FD9]  }
0x89: {  	s3 =	sld [smem:$0x3FFE];
	_ =	sdelay $0x1  }
0x8a: {  	s1 =	srdreg.scid  }
0x8b: {  	s0 =	sand.u32 $0x1, s1  }
0x8c: {  	s16 =	sshll.u32 s0, $0xA;
	s2 =	sadd.s32 s3, s2  }
0x8d: {  	s2 =	sadd.s32 s2, s16  }
0x8e: {  	[smem:$0x3FBA] =	sst s2  }
0x8f: {  	_ = 	snop  }
0x90: {  	(tm) =	ssettm $0x1  }
0x91: {  	s17 =	sld [smem:$0x3FFB];
	_ =	sdelay $0x3  }
0x92: {  	_ =	strace s17  }
0x93: {  	s2 =	sld [smem:$0x3FFC];
	_ =	sdelay $0x3  }
0x94: {  	_ =	strace s2  }
0x95: {  	s2 =	sld [smem:$0x3FFD];
	_ =	sdelay $0x3  }
0x96: {  	_ =	strace s2  }
0x97: {  	_ =	strace $0x8FFFFFFF  }
0x98: {  	s18 =	sld [smem:$0x3FDB];
	_ =	sdelay $0x1  }
0x99: {  	s19 =	simm.s32 $_scs_section_size  }
0x9a: {  	s4 =	simm.s32 $_size__tile_overlayer_lowered;
	s5 =	simm.s32 $_tile_overlayer_lowered  }
0x9b: {  	s22 =	simm.s32 $0x1BFF;
	s21 =	sshll.u32 s5, $0x1;
	s2 =	sadd.s32 s19, s18  }
0x9c: {  	s6 =	simm.s32 $0x0;
	s20 =	sshll.u32 s4, $0x1;
	s4 =	sadd.s32 s21, s2  }
0x9d: {  	[timem:s6], [sflag:s22] =	dma.local [hbm:s4], s20  }
0x9e: {  	_ =	swait.ge [sflag:s22], s20  }
0x9f: {  	s3 =	ssub.s32 $0x0, s20;
	[sflag:s22] =	ssyncset.done $0x0  }
0xa0: {  	[sflag:s22] =	ssyncadd.s32 s3;
	_ =	sdelay $0x1  }
0xa1: {  	s23 =	simm.s32 $0x1B8B  }
0xa2: {  	_ =	swait.ge [sflag:s23], $0x1  }
0xa3: {  	[sflag:s23] =	ssyncset.done $0x0  }
0xa4: {  	s25 =	simm.s32 $0x1B8E;
	s24 =	sld [smem:$0x3FFE];
	[sflag:s23] =	ssyncadd.s32 $0xFFFFFFFF  }
0xa5: {  	s26 =	simm.s32 $execute0_lowered;
	[smem:$0x3FD2] =	sst s25  }
0xa6: {  	s4 =	sshll.u32 s26, $0x1;
	_ =	strace $0x8000004C;
	[dreg:$0x1] =	wrdreg $0xFFFFFFFF  }
0xa7: {  	s28 =	simm.s32 $_size_execute0_lowered;
	s2 =	sadd.s32 s2, s4;
	[dreg:$0x0] =	wrdreg $0x0  }
0xa8: {  	s4 =	sshll.u32 s28, $0x1;
	[dreg:$0x2] =	wrdreg s2  }
0xa9: {  	[dreg:$0x3] =	wrdreg s4  }
0xaa: {  	[dreg:$0x4] =	wrdreg $0xC0  }
0xab: {  	_ =	task [dreg:s6], $0x5FFFF  }
0xac: {  	[dreg:$0x1] =	wrdreg $0xFFFFFFFF  }
0xad: {  	[dreg:$0x0] =	wrdreg $0x60  }
0xae: {  	[dreg:$0x2] =	wrdreg s24  }
0xaf: {  	[dreg:$0x3] =	wrdreg $0x88000  }
0xb0: {  	[dreg:$0x4] =	wrdreg $0x9  }
0xb1: {  	_ =	task.clear_ibuf [dreg:s6], $0x5FFFF;
	_ =	strace $0x9000004C  }
0xb2: {  	s29 =	simm.s32 $0x9;
	_ =	strace $0x8000004E  }
0xb3: {  	_ =	swait.ge [sflag:s29], $0x1  }
0xb4: {  	[sflag:s29] =	ssyncadd.s32 $0xFFFFFFFF  }
0xb5: {  	_ =	strace $0x9000004E  }
0xb6: {  	_ =	sfence  }
0xb7: {  	s30 =	sld [smem:$0x0];
	_ =	sdelay $0x2  }
0xb8: {  	s31 =	sshll.u32 s1, $0xD;
	s1 =	sshrl.u32 s1, $0x2  }
0xb9: {  	s3 =	sand.u32 $0x4000, s31;
	s1 =	sadd.s32 s1, s30  }
0xba: {  	s0 =	sor.u32 s3, s0;
	s1 =	sshll.u32 s1, $0x11  }
0xbb: {  	s0 =	sor.u32 s1, s0  }
0xbc: {  	s0 =	sadd.s32 $0x8F2B, s0  }
0xbd: {  	[sflag:s0] =	ssyncadd.remote.s32 $0x1  }
0xbe: {  	_ =	sfence.sel $0xFFFF  }
0xbf: {  	[dreg:$0x0] =	wrdreg $0xFFFFFFFF;
	(pc) =	sbr.abs _section_cstart, $3  }
0xc0: {  	[dreg:$0x1] =	wrdreg $0xFFFFFFFF  }
0xc1: {  	_ =	task.clear_ibuf [dreg:s6], $0x2FFFF;
	_ =	strace $0x9FFFFFFF  }
0xc2: {  	(tm) =	ssettm $0x7FFFFFFF  }
0xc3: {  	_ =	shalt  }
tec
execute0_lowered:
.L_overlay_start_1:
0x0: {  	(tag) =	ssettag $0x1  }
0x1: {  	s0 =	srdreg.scid;
	s1 =	rddreg [dreg:$0x0]  }
0x2: {  	s8 =	stileid.u32;
	s2 =	rddreg [dreg:$0x1]  }
0x3: {  	s3 =	simm.s32 $0x0;
	s13 =	simm.s32 $0x800;
	s14 =	simm.s32 $0x1  }
0x4: {  	s15 =	simm.s32 $0x5;
	s16 =	simm.s32 $0x400;
	s5 =	smul.u32 $0x2800, s8  }
0x5: {  	s17 =	simm.s32 $0x80;
	s18 =	simm.s32 $0x4800;
	s19 =	smul.u32 $0x14000, s8  }
0x6: {  	s28 =	simm.s32 $0x580;
	s0 =	sand.u32 $0x1, s0;
	s8 =	smul.u32 $0x50000, s8  }
0x7: {  	s29 =	simm.s32 $0x280;
	s30 =	simm.s32 $0x600;
	s4 =	smul.u32 $0x28000, s0  }
0x8: {  	s31 =	simm.s32 $0x300;
	[smem:$0x7FF] =	sst s3;
	s6 =	smul.u32 $0x140000, s0  }
0x9: {  	_ =	strace $0x8000004D;
	s0 =	ssub.s32 $0x2, s0;
	s20 =	sshrl.u32 s8, $0x2  }
0xa: {  	s21 =	sshrl.u32 s0, $0x1;
	s8 =	simm.s32 $0x0;
	s4 =	sadd.s32 s5, s4  }
0xb: {  	s5 =	sadd.s32 s19, s6;
	s11 =	sadd.s32 s20, s2;
	s0 =	ssub.s32 s0, s21  }
0xc: {  	s19 =	simm.s32 $0x3;
	s20 =	simm.s32 $0x100;
	s21 =	simm.s32 $0x2  }
0xd: {  	s6 =	simm.s32 $0x700;
	s22 =	sadd.s32 $0x4000, s11;
	[dreg:$0x4] =	wrdreg s11  }
0xe: {  	s7 =	sshrl.u32 s4, $0x3;
	s23 =	sadd.s32 $0x8000, s11;
	[dreg:$0x5] =	wrdreg s22  }
0xf: {  	s4 =	sadd.s32 $0x17A00, s1;
	s24 =	sadd.s32 $0xC000, s11;
	[dreg:$0x6] =	wrdreg s23  }
0x10: {  	s5 =	sshrl.u32 s5, $0x3;
	s25 =	sadd.s32 $0x10000, s11;
	[dreg:$0x7] =	wrdreg s24  }
0x11: {  	s0 =	smax.u32 s0, $0x1;
	s7 =	sadd.s32 s7, s1;
	[dreg:$0x8] =	wrdreg s25  }
0x12: {  	s1 =	sadd.s32 s5, s1;
	[dreg:$0xa] =	wrdreg s0;
	s22 =	simm.s32 $0x480  }
0x13: {  	s23 =	simm.s32 $0x4;
	s24 =	simm.s32 $0x180;
	s25 =	simm.s32 $0x500  }
0x14: {  	s0 =	simm.s32 $0x380;
	s26 =	sadd.s32 $0xDA00, s7;
	s1 =	sadd.s32 $0x3EC00, s1  }
0x15: {  	s12 =	sadd.s32 $0x3A00, s7;
	s7 =	simm.s32 $0x780;
	[dreg:$0x9] =	wrdreg s1  }
0x16: {  	v0 =	vimm.f32 $0.0e+00;
	[dreg:$0x3] =	wrdreg s26;
	s26 =	simm.s32 $0x200;
	s1 =	simm.s32 $0x680  }
.LBB2_1:
0x17: {  	s9 =	simm.s32 $0x0;
	s10 =	simm.s32 $0x200  }
.LBB2_2:
0x18: {  	p0 =	sne.s32 s10, $0xFE00;
	[tilespmem:s9+$0x870] =	vst v0  }
0x19: {  	[tilespmem:s9+$0x800] =	vst v0  }
0x1a: {  	[tilespmem:s9+$0x810] =	vst v0  }
.Ltmp0:
0x1b: {  	[tilespmem:s9+$0x820] =	vst v0;
	(pc) =	sbr.rel @p0 .LBB2_2-.Ltmp0, $4  }
0x1c: {  	[tilespmem:s9+$0x830] =	vst v0  }
0x1d: {  	[tilespmem:s9+$0x840] =	vst v0  }
0x1e: {  	[tilespmem:s9+$0x850] =	vst v0  }
0x1f: {  	[tilespmem:s9+$0x860] =	vst v0;
	s9 =	sshra.s32 s10, $0x2;
	s10 =	sadd.s32 $0x200, s10  }
0x20: {  	[tilespmem:s9+$0x870] =	vst v0  }
0x21: {  	[tilespmem:s9+$0x800] =	vst v0  }
0x22: {  	[tilespmem:s9+$0x810] =	vst v0  }
0x23: {  	[tilespmem:s9+$0x820] =	vst v0  }
0x24: {  	[tilespmem:s9+$0x830] =	vst v0  }
0x25: {  	[tilespmem:s9+$0x840] =	vst v0  }
0x26: {  	[tilespmem:s9+$0x850] =	vst v0  }
0x27: {  	[dreg:$0xb] =	wrdreg s8;
	[tilespmem:s9+$0x860] =	vst v0  }
0x28: {  	[spmem:s11] =	stream.linear.scatter [tilespmem:s13], [sflag:$0x1], $0x4000, $0x38;
	[tilespmem:$0x1C800] =	vst v63  }
0x29: {  	s5 =	rddreg [dreg:$0x5]  }
0x2a: {  	[spmem:s5] =	stream.linear.scatter [tilespmem:s13], [sflag:$0x1], $0x4000, $0x38;
	[tilespmem:$0x1C800] =	vst v63  }
0x2b: {  	s11 =	rddreg [dreg:$0x6]  }
0x2c: {  	[spmem:s11] =	stream.linear.scatter [tilespmem:s13], [sflag:$0x1], $0x4000, $0x38;
	[tilespmem:$0x1C800] =	vst v63  }
0x2d: {  	s8 =	rddreg [dreg:$0x7]  }
0x2e: {  	[spmem:s8] =	stream.linear.scatter [tilespmem:s13], [sflag:$0x1], $0x4000, $0x38;
	[tilespmem:$0x1C800] =	vst v63  }
0x2f: {  	s9 =	rddreg [dreg:$0x8]  }
0x30: {  	[spmem:s9] =	stream.linear.scatter [tilespmem:s13], [sflag:$0x1], $0x4000, $0x38;
	[tilespmem:$0x1C800] =	vst v63  }
0x31: {  	_ =	swait.ge [sflag:s14], $0x4000  }
0x32: {  	[sflag:s14] =	ssyncset.done $0x0  }
0x33: {  	[sflag:s14] =	ssyncadd.s32 $0xFFFFC000  }
0x34: {  	_ =	swait.ge [sflag:s14], $0x4000  }
0x35: {  	[sflag:s14] =	ssyncset.done $0x0  }
0x36: {  	[sflag:s14] =	ssyncadd.s32 $0xFFFFC000  }
0x37: {  	_ =	swait.ge [sflag:s14], $0x4000  }
0x38: {  	[sflag:s14] =	ssyncset.done $0x0  }
0x39: {  	[sflag:s14] =	ssyncadd.s32 $0xFFFFC000  }
0x3a: {  	_ =	swait.ge [sflag:s14], $0x4000  }
0x3b: {  	[sflag:s14] =	ssyncset.done $0x0  }
0x3c: {  	[sflag:s14] =	ssyncadd.s32 $0xFFFFC000  }
0x3d: {  	_ =	swait.ge [sflag:s14], $0x4000  }
0x3e: {  	[sflag:s14] =	ssyncset.done $0x0  }
0x3f: {  	[sflag:s14] =	ssyncadd.s32 $0xFFFFC000  }
0x40: {  	s10 =	sadd.s32 $0x0, s12;
	[bflag:$0x0] =	sbarrier.arrive $0xFFFF  }
0x41: {  	[tilespmem:s3], [sflag:$0x5] =	stream.linear.gather [hbm4b:s10+s3], $0x400, $0x38;
	[tilespmem:$0x1C800] =	vst v63  }
0x42: {  	_ =	swait.ge [sflag:s15], $0x400  }
0x43: {  	s11 =	rddreg [dreg:$0x3];
	[sflag:s15] =	ssyncset.done $0x0  }
0x44: {  	[sflag:s15] =	ssyncadd.s32 $0xFFFFFC00;
	s9 =	sadd.s32 $0x0, s11  }
0x45: {  	[tilespmem:s16], [sflag:$0x5] =	stream.linear.gather [hbm4b:s9+s3], $0x400, $0x38;
	[tilespmem:$0x1C800] =	vst v63  }
0x46: {  	_ =	swait.ge [sflag:s15], $0x400  }
0x47: {  	[sflag:s15] =	ssyncset.done $0x0  }
0x48: {  	[sflag:s15] =	ssyncadd.s32 $0xFFFFFC00  }
0x49: {  	[tilespmem:s13], [sflag:$0x1] =	stream.indirect.gather [hbm4b:s4+s17], $0x80, s3, s17, $0xb8;
	[tilespmem:$0x1C800] =	vst v63  }
0x4a: {  	_ = 	snop  }
0x4b: {  	[tilespmem:s18], [sflag:$0x2] =	stream.indirect.gather [hbm4b:s4+s17], $0x80, s17, s17, $0xb8;
	[tilespmem:$0x1C800] =	vst v63  }
0x4c: {  	_ =	swait.ge [sflag:s14], $0x4000  }
0x4d: {  	[sflag:s14] =	ssyncset.done $0x0  }
0x4e: {  	[sflag:s14] =	ssyncadd.s32 $0xFFFFC000  }
0x4f: {  	[spmem:s2] =	stream.indirect.scatter.add.f32 [tilespmem:s13], [sflag:$0x3], $0x80, s16, s17, $0xb8;
	[tilespmem:$0x1C800] =	vst v63  }
0x50: {  	_ =	swait.ge [sflag:s19], $0x4000  }
0x51: {  	[sflag:s19] =	ssyncset.done $0x0  }
0x52: {  	[sflag:s19] =	ssyncadd.s32 $0xFFFFC000  }
0x53: {  	[tilespmem:s13], [sflag:$0x1] =	stream.indirect.gather [hbm4b:s4+s17], $0x80, s20, s17, $0xb8;
	[tilespmem:$0x1C800] =	vst v63  }
0x54: {  	_ =	swait.ge [sflag:s21], $0x4000  }
0x55: {  	[sflag:s21] =	ssyncset.done $0x0  }
0x56: {  	[sflag:s21] =	ssyncadd.s32 $0xFFFFC000  }
0x57: {  	[spmem:s2] =	stream.indirect.scatter.add.f32 [tilespmem:s18], [sflag:$0x4], $0x80, s22, s17, $0xb8;
	[tilespmem:$0x1C800] =	vst v63  }
0x58: {  	_ =	swait.ge [sflag:s23], $0x4000  }
0x59: {  	[sflag:s23] =	ssyncset.done $0x0  }
0x5a: {  	[sflag:s23] =	ssyncadd.s32 $0xFFFFC000  }
0x5b: {  	[tilespmem:s18], [sflag:$0x2] =	stream.indirect.gather [hbm4b:s4+s17], $0x80, s24, s17, $0xb8;
	[tilespmem:$0x1C800] =	vst v63  }
0x5c: {  	_ =	swait.ge [sflag:s14], $0x4000  }
0x5d: {  	[sflag:s14] =	ssyncset.done $0x0  }
0x5e: {  	[sflag:s14] =	ssyncadd.s32 $0xFFFFC000  }
0x5f: {  	[spmem:s2] =	stream.indirect.scatter.add.f32 [tilespmem:s13], [sflag:$0x3], $0x80, s25, s17, $0xb8;
	[tilespmem:$0x1C800] =	vst v63  }
0x60: {  	_ =	swait.ge [sflag:s19], $0x4000  }
0x61: {  	[sflag:s19] =	ssyncset.done $0x0  }
0x62: {  	[sflag:s19] =	ssyncadd.s32 $0xFFFFC000  }
0x63: {  	[tilespmem:s13], [sflag:$0x1] =	stream.indirect.gather [hbm4b:s4+s17], $0x80, s26, s17, $0xb8;
	[tilespmem:$0x1C800] =	vst v63  }
0x64: {  	_ =	swait.ge [sflag:s21], $0x4000  }
0x65: {  	[sflag:s21] =	ssyncset.done $0x0  }
0x66: {  	[sflag:s21] =	ssyncadd.s32 $0xFFFFC000  }
0x67: {  	[spmem:s2] =	stream.indirect.scatter.add.f32 [tilespmem:s18], [sflag:$0x4], $0x80, s28, s17, $0xb8;
	[tilespmem:$0x1C800] =	vst v63  }
0x68: {  	_ =	swait.ge [sflag:s23], $0x4000  }
0x69: {  	[sflag:s23] =	ssyncset.done $0x0  }
0x6a: {  	[sflag:s23] =	ssyncadd.s32 $0xFFFFC000  }
0x6b: {  	[tilespmem:s18], [sflag:$0x2] =	stream.indirect.gather [hbm4b:s4+s17], $0x80, s29, s17, $0xb8;
	[tilespmem:$0x1C800] =	vst v63  }
0x6c: {  	_ =	swait.ge [sflag:s14], $0x4000  }
0x6d: {  	[sflag:s14] =	ssyncset.done $0x0  }
0x6e: {  	[sflag:s14] =	ssyncadd.s32 $0xFFFFC000  }
0x6f: {  	[spmem:s2] =	stream.indirect.scatter.add.f32 [tilespmem:s13], [sflag:$0x3], $0x80, s30, s17, $0xb8;
	[tilespmem:$0x1C800] =	vst v63  }
0x70: {  	_ =	swait.ge [sflag:s19], $0x4000  }
0x71: {  	[sflag:s19] =	ssyncset.done $0x0  }
0x72: {  	[sflag:s19] =	ssyncadd.s32 $0xFFFFC000  }
0x73: {  	[tilespmem:s13], [sflag:$0x1] =	stream.indirect.gather [hbm4b:s4+s17], $0x80, s31, s17, $0xb8;
	[tilespmem:$0x1C800] =	vst v63  }
0x74: {  	_ =	swait.ge [sflag:s21], $0x4000  }
0x75: {  	[sflag:s21] =	ssyncset.done $0x0  }
0x76: {  	[sflag:s21] =	ssyncadd.s32 $0xFFFFC000  }
0x77: {  	[spmem:s2] =	stream.indirect.scatter.add.f32 [tilespmem:s18], [sflag:$0x4], $0x80, s1, s17, $0xb8;
	[tilespmem:$0x1C800] =	vst v63  }
0x78: {  	_ =	swait.ge [sflag:s23], $0x4000  }
0x79: {  	[sflag:s23] =	ssyncset.done $0x0  }
0x7a: {  	[sflag:s23] =	ssyncadd.s32 $0xFFFFC000  }
0x7b: {  	[tilespmem:s18], [sflag:$0x2] =	stream.indirect.gather [hbm4b:s4+s17], $0x80, s0, s17, $0xb8;
	[tilespmem:$0x1C800] =	vst v63  }
0x7c: {  	_ =	swait.ge [sflag:s14], $0x4000  }
0x7d: {  	[sflag:s14] =	ssyncset.done $0x0  }
0x7e: {  	[sflag:s14] =	ssyncadd.s32 $0xFFFFC000  }
0x7f: {  	[spmem:s2] =	stream.indirect.scatter.add.f32 [tilespmem:s13], [sflag:$0x3], $0x80, s6, s17, $0xb8;
	[tilespmem:$0x1C800] =	vst v63  }
0x80: {  	_ =	swait.ge [sflag:s19], $0x4000  }
0x81: {  	[sflag:s19] =	ssyncset.done $0x0  }
0x82: {  	[sflag:s19] =	ssyncadd.s32 $0xFFFFC000  }
0x83: {  	_ =	swait.ge [sflag:s21], $0x4000  }
0x84: {  	[sflag:s21] =	ssyncset.done $0x0  }
0x85: {  	[sflag:s21] =	ssyncadd.s32 $0xFFFFC000  }
0x86: {  	[spmem:s2] =	stream.indirect.scatter.add.f32 [tilespmem:s18], [sflag:$0x4], $0x80, s7, s17, $0xb8;
	[tilespmem:$0x1C800] =	vst v63  }
0x87: {  	_ =	swait.ge [sflag:s23], $0x4000  }
0x88: {  	s10 =	simm.s32 $0x100;
	s9 =	simm.s32 $0x80;
	[sflag:s23] =	ssyncset.done $0x0  }
.LBB2_4:
0x89: {  	s5 =	sadd.s32 s9, s12;
	[sflag:s23] =	ssyncadd.s32 $0xFFFFC000  }
0x8a: {  	[tilespmem:s3], [sflag:$0x5] =	stream.linear.gather [hbm4b:s5+s3], $0x400, $0x38;
	[tilespmem:$0x1C800] =	vst v63  }
0x8b: {  	s8 =	smov.u32 s10;
	s11 =	sadd.s32 $0x80, s10;
	_ =	swait.ge [sflag:s15], $0x400  }
0x8c: {  	p0 =	sne.s32 s10, $0x480;
	s10 =	rddreg [dreg:$0x3];
	[sflag:s15] =	ssyncset.done $0x0  }
0x8d: {  	[sflag:s15] =	ssyncadd.s32 $0xFFFFFC00;
	s5 =	sadd.s32 s9, s10  }
0x8e: {  	[tilespmem:s16], [sflag:$0x5] =	stream.linear.gather [hbm4b:s5+s3], $0x400, $0x38;
	[tilespmem:$0x1C800] =	vst v63  }
0x8f: {  	_ =	swait.ge [sflag:s15], $0x400  }
0x90: {  	[sflag:s15] =	ssyncset.done $0x0  }
0x91: {  	[sflag:s15] =	ssyncadd.s32 $0xFFFFFC00  }
0x92: {  	[tilespmem:s13], [sflag:$0x1] =	stream.indirect.gather [hbm4b:s4+s17], $0x80, s3, s17, $0xb8;
	[tilespmem:$0x1C800] =	vst v63  }
0x93: {  	_ = 	snop  }
0x94: {  	[tilespmem:s18], [sflag:$0x2] =	stream.indirect.gather [hbm4b:s4+s17], $0x80, s17, s17, $0xb8;
	[tilespmem:$0x1C800] =	vst v63  }
0x95: {  	_ =	swait.ge [sflag:s14], $0x4000  }
0x96: {  	[sflag:s14] =	ssyncset.done $0x0  }
0x97: {  	[sflag:s14] =	ssyncadd.s32 $0xFFFFC000  }
0x98: {  	[spmem:s2] =	stream.indirect.scatter.add.f32 [tilespmem:s13], [sflag:$0x3], $0x80, s16, s17, $0xb8;
	[tilespmem:$0x1C800] =	vst v63  }
0x99: {  	_ =	swait.ge [sflag:s19], $0x4000  }
0x9a: {  	[sflag:s19] =	ssyncset.done $0x0  }
0x9b: {  	[sflag:s19] =	ssyncadd.s32 $0xFFFFC000  }
0x9c: {  	[tilespmem:s13], [sflag:$0x1] =	stream.indirect.gather [hbm4b:s4+s17], $0x80, s20, s17, $0xb8;
	[tilespmem:$0x1C800] =	vst v63  }
0x9d: {  	_ =	swait.ge [sflag:s21], $0x4000  }
0x9e: {  	[sflag:s21] =	ssyncset.done $0x0  }
0x9f: {  	[sflag:s21] =	ssyncadd.s32 $0xFFFFC000  }
0xa0: {  	[spmem:s2] =	stream.indirect.scatter.add.f32 [tilespmem:s18], [sflag:$0x4], $0x80, s22, s17, $0xb8;
	[tilespmem:$0x1C800] =	vst v63  }
0xa1: {  	_ =	swait.ge [sflag:s23], $0x4000  }
0xa2: {  	[sflag:s23] =	ssyncset.done $0x0  }
0xa3: {  	[sflag:s23] =	ssyncadd.s32 $0xFFFFC000  }
0xa4: {  	[tilespmem:s18], [sflag:$0x2] =	stream.indirect.gather [hbm4b:s4+s17], $0x80, s24, s17, $0xb8;
	[tilespmem:$0x1C800] =	vst v63  }
0xa5: {  	_ =	swait.ge [sflag:s14], $0x4000  }
0xa6: {  	[sflag:s14] =	ssyncset.done $0x0  }
0xa7: {  	[sflag:s14] =	ssyncadd.s32 $0xFFFFC000  }
0xa8: {  	[spmem:s2] =	stream.indirect.scatter.add.f32 [tilespmem:s13], [sflag:$0x3], $0x80, s25, s17, $0xb8;
	[tilespmem:$0x1C800] =	vst v63  }
0xa9: {  	_ =	swait.ge [sflag:s19], $0x4000  }
0xaa: {  	[sflag:s19] =	ssyncset.done $0x0  }
0xab: {  	[sflag:s19] =	ssyncadd.s32 $0xFFFFC000  }
0xac: {  	[tilespmem:s13], [sflag:$0x1] =	stream.indirect.gather [hbm4b:s4+s17], $0x80, s26, s17, $0xb8;
	[tilespmem:$0x1C800] =	vst v63  }
0xad: {  	_ =	swait.ge [sflag:s21], $0x4000  }
0xae: {  	[sflag:s21] =	ssyncset.done $0x0  }
0xaf: {  	[sflag:s21] =	ssyncadd.s32 $0xFFFFC000  }
0xb0: {  	[spmem:s2] =	stream.indirect.scatter.add.f32 [tilespmem:s18], [sflag:$0x4], $0x80, s28, s17, $0xb8;
	[tilespmem:$0x1C800] =	vst v63  }
0xb1: {  	_ =	swait.ge [sflag:s23], $0x4000  }
0xb2: {  	[sflag:s23] =	ssyncset.done $0x0  }
0xb3: {  	[sflag:s23] =	ssyncadd.s32 $0xFFFFC000  }
0xb4: {  	[tilespmem:s18], [sflag:$0x2] =	stream.indirect.gather [hbm4b:s4+s17], $0x80, s29, s17, $0xb8;
	[tilespmem:$0x1C800] =	vst v63  }
0xb5: {  	_ =	swait.ge [sflag:s14], $0x4000  }
0xb6: {  	[sflag:s14] =	ssyncset.done $0x0  }
0xb7: {  	[sflag:s14] =	ssyncadd.s32 $0xFFFFC000  }
0xb8: {  	[spmem:s2] =	stream.indirect.scatter.add.f32 [tilespmem:s13], [sflag:$0x3], $0x80, s30, s17, $0xb8;
	[tilespmem:$0x1C800] =	vst v63  }
0xb9: {  	_ =	swait.ge [sflag:s19], $0x4000  }
0xba: {  	[sflag:s19] =	ssyncset.done $0x0  }
0xbb: {  	[sflag:s19] =	ssyncadd.s32 $0xFFFFC000  }
0xbc: {  	[tilespmem:s13], [sflag:$0x1] =	stream.indirect.gather [hbm4b:s4+s17], $0x80, s31, s17, $0xb8;
	[tilespmem:$0x1C800] =	vst v63  }
0xbd: {  	_ =	swait.ge [sflag:s21], $0x4000  }
0xbe: {  	[sflag:s21] =	ssyncset.done $0x0  }
0xbf: {  	[sflag:s21] =	ssyncadd.s32 $0xFFFFC000  }
0xc0: {  	[spmem:s2] =	stream.indirect.scatter.add.f32 [tilespmem:s18], [sflag:$0x4], $0x80, s1, s17, $0xb8;
	[tilespmem:$0x1C800] =	vst v63  }
0xc1: {  	_ =	swait.ge [sflag:s23], $0x4000  }
0xc2: {  	[sflag:s23] =	ssyncset.done $0x0  }
0xc3: {  	[sflag:s23] =	ssyncadd.s32 $0xFFFFC000  }
0xc4: {  	[tilespmem:s18], [sflag:$0x2] =	stream.indirect.gather [hbm4b:s4+s17], $0x80, s0, s17, $0xb8;
	[tilespmem:$0x1C800] =	vst v63  }
0xc5: {  	_ =	swait.ge [sflag:s14], $0x4000  }
0xc6: {  	[sflag:s14] =	ssyncset.done $0x0  }
0xc7: {  	[sflag:s14] =	ssyncadd.s32 $0xFFFFC000  }
0xc8: {  	[spmem:s2] =	stream.indirect.scatter.add.f32 [tilespmem:s13], [sflag:$0x3], $0x80, s6, s17, $0xb8;
	[tilespmem:$0x1C800] =	vst v63  }
0xc9: {  	_ =	swait.ge [sflag:s19], $0x4000  }
0xca: {  	[sflag:s19] =	ssyncset.done $0x0  }
0xcb: {  	[sflag:s19] =	ssyncadd.s32 $0xFFFFC000  }
0xcc: {  	_ =	swait.ge [sflag:s21], $0x4000  }
.Ltmp1:
0xcd: {  	[sflag:s21] =	ssyncset.done $0x0;
	(pc) =	sbr.rel @p0 .LBB2_4-.Ltmp1, $4  }
0xce: {  	[sflag:s21] =	ssyncadd.s32 $0xFFFFC000  }
0xcf: {  	[spmem:s2] =	stream.indirect.scatter.add.f32 [tilespmem:s18], [sflag:$0x4], $0x80, s7, s17, $0xb8;
	[tilespmem:$0x1C800] =	vst v63  }
0xd0: {  	_ =	swait.ge [sflag:s23], $0x4000  }
0xd1: {  	s9 =	smov.u32 s8;
	s10 =	smov.u32 s11;
	[sflag:s23] =	ssyncset.done $0x0  }
0xd2: {  	s5 =	sadd.s32 s9, s12;
	[sflag:s23] =	ssyncadd.s32 $0xFFFFC000  }
0xd3: {  	[tilespmem:s3], [sflag:$0x5] =	stream.linear.gather [hbm4b:s5+s3], $0x400, $0x38;
	[tilespmem:$0x1C800] =	vst v63  }
0xd4: {  	_ =	swait.ge [sflag:s15], $0x400  }
0xd5: {  	s8 =	rddreg [dreg:$0x3];
	[sflag:s15] =	ssyncset.done $0x0  }
0xd6: {  	[sflag:s15] =	ssyncadd.s32 $0xFFFFFC00;
	s5 =	sadd.s32 s9, s8  }
0xd7: {  	[tilespmem:s16], [sflag:$0x5] =	stream.linear.gather [hbm4b:s5+s3], $0x400, $0x38;
	[tilespmem:$0x1C800] =	vst v63  }
0xd8: {  	_ =	swait.ge [sflag:s15], $0x400  }
0xd9: {  	[sflag:s15] =	ssyncset.done $0x0  }
0xda: {  	[sflag:s15] =	ssyncadd.s32 $0xFFFFFC00  }
0xdb: {  	[tilespmem:s13], [sflag:$0x1] =	stream.indirect.gather [hbm4b:s4+s17], $0x80, s3, s17, $0xb8;
	[tilespmem:$0x1C800] =	vst v63  }
0xdc: {  	_ = 	snop  }
0xdd: {  	[tilespmem:s18], [sflag:$0x2] =	stream.indirect.gather [hbm4b:s4+s17], $0x80, s17, s17, $0xb8;
	[tilespmem:$0x1C800] =	vst v63  }
0xde: {  	_ =	swait.ge [sflag:s14], $0x4000  }
0xdf: {  	[sflag:s14] =	ssyncset.done $0x0  }
0xe0: {  	[sflag:s14] =	ssyncadd.s32 $0xFFFFC000  }
0xe1: {  	[spmem:s2] =	stream.indirect.scatter.add.f32 [tilespmem:s13], [sflag:$0x3], $0x80, s16, s17, $0xb8;
	[tilespmem:$0x1C800] =	vst v63  }
0xe2: {  	_ =	swait.ge [sflag:s19], $0x4000  }
0xe3: {  	[sflag:s19] =	ssyncset.done $0x0  }
0xe4: {  	[sflag:s19] =	ssyncadd.s32 $0xFFFFC000  }
0xe5: {  	[tilespmem:s13], [sflag:$0x1] =	stream.indirect.gather [hbm4b:s4+s17], $0x80, s20, s17, $0xb8;
	[tilespmem:$0x1C800] =	vst v63  }
0xe6: {  	_ =	swait.ge [sflag:s21], $0x4000  }
0xe7: {  	[sflag:s21] =	ssyncset.done $0x0  }
0xe8: {  	[sflag:s21] =	ssyncadd.s32 $0xFFFFC000  }
0xe9: {  	[spmem:s2] =	stream.indirect.scatter.add.f32 [tilespmem:s18], [sflag:$0x4], $0x80, s22, s17, $0xb8;
	[tilespmem:$0x1C800] =	vst v63  }
0xea: {  	_ =	swait.ge [sflag:s23], $0x4000  }
0xeb: {  	[sflag:s23] =	ssyncset.done $0x0  }
0xec: {  	[sflag:s23] =	ssyncadd.s32 $0xFFFFC000  }
0xed: {  	[tilespmem:s18], [sflag:$0x2] =	stream.indirect.gather [hbm4b:s4+s17], $0x80, s24, s17, $0xb8;
	[tilespmem:$0x1C800] =	vst v63  }
0xee: {  	_ =	swait.ge [sflag:s14], $0x4000  }
0xef: {  	[sflag:s14] =	ssyncset.done $0x0  }
0xf0: {  	[sflag:s14] =	ssyncadd.s32 $0xFFFFC000  }
0xf1: {  	[spmem:s2] =	stream.indirect.scatter.add.f32 [tilespmem:s13], [sflag:$0x3], $0x80, s25, s17, $0xb8;
	[tilespmem:$0x1C800] =	vst v63  }
0xf2: {  	_ =	swait.ge [sflag:s19], $0x4000  }
0xf3: {  	[sflag:s19] =	ssyncset.done $0x0  }
0xf4: {  	[sflag:s19] =	ssyncadd.s32 $0xFFFFC000  }
0xf5: {  	[tilespmem:s13], [sflag:$0x1] =	stream.indirect.gather [hbm4b:s4+s17], $0x80, s26, s17, $0xb8;
	[tilespmem:$0x1C800] =	vst v63  }
0xf6: {  	_ =	swait.ge [sflag:s21], $0x4000  }
0xf7: {  	[sflag:s21] =	ssyncset.done $0x0  }
0xf8: {  	[sflag:s21] =	ssyncadd.s32 $0xFFFFC000  }
0xf9: {  	[spmem:s2] =	stream.indirect.scatter.add.f32 [tilespmem:s18], [sflag:$0x4], $0x80, s28, s17, $0xb8;
	[tilespmem:$0x1C800] =	vst v63  }
0xfa: {  	_ =	swait.ge [sflag:s23], $0x4000  }
0xfb: {  	[sflag:s23] =	ssyncset.done $0x0  }
0xfc: {  	[sflag:s23] =	ssyncadd.s32 $0xFFFFC000  }
0xfd: {  	[tilespmem:s18], [sflag:$0x2] =	stream.indirect.gather [hbm4b:s4+s17], $0x80, s29, s17, $0xb8;
	[tilespmem:$0x1C800] =	vst v63  }
0xfe: {  	_ =	swait.ge [sflag:s14], $0x4000  }
0xff: {  	[sflag:s14] =	ssyncset.done $0x0  }
0x100: {  	[sflag:s14] =	ssyncadd.s32 $0xFFFFC000  }
0x101: {  	[spmem:s2] =	stream.indirect.scatter.add.f32 [tilespmem:s13], [sflag:$0x3], $0x80, s30, s17, $0xb8;
	[tilespmem:$0x1C800] =	vst v63  }
0x102: {  	_ =	swait.ge [sflag:s19], $0x4000  }
0x103: {  	[sflag:s19] =	ssyncset.done $0x0  }
0x104: {  	[sflag:s19] =	ssyncadd.s32 $0xFFFFC000  }
0x105: {  	[tilespmem:s13], [sflag:$0x1] =	stream.indirect.gather [hbm4b:s4+s17], $0x80, s31, s17, $0xb8;
	[tilespmem:$0x1C800] =	vst v63  }
0x106: {  	_ =	swait.ge [sflag:s21], $0x4000  }
0x107: {  	[sflag:s21] =	ssyncset.done $0x0  }
0x108: {  	[sflag:s21] =	ssyncadd.s32 $0xFFFFC000  }
0x109: {  	[spmem:s2] =	stream.indirect.scatter.add.f32 [tilespmem:s18], [sflag:$0x4], $0x80, s1, s17, $0xb8;
	[tilespmem:$0x1C800] =	vst v63  }
0x10a: {  	_ =	swait.ge [sflag:s23], $0x4000  }
0x10b: {  	[sflag:s23] =	ssyncset.done $0x0  }
0x10c: {  	[sflag:s23] =	ssyncadd.s32 $0xFFFFC000  }
0x10d: {  	[tilespmem:s18], [sflag:$0x2] =	stream.indirect.gather [hbm4b:s4+s17], $0x80, s0, s17, $0xb8;
	[tilespmem:$0x1C800] =	vst v63  }
0x10e: {  	_ =	swait.ge [sflag:s14], $0x4000  }
0x10f: {  	[sflag:s14] =	ssyncset.done $0x0  }
0x110: {  	[sflag:s14] =	ssyncadd.s32 $0xFFFFC000  }
0x111: {  	[spmem:s2] =	stream.indirect.scatter.add.f32 [tilespmem:s13], [sflag:$0x3], $0x80, s6, s17, $0xb8;
	[tilespmem:$0x1C800] =	vst v63  }
0x112: {  	_ =	swait.ge [sflag:s19], $0x4000  }
0x113: {  	[sflag:s19] =	ssyncset.done $0x0  }
0x114: {  	[sflag:s19] =	ssyncadd.s32 $0xFFFFC000  }
0x115: {  	_ =	swait.ge [sflag:s21], $0x4000  }
0x116: {  	[sflag:s21] =	ssyncset.done $0x0  }
0x117: {  	[sflag:s21] =	ssyncadd.s32 $0xFFFFC000  }
0x118: {  	[spmem:s2] =	stream.indirect.scatter.add.f32 [tilespmem:s18], [sflag:$0x4], $0x80, s7, s17, $0xb8;
	[tilespmem:$0x1C800] =	vst v63  }
0x119: {  	_ =	swait.ge [sflag:s23], $0x4000  }
0x11a: {  	[sflag:s23] =	ssyncset.done $0x0  }
0x11b: {  	[sflag:s23] =	ssyncadd.s32 $0xFFFFC000  }
0x11c: {  	s9 =	stileid.u32;
	[bflag:$0x0] =	sbarrier.arrive $0xFFFF  }
0x11d: {  	s5 =	sshll.u32 s9, $0x6;
	s11 =	rddreg [dreg:$0x4]  }
0x11e: {  	s5 =	sor.u32 $0x1C05, s5;
	s10 =	rddreg [dreg:$0x9];
	s8 =	sshrl.u32 s11, $0x3  }
0x11f: {  	[hbm:s10], [sflag:s5] =	dma.local [spmem:s8], $0x2800  }
0x120: {  	_ =	swait.ge [sflag:s15], $0x2800  }
0x121: {  	s9 =	rddreg [dreg:$0xb]  }
0x122: {  	s10 =	rddreg [dreg:$0xa];
	s8 =	sadd.s32 $0x1, s9  }
0x123: {  	p0 =	sne.s32 s8, s10  }
.Ltmp2:
0x124: {  	_ = 	snop;
	(pc) =	sbr.rel @p0 .LBB2_1-.Ltmp2, $3  }
0x125: {  	_ =	sdelay $0x1  }
0x126: {  	[sflag:s15] =	ssyncset.done $0x0  }
0x127: {  	[sflag:s15] =	ssyncadd.s32 $0xFFFFD800  }
0x128: {  	_ =	sfence.sel $0x180000  }
0x129: {  	[bflag:$0x0] =	sbarrier.arrive $0xFFFF  }
0x12a: {  	_ =	strace $0x9000004D  }
0x12b: {  	s0 =	stileid.u32;
	[bflag:$0x2] =	sbarrier.arrive $0xFFFF  }
0x12c: {  	p0 =	sne.s32 s0, $0x0;
	s0 =	rddreg [dreg:$0x2]  }
0x12d: {  	s0 =	sadd.s32 @!p0 $0x100000, s0  }
0x12e: {  	[sflag:s0] =	ssyncadd.tile.s32 @!p0 $0x1;
	_ =	shalt  }
.Lfunc_end2:
_tile_overlayer_lowered:
.L_overlay_start_2:
0x12f: {  	(tag) =	ssettag $0x2  }
0x130: {  	s0 =	rddreg [dreg:$0x0];
	s2 =	stileid.u32  }
0x131: {  	s1 =	rddreg [dreg:$0x1];
	p0 =	sne.s32 s2, $0x0  }
0x132: {  	s3 =	rddreg [dreg:$0x2];
	[bflag:$0x3] =	sbarrier.arrive $0xFFFF;
	s2 =	simm.s32 @!p0 $0x1C05  }
0x133: {  	[timem:s3], [sflag:s2] =	dma.local @!p0 [hbm:s0], s1  }
0x134: {  	s0 =	simm.s32 @!p0 $0x5  }
0x135: {  	_ =	swait.ge @!p0 [sflag:s0], s1  }
0x136: {  	s1 =	ssub.s32 @!p0 $0x0, s1;
	[sflag:s0] =	ssyncset.done @!p0 $0x0  }
0x137: {  	[sflag:s0] =	ssyncadd.s32 @!p0 s1  }
0x138: {  	[bflag:$0x3] =	sbarrier.arrive $0xFFFF  }
0x139: {  	_ =	shalt  }

// kernel: kernel.18.cloned.1.call-start
scs
__scs_entry_jumppad:
0x0: {  	(pc) =	sbr.rel $0x88, $3  }
0x1: {  	(tag) =	ssettag $0x0;
	lr =	simm.s32 $0x1  }
0x2: {  	[smem:$0x3F93] =	sst lr;
	_ =	strace $0xD0000000  }
0x3: {  	_ = 	snop  }
0x4: {  	_ = 	snop  }
0x5: {  	_ = 	snop  }
0x6: {  	_ = 	snop  }
0x7: {  	_ = 	snop  }
__scs_overlays_trampoline_lowered:
0x8: {  	[smem:$0x3FA2] =	sst s0  }
0x9: {  	[smem:$0x3FA3] =	sst s1  }
0xa: {  	[smem:$0x3FA4] =	sst s2  }
0xb: {  	[smem:$0x3FA5] =	sst s3  }
0xc: {  	[smem:$0x3FA6] =	sst s4  }
0xd: {  	[smem:$0x3FA7] =	sst s5  }
0xe: {  	[smem:$0x3FA8] =	sst s6  }
0xf: {  	[smem:$0x3FA9] =	sst s7  }
0x10: {  	[smem:$0x3FAA] =	sst s8  }
0x11: {  	[smem:$0x3FAB] =	sst s9;
	s0 =	simm.s32 @!p0 $0x0  }
0x12: {  	s1 =	sld [smem:$0x3F91];
	s0 =	simm.s32 @p0 $0x1  }
0x13: {  	[smem:$0x3FAC] =	sst s0;
	s0 =	simm.s32 @!p1 $0x0  }
0x14: {  	s2 =	sld [smem:$0x3F90];
	s0 =	simm.s32 @p1 $0x1  }
0x15: {  	[smem:$0x3FAD] =	sst s0;
	s0 =	simm.s32 @!p2 $0x0  }
0x16: {  	s3 =	sld [smem:$0x3FDB];
	s0 =	simm.s32 @p2 $0x1  }
0x17: {  	s4 =	simm.s32 $0x1BF5;
	[smem:$0x3FAF] =	sst s0  }
0x18: {  	s0 =	sld [smem:$0x3F92];
	_ =	swait.ge [sflag:s4], $0x0  }
0x19: {  	s7 =	sld [smem:$0x3F93]  }
0x1a: {  	s8 =	sadd.s32 $0xFFFFE003, lr  }
0x1b: {  	s9 =	sadd.s32 $0xFFFFFEF7, lr;
	s5 =	simm.s32 $0xFFFFFFFF;
	p2 =	slt.u32 s8, $0xFFFFF086  }
0x1c: {  	p1 =	slt.u32 s9, $0xF7A;
	s5 =	simm.s32 @!p2 $0x0  }
0x1d: {  	s5 =	simm.s32 @p1 $0x1;
	p0 =	seq.s32 s7, s2  }
0x1e: {  	s7 =	smul.u32 @!p0 $0xF7A, s2;
	p2 =	seq.s32 @!p0 s5, $0x0  }
0x1f: {  	s9 =	smul.u32 $0xF7A, s1;
	s8 =	simm.s32 @!p0 $0x1BF5;
	p2 =	por !p2, p0  }
0x20: {  	[sflag:s8] =	ssyncset.s32 @!p0 $0xFFFFF086;
	s6 =	sadd.s32 @!p0 s3, s7;
	s7 =	simm.s32 @!p0 $0x108  }
0x21: {  	s3 =	sadd.s32 s3, s9;
	s6 =	sadd.s32 @!p0 $0x88, s6;
	s7 =	simm.s32 @p2 $0x1082  }
0x22: {  	[simem:s7], [sflag:s8] =	dma.local @!p0 [hbm:s6], $0xF7A  }
0x23: {  	s9 =	sor.u32 $0xD0000000, s2;
	s6 =	simm.s32 $0x108;
	_ =	swait.ge @!p0 [sflag:s8], $0x0  }
0x24: {  	s3 =	sadd.s32 $0x88, s3;
	s6 =	simm.s32 @!p1 $0x1082;
	[sflag:s4] =	ssyncset.s32 $0xFFFFF086  }
0x25: {  	[simem:s6], [sflag:s4] =	dma.local [hbm:s3], $0xF7A  }
0x26: {  	[smem:$0x3F93] =	sst s1;
	(tag) =	ssettag s2;
	_ =	strace s9  }
0x27: {  	s1 =	sld [smem:$0x3FA3]  }
0x28: {  	s2 =	sld [smem:$0x3FA4]  }
0x29: {  	s4 =	sld [smem:$0x3FA6]  }
0x2a: {  	p0 =	seq.s32 s5, $0x0;
	s5 =	sld [smem:$0x3FA7]  }
0x2b: {  	s6 =	sld [smem:$0x3FA8]  }
0x2c: {  	s7 =	sld [smem:$0x3FA9]  }
0x2d: {  	s3 =	simm.s32 $0x108;
	s8 =	sld [smem:$0x3FAA]  }
0x2e: {  	s3 =	simm.s32 @!p0 $0x1082;
	s9 =	sld [smem:$0x3FAB]  }
0x2f: {  	lr =	sadd.s32 s0, s3;
	s0 =	sld [smem:$0x3FA2]  }
0x30: {  	s3 =	sld [smem:$0x3FA5]  }
0x31: {  	[smem:$0x3FAE] =	sst s10  }
0x32: {  	s10 =	sld [smem:$0x3FAC];
	_ =	sdelay $0x3  }
0x33: {  	p0 =	seq.s32 s10, $0x1;
	s10 =	sld [smem:$0x3FAE];
	_ =	sdelay $0x3  }
0x34: {  	[smem:$0x3FAE] =	sst s10  }
0x35: {  	s10 =	sld [smem:$0x3FAD];
	_ =	sdelay $0x3  }
0x36: {  	p1 =	seq.s32 s10, $0x1;
	s10 =	sld [smem:$0x3FAE];
	_ =	sdelay $0x3  }
0x37: {  	[smem:$0x3FAE] =	sst s10  }
0x38: {  	s10 =	sld [smem:$0x3FAF]  }
0x39: {  	_ = 	snop;
	(pc) =	sbr.ind lr, $3  }
0x3a: {  	_ = 	snop  }
0x3b: {  	_ = 	snop  }
0x3c: {  	p2 =	seq.s32 s10, $0x1;
	s10 =	sld [smem:$0x3FAE]  }
0x3d: {  	_ =	shalt  }
0x3e: {  	_ =	shalt  }
0x3f: {  	_ =	shalt  }
0x40: {  	_ =	shalt  }
0x41: {  	_ =	shalt  }
0x42: {  	_ =	shalt  }
0x43: {  	_ =	shalt  }
0x44: {  	_ =	shalt  }
0x45: {  	_ =	shalt  }
0x46: {  	_ =	shalt  }
0x47: {  	_ =	shalt  }
0x48: {  	_ =	shalt  }
0x49: {  	_ =	shalt  }
0x4a: {  	_ =	shalt  }
0x4b: {  	_ =	shalt  }
0x4c: {  	_ =	shalt  }
0x4d: {  	_ =	shalt  }
0x4e: {  	_ =	shalt  }
0x4f: {  	_ =	shalt  }
0x50: {  	_ =	shalt  }
0x51: {  	_ =	shalt  }
0x52: {  	_ =	shalt  }
0x53: {  	_ =	shalt  }
0x54: {  	_ =	shalt  }
0x55: {  	_ =	shalt  }
0x56: {  	_ =	shalt  }
0x57: {  	_ =	shalt  }
0x58: {  	_ =	shalt  }
0x59: {  	_ =	shalt  }
0x5a: {  	_ =	shalt  }
0x5b: {  	_ =	shalt  }
0x5c: {  	_ =	shalt  }
0x5d: {  	_ =	shalt  }
0x5e: {  	_ =	shalt  }
0x5f: {  	_ =	shalt  }
0x60: {  	_ =	shalt  }
0x61: {  	_ =	shalt  }
0x62: {  	_ =	shalt  }
0x63: {  	_ =	shalt  }
0x64: {  	_ =	shalt  }
0x65: {  	_ =	shalt  }
0x66: {  	_ =	shalt  }
0x67: {  	_ =	shalt  }
0x68: {  	_ =	shalt  }
0x69: {  	_ =	shalt  }
0x6a: {  	_ =	shalt  }
0x6b: {  	_ =	shalt  }
0x6c: {  	_ =	shalt  }
0x6d: {  	_ =	shalt  }
0x6e: {  	_ =	shalt  }
0x6f: {  	_ =	shalt  }
0x70: {  	_ =	shalt  }
0x71: {  	_ =	shalt  }
0x72: {  	_ =	shalt  }
0x73: {  	_ =	shalt  }
0x74: {  	_ =	shalt  }
0x75: {  	_ =	shalt  }
0x76: {  	_ =	shalt  }
0x77: {  	_ =	shalt  }
0x78: {  	_ =	shalt  }
0x79: {  	_ =	shalt  }
0x7a: {  	_ =	shalt  }
0x7b: {  	_ =	shalt  }
0x7c: {  	_ =	shalt  }
0x7d: {  	_ =	shalt  }
0x7e: {  	_ =	shalt  }
0x7f: {  	_ =	shalt  }
0x80: {  	_ =	shalt  }
0x81: {  	_ =	shalt  }
0x82: {  	_ =	shalt  }
0x83: {  	_ =	shalt  }
0x84: {  	_ =	shalt  }
0x85: {  	_ =	shalt  }
0x86: {  	_ =	shalt  }
0x87: {  	_ =	shalt  }
.Lfunc_end0:
.L_simem_size_0:
called_computation.3_lowered:
.L_overlay_start_0:
0x88: {  	s2 =	sld [smem:$0x3FD9]  }
0x89: {  	s3 =	sld [smem:$0x3FFE];
	_ =	sdelay $0x1  }
0x8a: {  	s1 =	srdreg.scid  }
0x8b: {  	s0 =	sand.u32 $0x1, s1  }
0x8c: {  	s16 =	sshll.u32 s0, $0xA;
	s2 =	sadd.s32 s3, s2  }
0x8d: {  	s2 =	sadd.s32 s2, s16  }
0x8e: {  	[smem:$0x3FBA] =	sst s2  }
0x8f: {  	_ = 	snop  }
0x90: {  	(tm) =	ssettm $0x1  }
0x91: {  	s17 =	sld [smem:$0x3FFB];
	_ =	sdelay $0x3  }
0x92: {  	_ =	strace s17  }
0x93: {  	s2 =	sld [smem:$0x3FFC];
	_ =	sdelay $0x3  }
0x94: {  	_ =	strace s2  }
0x95: {  	s2 =	sld [smem:$0x3FFD];
	_ =	sdelay $0x3  }
0x96: {  	_ =	strace s2  }
0x97: {  	_ =	strace $0x8FFFFFFF  }
0x98: {  	s18 =	sld [smem:$0x3FDB];
	_ =	sdelay $0x1  }
0x99: {  	s19 =	simm.s32 $_scs_section_size  }
0x9a: {  	s4 =	simm.s32 $_size__tile_overlayer_lowered;
	s5 =	simm.s32 $_tile_overlayer_lowered  }
0x9b: {  	s22 =	simm.s32 $0x1BFF;
	s21 =	sshll.u32 s5, $0x1;
	s2 =	sadd.s32 s19, s18  }
0x9c: {  	s6 =	simm.s32 $0x0;
	s20 =	sshll.u32 s4, $0x1;
	s4 =	sadd.s32 s21, s2  }
0x9d: {  	[timem:s6], [sflag:s22] =	dma.local [hbm:s4], s20  }
0x9e: {  	_ =	swait.ge [sflag:s22], s20  }
0x9f: {  	s3 =	ssub.s32 $0x0, s20;
	[sflag:s22] =	ssyncset.done $0x0  }
0xa0: {  	[sflag:s22] =	ssyncadd.s32 s3;
	_ =	sdelay $0x1  }
0xa1: {  	s23 =	simm.s32 $0x1B8B  }
0xa2: {  	_ =	swait.ge [sflag:s23], $0x1  }
0xa3: {  	[sflag:s23] =	ssyncset.done $0x0  }
0xa4: {  	s25 =	simm.s32 $0x1B8E;
	s24 =	sld [smem:$0x3FFE];
	[sflag:s23] =	ssyncadd.s32 $0xFFFFFFFF  }
0xa5: {  	s26 =	simm.s32 $execute0_lowered;
	[smem:$0x3FD2] =	sst s25  }
0xa6: {  	s4 =	sshll.u32 s26, $0x1;
	_ =	strace $0x8000004F;
	[dreg:$0x1] =	wrdreg $0xFFFFFFFF  }
0xa7: {  	s28 =	simm.s32 $_size_execute0_lowered;
	s2 =	sadd.s32 s2, s4;
	[dreg:$0x0] =	wrdreg $0x0  }
0xa8: {  	s4 =	sshll.u32 s28, $0x1;
	[dreg:$0x2] =	wrdreg s2  }
0xa9: {  	[dreg:$0x3] =	wrdreg s4  }
0xaa: {  	[dreg:$0x4] =	wrdreg $0xC0  }
0xab: {  	_ =	task [dreg:s6], $0x5FFFF  }
0xac: {  	[dreg:$0x1] =	wrdreg $0xFFFFFFFF  }
0xad: {  	[dreg:$0x0] =	wrdreg $0x60  }
0xae: {  	[dreg:$0x2] =	wrdreg s24  }
0xaf: {  	[dreg:$0x3] =	wrdreg $0x88000  }
0xb0: {  	[dreg:$0x4] =	wrdreg $0x9  }
0xb1: {  	_ =	task.clear_ibuf [dreg:s6], $0x5FFFF;
	_ =	strace $0x9000004F  }
0xb2: {  	s29 =	simm.s32 $0x9;
	_ =	strace $0x80000051  }
0xb3: {  	_ =	swait.ge [sflag:s29], $0x1  }
0xb4: {  	[sflag:s29] =	ssyncadd.s32 $0xFFFFFFFF  }
0xb5: {  	_ =	strace $0x90000051  }
0xb6: {  	_ =	sfence  }
0xb7: {  	s30 =	sld [smem:$0x0];
	_ =	sdelay $0x2  }
0xb8: {  	s31 =	sshll.u32 s1, $0xD;
	s1 =	sshrl.u32 s1, $0x2  }
0xb9: {  	s3 =	sand.u32 $0x4000, s31;
	s1 =	sadd.s32 s1, s30  }
0xba: {  	s0 =	sor.u32 s3, s0;
	s1 =	sshll.u32 s1, $0x11  }
0xbb: {  	s0 =	sor.u32 s1, s0  }
0xbc: {  	s0 =	sadd.s32 $0x8F2B, s0  }
0xbd: {  	[sflag:s0] =	ssyncadd.remote.s32 $0x1  }
0xbe: {  	_ =	sfence.sel $0xFFFF  }
0xbf: {  	[dreg:$0x0] =	wrdreg $0xFFFFFFFF;
	(pc) =	sbr.abs _section_cstart, $3  }
0xc0: {  	[dreg:$0x1] =	wrdreg $0xFFFFFFFF  }
0xc1: {  	_ =	task.clear_ibuf [dreg:s6], $0x2FFFF;
	_ =	strace $0x9FFFFFFF  }
0xc2: {  	(tm) =	ssettm $0x7FFFFFFF  }
0xc3: {  	_ =	shalt  }
tec
execute0_lowered:
.L_overlay_start_1:
0x0: {  	(tag) =	ssettag $0x1  }
0x1: {  	s0 =	srdreg.scid;
	s1 =	rddreg [dreg:$0x0]  }
0x2: {  	s8 =	stileid.u32;
	s2 =	rddreg [dreg:$0x1]  }
0x3: {  	s3 =	simm.s32 $0x0;
	s13 =	simm.s32 $0x800;
	s14 =	simm.s32 $0x1  }
0x4: {  	s15 =	simm.s32 $0x5;
	s16 =	simm.s32 $0x400;
	s5 =	smul.u32 $0x2800, s8  }
0x5: {  	s17 =	simm.s32 $0x80;
	s18 =	simm.s32 $0x4800;
	s19 =	smul.u32 $0x14000, s8  }
0x6: {  	s28 =	simm.s32 $0x580;
	s0 =	sand.u32 $0x1, s0;
	s8 =	smul.u32 $0x50000, s8  }
0x7: {  	s29 =	simm.s32 $0x280;
	s30 =	simm.s32 $0x600;
	s4 =	smul.u32 $0x28000, s0  }
0x8: {  	s31 =	simm.s32 $0x300;
	[smem:$0x7FF] =	sst s3;
	s6 =	smul.u32 $0x140000, s0  }
0x9: {  	_ =	strace $0x80000050;
	s0 =	ssub.s32 $0x2, s0;
	s20 =	sshrl.u32 s8, $0x2  }
0xa: {  	s21 =	sshrl.u32 s0, $0x1;
	s8 =	simm.s32 $0x0;
	s4 =	sadd.s32 s5, s4  }
0xb: {  	s5 =	sadd.s32 s19, s6;
	s11 =	sadd.s32 s20, s2;
	s0 =	ssub.s32 s0, s21  }
0xc: {  	s19 =	simm.s32 $0x3;
	s20 =	simm.s32 $0x100;
	s21 =	simm.s32 $0x2  }
0xd: {  	s6 =	simm.s32 $0x700;
	s22 =	sadd.s32 $0x4000, s11;
	[dreg:$0x4] =	wrdreg s11  }
0xe: {  	s7 =	sshrl.u32 s4, $0x3;
	s23 =	sadd.s32 $0x8000, s11;
	[dreg:$0x5] =	wrdreg s22  }
0xf: {  	s4 =	sadd.s32 $0x17A00, s1;
	s24 =	sadd.s32 $0xC000, s11;
	[dreg:$0x6] =	wrdreg s23  }
0x10: {  	s5 =	sshrl.u32 s5, $0x3;
	s25 =	sadd.s32 $0x10000, s11;
	[dreg:$0x7] =	wrdreg s24  }
0x11: {  	s0 =	smax.u32 s0, $0x1;
	s7 =	sadd.s32 s7, s1;
	[dreg:$0x8] =	wrdreg s25  }
0x12: {  	s1 =	sadd.s32 s5, s1;
	[dreg:$0xa] =	wrdreg s0;
	s22 =	simm.s32 $0x480  }
0x13: {  	s23 =	simm.s32 $0x4;
	s24 =	simm.s32 $0x180;
	s25 =	simm.s32 $0x500  }
0x14: {  	s0 =	simm.s32 $0x380;
	s26 =	sadd.s32 $0xDA00, s7;
	s1 =	sadd.s32 $0x3EC00, s1  }
0x15: {  	s12 =	sadd.s32 $0x3A00, s7;
	s7 =	simm.s32 $0x780;
	[dreg:$0x9] =	wrdreg s1  }
0x16: {  	v0 =	vimm.f32 $0.0e+00;
	[dreg:$0x3] =	wrdreg s26;
	s26 =	simm.s32 $0x200;
	s1 =	simm.s32 $0x680  }
.LBB2_1:
0x17: {  	s9 =	simm.s32 $0x0;
	s10 =	simm.s32 $0x200  }
.LBB2_2:
0x18: {  	p0 =	sne.s32 s10, $0xFE00;
	[tilespmem:s9+$0x870] =	vst v0  }
0x19: {  	[tilespmem:s9+$0x800] =	vst v0  }
0x1a: {  	[tilespmem:s9+$0x810] =	vst v0  }
.Ltmp0:
0x1b: {  	[tilespmem:s9+$0x820] =	vst v0;
	(pc) =	sbr.rel @p0 .LBB2_2-.Ltmp0, $4  }
0x1c: {  	[tilespmem:s9+$0x830] =	vst v0  }
0x1d: {  	[tilespmem:s9+$0x840] =	vst v0  }
0x1e: {  	[tilespmem:s9+$0x850] =	vst v0  }
0x1f: {  	[tilespmem:s9+$0x860] =	vst v0;
	s9 =	sshra.s32 s10, $0x2;
	s10 =	sadd.s32 $0x200, s10  }
0x20: {  	[tilespmem:s9+$0x870] =	vst v0  }
0x21: {  	[tilespmem:s9+$0x800] =	vst v0  }
0x22: {  	[tilespmem:s9+$0x810] =	vst v0  }
0x23: {  	[tilespmem:s9+$0x820] =	vst v0  }
0x24: {  	[tilespmem:s9+$0x830] =	vst v0  }
0x25: {  	[tilespmem:s9+$0x840] =	vst v0  }
0x26: {  	[tilespmem:s9+$0x850] =	vst v0  }
0x27: {  	[dreg:$0xb] =	wrdreg s8;
	[tilespmem:s9+$0x860] =	vst v0  }
0x28: {  	[spmem:s11] =	stream.linear.scatter [tilespmem:s13], [sflag:$0x1], $0x4000, $0x38;
	[tilespmem:$0x1C800] =	vst v63  }
0x29: {  	s5 =	rddreg [dreg:$0x5]  }
0x2a: {  	[spmem:s5] =	stream.linear.scatter [tilespmem:s13], [sflag:$0x1], $0x4000, $0x38;
	[tilespmem:$0x1C800] =	vst v63  }
0x2b: {  	s11 =	rddreg [dreg:$0x6]  }
0x2c: {  	[spmem:s11] =	stream.linear.scatter [tilespmem:s13], [sflag:$0x1], $0x4000, $0x38;
	[tilespmem:$0x1C800] =	vst v63  }
0x2d: {  	s8 =	rddreg [dreg:$0x7]  }
0x2e: {  	[spmem:s8] =	stream.linear.scatter [tilespmem:s13], [sflag:$0x1], $0x4000, $0x38;
	[tilespmem:$0x1C800] =	vst v63  }
0x2f: {  	s9 =	rddreg [dreg:$0x8]  }
0x30: {  	[spmem:s9] =	stream.linear.scatter [tilespmem:s13], [sflag:$0x1], $0x4000, $0x38;
	[tilespmem:$0x1C800] =	vst v63  }
0x31: {  	_ =	swait.ge [sflag:s14], $0x4000  }
0x32: {  	[sflag:s14] =	ssyncset.done $0x0  }
0x33: {  	[sflag:s14] =	ssyncadd.s32 $0xFFFFC000  }
0x34: {  	_ =	swait.ge [sflag:s14], $0x4000  }
0x35: {  	[sflag:s14] =	ssyncset.done $0x0  }
0x36: {  	[sflag:s14] =	ssyncadd.s32 $0xFFFFC000  }
0x37: {  	_ =	swait.ge [sflag:s14], $0x4000  }
0x38: {  	[sflag:s14] =	ssyncset.done $0x0  }
0x39: {  	[sflag:s14] =	ssyncadd.s32 $0xFFFFC000  }
0x3a: {  	_ =	swait.ge [sflag:s14], $0x4000  }
0x3b: {  	[sflag:s14] =	ssyncset.done $0x0  }
0x3c: {  	[sflag:s14] =	ssyncadd.s32 $0xFFFFC000  }
0x3d: {  	_ =	swait.ge [sflag:s14], $0x4000  }
0x3e: {  	[sflag:s14] =	ssyncset.done $0x0  }
0x3f: {  	[sflag:s14] =	ssyncadd.s32 $0xFFFFC000  }
0x40: {  	s10 =	sadd.s32 $0x0, s12;
	[bflag:$0x0] =	sbarrier.arrive $0xFFFF  }
0x41: {  	[tilespmem:s3], [sflag:$0x5] =	stream.linear.gather [hbm4b:s10+s3], $0x400, $0x38;
	[tilespmem:$0x1C800] =	vst v63  }
0x42: {  	_ =	swait.ge [sflag:s15], $0x400  }
0x43: {  	s11 =	rddreg [dreg:$0x3];
	[sflag:s15] =	ssyncset.done $0x0  }
0x44: {  	[sflag:s15] =	ssyncadd.s32 $0xFFFFFC00;
	s9 =	sadd.s32 $0x0, s11  }
0x45: {  	[tilespmem:s16], [sflag:$0x5] =	stream.linear.gather [hbm4b:s9+s3], $0x400, $0x38;
	[tilespmem:$0x1C800] =	vst v63  }
0x46: {  	_ =	swait.ge [sflag:s15], $0x400  }
0x47: {  	[sflag:s15] =	ssyncset.done $0x0  }
0x48: {  	[sflag:s15] =	ssyncadd.s32 $0xFFFFFC00  }
0x49: {  	[tilespmem:s13], [sflag:$0x1] =	stream.indirect.gather [hbm4b:s4+s17], $0x80, s3, s17, $0xb8;
	[tilespmem:$0x1C800] =	vst v63  }
0x4a: {  	_ = 	snop  }
0x4b: {  	[tilespmem:s18], [sflag:$0x2] =	stream.indirect.gather [hbm4b:s4+s17], $0x80, s17, s17, $0xb8;
	[tilespmem:$0x1C800] =	vst v63  }
0x4c: {  	_ =	swait.ge [sflag:s14], $0x4000  }
0x4d: {  	[sflag:s14] =	ssyncset.done $0x0  }
0x4e: {  	[sflag:s14] =	ssyncadd.s32 $0xFFFFC000  }
0x4f: {  	[spmem:s2] =	stream.indirect.scatter.add.f32 [tilespmem:s13], [sflag:$0x3], $0x80, s16, s17, $0xb8;
	[tilespmem:$0x1C800] =	vst v63  }
0x50: {  	_ =	swait.ge [sflag:s19], $0x4000  }
0x51: {  	[sflag:s19] =	ssyncset.done $0x0  }
0x52: {  	[sflag:s19] =	ssyncadd.s32 $0xFFFFC000  }
0x53: {  	[tilespmem:s13], [sflag:$0x1] =	stream.indirect.gather [hbm4b:s4+s17], $0x80, s20, s17, $0xb8;
	[tilespmem:$0x1C800] =	vst v63  }
0x54: {  	_ =	swait.ge [sflag:s21], $0x4000  }
0x55: {  	[sflag:s21] =	ssyncset.done $0x0  }
0x56: {  	[sflag:s21] =	ssyncadd.s32 $0xFFFFC000  }
0x57: {  	[spmem:s2] =	stream.indirect.scatter.add.f32 [tilespmem:s18], [sflag:$0x4], $0x80, s22, s17, $0xb8;
	[tilespmem:$0x1C800] =	vst v63  }
0x58: {  	_ =	swait.ge [sflag:s23], $0x4000  }
0x59: {  	[sflag:s23] =	ssyncset.done $0x0  }
0x5a: {  	[sflag:s23] =	ssyncadd.s32 $0xFFFFC000  }
0x5b: {  	[tilespmem:s18], [sflag:$0x2] =	stream.indirect.gather [hbm4b:s4+s17], $0x80, s24, s17, $0xb8;
	[tilespmem:$0x1C800] =	vst v63  }
0x5c: {  	_ =	swait.ge [sflag:s14], $0x4000  }
0x5d: {  	[sflag:s14] =	ssyncset.done $0x0  }
0x5e: {  	[sflag:s14] =	ssyncadd.s32 $0xFFFFC000  }
0x5f: {  	[spmem:s2] =	stream.indirect.scatter.add.f32 [tilespmem:s13], [sflag:$0x3], $0x80, s25, s17, $0xb8;
	[tilespmem:$0x1C800] =	vst v63  }
0x60: {  	_ =	swait.ge [sflag:s19], $0x4000  }
0x61: {  	[sflag:s19] =	ssyncset.done $0x0  }
0x62: {  	[sflag:s19] =	ssyncadd.s32 $0xFFFFC000  }
0x63: {  	[tilespmem:s13], [sflag:$0x1] =	stream.indirect.gather [hbm4b:s4+s17], $0x80, s26, s17, $0xb8;
	[tilespmem:$0x1C800] =	vst v63  }
0x64: {  	_ =	swait.ge [sflag:s21], $0x4000  }
0x65: {  	[sflag:s21] =	ssyncset.done $0x0  }
0x66: {  	[sflag:s21] =	ssyncadd.s32 $0xFFFFC000  }
0x67: {  	[spmem:s2] =	stream.indirect.scatter.add.f32 [tilespmem:s18], [sflag:$0x4], $0x80, s28, s17, $0xb8;
	[tilespmem:$0x1C800] =	vst v63  }
0x68: {  	_ =	swait.ge [sflag:s23], $0x4000  }
0x69: {  	[sflag:s23] =	ssyncset.done $0x0  }
0x6a: {  	[sflag:s23] =	ssyncadd.s32 $0xFFFFC000  }
0x6b: {  	[tilespmem:s18], [sflag:$0x2] =	stream.indirect.gather [hbm4b:s4+s17], $0x80, s29, s17, $0xb8;
	[tilespmem:$0x1C800] =	vst v63  }
0x6c: {  	_ =	swait.ge [sflag:s14], $0x4000  }
0x6d: {  	[sflag:s14] =	ssyncset.done $0x0  }
0x6e: {  	[sflag:s14] =	ssyncadd.s32 $0xFFFFC000  }
0x6f: {  	[spmem:s2] =	stream.indirect.scatter.add.f32 [tilespmem:s13], [sflag:$0x3], $0x80, s30, s17, $0xb8;
	[tilespmem:$0x1C800] =	vst v63  }
0x70: {  	_ =	swait.ge [sflag:s19], $0x4000  }
0x71: {  	[sflag:s19] =	ssyncset.done $0x0  }
0x72: {  	[sflag:s19] =	ssyncadd.s32 $0xFFFFC000  }
0x73: {  	[tilespmem:s13], [sflag:$0x1] =	stream.indirect.gather [hbm4b:s4+s17], $0x80, s31, s17, $0xb8;
	[tilespmem:$0x1C800] =	vst v63  }
0x74: {  	_ =	swait.ge [sflag:s21], $0x4000  }
0x75: {  	[sflag:s21] =	ssyncset.done $0x0  }
0x76: {  	[sflag:s21] =	ssyncadd.s32 $0xFFFFC000  }
0x77: {  	[spmem:s2] =	stream.indirect.scatter.add.f32 [tilespmem:s18], [sflag:$0x4], $0x80, s1, s17, $0xb8;
	[tilespmem:$0x1C800] =	vst v63  }
0x78: {  	_ =	swait.ge [sflag:s23], $0x4000  }
0x79: {  	[sflag:s23] =	ssyncset.done $0x0  }
0x7a: {  	[sflag:s23] =	ssyncadd.s32 $0xFFFFC000  }
0x7b: {  	[tilespmem:s18], [sflag:$0x2] =	stream.indirect.gather [hbm4b:s4+s17], $0x80, s0, s17, $0xb8;
	[tilespmem:$0x1C800] =	vst v63  }
0x7c: {  	_ =	swait.ge [sflag:s14], $0x4000  }
0x7d: {  	[sflag:s14] =	ssyncset.done $0x0  }
0x7e: {  	[sflag:s14] =	ssyncadd.s32 $0xFFFFC000  }
0x7f: {  	[spmem:s2] =	stream.indirect.scatter.add.f32 [tilespmem:s13], [sflag:$0x3], $0x80, s6, s17, $0xb8;
	[tilespmem:$0x1C800] =	vst v63  }
0x80: {  	_ =	swait.ge [sflag:s19], $0x4000  }
0x81: {  	[sflag:s19] =	ssyncset.done $0x0  }
0x82: {  	[sflag:s19] =	ssyncadd.s32 $0xFFFFC000  }
0x83: {  	_ =	swait.ge [sflag:s21], $0x4000  }
0x84: {  	[sflag:s21] =	ssyncset.done $0x0  }
0x85: {  	[sflag:s21] =	ssyncadd.s32 $0xFFFFC000  }
0x86: {  	[spmem:s2] =	stream.indirect.scatter.add.f32 [tilespmem:s18], [sflag:$0x4], $0x80, s7, s17, $0xb8;
	[tilespmem:$0x1C800] =	vst v63  }
0x87: {  	_ =	swait.ge [sflag:s23], $0x4000  }
0x88: {  	s10 =	simm.s32 $0x100;
	s9 =	simm.s32 $0x80;
	[sflag:s23] =	ssyncset.done $0x0  }
.LBB2_4:
0x89: {  	s5 =	sadd.s32 s9, s12;
	[sflag:s23] =	ssyncadd.s32 $0xFFFFC000  }
0x8a: {  	[tilespmem:s3], [sflag:$0x5] =	stream.linear.gather [hbm4b:s5+s3], $0x400, $0x38;
	[tilespmem:$0x1C800] =	vst v63  }
0x8b: {  	s8 =	smov.u32 s10;
	s11 =	sadd.s32 $0x80, s10;
	_ =	swait.ge [sflag:s15], $0x400  }
0x8c: {  	p0 =	sne.s32 s10, $0x480;
	s10 =	rddreg [dreg:$0x3];
	[sflag:s15] =	ssyncset.done $0x0  }
0x8d: {  	[sflag:s15] =	ssyncadd.s32 $0xFFFFFC00;
	s5 =	sadd.s32 s9, s10  }
0x8e: {  	[tilespmem:s16], [sflag:$0x5] =	stream.linear.gather [hbm4b:s5+s3], $0x400, $0x38;
	[tilespmem:$0x1C800] =	vst v63  }
0x8f: {  	_ =	swait.ge [sflag:s15], $0x400  }
0x90: {  	[sflag:s15] =	ssyncset.done $0x0  }
0x91: {  	[sflag:s15] =	ssyncadd.s32 $0xFFFFFC00  }
0x92: {  	[tilespmem:s13], [sflag:$0x1] =	stream.indirect.gather [hbm4b:s4+s17], $0x80, s3, s17, $0xb8;
	[tilespmem:$0x1C800] =	vst v63  }
0x93: {  	_ = 	snop  }
0x94: {  	[tilespmem:s18], [sflag:$0x2] =	stream.indirect.gather [hbm4b:s4+s17], $0x80, s17, s17, $0xb8;
	[tilespmem:$0x1C800] =	vst v63  }
0x95: {  	_ =	swait.ge [sflag:s14], $0x4000  }
0x96: {  	[sflag:s14] =	ssyncset.done $0x0  }
0x97: {  	[sflag:s14] =	ssyncadd.s32 $0xFFFFC000  }
0x98: {  	[spmem:s2] =	stream.indirect.scatter.add.f32 [tilespmem:s13], [sflag:$0x3], $0x80, s16, s17, $0xb8;
	[tilespmem:$0x1C800] =	vst v63  }
0x99: {  	_ =	swait.ge [sflag:s19], $0x4000  }
0x9a: {  	[sflag:s19] =	ssyncset.done $0x0  }
0x9b: {  	[sflag:s19] =	ssyncadd.s32 $0xFFFFC000  }
0x9c: {  	[tilespmem:s13], [sflag:$0x1] =	stream.indirect.gather [hbm4b:s4+s17], $0x80, s20, s17, $0xb8;
	[tilespmem:$0x1C800] =	vst v63  }
0x9d: {  	_ =	swait.ge [sflag:s21], $0x4000  }
0x9e: {  	[sflag:s21] =	ssyncset.done $0x0  }
0x9f: {  	[sflag:s21] =	ssyncadd.s32 $0xFFFFC000  }
0xa0: {  	[spmem:s2] =	stream.indirect.scatter.add.f32 [tilespmem:s18], [sflag:$0x4], $0x80, s22, s17, $0xb8;
	[tilespmem:$0x1C800] =	vst v63  }
0xa1: {  	_ =	swait.ge [sflag:s23], $0x4000  }
0xa2: {  	[sflag:s23] =	ssyncset.done $0x0  }
0xa3: {  	[sflag:s23] =	ssyncadd.s32 $0xFFFFC000  }
0xa4: {  	[tilespmem:s18], [sflag:$0x2] =	stream.indirect.gather [hbm4b:s4+s17], $0x80, s24, s17, $0xb8;
	[tilespmem:$0x1C800] =	vst v63  }
0xa5: {  	_ =	swait.ge [sflag:s14], $0x4000  }
0xa6: {  	[sflag:s14] =	ssyncset.done $0x0  }
0xa7: {  	[sflag:s14] =	ssyncadd.s32 $0xFFFFC000  }
0xa8: {  	[spmem:s2] =	stream.indirect.scatter.add.f32 [tilespmem:s13], [sflag:$0x3], $0x80, s25, s17, $0xb8;
	[tilespmem:$0x1C800] =	vst v63  }
0xa9: {  	_ =	swait.ge [sflag:s19], $0x4000  }
0xaa: {  	[sflag:s19] =	ssyncset.done $0x0  }
0xab: {  	[sflag:s19] =	ssyncadd.s32 $0xFFFFC000  }
0xac: {  	[tilespmem:s13], [sflag:$0x1] =	stream.indirect.gather [hbm4b:s4+s17], $0x80, s26, s17, $0xb8;
	[tilespmem:$0x1C800] =	vst v63  }
0xad: {  	_ =	swait.ge [sflag:s21], $0x4000  }
0xae: {  	[sflag:s21] =	ssyncset.done $0x0  }
0xaf: {  	[sflag:s21] =	ssyncadd.s32 $0xFFFFC000  }
0xb0: {  	[spmem:s2] =	stream.indirect.scatter.add.f32 [tilespmem:s18], [sflag:$0x4], $0x80, s28, s17, $0xb8;
	[tilespmem:$0x1C800] =	vst v63  }
0xb1: {  	_ =	swait.ge [sflag:s23], $0x4000  }
0xb2: {  	[sflag:s23] =	ssyncset.done $0x0  }
0xb3: {  	[sflag:s23] =	ssyncadd.s32 $0xFFFFC000  }
0xb4: {  	[tilespmem:s18], [sflag:$0x2] =	stream.indirect.gather [hbm4b:s4+s17], $0x80, s29, s17, $0xb8;
	[tilespmem:$0x1C800] =	vst v63  }
0xb5: {  	_ =	swait.ge [sflag:s14], $0x4000  }
0xb6: {  	[sflag:s14] =	ssyncset.done $0x0  }
0xb7: {  	[sflag:s14] =	ssyncadd.s32 $0xFFFFC000  }
0xb8: {  	[spmem:s2] =	stream.indirect.scatter.add.f32 [tilespmem:s13], [sflag:$0x3], $0x80, s30, s17, $0xb8;
	[tilespmem:$0x1C800] =	vst v63  }
0xb9: {  	_ =	swait.ge [sflag:s19], $0x4000  }
0xba: {  	[sflag:s19] =	ssyncset.done $0x0  }
0xbb: {  	[sflag:s19] =	ssyncadd.s32 $0xFFFFC000  }
0xbc: {  	[tilespmem:s13], [sflag:$0x1] =	stream.indirect.gather [hbm4b:s4+s17], $0x80, s31, s17, $0xb8;
	[tilespmem:$0x1C800] =	vst v63  }
0xbd: {  	_ =	swait.ge [sflag:s21], $0x4000  }
0xbe: {  	[sflag:s21] =	ssyncset.done $0x0  }
0xbf: {  	[sflag:s21] =	ssyncadd.s32 $0xFFFFC000  }
0xc0: {  	[spmem:s2] =	stream.indirect.scatter.add.f32 [tilespmem:s18], [sflag:$0x4], $0x80, s1, s17, $0xb8;
	[tilespmem:$0x1C800] =	vst v63  }
0xc1: {  	_ =	swait.ge [sflag:s23], $0x4000  }
0xc2: {  	[sflag:s23] =	ssyncset.done $0x0  }
0xc3: {  	[sflag:s23] =	ssyncadd.s32 $0xFFFFC000  }
0xc4: {  	[tilespmem:s18], [sflag:$0x2] =	stream.indirect.gather [hbm4b:s4+s17], $0x80, s0, s17, $0xb8;
	[tilespmem:$0x1C800] =	vst v63  }
0xc5: {  	_ =	swait.ge [sflag:s14], $0x4000  }
0xc6: {  	[sflag:s14] =	ssyncset.done $0x0  }
0xc7: {  	[sflag:s14] =	ssyncadd.s32 $0xFFFFC000  }
0xc8: {  	[spmem:s2] =	stream.indirect.scatter.add.f32 [tilespmem:s13], [sflag:$0x3], $0x80, s6, s17, $0xb8;
	[tilespmem:$0x1C800] =	vst v63  }
0xc9: {  	_ =	swait.ge [sflag:s19], $0x4000  }
0xca: {  	[sflag:s19] =	ssyncset.done $0x0  }
0xcb: {  	[sflag:s19] =	ssyncadd.s32 $0xFFFFC000  }
0xcc: {  	_ =	swait.ge [sflag:s21], $0x4000  }
.Ltmp1:
0xcd: {  	[sflag:s21] =	ssyncset.done $0x0;
	(pc) =	sbr.rel @p0 .LBB2_4-.Ltmp1, $4  }
0xce: {  	[sflag:s21] =	ssyncadd.s32 $0xFFFFC000  }
0xcf: {  	[spmem:s2] =	stream.indirect.scatter.add.f32 [tilespmem:s18], [sflag:$0x4], $0x80, s7, s17, $0xb8;
	[tilespmem:$0x1C800] =	vst v63  }
0xd0: {  	_ =	swait.ge [sflag:s23], $0x4000  }
0xd1: {  	s9 =	smov.u32 s8;
	s10 =	smov.u32 s11;
	[sflag:s23] =	ssyncset.done $0x0  }
0xd2: {  	s5 =	sadd.s32 s9, s12;
	[sflag:s23] =	ssyncadd.s32 $0xFFFFC000  }
0xd3: {  	[tilespmem:s3], [sflag:$0x5] =	stream.linear.gather [hbm4b:s5+s3], $0x400, $0x38;
	[tilespmem:$0x1C800] =	vst v63  }
0xd4: {  	_ =	swait.ge [sflag:s15], $0x400  }
0xd5: {  	s8 =	rddreg [dreg:$0x3];
	[sflag:s15] =	ssyncset.done $0x0  }
0xd6: {  	[sflag:s15] =	ssyncadd.s32 $0xFFFFFC00;
	s5 =	sadd.s32 s9, s8  }
0xd7: {  	[tilespmem:s16], [sflag:$0x5] =	stream.linear.gather [hbm4b:s5+s3], $0x400, $0x38;
	[tilespmem:$0x1C800] =	vst v63  }
0xd8: {  	_ =	swait.ge [sflag:s15], $0x400  }
0xd9: {  	[sflag:s15] =	ssyncset.done $0x0  }
0xda: {  	[sflag:s15] =	ssyncadd.s32 $0xFFFFFC00  }
0xdb: {  	[tilespmem:s13], [sflag:$0x1] =	stream.indirect.gather [hbm4b:s4+s17], $0x80, s3, s17, $0xb8;
	[tilespmem:$0x1C800] =	vst v63  }
0xdc: {  	_ = 	snop  }
0xdd: {  	[tilespmem:s18], [sflag:$0x2] =	stream.indirect.gather [hbm4b:s4+s17], $0x80, s17, s17, $0xb8;
	[tilespmem:$0x1C800] =	vst v63  }
0xde: {  	_ =	swait.ge [sflag:s14], $0x4000  }
0xdf: {  	[sflag:s14] =	ssyncset.done $0x0  }
0xe0: {  	[sflag:s14] =	ssyncadd.s32 $0xFFFFC000  }
0xe1: {  	[spmem:s2] =	stream.indirect.scatter.add.f32 [tilespmem:s13], [sflag:$0x3], $0x80, s16, s17, $0xb8;
	[tilespmem:$0x1C800] =	vst v63  }
0xe2: {  	_ =	swait.ge [sflag:s19], $0x4000  }
0xe3: {  	[sflag:s19] =	ssyncset.done $0x0  }
0xe4: {  	[sflag:s19] =	ssyncadd.s32 $0xFFFFC000  }
0xe5: {  	[tilespmem:s13], [sflag:$0x1] =	stream.indirect.gather [hbm4b:s4+s17], $0x80, s20, s17, $0xb8;
	[tilespmem:$0x1C800] =	vst v63  }
0xe6: {  	_ =	swait.ge [sflag:s21], $0x4000  }
0xe7: {  	[sflag:s21] =	ssyncset.done $0x0  }
0xe8: {  	[sflag:s21] =	ssyncadd.s32 $0xFFFFC000  }
0xe9: {  	[spmem:s2] =	stream.indirect.scatter.add.f32 [tilespmem:s18], [sflag:$0x4], $0x80, s22, s17, $0xb8;
	[tilespmem:$0x1C800] =	vst v63  }
0xea: {  	_ =	swait.ge [sflag:s23], $0x4000  }
0xeb: {  	[sflag:s23] =	ssyncset.done $0x0  }
0xec: {  	[sflag:s23] =	ssyncadd.s32 $0xFFFFC000  }
0xed: {  	[tilespmem:s18], [sflag:$0x2] =	stream.indirect.gather [hbm4b:s4+s17], $0x80, s24, s17, $0xb8;
	[tilespmem:$0x1C800] =	vst v63  }
0xee: {  	_ =	swait.ge [sflag:s14], $0x4000  }
0xef: {  	[sflag:s14] =	ssyncset.done $0x0  }
0xf0: {  	[sflag:s14] =	ssyncadd.s32 $0xFFFFC000  }
0xf1: {  	[spmem:s2] =	stream.indirect.scatter.add.f32 [tilespmem:s13], [sflag:$0x3], $0x80, s25, s17, $0xb8;
	[tilespmem:$0x1C800] =	vst v63  }
0xf2: {  	_ =	swait.ge [sflag:s19], $0x4000  }
0xf3: {  	[sflag:s19] =	ssyncset.done $0x0  }
0xf4: {  	[sflag:s19] =	ssyncadd.s32 $0xFFFFC000  }
0xf5: {  	[tilespmem:s13], [sflag:$0x1] =	stream.indirect.gather [hbm4b:s4+s17], $0x80, s26, s17, $0xb8;
	[tilespmem:$0x1C800] =	vst v63  }
0xf6: {  	_ =	swait.ge [sflag:s21], $0x4000  }
0xf7: {  	[sflag:s21] =	ssyncset.done $0x0  }
0xf8: {  	[sflag:s21] =	ssyncadd.s32 $0xFFFFC000  }
0xf9: {  	[spmem:s2] =	stream.indirect.scatter.add.f32 [tilespmem:s18], [sflag:$0x4], $0x80, s28, s17, $0xb8;
	[tilespmem:$0x1C800] =	vst v63  }
0xfa: {  	_ =	swait.ge [sflag:s23], $0x4000  }
0xfb: {  	[sflag:s23] =	ssyncset.done $0x0  }
0xfc: {  	[sflag:s23] =	ssyncadd.s32 $0xFFFFC000  }
0xfd: {  	[tilespmem:s18], [sflag:$0x2] =	stream.indirect.gather [hbm4b:s4+s17], $0x80, s29, s17, $0xb8;
	[tilespmem:$0x1C800] =	vst v63  }
0xfe: {  	_ =	swait.ge [sflag:s14], $0x4000  }
0xff: {  	[sflag:s14] =	ssyncset.done $0x0  }
0x100: {  	[sflag:s14] =	ssyncadd.s32 $0xFFFFC000  }
0x101: {  	[spmem:s2] =	stream.indirect.scatter.add.f32 [tilespmem:s13], [sflag:$0x3], $0x80, s30, s17, $0xb8;
	[tilespmem:$0x1C800] =	vst v63  }
0x102: {  	_ =	swait.ge [sflag:s19], $0x4000  }
0x103: {  	[sflag:s19] =	ssyncset.done $0x0  }
0x104: {  	[sflag:s19] =	ssyncadd.s32 $0xFFFFC000  }
0x105: {  	[tilespmem:s13], [sflag:$0x1] =	stream.indirect.gather [hbm4b:s4+s17], $0x80, s31, s17, $0xb8;
	[tilespmem:$0x1C800] =	vst v63  }
0x106: {  	_ =	swait.ge [sflag:s21], $0x4000  }
0x107: {  	[sflag:s21] =	ssyncset.done $0x0  }
0x108: {  	[sflag:s21] =	ssyncadd.s32 $0xFFFFC000  }
0x109: {  	[spmem:s2] =	stream.indirect.scatter.add.f32 [tilespmem:s18], [sflag:$0x4], $0x80, s1, s17, $0xb8;
	[tilespmem:$0x1C800] =	vst v63  }
0x10a: {  	_ =	swait.ge [sflag:s23], $0x4000  }
0x10b: {  	[sflag:s23] =	ssyncset.done $0x0  }
0x10c: {  	[sflag:s23] =	ssyncadd.s32 $0xFFFFC000  }
0x10d: {  	[tilespmem:s18], [sflag:$0x2] =	stream.indirect.gather [hbm4b:s4+s17], $0x80, s0, s17, $0xb8;
	[tilespmem:$0x1C800] =	vst v63  }
0x10e: {  	_ =	swait.ge [sflag:s14], $0x4000  }
0x10f: {  	[sflag:s14] =	ssyncset.done $0x0  }
0x110: {  	[sflag:s14] =	ssyncadd.s32 $0xFFFFC000  }
0x111: {  	[spmem:s2] =	stream.indirect.scatter.add.f32 [tilespmem:s13], [sflag:$0x3], $0x80, s6, s17, $0xb8;
	[tilespmem:$0x1C800] =	vst v63  }
0x112: {  	_ =	swait.ge [sflag:s19], $0x4000  }
0x113: {  	[sflag:s19] =	ssyncset.done $0x0  }
0x114: {  	[sflag:s19] =	ssyncadd.s32 $0xFFFFC000  }
0x115: {  	_ =	swait.ge [sflag:s21], $0x4000  }
0x116: {  	[sflag:s21] =	ssyncset.done $0x0  }
0x117: {  	[sflag:s21] =	ssyncadd.s32 $0xFFFFC000  }
0x118: {  	[spmem:s2] =	stream.indirect.scatter.add.f32 [tilespmem:s18], [sflag:$0x4], $0x80, s7, s17, $0xb8;
	[tilespmem:$0x1C800] =	vst v63  }
0x119: {  	_ =	swait.ge [sflag:s23], $0x4000  }
0x11a: {  	[sflag:s23] =	ssyncset.done $0x0  }
0x11b: {  	[sflag:s23] =	ssyncadd.s32 $0xFFFFC000  }
0x11c: {  	s9 =	stileid.u32;
	[bflag:$0x0] =	sbarrier.arrive $0xFFFF  }
0x11d: {  	s5 =	sshll.u32 s9, $0x6;
	s11 =	rddreg [dreg:$0x4]  }
0x11e: {  	s5 =	sor.u32 $0x1C05, s5;
	s10 =	rddreg [dreg:$0x9];
	s8 =	sshrl.u32 s11, $0x3  }
0x11f: {  	[hbm:s10], [sflag:s5] =	dma.local [spmem:s8], $0x2800  }
0x120: {  	_ =	swait.ge [sflag:s15], $0x2800  }
0x121: {  	s9 =	rddreg [dreg:$0xb]  }
0x122: {  	s10 =	rddreg [dreg:$0xa];
	s8 =	sadd.s32 $0x1, s9  }
0x123: {  	p0 =	sne.s32 s8, s10  }
.Ltmp2:
0x124: {  	_ = 	snop;
	(pc) =	sbr.rel @p0 .LBB2_1-.Ltmp2, $3  }
0x125: {  	_ =	sdelay $0x1  }
0x126: {  	[sflag:s15] =	ssyncset.done $0x0  }
0x127: {  	[sflag:s15] =	ssyncadd.s32 $0xFFFFD800  }
0x128: {  	_ =	sfence.sel $0x180000  }
0x129: {  	[bflag:$0x0] =	sbarrier.arrive $0xFFFF  }
0x12a: {  	_ =	strace $0x90000050  }
0x12b: {  	s0 =	stileid.u32;
	[bflag:$0x2] =	sbarrier.arrive $0xFFFF  }
0x12c: {  	p0 =	sne.s32 s0, $0x0;
	s0 =	rddreg [dreg:$0x2]  }
0x12d: {  	s0 =	sadd.s32 @!p0 $0x100000, s0  }
0x12e: {  	[sflag:s0] =	ssyncadd.tile.s32 @!p0 $0x1;
	_ =	shalt  }
.Lfunc_end2:
_tile_overlayer_lowered:
.L_overlay_start_2:
0x12f: {  	(tag) =	ssettag $0x2  }
0x130: {  	s0 =	rddreg [dreg:$0x0];
	s2 =	stileid.u32  }
0x131: {  	s1 =	rddreg [dreg:$0x1];
	p0 =	sne.s32 s2, $0x0  }
0x132: {  	s3 =	rddreg [dreg:$0x2];
	[bflag:$0x3] =	sbarrier.arrive $0xFFFF;
	s2 =	simm.s32 @!p0 $0x1C05  }
0x133: {  	[timem:s3], [sflag:s2] =	dma.local @!p0 [hbm:s0], s1  }
0x134: {  	s0 =	simm.s32 @!p0 $0x5  }
0x135: {  	_ =	swait.ge @!p0 [sflag:s0], s1  }
0x136: {  	s1 =	ssub.s32 @!p0 $0x0, s1;
	[sflag:s0] =	ssyncset.done @!p0 $0x0  }
0x137: {  	[sflag:s0] =	ssyncadd.s32 @!p0 s1  }
0x138: {  	[bflag:$0x3] =	sbarrier.arrive $0xFFFF  }
0x139: {  	_ =	shalt  }

// kernel: kernel.9.cloned.1.call-start
scs
__scs_entry_jumppad:
0x0: {  	(pc) =	sbr.rel $0x88, $3  }
0x1: {  	(tag) =	ssettag $0x0;
	lr =	simm.s32 $0x1  }
0x2: {  	[smem:$0x3F93] =	sst lr;
	_ =	strace $0xD0000000  }
0x3: {  	_ = 	snop  }
0x4: {  	_ = 	snop  }
0x5: {  	_ = 	snop  }
0x6: {  	_ = 	snop  }
0x7: {  	_ = 	snop  }
__scs_overlays_trampoline_lowered:
0x8: {  	[smem:$0x3FA2] =	sst s0  }
0x9: {  	[smem:$0x3FA3] =	sst s1  }
0xa: {  	[smem:$0x3FA4] =	sst s2  }
0xb: {  	[smem:$0x3FA5] =	sst s3  }
0xc: {  	[smem:$0x3FA6] =	sst s4  }
0xd: {  	[smem:$0x3FA7] =	sst s5  }
0xe: {  	[smem:$0x3FA8] =	sst s6  }
0xf: {  	[smem:$0x3FA9] =	sst s7  }
0x10: {  	[smem:$0x3FAA] =	sst s8  }
0x11: {  	[smem:$0x3FAB] =	sst s9;
	s0 =	simm.s32 @!p0 $0x0  }
0x12: {  	s1 =	sld [smem:$0x3F91];
	s0 =	simm.s32 @p0 $0x1  }
0x13: {  	[smem:$0x3FAC] =	sst s0;
	s0 =	simm.s32 @!p1 $0x0  }
0x14: {  	s2 =	sld [smem:$0x3F90];
	s0 =	simm.s32 @p1 $0x1  }
0x15: {  	[smem:$0x3FAD] =	sst s0;
	s0 =	simm.s32 @!p2 $0x0  }
0x16: {  	s3 =	sld [smem:$0x3FDB];
	s0 =	simm.s32 @p2 $0x1  }
0x17: {  	s4 =	simm.s32 $0x1BF5;
	[smem:$0x3FAF] =	sst s0  }
0x18: {  	s0 =	sld [smem:$0x3F92];
	_ =	swait.ge [sflag:s4], $0x0  }
0x19: {  	s7 =	sld [smem:$0x3F93]  }
0x1a: {  	s8 =	sadd.s32 $0xFFFFE003, lr  }
0x1b: {  	s9 =	sadd.s32 $0xFFFFFEF7, lr;
	s5 =	simm.s32 $0xFFFFFFFF;
	p2 =	slt.u32 s8, $0xFFFFF086  }
0x1c: {  	p1 =	slt.u32 s9, $0xF7A;
	s5 =	simm.s32 @!p2 $0x0  }
0x1d: {  	s5 =	simm.s32 @p1 $0x1;
	p0 =	seq.s32 s7, s2  }
0x1e: {  	s7 =	smul.u32 @!p0 $0xF7A, s2;
	p2 =	seq.s32 @!p0 s5, $0x0  }
0x1f: {  	s9 =	smul.u32 $0xF7A, s1;
	s8 =	simm.s32 @!p0 $0x1BF5;
	p2 =	por !p2, p0  }
0x20: {  	[sflag:s8] =	ssyncset.s32 @!p0 $0xFFFFF086;
	s6 =	sadd.s32 @!p0 s3, s7;
	s7 =	simm.s32 @!p0 $0x108  }
0x21: {  	s3 =	sadd.s32 s3, s9;
	s6 =	sadd.s32 @!p0 $0x88, s6;
	s7 =	simm.s32 @p2 $0x1082  }
0x22: {  	[simem:s7], [sflag:s8] =	dma.local @!p0 [hbm:s6], $0xF7A  }
0x23: {  	s9 =	sor.u32 $0xD0000000, s2;
	s6 =	simm.s32 $0x108;
	_ =	swait.ge @!p0 [sflag:s8], $0x0  }
0x24: {  	s3 =	sadd.s32 $0x88, s3;
	s6 =	simm.s32 @!p1 $0x1082;
	[sflag:s4] =	ssyncset.s32 $0xFFFFF086  }
0x25: {  	[simem:s6], [sflag:s4] =	dma.local [hbm:s3], $0xF7A  }
0x26: {  	[smem:$0x3F93] =	sst s1;
	(tag) =	ssettag s2;
	_ =	strace s9  }
0x27: {  	s1 =	sld [smem:$0x3FA3]  }
0x28: {  	s2 =	sld [smem:$0x3FA4]  }
0x29: {  	s4 =	sld [smem:$0x3FA6]  }
0x2a: {  	p0 =	seq.s32 s5, $0x0;
	s5 =	sld [smem:$0x3FA7]  }
0x2b: {  	s6 =	sld [smem:$0x3FA8]  }
0x2c: {  	s7 =	sld [smem:$0x3FA9]  }
0x2d: {  	s3 =	simm.s32 $0x108;
	s8 =	sld [smem:$0x3FAA]  }
0x2e: {  	s3 =	simm.s32 @!p0 $0x1082;
	s9 =	sld [smem:$0x3FAB]  }
0x2f: {  	lr =	sadd.s32 s0, s3;
	s0 =	sld [smem:$0x3FA2]  }
0x30: {  	s3 =	sld [smem:$0x3FA5]  }
0x31: {  	[smem:$0x3FAE] =	sst s10  }
0x32: {  	s10 =	sld [smem:$0x3FAC];
	_ =	sdelay $0x3  }
0x33: {  	p0 =	seq.s32 s10, $0x1;
	s10 =	sld [smem:$0x3FAE];
	_ =	sdelay $0x3  }
0x34: {  	[smem:$0x3FAE] =	sst s10  }
0x35: {  	s10 =	sld [smem:$0x3FAD];
	_ =	sdelay $0x3  }
0x36: {  	p1 =	seq.s32 s10, $0x1;
	s10 =	sld [smem:$0x3FAE];
	_ =	sdelay $0x3  }
0x37: {  	[smem:$0x3FAE] =	sst s10  }
0x38: {  	s10 =	sld [smem:$0x3FAF]  }
0x39: {  	_ = 	snop;
	(pc) =	sbr.ind lr, $3  }
0x3a: {  	_ = 	snop  }
0x3b: {  	_ = 	snop  }
0x3c: {  	p2 =	seq.s32 s10, $0x1;
	s10 =	sld [smem:$0x3FAE]  }
0x3d: {  	_ =	shalt  }
0x3e: {  	_ =	shalt  }
0x3f: {  	_ =	shalt  }
0x40: {  	_ =	shalt  }
0x41: {  	_ =	shalt  }
0x42: {  	_ =	shalt  }
0x43: {  	_ =	shalt  }
0x44: {  	_ =	shalt  }
0x45: {  	_ =	shalt  }
0x46: {  	_ =	shalt  }
0x47: {  	_ =	shalt  }
0x48: {  	_ =	shalt  }
0x49: {  	_ =	shalt  }
0x4a: {  	_ =	shalt  }
0x4b: {  	_ =	shalt  }
0x4c: {  	_ =	shalt  }
0x4d: {  	_ =	shalt  }
0x4e: {  	_ =	shalt  }
0x4f: {  	_ =	shalt  }
0x50: {  	_ =	shalt  }
0x51: {  	_ =	shalt  }
0x52: {  	_ =	shalt  }
0x53: {  	_ =	shalt  }
0x54: {  	_ =	shalt  }
0x55: {  	_ =	shalt  }
0x56: {  	_ =	shalt  }
0x57: {  	_ =	shalt  }
0x58: {  	_ =	shalt  }
0x59: {  	_ =	shalt  }
0x5a: {  	_ =	shalt  }
0x5b: {  	_ =	shalt  }
0x5c: {  	_ =	shalt  }
0x5d: {  	_ =	shalt  }
0x5e: {  	_ =	shalt  }
0x5f: {  	_ =	shalt  }
0x60: {  	_ =	shalt  }
0x61: {  	_ =	shalt  }
0x62: {  	_ =	shalt  }
0x63: {  	_ =	shalt  }
0x64: {  	_ =	shalt  }
0x65: {  	_ =	shalt  }
0x66: {  	_ =	shalt  }
0x67: {  	_ =	shalt  }
0x68: {  	_ =	shalt  }
0x69: {  	_ =	shalt  }
0x6a: {  	_ =	shalt  }
0x6b: {  	_ =	shalt  }
0x6c: {  	_ =	shalt  }
0x6d: {  	_ =	shalt  }
0x6e: {  	_ =	shalt  }
0x6f: {  	_ =	shalt  }
0x70: {  	_ =	shalt  }
0x71: {  	_ =	shalt  }
0x72: {  	_ =	shalt  }
0x73: {  	_ =	shalt  }
0x74: {  	_ =	shalt  }
0x75: {  	_ =	shalt  }
0x76: {  	_ =	shalt  }
0x77: {  	_ =	shalt  }
0x78: {  	_ =	shalt  }
0x79: {  	_ =	shalt  }
0x7a: {  	_ =	shalt  }
0x7b: {  	_ =	shalt  }
0x7c: {  	_ =	shalt  }
0x7d: {  	_ =	shalt  }
0x7e: {  	_ =	shalt  }
0x7f: {  	_ =	shalt  }
0x80: {  	_ =	shalt  }
0x81: {  	_ =	shalt  }
0x82: {  	_ =	shalt  }
0x83: {  	_ =	shalt  }
0x84: {  	_ =	shalt  }
0x85: {  	_ =	shalt  }
0x86: {  	_ =	shalt  }
0x87: {  	_ =	shalt  }
.Lfunc_end0:
.L_simem_size_0:
called_computation_lowered:
.L_overlay_start_0:
0x88: {  	s2 =	sld [smem:$0x3FD9]  }
0x89: {  	s3 =	sld [smem:$0x3FFE];
	_ =	sdelay $0x1  }
0x8a: {  	s1 =	srdreg.scid  }
0x8b: {  	s0 =	sand.u32 $0x1, s1  }
0x8c: {  	s17 =	sshll.u32 s0, $0xA;
	s2 =	sadd.s32 s3, s2  }
0x8d: {  	s2 =	sadd.s32 s2, s17  }
0x8e: {  	[smem:$0x3FBA] =	sst s2  }
0x8f: {  	_ = 	snop  }
0x90: {  	s2 =	sld [smem:$0x3FC9];
	(tm) =	ssettm $0x1  }
0x91: {  	s18 =	sld [smem:$0x3FFB];
	_ =	sdelay $0x3  }
0x92: {  	_ =	strace s18  }
0x93: {  	s3 =	sld [smem:$0x3FFC];
	_ =	sdelay $0x3  }
0x94: {  	_ =	strace s3  }
0x95: {  	s3 =	sld [smem:$0x3FFD];
	_ =	sdelay $0x3  }
0x96: {  	_ =	strace s3  }
0x97: {  	_ =	strace $0x8FFFFFFF  }
0x98: {  	s19 =	sld [smem:$0x3FDB];
	_ =	sdelay $0x1  }
0x99: {  	s4 =	simm.s32 $_scs_section_size  }
0x9a: {  	s5 =	simm.s32 $_size__tile_overlayer_lowered;
	s6 =	simm.s32 $_tile_overlayer_lowered  }
0x9b: {  	s22 =	simm.s32 $0x1BFF;
	s21 =	sshll.u32 s6, $0x1;
	s3 =	sadd.s32 s4, s19  }
0x9c: {  	s7 =	simm.s32 $0x0;
	s20 =	sshll.u32 s5, $0x1;
	s5 =	sadd.s32 s21, s3  }
0x9d: {  	[timem:s7], [sflag:s22] =	dma.local [hbm:s5], s20  }
0x9e: {  	_ =	swait.ge [sflag:s22], s20  }
0x9f: {  	s4 =	ssub.s32 $0x0, s20;
	[sflag:s22] =	ssyncset.done $0x0  }
0xa0: {  	[sflag:s22] =	ssyncadd.s32 s4;
	_ =	sdelay $0x1  }
0xa1: {  	s23 =	simm.s32 $0x1B8B  }
0xa2: {  	_ =	swait.ge [sflag:s23], $0x1  }
0xa3: {  	[sflag:s23] =	ssyncset.done $0x0  }
0xa4: {  	s25 =	simm.s32 $0x1B8E;
	s24 =	sld [smem:$0x3FFE];
	[sflag:s23] =	ssyncadd.s32 $0xFFFFFFFF  }
0xa5: {  	s26 =	simm.s32 $execute0_lowered;
	[smem:$0x3FD2] =	sst s25  }
0xa6: {  	s5 =	sshll.u32 s26, $0x1;
	_ =	strace $0x80000046;
	[dreg:$0x1] =	wrdreg $0xFFFFFFFF  }
0xa7: {  	s28 =	simm.s32 $_size_execute0_lowered;
	s3 =	sadd.s32 s3, s5;
	[dreg:$0x0] =	wrdreg $0x0  }
0xa8: {  	s5 =	sshll.u32 s28, $0x1;
	[dreg:$0x2] =	wrdreg s3  }
0xa9: {  	[dreg:$0x3] =	wrdreg s5  }
0xaa: {  	[dreg:$0x4] =	wrdreg $0xC0  }
0xab: {  	_ =	task [dreg:s7], $0x5FFFF  }
0xac: {  	[dreg:$0x1] =	wrdreg $0xFFFFFFFF  }
0xad: {  	[dreg:$0x0] =	wrdreg $0x60  }
0xae: {  	[dreg:$0x2] =	wrdreg s2  }
0xaf: {  	[dreg:$0x3] =	wrdreg s24  }
0xb0: {  	[dreg:$0x4] =	wrdreg $0x88000  }
0xb1: {  	[dreg:$0x5] =	wrdreg $0x9  }
0xb2: {  	_ =	task.clear_ibuf [dreg:s7], $0x6FFFF;
	_ =	strace $0x90000046  }
0xb3: {  	s29 =	simm.s32 $0x9;
	_ =	strace $0x80000048  }
0xb4: {  	_ =	swait.ge [sflag:s29], $0x1  }
0xb5: {  	[sflag:s29] =	ssyncadd.s32 $0xFFFFFFFF  }
0xb6: {  	_ =	strace $0x90000048  }
0xb7: {  	_ =	sfence  }
0xb8: {  	s30 =	sld [smem:$0x0];
	_ =	sdelay $0x2  }
0xb9: {  	s31 =	sshll.u32 s1, $0xD;
	s1 =	sshrl.u32 s1, $0x2  }
0xba: {  	s3 =	sand.u32 $0x4000, s31;
	s1 =	sadd.s32 s1, s30  }
0xbb: {  	s0 =	sor.u32 s3, s0;
	s1 =	sshll.u32 s1, $0x11  }
0xbc: {  	s0 =	sor.u32 s1, s0  }
0xbd: {  	s0 =	sadd.s32 $0x8F2B, s0  }
0xbe: {  	[sflag:s0] =	ssyncadd.remote.s32 $0x1  }
0xbf: {  	_ =	sfence.sel $0xFFFF  }
0xc0: {  	[dreg:$0x0] =	wrdreg $0xFFFFFFFF;
	(pc) =	sbr.abs _section_cstart, $3  }
0xc1: {  	[dreg:$0x1] =	wrdreg $0xFFFFFFFF  }
0xc2: {  	_ =	task.clear_ibuf [dreg:s7], $0x2FFFF;
	_ =	strace $0x9FFFFFFF  }
0xc3: {  	(tm) =	ssettm $0x7FFFFFFF  }
tec
execute0_lowered:
.L_overlay_start_1:
0x0: {  	(tag) =	ssettag $0x1  }
0x1: {  	s1 =	rddreg [dreg:$0x0];
	s0 =	srdreg.scid  }
0x2: {  	s2 =	rddreg [dreg:$0x1];
	s8 =	stileid.u32  }
0x3: {  	s3 =	rddreg [dreg:$0x2];
	s4 =	simm.s32 $0x0;
	s13 =	simm.s32 $0x800  }
0x4: {  	s14 =	simm.s32 $0x1;
	s15 =	simm.s32 $0x5;
	s6 =	smul.u32 $0x2800, s8  }
0x5: {  	s16 =	simm.s32 $0x400;
	s17 =	simm.s32 $0x80;
	s18 =	smul.u32 $0x14000, s8  }
0x6: {  	s28 =	simm.s32 $0x580;
	s0 =	sand.u32 $0x1, s0;
	s8 =	smul.u32 $0x50000, s8  }
0x7: {  	s29 =	simm.s32 $0x280;
	s30 =	simm.s32 $0x600;
	s5 =	smul.u32 $0x28000, s0  }
0x8: {  	s31 =	simm.s32 $0x300;
	[smem:$0x7FF] =	sst s4;
	s7 =	smul.u32 $0x140000, s0  }
0x9: {  	_ =	strace $0x80000047;
	s0 =	ssub.s32 $0x2, s0;
	s20 =	sshrl.u32 s8, $0x2  }
0xa: {  	s21 =	sshrl.u32 s0, $0x1;
	s8 =	simm.s32 $0x0;
	s5 =	sadd.s32 s6, s5  }
0xb: {  	s19 =	sadd.s32 s18, s7;
	s11 =	sadd.s32 s20, s3;
	s0 =	ssub.s32 s0, s21  }
0xc: {  	s18 =	simm.s32 $0x4800;
	s20 =	simm.s32 $0x100;
	s21 =	simm.s32 $0x2  }
0xd: {  	s6 =	simm.s32 $0x700;
	s22 =	sadd.s32 $0x4000, s11;
	[dreg:$0x5] =	wrdreg s11  }
0xe: {  	s7 =	simm.s32 $0x780;
	s23 =	sadd.s32 $0x8000, s11;
	[dreg:$0x6] =	wrdreg s22  }
0xf: {  	s5 =	sshrl.u32 s5, $0x3;
	s24 =	sadd.s32 $0xC000, s11;
	[dreg:$0x7] =	wrdreg s23  }
0x10: {  	s25 =	sadd.s32 $0x10000, s11;
	s0 =	smax.u32 s0, $0x1;
	[dreg:$0x8] =	wrdreg s24  }
0x11: {  	s9 =	sadd.s32 s5, s2;
	s5 =	sshrl.u32 s19, $0x3;
	[dreg:$0x9] =	wrdreg s25  }
0x12: {  	[dreg:$0xb] =	wrdreg s0;
	s19 =	simm.s32 $0x3;
	s22 =	simm.s32 $0x480  }
0x13: {  	s23 =	simm.s32 $0x4;
	s24 =	simm.s32 $0x180;
	s25 =	simm.s32 $0x500  }
0x14: {  	s0 =	simm.s32 $0x380;
	s2 =	sadd.s32 s5, s2;
	s26 =	sadd.s32 $0xDA00, s9  }
0x15: {  	s12 =	sadd.s32 $0x3A00, s9;
	s2 =	sadd.s32 $0x17A00, s2;
	[dreg:$0x4] =	wrdreg s26  }
0x16: {  	v0 =	vimm.f32 $0.0e+00;
	s26 =	simm.s32 $0x200;
	[dreg:$0xa] =	wrdreg s2;
	s2 =	simm.s32 $0x680  }
.LBB2_1:
0x17: {  	s9 =	simm.s32 $0x0;
	s10 =	simm.s32 $0x200  }
.LBB2_2:
0x18: {  	p0 =	sne.s32 s10, $0xFE00;
	[tilespmem:s9+$0x870] =	vst v0  }
0x19: {  	[tilespmem:s9+$0x800] =	vst v0  }
0x1a: {  	[tilespmem:s9+$0x810] =	vst v0  }
.Ltmp0:
0x1b: {  	[tilespmem:s9+$0x820] =	vst v0;
	(pc) =	sbr.rel @p0 .LBB2_2-.Ltmp0, $4  }
0x1c: {  	[tilespmem:s9+$0x830] =	vst v0  }
0x1d: {  	[tilespmem:s9+$0x840] =	vst v0  }
0x1e: {  	[tilespmem:s9+$0x850] =	vst v0  }
0x1f: {  	[tilespmem:s9+$0x860] =	vst v0;
	s9 =	sshra.s32 s10, $0x2;
	s10 =	sadd.s32 $0x200, s10  }
0x20: {  	[tilespmem:s9+$0x870] =	vst v0  }
0x21: {  	[tilespmem:s9+$0x800] =	vst v0  }
0x22: {  	[tilespmem:s9+$0x810] =	vst v0  }
0x23: {  	[tilespmem:s9+$0x820] =	vst v0  }
0x24: {  	[tilespmem:s9+$0x830] =	vst v0  }
0x25: {  	[tilespmem:s9+$0x840] =	vst v0  }
0x26: {  	[tilespmem:s9+$0x850] =	vst v0  }
0x27: {  	[dreg:$0xc] =	wrdreg s8;
	[tilespmem:s9+$0x860] =	vst v0  }
0x28: {  	[spmem:s11] =	stream.linear.scatter [tilespmem:s13], [sflag:$0x1], $0x4000, $0x38;
	[tilespmem:$0x1C800] =	vst v63  }
0x29: {  	s5 =	rddreg [dreg:$0x6]  }
0x2a: {  	[spmem:s5] =	stream.linear.scatter [tilespmem:s13], [sflag:$0x1], $0x4000, $0x38;
	[tilespmem:$0x1C800] =	vst v63  }
0x2b: {  	s11 =	rddreg [dreg:$0x7]  }
0x2c: {  	[spmem:s11] =	stream.linear.scatter [tilespmem:s13], [sflag:$0x1], $0x4000, $0x38;
	[tilespmem:$0x1C800] =	vst v63  }
0x2d: {  	s8 =	rddreg [dreg:$0x8]  }
0x2e: {  	[spmem:s8] =	stream.linear.scatter [tilespmem:s13], [sflag:$0x1], $0x4000, $0x38;
	[tilespmem:$0x1C800] =	vst v63  }
0x2f: {  	s9 =	rddreg [dreg:$0x9]  }
0x30: {  	[spmem:s9] =	stream.linear.scatter [tilespmem:s13], [sflag:$0x1], $0x4000, $0x38;
	[tilespmem:$0x1C800] =	vst v63  }
0x31: {  	_ =	swait.ge [sflag:s14], $0x4000  }
0x32: {  	[sflag:s14] =	ssyncset.done $0x0  }
0x33: {  	[sflag:s14] =	ssyncadd.s32 $0xFFFFC000  }
0x34: {  	_ =	swait.ge [sflag:s14], $0x4000  }
0x35: {  	[sflag:s14] =	ssyncset.done $0x0  }
0x36: {  	[sflag:s14] =	ssyncadd.s32 $0xFFFFC000  }
0x37: {  	_ =	swait.ge [sflag:s14], $0x4000  }
0x38: {  	[sflag:s14] =	ssyncset.done $0x0  }
0x39: {  	[sflag:s14] =	ssyncadd.s32 $0xFFFFC000  }
0x3a: {  	_ =	swait.ge [sflag:s14], $0x4000  }
0x3b: {  	[sflag:s14] =	ssyncset.done $0x0  }
0x3c: {  	[sflag:s14] =	ssyncadd.s32 $0xFFFFC000  }
0x3d: {  	_ =	swait.ge [sflag:s14], $0x4000  }
0x3e: {  	[sflag:s14] =	ssyncset.done $0x0  }
0x3f: {  	[sflag:s14] =	ssyncadd.s32 $0xFFFFC000  }
0x40: {  	s10 =	sadd.s32 $0x0, s12;
	[bflag:$0x0] =	sbarrier.arrive $0xFFFF  }
0x41: {  	[tilespmem:s4], [sflag:$0x5] =	stream.linear.gather [hbm4b:s10+s4], $0x400, $0x38;
	[tilespmem:$0x1C800] =	vst v63  }
0x42: {  	_ =	swait.ge [sflag:s15], $0x400  }
0x43: {  	s11 =	rddreg [dreg:$0x4];
	[sflag:s15] =	ssyncset.done $0x0  }
0x44: {  	[sflag:s15] =	ssyncadd.s32 $0xFFFFFC00;
	s9 =	sadd.s32 $0x0, s11  }
0x45: {  	[tilespmem:s16], [sflag:$0x5] =	stream.linear.gather [hbm4b:s9+s4], $0x400, $0x38;
	[tilespmem:$0x1C800] =	vst v63  }
0x46: {  	_ =	swait.ge [sflag:s15], $0x400  }
0x47: {  	[sflag:s15] =	ssyncset.done $0x0  }
0x48: {  	[sflag:s15] =	ssyncadd.s32 $0xFFFFFC00  }
0x49: {  	[tilespmem:s13], [sflag:$0x1] =	stream.indirect.gather [hbm4b:s1+s17], $0x80, s4, s17, $0xb8;
	[tilespmem:$0x1C800] =	vst v63  }
0x4a: {  	_ = 	snop  }
0x4b: {  	[tilespmem:s18], [sflag:$0x2] =	stream.indirect.gather [hbm4b:s1+s17], $0x80, s17, s17, $0xb8;
	[tilespmem:$0x1C800] =	vst v63  }
0x4c: {  	_ =	swait.ge [sflag:s14], $0x4000  }
0x4d: {  	[sflag:s14] =	ssyncset.done $0x0  }
0x4e: {  	[sflag:s14] =	ssyncadd.s32 $0xFFFFC000  }
0x4f: {  	[spmem:s3] =	stream.indirect.scatter.add.f32 [tilespmem:s13], [sflag:$0x3], $0x80, s16, s17, $0xb8;
	[tilespmem:$0x1C800] =	vst v63  }
0x50: {  	_ =	swait.ge [sflag:s19], $0x4000  }
0x51: {  	[sflag:s19] =	ssyncset.done $0x0  }
0x52: {  	[sflag:s19] =	ssyncadd.s32 $0xFFFFC000  }
0x53: {  	[tilespmem:s13], [sflag:$0x1] =	stream.indirect.gather [hbm4b:s1+s17], $0x80, s20, s17, $0xb8;
	[tilespmem:$0x1C800] =	vst v63  }
0x54: {  	_ =	swait.ge [sflag:s21], $0x4000  }
0x55: {  	[sflag:s21] =	ssyncset.done $0x0  }
0x56: {  	[sflag:s21] =	ssyncadd.s32 $0xFFFFC000  }
0x57: {  	[spmem:s3] =	stream.indirect.scatter.add.f32 [tilespmem:s18], [sflag:$0x4], $0x80, s22, s17, $0xb8;
	[tilespmem:$0x1C800] =	vst v63  }
0x58: {  	_ =	swait.ge [sflag:s23], $0x4000  }
0x59: {  	[sflag:s23] =	ssyncset.done $0x0  }
0x5a: {  	[sflag:s23] =	ssyncadd.s32 $0xFFFFC000  }
0x5b: {  	[tilespmem:s18], [sflag:$0x2] =	stream.indirect.gather [hbm4b:s1+s17], $0x80, s24, s17, $0xb8;
	[tilespmem:$0x1C800] =	vst v63  }
0x5c: {  	_ =	swait.ge [sflag:s14], $0x4000  }
0x5d: {  	[sflag:s14] =	ssyncset.done $0x0  }
0x5e: {  	[sflag:s14] =	ssyncadd.s32 $0xFFFFC000  }
0x5f: {  	[spmem:s3] =	stream.indirect.scatter.add.f32 [tilespmem:s13], [sflag:$0x3], $0x80, s25, s17, $0xb8;
	[tilespmem:$0x1C800] =	vst v63  }
0x60: {  	_ =	swait.ge [sflag:s19], $0x4000  }
0x61: {  	[sflag:s19] =	ssyncset.done $0x0  }
0x62: {  	[sflag:s19] =	ssyncadd.s32 $0xFFFFC000  }
0x63: {  	[tilespmem:s13], [sflag:$0x1] =	stream.indirect.gather [hbm4b:s1+s17], $0x80, s26, s17, $0xb8;
	[tilespmem:$0x1C800] =	vst v63  }
0x64: {  	_ =	swait.ge [sflag:s21], $0x4000  }
0x65: {  	[sflag:s21] =	ssyncset.done $0x0  }
0x66: {  	[sflag:s21] =	ssyncadd.s32 $0xFFFFC000  }
0x67: {  	[spmem:s3] =	stream.indirect.scatter.add.f32 [tilespmem:s18], [sflag:$0x4], $0x80, s28, s17, $0xb8;
	[tilespmem:$0x1C800] =	vst v63  }
0x68: {  	_ =	swait.ge [sflag:s23], $0x4000  }
0x69: {  	[sflag:s23] =	ssyncset.done $0x0  }
0x6a: {  	[sflag:s23] =	ssyncadd.s32 $0xFFFFC000  }
0x6b: {  	[tilespmem:s18], [sflag:$0x2] =	stream.indirect.gather [hbm4b:s1+s17], $0x80, s29, s17, $0xb8;
	[tilespmem:$0x1C800] =	vst v63  }
0x6c: {  	_ =	swait.ge [sflag:s14], $0x4000  }
0x6d: {  	[sflag:s14] =	ssyncset.done $0x0  }
0x6e: {  	[sflag:s14] =	ssyncadd.s32 $0xFFFFC000  }
0x6f: {  	[spmem:s3] =	stream.indirect.scatter.add.f32 [tilespmem:s13], [sflag:$0x3], $0x80, s30, s17, $0xb8;
	[tilespmem:$0x1C800] =	vst v63  }
0x70: {  	_ =	swait.ge [sflag:s19], $0x4000  }
0x71: {  	[sflag:s19] =	ssyncset.done $0x0  }
0x72: {  	[sflag:s19] =	ssyncadd.s32 $0xFFFFC000  }
0x73: {  	[tilespmem:s13], [sflag:$0x1] =	stream.indirect.gather [hbm4b:s1+s17], $0x80, s31, s17, $0xb8;
	[tilespmem:$0x1C800] =	vst v63  }
0x74: {  	_ =	swait.ge [sflag:s21], $0x4000  }
0x75: {  	[sflag:s21] =	ssyncset.done $0x0  }
0x76: {  	[sflag:s21] =	ssyncadd.s32 $0xFFFFC000  }
0x77: {  	[spmem:s3] =	stream.indirect.scatter.add.f32 [tilespmem:s18], [sflag:$0x4], $0x80, s2, s17, $0xb8;
	[tilespmem:$0x1C800] =	vst v63  }
0x78: {  	_ =	swait.ge [sflag:s23], $0x4000  }
0x79: {  	[sflag:s23] =	ssyncset.done $0x0  }
0x7a: {  	[sflag:s23] =	ssyncadd.s32 $0xFFFFC000  }
0x7b: {  	[tilespmem:s18], [sflag:$0x2] =	stream.indirect.gather [hbm4b:s1+s17], $0x80, s0, s17, $0xb8;
	[tilespmem:$0x1C800] =	vst v63  }
0x7c: {  	_ =	swait.ge [sflag:s14], $0x4000  }
0x7d: {  	[sflag:s14] =	ssyncset.done $0x0  }
0x7e: {  	[sflag:s14] =	ssyncadd.s32 $0xFFFFC000  }
0x7f: {  	[spmem:s3] =	stream.indirect.scatter.add.f32 [tilespmem:s13], [sflag:$0x3], $0x80, s6, s17, $0xb8;
	[tilespmem:$0x1C800] =	vst v63  }
0x80: {  	_ =	swait.ge [sflag:s19], $0x4000  }
0x81: {  	[sflag:s19] =	ssyncset.done $0x0  }
0x82: {  	[sflag:s19] =	ssyncadd.s32 $0xFFFFC000  }
0x83: {  	_ =	swait.ge [sflag:s21], $0x4000  }
0x84: {  	[sflag:s21] =	ssyncset.done $0x0  }
0x85: {  	[sflag:s21] =	ssyncadd.s32 $0xFFFFC000  }
0x86: {  	[spmem:s3] =	stream.indirect.scatter.add.f32 [tilespmem:s18], [sflag:$0x4], $0x80, s7, s17, $0xb8;
	[tilespmem:$0x1C800] =	vst v63  }
0x87: {  	_ =	swait.ge [sflag:s23], $0x4000  }
0x88: {  	s10 =	simm.s32 $0x100;
	s9 =	simm.s32 $0x80;
	[sflag:s23] =	ssyncset.done $0x0  }
.LBB2_4:
0x89: {  	s5 =	sadd.s32 s9, s12;
	[sflag:s23] =	ssyncadd.s32 $0xFFFFC000  }
0x8a: {  	[tilespmem:s4], [sflag:$0x5] =	stream.linear.gather [hbm4b:s5+s4], $0x400, $0x38;
	[tilespmem:$0x1C800] =	vst v63  }
0x8b: {  	s8 =	smov.u32 s10;
	s11 =	sadd.s32 $0x80, s10;
	_ =	swait.ge [sflag:s15], $0x400  }
0x8c: {  	p0 =	sne.s32 s10, $0x480;
	s10 =	rddreg [dreg:$0x4];
	[sflag:s15] =	ssyncset.done $0x0  }
0x8d: {  	[sflag:s15] =	ssyncadd.s32 $0xFFFFFC00;
	s5 =	sadd.s32 s9, s10  }
0x8e: {  	[tilespmem:s16], [sflag:$0x5] =	stream.linear.gather [hbm4b:s5+s4], $0x400, $0x38;
	[tilespmem:$0x1C800] =	vst v63  }
0x8f: {  	_ =	swait.ge [sflag:s15], $0x400  }
0x90: {  	[sflag:s15] =	ssyncset.done $0x0  }
0x91: {  	[sflag:s15] =	ssyncadd.s32 $0xFFFFFC00  }
0x92: {  	[tilespmem:s13], [sflag:$0x1] =	stream.indirect.gather [hbm4b:s1+s17], $0x80, s4, s17, $0xb8;
	[tilespmem:$0x1C800] =	vst v63  }
0x93: {  	_ = 	snop  }
0x94: {  	[tilespmem:s18], [sflag:$0x2] =	stream.indirect.gather [hbm4b:s1+s17], $0x80, s17, s17, $0xb8;
	[tilespmem:$0x1C800] =	vst v63  }
0x95: {  	_ =	swait.ge [sflag:s14], $0x4000  }
0x96: {  	[sflag:s14] =	ssyncset.done $0x0  }
0x97: {  	[sflag:s14] =	ssyncadd.s32 $0xFFFFC000  }
0x98: {  	[spmem:s3] =	stream.indirect.scatter.add.f32 [tilespmem:s13], [sflag:$0x3], $0x80, s16, s17, $0xb8;
	[tilespmem:$0x1C800] =	vst v63  }
0x99: {  	_ =	swait.ge [sflag:s19], $0x4000  }
0x9a: {  	[sflag:s19] =	ssyncset.done $0x0  }
0x9b: {  	[sflag:s19] =	ssyncadd.s32 $0xFFFFC000  }
0x9c: {  	[tilespmem:s13], [sflag:$0x1] =	stream.indirect.gather [hbm4b:s1+s17], $0x80, s20, s17, $0xb8;
	[tilespmem:$0x1C800] =	vst v63  }
0x9d: {  	_ =	swait.ge [sflag:s21], $0x4000  }
0x9e: {  	[sflag:s21] =	ssyncset.done $0x0  }
0x9f: {  	[sflag:s21] =	ssyncadd.s32 $0xFFFFC000  }
0xa0: {  	[spmem:s3] =	stream.indirect.scatter.add.f32 [tilespmem:s18], [sflag:$0x4], $0x80, s22, s17, $0xb8;
	[tilespmem:$0x1C800] =	vst v63  }
0xa1: {  	_ =	swait.ge [sflag:s23], $0x4000  }
0xa2: {  	[sflag:s23] =	ssyncset.done $0x0  }
0xa3: {  	[sflag:s23] =	ssyncadd.s32 $0xFFFFC000  }
0xa4: {  	[tilespmem:s18], [sflag:$0x2] =	stream.indirect.gather [hbm4b:s1+s17], $0x80, s24, s17, $0xb8;
	[tilespmem:$0x1C800] =	vst v63  }
0xa5: {  	_ =	swait.ge [sflag:s14], $0x4000  }
0xa6: {  	[sflag:s14] =	ssyncset.done $0x0  }
0xa7: {  	[sflag:s14] =	ssyncadd.s32 $0xFFFFC000  }
0xa8: {  	[spmem:s3] =	stream.indirect.scatter.add.f32 [tilespmem:s13], [sflag:$0x3], $0x80, s25, s17, $0xb8;
	[tilespmem:$0x1C800] =	vst v63  }
0xa9: {  	_ =	swait.ge [sflag:s19], $0x4000  }
0xaa: {  	[sflag:s19] =	ssyncset.done $0x0  }
0xab: {  	[sflag:s19] =	ssyncadd.s32 $0xFFFFC000  }
0xac: {  	[tilespmem:s13], [sflag:$0x1] =	stream.indirect.gather [hbm4b:s1+s17], $0x80, s26, s17, $0xb8;
	[tilespmem:$0x1C800] =	vst v63  }
0xad: {  	_ =	swait.ge [sflag:s21], $0x4000  }
0xae: {  	[sflag:s21] =	ssyncset.done $0x0  }
0xaf: {  	[sflag:s21] =	ssyncadd.s32 $0xFFFFC000  }
0xb0: {  	[spmem:s3] =	stream.indirect.scatter.add.f32 [tilespmem:s18], [sflag:$0x4], $0x80, s28, s17, $0xb8;
	[tilespmem:$0x1C800] =	vst v63  }
0xb1: {  	_ =	swait.ge [sflag:s23], $0x4000  }
0xb2: {  	[sflag:s23] =	ssyncset.done $0x0  }
0xb3: {  	[sflag:s23] =	ssyncadd.s32 $0xFFFFC000  }
0xb4: {  	[tilespmem:s18], [sflag:$0x2] =	stream.indirect.gather [hbm4b:s1+s17], $0x80, s29, s17, $0xb8;
	[tilespmem:$0x1C800] =	vst v63  }
0xb5: {  	_ =	swait.ge [sflag:s14], $0x4000  }
0xb6: {  	[sflag:s14] =	ssyncset.done $0x0  }
0xb7: {  	[sflag:s14] =	ssyncadd.s32 $0xFFFFC000  }
0xb8: {  	[spmem:s3] =	stream.indirect.scatter.add.f32 [tilespmem:s13], [sflag:$0x3], $0x80, s30, s17, $0xb8;
	[tilespmem:$0x1C800] =	vst v63  }
0xb9: {  	_ =	swait.ge [sflag:s19], $0x4000  }
0xba: {  	[sflag:s19] =	ssyncset.done $0x0  }
0xbb: {  	[sflag:s19] =	ssyncadd.s32 $0xFFFFC000  }
0xbc: {  	[tilespmem:s13], [sflag:$0x1] =	stream.indirect.gather [hbm4b:s1+s17], $0x80, s31, s17, $0xb8;
	[tilespmem:$0x1C800] =	vst v63  }
0xbd: {  	_ =	swait.ge [sflag:s21], $0x4000  }
0xbe: {  	[sflag:s21] =	ssyncset.done $0x0  }
0xbf: {  	[sflag:s21] =	ssyncadd.s32 $0xFFFFC000  }
0xc0: {  	[spmem:s3] =	stream.indirect.scatter.add.f32 [tilespmem:s18], [sflag:$0x4], $0x80, s2, s17, $0xb8;
	[tilespmem:$0x1C800] =	vst v63  }
0xc1: {  	_ =	swait.ge [sflag:s23], $0x4000  }
0xc2: {  	[sflag:s23] =	ssyncset.done $0x0  }
0xc3: {  	[sflag:s23] =	ssyncadd.s32 $0xFFFFC000  }
0xc4: {  	[tilespmem:s18], [sflag:$0x2] =	stream.indirect.gather [hbm4b:s1+s17], $0x80, s0, s17, $0xb8;
	[tilespmem:$0x1C800] =	vst v63  }
0xc5: {  	_ =	swait.ge [sflag:s14], $0x4000  }
0xc6: {  	[sflag:s14] =	ssyncset.done $0x0  }
0xc7: {  	[sflag:s14] =	ssyncadd.s32 $0xFFFFC000  }
0xc8: {  	[spmem:s3] =	stream.indirect.scatter.add.f32 [tilespmem:s13], [sflag:$0x3], $0x80, s6, s17, $0xb8;
	[tilespmem:$0x1C800] =	vst v63  }
0xc9: {  	_ =	swait.ge [sflag:s19], $0x4000  }
0xca: {  	[sflag:s19] =	ssyncset.done $0x0  }
0xcb: {  	[sflag:s19] =	ssyncadd.s32 $0xFFFFC000  }
0xcc: {  	_ =	swait.ge [sflag:s21], $0x4000  }
.Ltmp1:
0xcd: {  	[sflag:s21] =	ssyncset.done $0x0;
	(pc) =	sbr.rel @p0 .LBB2_4-.Ltmp1, $4  }
0xce: {  	[sflag:s21] =	ssyncadd.s32 $0xFFFFC000  }
0xcf: {  	[spmem:s3] =	stream.indirect.scatter.add.f32 [tilespmem:s18], [sflag:$0x4], $0x80, s7, s17, $0xb8;
	[tilespmem:$0x1C800] =	vst v63  }
0xd0: {  	_ =	swait.ge [sflag:s23], $0x4000  }
0xd1: {  	s9 =	smov.u32 s8;
	s10 =	smov.u32 s11;
	[sflag:s23] =	ssyncset.done $0x0  }
0xd2: {  	s5 =	sadd.s32 s9, s12;
	[sflag:s23] =	ssyncadd.s32 $0xFFFFC000  }
0xd3: {  	[tilespmem:s4], [sflag:$0x5] =	stream.linear.gather [hbm4b:s5+s4], $0x400, $0x38;
	[tilespmem:$0x1C800] =	vst v63  }
0xd4: {  	_ =	swait.ge [sflag:s15], $0x400  }
0xd5: {  	s8 =	rddreg [dreg:$0x4];
	[sflag:s15] =	ssyncset.done $0x0  }
0xd6: {  	[sflag:s15] =	ssyncadd.s32 $0xFFFFFC00;
	s5 =	sadd.s32 s9, s8  }
0xd7: {  	[tilespmem:s16], [sflag:$0x5] =	stream.linear.gather [hbm4b:s5+s4], $0x400, $0x38;
	[tilespmem:$0x1C800] =	vst v63  }
0xd8: {  	_ =	swait.ge [sflag:s15], $0x400  }
0xd9: {  	[sflag:s15] =	ssyncset.done $0x0  }
0xda: {  	[sflag:s15] =	ssyncadd.s32 $0xFFFFFC00  }
0xdb: {  	[tilespmem:s13], [sflag:$0x1] =	stream.indirect.gather [hbm4b:s1+s17], $0x80, s4, s17, $0xb8;
	[tilespmem:$0x1C800] =	vst v63  }
0xdc: {  	_ = 	snop  }
0xdd: {  	[tilespmem:s18], [sflag:$0x2] =	stream.indirect.gather [hbm4b:s1+s17], $0x80, s17, s17, $0xb8;
	[tilespmem:$0x1C800] =	vst v63  }
0xde: {  	_ =	swait.ge [sflag:s14], $0x4000  }
0xdf: {  	[sflag:s14] =	ssyncset.done $0x0  }
0xe0: {  	[sflag:s14] =	ssyncadd.s32 $0xFFFFC000  }
0xe1: {  	[spmem:s3] =	stream.indirect.scatter.add.f32 [tilespmem:s13], [sflag:$0x3], $0x80, s16, s17, $0xb8;
	[tilespmem:$0x1C800] =	vst v63  }
0xe2: {  	_ =	swait.ge [sflag:s19], $0x4000  }
0xe3: {  	[sflag:s19] =	ssyncset.done $0x0  }
0xe4: {  	[sflag:s19] =	ssyncadd.s32 $0xFFFFC000  }
0xe5: {  	[tilespmem:s13], [sflag:$0x1] =	stream.indirect.gather [hbm4b:s1+s17], $0x80, s20, s17, $0xb8;
	[tilespmem:$0x1C800] =	vst v63  }
0xe6: {  	_ =	swait.ge [sflag:s21], $0x4000  }
0xe7: {  	[sflag:s21] =	ssyncset.done $0x0  }
0xe8: {  	[sflag:s21] =	ssyncadd.s32 $0xFFFFC000  }
0xe9: {  	[spmem:s3] =	stream.indirect.scatter.add.f32 [tilespmem:s18], [sflag:$0x4], $0x80, s22, s17, $0xb8;
	[tilespmem:$0x1C800] =	vst v63  }
0xea: {  	_ =	swait.ge [sflag:s23], $0x4000  }
0xeb: {  	[sflag:s23] =	ssyncset.done $0x0  }
0xec: {  	[sflag:s23] =	ssyncadd.s32 $0xFFFFC000  }
0xed: {  	[tilespmem:s18], [sflag:$0x2] =	stream.indirect.gather [hbm4b:s1+s17], $0x80, s24, s17, $0xb8;
	[tilespmem:$0x1C800] =	vst v63  }
0xee: {  	_ =	swait.ge [sflag:s14], $0x4000  }
0xef: {  	[sflag:s14] =	ssyncset.done $0x0  }
0xf0: {  	[sflag:s14] =	ssyncadd.s32 $0xFFFFC000  }
0xf1: {  	[spmem:s3] =	stream.indirect.scatter.add.f32 [tilespmem:s13], [sflag:$0x3], $0x80, s25, s17, $0xb8;
	[tilespmem:$0x1C800] =	vst v63  }
0xf2: {  	_ =	swait.ge [sflag:s19], $0x4000  }
0xf3: {  	[sflag:s19] =	ssyncset.done $0x0  }
0xf4: {  	[sflag:s19] =	ssyncadd.s32 $0xFFFFC000  }
0xf5: {  	[tilespmem:s13], [sflag:$0x1] =	stream.indirect.gather [hbm4b:s1+s17], $0x80, s26, s17, $0xb8;
	[tilespmem:$0x1C800] =	vst v63  }
0xf6: {  	_ =	swait.ge [sflag:s21], $0x4000  }
0xf7: {  	[sflag:s21] =	ssyncset.done $0x0  }
0xf8: {  	[sflag:s21] =	ssyncadd.s32 $0xFFFFC000  }
0xf9: {  	[spmem:s3] =	stream.indirect.scatter.add.f32 [tilespmem:s18], [sflag:$0x4], $0x80, s28, s17, $0xb8;
	[tilespmem:$0x1C800] =	vst v63  }
0xfa: {  	_ =	swait.ge [sflag:s23], $0x4000  }
0xfb: {  	[sflag:s23] =	ssyncset.done $0x0  }
0xfc: {  	[sflag:s23] =	ssyncadd.s32 $0xFFFFC000  }
0xfd: {  	[tilespmem:s18], [sflag:$0x2] =	stream.indirect.gather [hbm4b:s1+s17], $0x80, s29, s17, $0xb8;
	[tilespmem:$0x1C800] =	vst v63  }
0xfe: {  	_ =	swait.ge [sflag:s14], $0x4000  }
0xff: {  	[sflag:s14] =	ssyncset.done $0x0  }
0x100: {  	[sflag:s14] =	ssyncadd.s32 $0xFFFFC000  }
0x101: {  	[spmem:s3] =	stream.indirect.scatter.add.f32 [tilespmem:s13], [sflag:$0x3], $0x80, s30, s17, $0xb8;
	[tilespmem:$0x1C800] =	vst v63  }
0x102: {  	_ =	swait.ge [sflag:s19], $0x4000  }
0x103: {  	[sflag:s19] =	ssyncset.done $0x0  }
0x104: {  	[sflag:s19] =	ssyncadd.s32 $0xFFFFC000  }
0x105: {  	[tilespmem:s13], [sflag:$0x1] =	stream.indirect.gather [hbm4b:s1+s17], $0x80, s31, s17, $0xb8;
	[tilespmem:$0x1C800] =	vst v63  }
0x106: {  	_ =	swait.ge [sflag:s21], $0x4000  }
0x107: {  	[sflag:s21] =	ssyncset.done $0x0  }
0x108: {  	[sflag:s21] =	ssyncadd.s32 $0xFFFFC000  }
0x109: {  	[spmem:s3] =	stream.indirect.scatter.add.f32 [tilespmem:s18], [sflag:$0x4], $0x80, s2, s17, $0xb8;
	[tilespmem:$0x1C800] =	vst v63  }
0x10a: {  	_ =	swait.ge [sflag:s23], $0x4000  }
0x10b: {  	[sflag:s23] =	ssyncset.done $0x0  }
0x10c: {  	[sflag:s23] =	ssyncadd.s32 $0xFFFFC000  }
0x10d: {  	[tilespmem:s18], [sflag:$0x2] =	stream.indirect.gather [hbm4b:s1+s17], $0x80, s0, s17, $0xb8;
	[tilespmem:$0x1C800] =	vst v63  }
0x10e: {  	_ =	swait.ge [sflag:s14], $0x4000  }
0x10f: {  	[sflag:s14] =	ssyncset.done $0x0  }
0x110: {  	[sflag:s14] =	ssyncadd.s32 $0xFFFFC000  }
0x111: {  	[spmem:s3] =	stream.indirect.scatter.add.f32 [tilespmem:s13], [sflag:$0x3], $0x80, s6, s17, $0xb8;
	[tilespmem:$0x1C800] =	vst v63  }
0x112: {  	_ =	swait.ge [sflag:s19], $0x4000  }
0x113: {  	[sflag:s19] =	ssyncset.done $0x0  }
0x114: {  	[sflag:s19] =	ssyncadd.s32 $0xFFFFC000  }
0x115: {  	_ =	swait.ge [sflag:s21], $0x4000  }
0x116: {  	[sflag:s21] =	ssyncset.done $0x0  }
0x117: {  	[sflag:s21] =	ssyncadd.s32 $0xFFFFC000  }
0x118: {  	[spmem:s3] =	stream.indirect.scatter.add.f32 [tilespmem:s18], [sflag:$0x4], $0x80, s7, s17, $0xb8;
	[tilespmem:$0x1C800] =	vst v63  }
0x119: {  	_ =	swait.ge [sflag:s23], $0x4000  }
0x11a: {  	[sflag:s23] =	ssyncset.done $0x0  }
0x11b: {  	[sflag:s23] =	ssyncadd.s32 $0xFFFFC000  }
0x11c: {  	s9 =	stileid.u32;
	[bflag:$0x0] =	sbarrier.arrive $0xFFFF  }
0x11d: {  	s5 =	sshll.u32 s9, $0x6;
	s11 =	rddreg [dreg:$0x5]  }
0x11e: {  	s5 =	sor.u32 $0x1C05, s5;
	s10 =	rddreg [dreg:$0xa];
	s8 =	sshrl.u32 s11, $0x3  }
0x11f: {  	[hbm:s10], [sflag:s5] =	dma.local [spmem:s8], $0x2800  }
0x120: {  	_ =	swait.ge [sflag:s15], $0x2800  }
0x121: {  	s9 =	rddreg [dreg:$0xc]  }
0x122: {  	s10 =	rddreg [dreg:$0xb];
	s8 =	sadd.s32 $0x1, s9  }
0x123: {  	p0 =	sne.s32 s8, s10  }
.Ltmp2:
0x124: {  	_ = 	snop;
	(pc) =	sbr.rel @p0 .LBB2_1-.Ltmp2, $3  }
0x125: {  	_ =	sdelay $0x1  }
0x126: {  	[sflag:s15] =	ssyncset.done $0x0  }
0x127: {  	[sflag:s15] =	ssyncadd.s32 $0xFFFFD800  }
0x128: {  	_ =	sfence.sel $0x180000  }
0x129: {  	[bflag:$0x0] =	sbarrier.arrive $0xFFFF  }
0x12a: {  	_ =	strace $0x90000047  }
0x12b: {  	s0 =	stileid.u32;
	[bflag:$0x2] =	sbarrier.arrive $0xFFFF  }
0x12c: {  	p0 =	sne.s32 s0, $0x0;
	s0 =	rddreg [dreg:$0x3]  }
0x12d: {  	s0 =	sadd.s32 @!p0 $0x100000, s0  }
0x12e: {  	[sflag:s0] =	ssyncadd.tile.s32 @!p0 $0x1;
	_ =	shalt  }
.Lfunc_end2:
_tile_overlayer_lowered:
.L_overlay_start_2:
0x12f: {  	(tag) =	ssettag $0x2  }
0x130: {  	s0 =	rddreg [dreg:$0x0];
	s2 =	stileid.u32  }
0x131: {  	s1 =	rddreg [dreg:$0x1];
	p0 =	sne.s32 s2, $0x0  }
0x132: {  	s3 =	rddreg [dreg:$0x2];
	[bflag:$0x3] =	sbarrier.arrive $0xFFFF;
	s2 =	simm.s32 @!p0 $0x1C05  }
0x133: {  	[timem:s3], [sflag:s2] =	dma.local @!p0 [hbm:s0], s1  }
0x134: {  	s0 =	simm.s32 @!p0 $0x5  }
0x135: {  	_ =	swait.ge @!p0 [sflag:s0], s1  }
0x136: {  	s1 =	ssub.s32 @!p0 $0x0, s1;
	[sflag:s0] =	ssyncset.done @!p0 $0x0  }
0x137: {  	[sflag:s0] =	ssyncadd.s32 @!p0 s1  }
0x138: {  	[bflag:$0x3] =	sbarrier.arrive $0xFFFF  }
0x139: {  	_ =	shalt  }

</sc_bundles>
